<compile_context>
chip_gen: v7x
topology: tpu7x:2x2x1
jax: 0.10.2.dev20260603
libtpu: 0.0.44.dev20260713+nightly
codegen_flags: <defaults>
</compile_context>

<pallas_src>
import functools

import jax
import jax.numpy as jnp
from jax import lax
from jax.experimental import pallas as pl
from jax.experimental.pallas import tpu as pltpu
from jax.experimental.pallas import tpu_sc as plsc

B, N, K = 2, 10000, 16
IN_DIM, OUT_DIM = 128, 128
H = OUT_DIM // 2
ROWS = B * N
TOTAL = ROWS * K
HALF = OUT_DIM // 2


_PROJ_R = 2000


def _proj_body(x_ref, w_ref, xyz_ref, w1_ref, w2_ref, w3a_ref, w3b_ref,
               b2_ref, b3_ref,
               xpf_ref, u_ref, tbl_ref, a_ref, apw_ref, cvec_ref):
    f32 = jnp.float32
    xp = jnp.dot(x_ref[0], w_ref[...], preferred_element_type=f32)
    xpf_ref[...] = xp
    u = jnp.dot(xyz_ref[0], w1_ref[...], preferred_element_type=f32)
    u_ref[...] = u
    be = lax.bitcast_convert_type(xp[:, :HALF], jnp.int32) + 0x8000
    bo = lax.bitcast_convert_type(xp[:, HALF:], jnp.int32) + 0x8000
    word = (bo & jnp.int32(-65536)) | lax.shift_right_logical(be, 16)
    uword = (lax.bitcast_convert_type(u, jnp.int32) + 0x8000) & jnp.int32(-65536)
    tbl_ref[...] = jnp.concatenate([word, uword], axis=1)
    a_mat = jnp.dot(w2_ref[...], w3a_ref[...], preferred_element_type=f32)
    a_ref[...] = a_mat
    apw_ref[...] = a_mat + w3b_ref[...]
    cvec_ref[...] = jnp.dot(b2_ref[...], w3a_ref[...],
                            preferred_element_type=f32) + b3_ref[...]


def _proj(x3d, w_proj, xyz3d, w1, w2, w3a, w3b, b2, b3, batch):
    return pl.pallas_call(
        _proj_body,
        grid=(N // _PROJ_R,),
        in_specs=[
            pl.BlockSpec((1, _PROJ_R, IN_DIM), lambda i: (batch, i, 0)),
            pl.BlockSpec((IN_DIM, OUT_DIM), lambda i: (0, 0)),
            pl.BlockSpec((1, _PROJ_R, 3), lambda i: (batch, i, 0)),
            pl.BlockSpec((3, H), lambda i: (0, 0)),
            pl.BlockSpec((H, H), lambda i: (0, 0)),
            pl.BlockSpec((H, OUT_DIM), lambda i: (0, 0)),
            pl.BlockSpec((H, OUT_DIM), lambda i: (0, 0)),
            pl.BlockSpec((1, H), lambda i: (0, 0)),
            pl.BlockSpec((1, OUT_DIM), lambda i: (0, 0)),
        ],
        out_specs=[
            pl.BlockSpec((_PROJ_R, OUT_DIM), lambda i: (i, 0)),
            pl.BlockSpec((_PROJ_R, H), lambda i: (i, 0)),
            pl.BlockSpec((_PROJ_R, OUT_DIM), lambda i: (i, 0)),
            pl.BlockSpec((H, OUT_DIM), lambda i: (0, 0)),
            pl.BlockSpec((H, OUT_DIM), lambda i: (0, 0)),
            pl.BlockSpec((1, OUT_DIM), lambda i: (0, 0)),
        ],
        out_shape=[
            jax.ShapeDtypeStruct((N, OUT_DIM), jnp.float32),
            jax.ShapeDtypeStruct((N, H), jnp.float32),
            jax.ShapeDtypeStruct((N, OUT_DIM), jnp.int32),
            jax.ShapeDtypeStruct((H, OUT_DIM), jnp.float32),
            jax.ShapeDtypeStruct((H, OUT_DIM), jnp.float32),
            jax.ShapeDtypeStruct((1, OUT_DIM), jnp.float32),
        ],
    )(x3d, w_proj, xyz3d, w1, w2, w3a, w3b, b2, b3)



_NC = 2
_NS = 16
_NW = _NC * _NS
_CH = 200


def _make_sc_gather_body(row_off, per_w, nchunk):
    def body(tbl_hbm, idx_hbm, out_hbm,
             idx0, idx1, rows0, rows1, semg0, semg1, sems0, sems1):
        wid = lax.axis_index("s") * _NC + lax.axis_index("c")
        idx_v = (idx0, idx1)
        rows = (rows0, rows1)
        semg = (semg0, semg1)
        sems = (sems0, sems1)

        gathers = [None, None]
        scatters = [None, None]
        for c in range(nchunk):
            b = c & 1
            base = wid * per_w + c * _CH
            if scatters[b] is not None:
                scatters[b].wait()
            pltpu.sync_copy(idx_hbm.at[pl.ds(row_off + base, _CH)], idx_v[b])
            gathers[b] = pltpu.async_copy(tbl_hbm.at[idx_v[b]], rows[b], semg[b])
            if c > 0:
                pb = 1 - b
                pbase = wid * per_w + (c - 1) * _CH
                gathers[pb].wait()
                scatters[pb] = pltpu.async_copy(
                    rows[pb], out_hbm.at[pl.ds(pbase, _CH)], sems[pb])
        lb = (nchunk - 1) & 1
        lbase = wid * per_w + (nchunk - 1) * _CH
        gathers[lb].wait()
        pltpu.async_copy(rows[lb], out_hbm.at[pl.ds(lbase, _CH)], sems[lb]).wait()
        scatters[1 - lb].wait()
    return body


def _sc_gather(tbl, idx, row_off, n_rows):
    per_w = n_rows // _NW
    mesh = plsc.VectorSubcoreMesh(core_axis_name="c", subcore_axis_name="s")
    fn = functools.partial(
        pl.kernel,
        mesh=mesh,
        out_type=jax.ShapeDtypeStruct((n_rows, OUT_DIM), jnp.int32),
        scratch_types=[
            pltpu.VMEM((_CH,), jnp.int32),
            pltpu.VMEM((_CH,), jnp.int32),
            pltpu.VMEM((_CH, OUT_DIM), jnp.int32),
            pltpu.VMEM((_CH, OUT_DIM), jnp.int32),
            pltpu.SemaphoreType.DMA,
            pltpu.SemaphoreType.DMA,
            pltpu.SemaphoreType.DMA,
            pltpu.SemaphoreType.DMA,
        ],
    )(_make_sc_gather_body(row_off, per_w, per_w // _CH))
    return fn(tbl, idx)



_P = 400
_PK = _P * K


def _main_body(gt_ref, xpf_ref, cu_ref,
               a_ref, apw_ref, w3b_ref, cvec_ref, b1_ref,
               w4_ref, b4_ref, mprev_ref,
               out_ref, sum_ref, sq_ref):
    f32 = jnp.float32
    bf16 = jnp.bfloat16
    w = gt_ref[...]
    lo = lax.bitcast_convert_type(w << 16, f32)
    hi = lax.bitcast_convert_type(w & jnp.int32(-65536), f32)
    gx = jnp.concatenate([lo[:, :HALF], hi[:, :HALF]], axis=1)
    gu = hi[:, HALF:]

    mx = jnp.max(gu.reshape(_P, K, H), axis=1)
    bc = b1_ref[...] - cu_ref[...]
    r = (jnp.dot(mx, w3b_ref[...], preferred_element_type=f32)
         + jnp.dot(bc, apw_ref[...], preferred_element_type=f32)
         + cvec_ref[...])
    pre = (jnp.dot(gu.astype(bf16), a_ref[...].astype(bf16),
                   preferred_element_type=f32)
           .reshape(_P, K, OUT_DIM) + r[:, None, :])
    act = (0.5 * pre * (1.0 + lax.erf(pre * jnp.float32(0.7071067811865476)))
           ).reshape(_PK, OUT_DIM)
    s = (jnp.dot(act.astype(bf16), w4_ref[...].astype(bf16),
                 preferred_element_type=f32)
         + b4_ref[...] + gx)
    m = jnp.max(s.reshape(_P, K, OUT_DIM), axis=1) - xpf_ref[...]
    out_ref[...] = m

    @pl.when(pl.program_id(0) == 0)
    def _init():
        sum_ref[...] = jnp.zeros_like(sum_ref)
        sq_ref[...] = jnp.zeros_like(sq_ref)

    sum_ref[...] += jnp.sum(m, axis=0, keepdims=True)
    sq_ref[...] += jnp.sum(m * m, axis=0, keepdims=True)


def _main(gt, xpf, up, a_mat, apw, w3b, cvec, b1, w4p, b4p, mprev,
          in_off, out_off, npoints):
    grid = (npoints // _P,)
    body = _main_body
    in_specs = [
        pl.BlockSpec((_PK, OUT_DIM), lambda i: (i, 0)),
        pl.BlockSpec((_P, OUT_DIM), lambda i: (i + in_off, 0)),
        pl.BlockSpec((_P, H), lambda i: (i + in_off, 0)),
        pl.BlockSpec((H, OUT_DIM), lambda i: (0, 0)),
        pl.BlockSpec((H, OUT_DIM), lambda i: (0, 0)),
        pl.BlockSpec((H, OUT_DIM), lambda i: (0, 0)),
        pl.BlockSpec((1, OUT_DIM), lambda i: (0, 0)),
        pl.BlockSpec((1, H), lambda i: (0, 0)),
        pl.BlockSpec((OUT_DIM, OUT_DIM), lambda i: (0, 0)),
        pl.BlockSpec((1, OUT_DIM), lambda i: (0, 0)),
    ]
    args = [gt, xpf, up, a_mat, apw, w3b, cvec, b1, w4p, b4p]
    aliases = {}
    if mprev is None:
        def body(*refs):
            return _main_body(*refs[:10], None, *refs[10:])
    else:
        in_specs.append(pl.BlockSpec((8, OUT_DIM), lambda i: (0, 0)))
        args.append(mprev)
        aliases = {10: 0}
    return pl.pallas_call(
        body,
        grid=grid,
        in_specs=in_specs,
        out_specs=[
            pl.BlockSpec((_P, OUT_DIM), lambda i: (i + out_off, 0)),
            pl.BlockSpec((1, OUT_DIM), lambda i: (0, 0)),
            pl.BlockSpec((1, OUT_DIM), lambda i: (0, 0)),
        ],
        out_shape=[
            jax.ShapeDtypeStruct((ROWS, OUT_DIM), jnp.float32),
            jax.ShapeDtypeStruct((1, OUT_DIM), jnp.float32),
            jax.ShapeDtypeStruct((1, OUT_DIM), jnp.float32),
        ],
        input_output_aliases=aliases,
    )(*args)



_BN_R = 2000


def _bn_body(m_ref, sum_ref, sq_ref, g_ref, b_ref, out_ref):
    mean = sum_ref[...] * (1.0 / ROWS)
    var = sq_ref[...] * (1.0 / ROWS) - mean * mean
    inv = lax.rsqrt(var + 1e-5) * g_ref[...]
    out_ref[...] = (m_ref[...] - mean) * inv + b_ref[...]


def _bn(m, s, sq, gamma, beta):
    return pl.pallas_call(
        _bn_body,
        grid=(ROWS // _BN_R,),
        in_specs=[
            pl.BlockSpec((_BN_R, OUT_DIM), lambda i: (i, 0)),
            pl.BlockSpec((1, OUT_DIM), lambda i: (0, 0)),
            pl.BlockSpec((1, OUT_DIM), lambda i: (0, 0)),
            pl.BlockSpec((1, OUT_DIM), lambda i: (0, 0)),
            pl.BlockSpec((1, OUT_DIM), lambda i: (0, 0)),
        ],
        out_specs=pl.BlockSpec((_BN_R, OUT_DIM), lambda i: (i, 0)),
        out_shape=jax.ShapeDtypeStruct((ROWS, OUT_DIM), jnp.float32),
    )(m, s, sq, gamma, beta)



def kernel(xyz, x, knn, W_proj, W1, b1, W2, b2, W3, b3, W4, b4, gamma, beta):
    w3a, w3b = W3[:H, :], W3[H:, :]
    proj_args = (x, W_proj, xyz, W1, W2, w3a, w3b,
                 b2.reshape(1, H), b3.reshape(1, OUT_DIM))
    xpf0, up0, tbl0, a_mat, apw, cvec = _proj(*proj_args, 0)
    xpf1, up1, tbl1, _, _, _ = _proj(*proj_args, 1)
    idx0 = knn[0].reshape(N * K)
    idx1 = knn[1].reshape(N * K)

    S0, S1 = 4000, 6000
    gA = _sc_gather(tbl0, idx0, 0, S0 * K)
    gB = _sc_gather(tbl0, idx0, S0 * K, S1 * K)
    gC = _sc_gather(tbl1, idx1, 0, N * K)

    args = (a_mat, apw, w3b, cvec, b1.reshape(1, H),
            W4, b4.reshape(1, OUT_DIM))
    nA, nN = S0 // _P, N // _P
    mA, sA, qA = _main(gA, xpf0, up0, *args, None, 0, 0, S0)
    mB, sB, qB = _main(gB, xpf0, up0, *args, mA, nA, nA, S1)
    mC, sC, qC = _main(gC, xpf1, up1, *args, mB, 0, nN, N)
    ssum, ssq = sA + sB + sC, qA + qB + qC
    out = _bn(mC, ssum, ssq, gamma.reshape(1, OUT_DIM),
              beta.reshape(1, OUT_DIM))
    return out.reshape(B, N, OUT_DIM)

# --- scband reference (transcript-rebuilt; emitter-appended) ---
"""Pipeline reference for scband-lfa-55250459296229 (READ-ONLY COPY).

The authoritative reference and input builder live on the scoring server;
editing this copy changes nothing except your own understanding.
"""

import jax, jax.numpy as jnp
import numpy as np

B, N, K = 2, 10000, 16
IN_DIM, OUT_DIM = 128, 128
H = OUT_DIM // 2


def setup_inputs(seed: int = 0):
    key = jax.random.key(seed)
    ks = jax.random.split(key, 16)
    xyz = jax.random.normal(ks[0], (B, N, 3), dtype=jnp.float32)
    x = jax.random.normal(ks[1], (B, N, IN_DIM), dtype=jnp.float32)
    knn = jax.random.randint(ks[2], (B, N, K), 0, N, dtype=jnp.int32)
    W_proj = jax.random.normal(ks[3], (IN_DIM, OUT_DIM), dtype=jnp.float32) / np.sqrt(IN_DIM)
    W1 = jax.random.normal(ks[4], (3, H), dtype=jnp.float32) / np.sqrt(3.0)
    b1 = jnp.zeros((H,), jnp.float32)
    W2 = jax.random.normal(ks[5], (H, H), dtype=jnp.float32) / np.sqrt(H)
    b2 = jnp.zeros((H,), jnp.float32)
    W3 = jax.random.normal(ks[6], (OUT_DIM, OUT_DIM), dtype=jnp.float32) / np.sqrt(OUT_DIM)
    b3 = jnp.zeros((OUT_DIM,), jnp.float32)
    W4 = jax.random.normal(ks[7], (OUT_DIM, OUT_DIM), dtype=jnp.float32) / np.sqrt(OUT_DIM)
    b4 = jnp.zeros((OUT_DIM,), jnp.float32)
    gamma = jnp.ones((OUT_DIM,), jnp.float32)  # bn.weight initialized to init=1.0
    beta = jnp.zeros((OUT_DIM,), jnp.float32)
    return {"xyz": xyz, "x": x, "knn": knn, "W_proj": W_proj, "W1": W1, "b1": b1,
            "W2": W2, "b2": b2, "W3": W3, "b3": b3, "W4": W4, "b4": b4,
            "gamma": gamma, "beta": beta}


def _index_points(points, idx):
    # points: [B, N, C], idx: [B, M, K] -> [B, M, K, C]
    return jax.vmap(lambda p, i: p[i])(points, idx)


def _forward(xyz, x, knn, W_proj, W1, b1, W2, b2, W3, b3, W4, b4, gamma, beta):
    # proj (no bias)
    xp = x @ W_proj  # [B, N, OUT]
    # gather neighbor features and relative coords
    xs = _index_points(xp, knn) - xp[:, :, None, :]        # [B, N, K, OUT]
    xyzs = _index_points(xyz, knn) - xyz[:, :, None, :]    # [B, N, K, 3]
    # NCA positional encoding
    p_feat0 = xyzs @ W1 + b1                               # [B, N, K, H]
    p_local = p_feat0.max(axis=2)                          # [B, N, H]
    p_feat1 = p_feat0 @ W2 + b2                            # [B, N, K, H]
    p_local_exp = jnp.broadcast_to(p_local[:, :, None, :], p_feat1.shape)
    p_feat2 = jnp.concatenate([p_feat1, p_local_exp], axis=-1)  # [B, N, K, OUT]
    pe = jax.nn.gelu(p_feat2 @ W3 + b3, approximate=False) @ W4 + b4
    xs = xs + pe
    xs_max = xs.max(axis=2)                                # [B, N, OUT]
    # BatchNorm1d in training mode: batch statistics over B*N rows
    flat = xs_max.reshape(B * N, OUT_DIM)
    mean = flat.mean(axis=0)
    var = flat.var(axis=0)  # biased variance, as torch BN uses for normalization
    out = (flat - mean) / jnp.sqrt(var + 1e-5) * gamma + beta
    return out.reshape(B, N, OUT_DIM)


def reference(xyz, x, knn, W_proj, W1, b1, W2, b2, W3, b3, W4, b4, gamma, beta):
    return _forward(xyz, x, knn, W_proj, W1, b1, W2, b2, W3, b3, W4, b4, gamma, beta)

if __name__ == "__main__":
    import jax
    _d = setup_inputs()
    print(jax.jit(kernel)(*tuple(_d.values())))

</pallas_src>

<mosaic_0001>
#map = affine_map<(d0, d1) -> (0, 0)>
#map1 = affine_map<(d0, d1) -> (0)>
module attributes {stable_mosaic.version = 14 : i64} {
  func.func @body(%arg0: i32, %arg1: i32, %arg2: memref<10000x128xi32, #tpu.memory_space<hbm>>, %arg3: memref<160000xi32, #tpu.memory_space<hbm>>, %arg4: memref<64000x128xi32, #tpu.memory_space<hbm>>, %arg5: memref<200xi32, #tpu.memory_space<vmem>>, %arg6: memref<200xi32, #tpu.memory_space<vmem>>, %arg7: memref<200x128xi32, #tpu.memory_space<vmem>>, %arg8: memref<200x128xi32, #tpu.memory_space<vmem>>, %arg9: memref<!tpu.dma_semaphore, #tpu.memory_space<semaphore_mem>>, %arg10: memref<!tpu.dma_semaphore, #tpu.memory_space<semaphore_mem>>, %arg11: memref<!tpu.dma_semaphore, #tpu.memory_space<semaphore_mem>>, %arg12: memref<!tpu.dma_semaphore, #tpu.memory_space<semaphore_mem>>) attributes {dimension_semantics = [#tpu.dimension_semantics<core_parallel>, #tpu.dimension_semantics<subcore_parallel>], iteration_bounds = array<i64: 2, 16>, scalar_prefetch = 0 : i64, scratch_operands = 8 : i64, tpu.core_type = #tpu.core_type<sc_vector_subcore>, window_params = [{transform_indices = #map}, {transform_indices = #map1}, {transform_indices = #map}]} {
    %mul3A = arith.constant 2 : i32
    %mul3A_0 = arith.muli %arg1, %mul3A : i32
    %add3A = arith.addi %mul3A_0, %arg0 : i32
    %mul3A_1 = arith.constant 2000 : i32
    %mul3A_2 = arith.muli %add3A, %mul3A_1 : i32
    %add3A_3 = arith.constant 0 : i32
    %add3A_4 = arith.addi %mul3A_2, %add3A_3 : i32
    %add3A_5 = arith.constant 0 : i32
    %add3A_6 = arith.addi %add3A_5, %add3A_4 : i32
    "tpu.region"() ({
      %run_scoped3A = tpu.sem_alloc : memref<!tpu.dma_semaphore, #tpu.memory_space<semaphore_mem>>
      %dma_start3A_239 = tpu.memref_slice %arg3[%add3A_6] : memref<160000xi32, #tpu.memory_space<hbm>> -> memref<200xi32, #tpu.memory_space<hbm>>
      %dma_start3A_240 = tpu.memref_slice %arg3[%add3A_6] : memref<160000xi32, #tpu.memory_space<hbm>> -> memref<200xi32, #tpu.memory_space<hbm>>
      tpu.enqueue_dma source(%dma_start3A_240 : memref<200xi32, #tpu.memory_space<hbm>>) target(%arg5 : memref<200xi32, #tpu.memory_space<vmem>>) target_semaphore(%run_scoped3A : memref<!tpu.dma_semaphore, #tpu.memory_space<semaphore_mem>>)
      %dma_wait3A_241 = tpu.memref_slice %arg3[%add3A_6] : memref<160000xi32, #tpu.memory_space<hbm>> -> memref<200xi32, #tpu.memory_space<hbm>>
      %dma_wait3A_242 = tpu.memref_slice %arg3[%add3A_6] : memref<160000xi32, #tpu.memory_space<hbm>> -> memref<200xi32, #tpu.memory_space<hbm>>
      tpu.wait_dma2 semaphore(%run_scoped3A : memref<!tpu.dma_semaphore, #tpu.memory_space<semaphore_mem>>) src(%dma_wait3A_242 : memref<200xi32, #tpu.memory_space<hbm>>) dst(%arg5 : memref<200xi32, #tpu.memory_space<vmem>>)
      tpu.yield
    }) : () -> ()
    %dma_start3A = arith.constant 0 : i32
    %dma_start3A_7 = arith.constant 0 : i32
    %dma_start3A_8 = tpu.memref_slice %arg2[%dma_start3A, %dma_start3A_7] : memref<10000x128xi32, #tpu.memory_space<hbm>> -> memref<10000x128xi32, #tpu.memory_space<hbm>>
    tpu.enqueue_indirect_dma source(%dma_start3A_8 : memref<10000x128xi32, #tpu.memory_space<hbm>>) target(%arg7 : memref<200x128xi32, #tpu.memory_space<vmem>>) offsets(%arg5 : memref<200xi32, #tpu.memory_space<vmem>>) semaphore(%arg9 : memref<!tpu.dma_semaphore, #tpu.memory_space<semaphore_mem>>)
    %mul3A_9 = arith.constant 2000 : i32
    %mul3A_10 = arith.muli %add3A, %mul3A_9 : i32
    %add3A_11 = arith.constant 200 : i32
    %add3A_12 = arith.addi %mul3A_10, %add3A_11 : i32
    %add3A_13 = arith.constant 0 : i32
    %add3A_14 = arith.addi %add3A_13, %add3A_12 : i32
    "tpu.region"() ({
      %run_scoped3A = tpu.sem_alloc : memref<!tpu.dma_semaphore, #tpu.memory_space<semaphore_mem>>
      %dma_start3A_239 = tpu.memref_slice %arg3[%add3A_14] : memref<160000xi32, #tpu.memory_space<hbm>> -> memref<200xi32, #tpu.memory_space<hbm>>
      %dma_start3A_240 = tpu.memref_slice %arg3[%add3A_14] : memref<160000xi32, #tpu.memory_space<hbm>> -> memref<200xi32, #tpu.memory_space<hbm>>
      tpu.enqueue_dma source(%dma_start3A_240 : memref<200xi32, #tpu.memory_space<hbm>>) target(%arg6 : memref<200xi32, #tpu.memory_space<vmem>>) target_semaphore(%run_scoped3A : memref<!tpu.dma_semaphore, #tpu.memory_space<semaphore_mem>>)
      %dma_wait3A_241 = tpu.memref_slice %arg3[%add3A_14] : memref<160000xi32, #tpu.memory_space<hbm>> -> memref<200xi32, #tpu.memory_space<hbm>>
      %dma_wait3A_242 = tpu.memref_slice %arg3[%add3A_14] : memref<160000xi32, #tpu.memory_space<hbm>> -> memref<200xi32, #tpu.memory_space<hbm>>
      tpu.wait_dma2 semaphore(%run_scoped3A : memref<!tpu.dma_semaphore, #tpu.memory_space<semaphore_mem>>) src(%dma_wait3A_242 : memref<200xi32, #tpu.memory_space<hbm>>) dst(%arg6 : memref<200xi32, #tpu.memory_space<vmem>>)
      tpu.yield
    }) : () -> ()
    %dma_start3A_15 = arith.constant 0 : i32
    %dma_start3A_16 = arith.constant 0 : i32
    %dma_start3A_17 = tpu.memref_slice %arg2[%dma_start3A_15, %dma_start3A_16] : memref<10000x128xi32, #tpu.memory_space<hbm>> -> memref<10000x128xi32, #tpu.memory_space<hbm>>
    tpu.enqueue_indirect_dma source(%dma_start3A_17 : memref<10000x128xi32, #tpu.memory_space<hbm>>) target(%arg8 : memref<200x128xi32, #tpu.memory_space<vmem>>) offsets(%arg6 : memref<200xi32, #tpu.memory_space<vmem>>) semaphore(%arg10 : memref<!tpu.dma_semaphore, #tpu.memory_space<semaphore_mem>>)
    %mul3A_18 = arith.constant 2000 : i32
    %mul3A_19 = arith.muli %add3A, %mul3A_18 : i32
    %add3A_20 = arith.constant 0 : i32
    %add3A_21 = arith.addi %mul3A_19, %add3A_20 : i32
    %dma_wait3A = arith.constant 0 : i32
    %dma_wait3A_22 = arith.constant 0 : i32
    %dma_wait3A_23 = tpu.memref_slice %arg2[%dma_wait3A, %dma_wait3A_22] : memref<10000x128xi32, #tpu.memory_space<hbm>> -> memref<10000x128xi32, #tpu.memory_space<hbm>>
    tpu.wait_indirect_dma semaphore(%arg9 : memref<!tpu.dma_semaphore, #tpu.memory_space<semaphore_mem>>) src(%dma_wait3A_23 : memref<10000x128xi32, #tpu.memory_space<hbm>>) dst(%arg7 : memref<200x128xi32, #tpu.memory_space<vmem>>)
    %dma_start3A_24 = arith.constant 0 : i32
    %dma_start3A_25 = tpu.memref_slice %arg4[%add3A_21, %dma_start3A_24] : memref<64000x128xi32, #tpu.memory_space<hbm>> -> memref<200x128xi32, #tpu.memory_space<hbm>>
    %dma_start3A_26 = arith.constant 0 : i32
    %dma_start3A_27 = tpu.memref_slice %arg4[%add3A_21, %dma_start3A_26] : memref<64000x128xi32, #tpu.memory_space<hbm>> -> memref<200x128xi32, #tpu.memory_space<hbm>>
    tpu.enqueue_dma source(%arg7 : memref<200x128xi32, #tpu.memory_space<vmem>>) target(%dma_start3A_27 : memref<200x128xi32, #tpu.memory_space<hbm>>) target_semaphore(%arg11 : memref<!tpu.dma_semaphore, #tpu.memory_space<semaphore_mem>>)
    %mul3A_28 = arith.constant 2000 : i32
    %mul3A_29 = arith.muli %add3A, %mul3A_28 : i32
    %add3A_30 = arith.constant 400 : i32
    %add3A_31 = arith.addi %mul3A_29, %add3A_30 : i32
    %dma_wait3A_32 = arith.constant 0 : i32
    %dma_wait3A_33 = tpu.memref_slice %arg4[%add3A_21, %dma_wait3A_32] : memref<64000x128xi32, #tpu.memory_space<hbm>> -> memref<200x128xi32, #tpu.memory_space<hbm>>
    %dma_wait3A_34 = arith.constant 0 : i32
    %dma_wait3A_35 = tpu.memref_slice %arg4[%add3A_21, %dma_wait3A_34] : memref<64000x128xi32, #tpu.memory_space<hbm>> -> memref<200x128xi32, #tpu.memory_space<hbm>>
    tpu.wait_dma2 semaphore(%arg11 : memref<!tpu.dma_semaphore, #tpu.memory_space<semaphore_mem>>) src(%arg7 : memref<200x128xi32, #tpu.memory_space<vmem>>) dst(%dma_wait3A_35 : memref<200x128xi32, #tpu.memory_space<hbm>>)
    %add3A_36 = arith.constant 0 : i32
    %add3A_37 = arith.addi %add3A_36, %add3A_31 : i32
    "tpu.region"() ({
      %run_scoped3A = tpu.sem_alloc : memref<!tpu.dma_semaphore, #tpu.memory_space<semaphore_mem>>
      %dma_start3A_239 = tpu.memref_slice %arg3[%add3A_37] : memref<160000xi32, #tpu.memory_space<hbm>> -> memref<200xi32, #tpu.memory_space<hbm>>
      %dma_start3A_240 = tpu.memref_slice %arg3[%add3A_37] : memref<160000xi32, #tpu.memory_space<hbm>> -> memref<200xi32, #tpu.memory_space<hbm>>
      tpu.enqueue_dma source(%dma_start3A_240 : memref<200xi32, #tpu.memory_space<hbm>>) target(%arg5 : memref<200xi32, #tpu.memory_space<vmem>>) target_semaphore(%run_scoped3A : memref<!tpu.dma_semaphore, #tpu.memory_space<semaphore_mem>>)
      %dma_wait3A_241 = tpu.memref_slice %arg3[%add3A_37] : memref<160000xi32, #tpu.memory_space<hbm>> -> memref<200xi32, #tpu.memory_space<hbm>>
      %dma_wait3A_242 = tpu.memref_slice %arg3[%add3A_37] : memref<160000xi32, #tpu.memory_space<hbm>> -> memref<200xi32, #tpu.memory_space<hbm>>
      tpu.wait_dma2 semaphore(%run_scoped3A : memref<!tpu.dma_semaphore, #tpu.memory_space<semaphore_mem>>) src(%dma_wait3A_242 : memref<200xi32, #tpu.memory_space<hbm>>) dst(%arg5 : memref<200xi32, #tpu.memory_space<vmem>>)
      tpu.yield
    }) : () -> ()
    %dma_start3A_38 = arith.constant 0 : i32
    %dma_start3A_39 = arith.constant 0 : i32
    %dma_start3A_40 = tpu.memref_slice %arg2[%dma_start3A_38, %dma_start3A_39] : memref<10000x128xi32, #tpu.memory_space<hbm>> -> memref<10000x128xi32, #tpu.memory_space<hbm>>
    tpu.enqueue_indirect_dma source(%dma_start3A_40 : memref<10000x128xi32, #tpu.memory_space<hbm>>) target(%arg7 : memref<200x128xi32, #tpu.memory_space<vmem>>) offsets(%arg5 : memref<200xi32, #tpu.memory_space<vmem>>) semaphore(%arg9 : memref<!tpu.dma_semaphore, #tpu.memory_space<semaphore_mem>>)
    %mul3A_41 = arith.constant 2000 : i32
    %mul3A_42 = arith.muli %add3A, %mul3A_41 : i32
    %add3A_43 = arith.constant 200 : i32
    %add3A_44 = arith.addi %mul3A_42, %add3A_43 : i32
    %dma_wait3A_45 = arith.constant 0 : i32
    %dma_wait3A_46 = arith.constant 0 : i32
    %dma_wait3A_47 = tpu.memref_slice %arg2[%dma_wait3A_45, %dma_wait3A_46] : memref<10000x128xi32, #tpu.memory_space<hbm>> -> memref<10000x128xi32, #tpu.memory_space<hbm>>
    tpu.wait_indirect_dma semaphore(%arg10 : memref<!tpu.dma_semaphore, #tpu.memory_space<semaphore_mem>>) src(%dma_wait3A_47 : memref<10000x128xi32, #tpu.memory_space<hbm>>) dst(%arg8 : memref<200x128xi32, #tpu.memory_space<vmem>>)
    %dma_start3A_48 = arith.constant 0 : i32
    %dma_start3A_49 = tpu.memref_slice %arg4[%add3A_44, %dma_start3A_48] : memref<64000x128xi32, #tpu.memory_space<hbm>> -> memref<200x128xi32, #tpu.memory_space<hbm>>
    %dma_start3A_50 = arith.constant 0 : i32
    %dma_start3A_51 = tpu.memref_slice %arg4[%add3A_44, %dma_start3A_50] : memref<64000x128xi32, #tpu.memory_space<hbm>> -> memref<200x128xi32, #tpu.memory_space<hbm>>
    tpu.enqueue_dma source(%arg8 : memref<200x128xi32, #tpu.memory_space<vmem>>) target(%dma_start3A_51 : memref<200x128xi32, #tpu.memory_space<hbm>>) target_semaphore(%arg12 : memref<!tpu.dma_semaphore, #tpu.memory_space<semaphore_mem>>)
    %mul3A_52 = arith.constant 2000 : i32
    %mul3A_53 = arith.muli %add3A, %mul3A_52 : i32
    %add3A_54 = arith.constant 600 : i32
    %add3A_55 = arith.addi %mul3A_53, %add3A_54 : i32
    %dma_wait3A_56 = arith.constant 0 : i32
    %dma_wait3A_57 = tpu.memref_slice %arg4[%add3A_44, %dma_wait3A_56] : memref<64000x128xi32, #tpu.memory_space<hbm>> -> memref<200x128xi32, #tpu.memory_space<hbm>>
    %dma_wait3A_58 = arith.constant 0 : i32
    %dma_wait3A_59 = tpu.memref_slice %arg4[%add3A_44, %dma_wait3A_58] : memref<64000x128xi32, #tpu.memory_space<hbm>> -> memref<200x128xi32, #tpu.memory_space<hbm>>
    tpu.wait_dma2 semaphore(%arg12 : memref<!tpu.dma_semaphore, #tpu.memory_space<semaphore_mem>>) src(%arg8 : memref<200x128xi32, #tpu.memory_space<vmem>>) dst(%dma_wait3A_59 : memref<200x128xi32, #tpu.memory_space<hbm>>)
    %add3A_60 = arith.constant 0 : i32
    %add3A_61 = arith.addi %add3A_60, %add3A_55 : i32
    "tpu.region"() ({
      %run_scoped3A = tpu.sem_alloc : memref<!tpu.dma_semaphore, #tpu.memory_space<semaphore_mem>>
      %dma_start3A_239 = tpu.memref_slice %arg3[%add3A_61] : memref<160000xi32, #tpu.memory_space<hbm>> -> memref<200xi32, #tpu.memory_space<hbm>>
      %dma_start3A_240 = tpu.memref_slice %arg3[%add3A_61] : memref<160000xi32, #tpu.memory_space<hbm>> -> memref<200xi32, #tpu.memory_space<hbm>>
      tpu.enqueue_dma source(%dma_start3A_240 : memref<200xi32, #tpu.memory_space<hbm>>) target(%arg6 : memref<200xi32, #tpu.memory_space<vmem>>) target_semaphore(%run_scoped3A : memref<!tpu.dma_semaphore, #tpu.memory_space<semaphore_mem>>)
      %dma_wait3A_241 = tpu.memref_slice %arg3[%add3A_61] : memref<160000xi32, #tpu.memory_space<hbm>> -> memref<200xi32, #tpu.memory_space<hbm>>
      %dma_wait3A_242 = tpu.memref_slice %arg3[%add3A_61] : memref<160000xi32, #tpu.memory_space<hbm>> -> memref<200xi32, #tpu.memory_space<hbm>>
      tpu.wait_dma2 semaphore(%run_scoped3A : memref<!tpu.dma_semaphore, #tpu.memory_space<semaphore_mem>>) src(%dma_wait3A_242 : memref<200xi32, #tpu.memory_space<hbm>>) dst(%arg6 : memref<200xi32, #tpu.memory_space<vmem>>)
      tpu.yield
    }) : () -> ()
    %dma_start3A_62 = arith.constant 0 : i32
    %dma_start3A_63 = arith.constant 0 : i32
    %dma_start3A_64 = tpu.memref_slice %arg2[%dma_start3A_62, %dma_start3A_63] : memref<10000x128xi32, #tpu.memory_space<hbm>> -> memref<10000x128xi32, #tpu.memory_space<hbm>>
    tpu.enqueue_indirect_dma source(%dma_start3A_64 : memref<10000x128xi32, #tpu.memory_space<hbm>>) target(%arg8 : memref<200x128xi32, #tpu.memory_space<vmem>>) offsets(%arg6 : memref<200xi32, #tpu.memory_space<vmem>>) semaphore(%arg10 : memref<!tpu.dma_semaphore, #tpu.memory_space<semaphore_mem>>)
    %mul3A_65 = arith.constant 2000 : i32
    %mul3A_66 = arith.muli %add3A, %mul3A_65 : i32
    %add3A_67 = arith.constant 400 : i32
    %add3A_68 = arith.addi %mul3A_66, %add3A_67 : i32
    %dma_wait3A_69 = arith.constant 0 : i32
    %dma_wait3A_70 = arith.constant 0 : i32
    %dma_wait3A_71 = tpu.memref_slice %arg2[%dma_wait3A_69, %dma_wait3A_70] : memref<10000x128xi32, #tpu.memory_space<hbm>> -> memref<10000x128xi32, #tpu.memory_space<hbm>>
    tpu.wait_indirect_dma semaphore(%arg9 : memref<!tpu.dma_semaphore, #tpu.memory_space<semaphore_mem>>) src(%dma_wait3A_71 : memref<10000x128xi32, #tpu.memory_space<hbm>>) dst(%arg7 : memref<200x128xi32, #tpu.memory_space<vmem>>)
    %dma_start3A_72 = arith.constant 0 : i32
    %dma_start3A_73 = tpu.memref_slice %arg4[%add3A_68, %dma_start3A_72] : memref<64000x128xi32, #tpu.memory_space<hbm>> -> memref<200x128xi32, #tpu.memory_space<hbm>>
    %dma_start3A_74 = arith.constant 0 : i32
    %dma_start3A_75 = tpu.memref_slice %arg4[%add3A_68, %dma_start3A_74] : memref<64000x128xi32, #tpu.memory_space<hbm>> -> memref<200x128xi32, #tpu.memory_space<hbm>>
    tpu.enqueue_dma source(%arg7 : memref<200x128xi32, #tpu.memory_space<vmem>>) target(%dma_start3A_75 : memref<200x128xi32, #tpu.memory_space<hbm>>) target_semaphore(%arg11 : memref<!tpu.dma_semaphore, #tpu.memory_space<semaphore_mem>>)
    %mul3A_76 = arith.constant 2000 : i32
    %mul3A_77 = arith.muli %add3A, %mul3A_76 : i32
    %add3A_78 = arith.constant 800 : i32
    %add3A_79 = arith.addi %mul3A_77, %add3A_78 : i32
    %dma_wait3A_80 = arith.constant 0 : i32
    %dma_wait3A_81 = tpu.memref_slice %arg4[%add3A_68, %dma_wait3A_80] : memref<64000x128xi32, #tpu.memory_space<hbm>> -> memref<200x128xi32, #tpu.memory_space<hbm>>
    %dma_wait3A_82 = arith.constant 0 : i32
    %dma_wait3A_83 = tpu.memref_slice %arg4[%add3A_68, %dma_wait3A_82] : memref<64000x128xi32, #tpu.memory_space<hbm>> -> memref<200x128xi32, #tpu.memory_space<hbm>>
    tpu.wait_dma2 semaphore(%arg11 : memref<!tpu.dma_semaphore, #tpu.memory_space<semaphore_mem>>) src(%arg7 : memref<200x128xi32, #tpu.memory_space<vmem>>) dst(%dma_wait3A_83 : memref<200x128xi32, #tpu.memory_space<hbm>>)
    %add3A_84 = arith.constant 0 : i32
    %add3A_85 = arith.addi %add3A_84, %add3A_79 : i32
    "tpu.region"() ({
      %run_scoped3A = tpu.sem_alloc : memref<!tpu.dma_semaphore, #tpu.memory_space<semaphore_mem>>
      %dma_start3A_239 = tpu.memref_slice %arg3[%add3A_85] : memref<160000xi32, #tpu.memory_space<hbm>> -> memref<200xi32, #tpu.memory_space<hbm>>
      %dma_start3A_240 = tpu.memref_slice %arg3[%add3A_85] : memref<160000xi32, #tpu.memory_space<hbm>> -> memref<200xi32, #tpu.memory_space<hbm>>
      tpu.enqueue_dma source(%dma_start3A_240 : memref<200xi32, #tpu.memory_space<hbm>>) target(%arg5 : memref<200xi32, #tpu.memory_space<vmem>>) target_semaphore(%run_scoped3A : memref<!tpu.dma_semaphore, #tpu.memory_space<semaphore_mem>>)
      %dma_wait3A_241 = tpu.memref_slice %arg3[%add3A_85] : memref<160000xi32, #tpu.memory_space<hbm>> -> memref<200xi32, #tpu.memory_space<hbm>>
      %dma_wait3A_242 = tpu.memref_slice %arg3[%add3A_85] : memref<160000xi32, #tpu.memory_space<hbm>> -> memref<200xi32, #tpu.memory_space<hbm>>
      tpu.wait_dma2 semaphore(%run_scoped3A : memref<!tpu.dma_semaphore, #tpu.memory_space<semaphore_mem>>) src(%dma_wait3A_242 : memref<200xi32, #tpu.memory_space<hbm>>) dst(%arg5 : memref<200xi32, #tpu.memory_space<vmem>>)
      tpu.yield
    }) : () -> ()
    %dma_start3A_86 = arith.constant 0 : i32
    %dma_start3A_87 = arith.constant 0 : i32
    %dma_start3A_88 = tpu.memref_slice %arg2[%dma_start3A_86, %dma_start3A_87] : memref<10000x128xi32, #tpu.memory_space<hbm>> -> memref<10000x128xi32, #tpu.memory_space<hbm>>
    tpu.enqueue_indirect_dma source(%dma_start3A_88 : memref<10000x128xi32, #tpu.memory_space<hbm>>) target(%arg7 : memref<200x128xi32, #tpu.memory_space<vmem>>) offsets(%arg5 : memref<200xi32, #tpu.memory_space<vmem>>) semaphore(%arg9 : memref<!tpu.dma_semaphore, #tpu.memory_space<semaphore_mem>>)
    %mul3A_89 = arith.constant 2000 : i32
    %mul3A_90 = arith.muli %add3A, %mul3A_89 : i32
    %add3A_91 = arith.constant 600 : i32
    %add3A_92 = arith.addi %mul3A_90, %add3A_91 : i32
    %dma_wait3A_93 = arith.constant 0 : i32
    %dma_wait3A_94 = arith.constant 0 : i32
    %dma_wait3A_95 = tpu.memref_slice %arg2[%dma_wait3A_93, %dma_wait3A_94] : memref<10000x128xi32, #tpu.memory_space<hbm>> -> memref<10000x128xi32, #tpu.memory_space<hbm>>
    tpu.wait_indirect_dma semaphore(%arg10 : memref<!tpu.dma_semaphore, #tpu.memory_space<semaphore_mem>>) src(%dma_wait3A_95 : memref<10000x128xi32, #tpu.memory_space<hbm>>) dst(%arg8 : memref<200x128xi32, #tpu.memory_space<vmem>>)
    %dma_start3A_96 = arith.constant 0 : i32
    %dma_start3A_97 = tpu.memref_slice %arg4[%add3A_92, %dma_start3A_96] : memref<64000x128xi32, #tpu.memory_space<hbm>> -> memref<200x128xi32, #tpu.memory_space<hbm>>
    %dma_start3A_98 = arith.constant 0 : i32
    %dma_start3A_99 = tpu.memref_slice %arg4[%add3A_92, %dma_start3A_98] : memref<64000x128xi32, #tpu.memory_space<hbm>> -> memref<200x128xi32, #tpu.memory_space<hbm>>
    tpu.enqueue_dma source(%arg8 : memref<200x128xi32, #tpu.memory_space<vmem>>) target(%dma_start3A_99 : memref<200x128xi32, #tpu.memory_space<hbm>>) target_semaphore(%arg12 : memref<!tpu.dma_semaphore, #tpu.memory_space<semaphore_mem>>)
    %mul3A_100 = arith.constant 2000 : i32
    %mul3A_101 = arith.muli %add3A, %mul3A_100 : i32
    %add3A_102 = arith.constant 1000 : i32
    %add3A_103 = arith.addi %mul3A_101, %add3A_102 : i32
    %dma_wait3A_104 = arith.constant 0 : i32
    %dma_wait3A_105 = tpu.memref_slice %arg4[%add3A_92, %dma_wait3A_104] : memref<64000x128xi32, #tpu.memory_space<hbm>> -> memref<200x128xi32, #tpu.memory_space<hbm>>
    %dma_wait3A_106 = arith.constant 0 : i32
    %dma_wait3A_107 = tpu.memref_slice %arg4[%add3A_92, %dma_wait3A_106] : memref<64000x128xi32, #tpu.memory_space<hbm>> -> memref<200x128xi32, #tpu.memory_space<hbm>>
    tpu.wait_dma2 semaphore(%arg12 : memref<!tpu.dma_semaphore, #tpu.memory_space<semaphore_mem>>) src(%arg8 : memref<200x128xi32, #tpu.memory_space<vmem>>) dst(%dma_wait3A_107 : memref<200x128xi32, #tpu.memory_space<hbm>>)
    %add3A_108 = arith.constant 0 : i32
    %add3A_109 = arith.addi %add3A_108, %add3A_103 : i32
    "tpu.region"() ({
      %run_scoped3A = tpu.sem_alloc : memref<!tpu.dma_semaphore, #tpu.memory_space<semaphore_mem>>
      %dma_start3A_239 = tpu.memref_slice %arg3[%add3A_109] : memref<160000xi32, #tpu.memory_space<hbm>> -> memref<200xi32, #tpu.memory_space<hbm>>
      %dma_start3A_240 = tpu.memref_slice %arg3[%add3A_109] : memref<160000xi32, #tpu.memory_space<hbm>> -> memref<200xi32, #tpu.memory_space<hbm>>
      tpu.enqueue_dma source(%dma_start3A_240 : memref<200xi32, #tpu.memory_space<hbm>>) target(%arg6 : memref<200xi32, #tpu.memory_space<vmem>>) target_semaphore(%run_scoped3A : memref<!tpu.dma_semaphore, #tpu.memory_space<semaphore_mem>>)
      %dma_wait3A_241 = tpu.memref_slice %arg3[%add3A_109] : memref<160000xi32, #tpu.memory_space<hbm>> -> memref<200xi32, #tpu.memory_space<hbm>>
      %dma_wait3A_242 = tpu.memref_slice %arg3[%add3A_109] : memref<160000xi32, #tpu.memory_space<hbm>> -> memref<200xi32, #tpu.memory_space<hbm>>
      tpu.wait_dma2 semaphore(%run_scoped3A : memref<!tpu.dma_semaphore, #tpu.memory_space<semaphore_mem>>) src(%dma_wait3A_242 : memref<200xi32, #tpu.memory_space<hbm>>) dst(%arg6 : memref<200xi32, #tpu.memory_space<vmem>>)
      tpu.yield
    }) : () -> ()
    %dma_start3A_110 = arith.constant 0 : i32
    %dma_start3A_111 = arith.constant 0 : i32
    %dma_start3A_112 = tpu.memref_slice %arg2[%dma_start3A_110, %dma_start3A_111] : memref<10000x128xi32, #tpu.memory_space<hbm>> -> memref<10000x128xi32, #tpu.memory_space<hbm>>
    tpu.enqueue_indirect_dma source(%dma_start3A_112 : memref<10000x128xi32, #tpu.memory_space<hbm>>) target(%arg8 : memref<200x128xi32, #tpu.memory_space<vmem>>) offsets(%arg6 : memref<200xi32, #tpu.memory_space<vmem>>) semaphore(%arg10 : memref<!tpu.dma_semaphore, #tpu.memory_space<semaphore_mem>>)
    %mul3A_113 = arith.constant 2000 : i32
    %mul3A_114 = arith.muli %add3A, %mul3A_113 : i32
    %add3A_115 = arith.constant 800 : i32
    %add3A_116 = arith.addi %mul3A_114, %add3A_115 : i32
    %dma_wait3A_117 = arith.constant 0 : i32
    %dma_wait3A_118 = arith.constant 0 : i32
    %dma_wait3A_119 = tpu.memref_slice %arg2[%dma_wait3A_117, %dma_wait3A_118] : memref<10000x128xi32, #tpu.memory_space<hbm>> -> memref<10000x128xi32, #tpu.memory_space<hbm>>
    tpu.wait_indirect_dma semaphore(%arg9 : memref<!tpu.dma_semaphore, #tpu.memory_space<semaphore_mem>>) src(%dma_wait3A_119 : memref<10000x128xi32, #tpu.memory_space<hbm>>) dst(%arg7 : memref<200x128xi32, #tpu.memory_space<vmem>>)
    %dma_start3A_120 = arith.constant 0 : i32
    %dma_start3A_121 = tpu.memref_slice %arg4[%add3A_116, %dma_start3A_120] : memref<64000x128xi32, #tpu.memory_space<hbm>> -> memref<200x128xi32, #tpu.memory_space<hbm>>
    %dma_start3A_122 = arith.constant 0 : i32
    %dma_start3A_123 = tpu.memref_slice %arg4[%add3A_116, %dma_start3A_122] : memref<64000x128xi32, #tpu.memory_space<hbm>> -> memref<200x128xi32, #tpu.memory_space<hbm>>
    tpu.enqueue_dma source(%arg7 : memref<200x128xi32, #tpu.memory_space<vmem>>) target(%dma_start3A_123 : memref<200x128xi32, #tpu.memory_space<hbm>>) target_semaphore(%arg11 : memref<!tpu.dma_semaphore, #tpu.memory_space<semaphore_mem>>)
    %mul3A_124 = arith.constant 2000 : i32
    %mul3A_125 = arith.muli %add3A, %mul3A_124 : i32
    %add3A_126 = arith.constant 1200 : i32
    %add3A_127 = arith.addi %mul3A_125, %add3A_126 : i32
    %dma_wait3A_128 = arith.constant 0 : i32
    %dma_wait3A_129 = tpu.memref_slice %arg4[%add3A_116, %dma_wait3A_128] : memref<64000x128xi32, #tpu.memory_space<hbm>> -> memref<200x128xi32, #tpu.memory_space<hbm>>
    %dma_wait3A_130 = arith.constant 0 : i32
    %dma_wait3A_131 = tpu.memref_slice %arg4[%add3A_116, %dma_wait3A_130] : memref<64000x128xi32, #tpu.memory_space<hbm>> -> memref<200x128xi32, #tpu.memory_space<hbm>>
    tpu.wait_dma2 semaphore(%arg11 : memref<!tpu.dma_semaphore, #tpu.memory_space<semaphore_mem>>) src(%arg7 : memref<200x128xi32, #tpu.memory_space<vmem>>) dst(%dma_wait3A_131 : memref<200x128xi32, #tpu.memory_space<hbm>>)
    %add3A_132 = arith.constant 0 : i32
    %add3A_133 = arith.addi %add3A_132, %add3A_127 : i32
    "tpu.region"() ({
      %run_scoped3A = tpu.sem_alloc : memref<!tpu.dma_semaphore, #tpu.memory_space<semaphore_mem>>
      %dma_start3A_239 = tpu.memref_slice %arg3[%add3A_133] : memref<160000xi32, #tpu.memory_space<hbm>> -> memref<200xi32, #tpu.memory_space<hbm>>
      %dma_start3A_240 = tpu.memref_slice %arg3[%add3A_133] : memref<160000xi32, #tpu.memory_space<hbm>> -> memref<200xi32, #tpu.memory_space<hbm>>
      tpu.enqueue_dma source(%dma_start3A_240 : memref<200xi32, #tpu.memory_space<hbm>>) target(%arg5 : memref<200xi32, #tpu.memory_space<vmem>>) target_semaphore(%run_scoped3A : memref<!tpu.dma_semaphore, #tpu.memory_space<semaphore_mem>>)
      %dma_wait3A_241 = tpu.memref_slice %arg3[%add3A_133] : memref<160000xi32, #tpu.memory_space<hbm>> -> memref<200xi32, #tpu.memory_space<hbm>>
      %dma_wait3A_242 = tpu.memref_slice %arg3[%add3A_133] : memref<160000xi32, #tpu.memory_space<hbm>> -> memref<200xi32, #tpu.memory_space<hbm>>
      tpu.wait_dma2 semaphore(%run_scoped3A : memref<!tpu.dma_semaphore, #tpu.memory_space<semaphore_mem>>) src(%dma_wait3A_242 : memref<200xi32, #tpu.memory_space<hbm>>) dst(%arg5 : memref<200xi32, #tpu.memory_space<vmem>>)
      tpu.yield
    }) : () -> ()
    %dma_start3A_134 = arith.constant 0 : i32
    %dma_start3A_135 = arith.constant 0 : i32
    %dma_start3A_136 = tpu.memref_slice %arg2[%dma_start3A_134, %dma_start3A_135] : memref<10000x128xi32, #tpu.memory_space<hbm>> -> memref<10000x128xi32, #tpu.memory_space<hbm>>
    tpu.enqueue_indirect_dma source(%dma_start3A_136 : memref<10000x128xi32, #tpu.memory_space<hbm>>) target(%arg7 : memref<200x128xi32, #tpu.memory_space<vmem>>) offsets(%arg5 : memref<200xi32, #tpu.memory_space<vmem>>) semaphore(%arg9 : memref<!tpu.dma_semaphore, #tpu.memory_space<semaphore_mem>>)
    %mul3A_137 = arith.constant 2000 : i32
    %mul3A_138 = arith.muli %add3A, %mul3A_137 : i32
    %add3A_139 = arith.constant 1000 : i32
    %add3A_140 = arith.addi %mul3A_138, %add3A_139 : i32
    %dma_wait3A_141 = arith.constant 0 : i32
    %dma_wait3A_142 = arith.constant 0 : i32
    %dma_wait3A_143 = tpu.memref_slice %arg2[%dma_wait3A_141, %dma_wait3A_142] : memref<10000x128xi32, #tpu.memory_space<hbm>> -> memref<10000x128xi32, #tpu.memory_space<hbm>>
    tpu.wait_indirect_dma semaphore(%arg10 : memref<!tpu.dma_semaphore, #tpu.memory_space<semaphore_mem>>) src(%dma_wait3A_143 : memref<10000x128xi32, #tpu.memory_space<hbm>>) dst(%arg8 : memref<200x128xi32, #tpu.memory_space<vmem>>)
    %dma_start3A_144 = arith.constant 0 : i32
    %dma_start3A_145 = tpu.memref_slice %arg4[%add3A_140, %dma_start3A_144] : memref<64000x128xi32, #tpu.memory_space<hbm>> -> memref<200x128xi32, #tpu.memory_space<hbm>>
    %dma_start3A_146 = arith.constant 0 : i32
    %dma_start3A_147 = tpu.memref_slice %arg4[%add3A_140, %dma_start3A_146] : memref<64000x128xi32, #tpu.memory_space<hbm>> -> memref<200x128xi32, #tpu.memory_space<hbm>>
    tpu.enqueue_dma source(%arg8 : memref<200x128xi32, #tpu.memory_space<vmem>>) target(%dma_start3A_147 : memref<200x128xi32, #tpu.memory_space<hbm>>) target_semaphore(%arg12 : memref<!tpu.dma_semaphore, #tpu.memory_space<semaphore_mem>>)
    %mul3A_148 = arith.constant 2000 : i32
    %mul3A_149 = arith.muli %add3A, %mul3A_148 : i32
    %add3A_150 = arith.constant 1400 : i32
    %add3A_151 = arith.addi %mul3A_149, %add3A_150 : i32
    %dma_wait3A_152 = arith.constant 0 : i32
    %dma_wait3A_153 = tpu.memref_slice %arg4[%add3A_140, %dma_wait3A_152] : memref<64000x128xi32, #tpu.memory_space<hbm>> -> memref<200x128xi32, #tpu.memory_space<hbm>>
    %dma_wait3A_154 = arith.constant 0 : i32
    %dma_wait3A_155 = tpu.memref_slice %arg4[%add3A_140, %dma_wait3A_154] : memref<64000x128xi32, #tpu.memory_space<hbm>> -> memref<200x128xi32, #tpu.memory_space<hbm>>
    tpu.wait_dma2 semaphore(%arg12 : memref<!tpu.dma_semaphore, #tpu.memory_space<semaphore_mem>>) src(%arg8 : memref<200x128xi32, #tpu.memory_space<vmem>>) dst(%dma_wait3A_155 : memref<200x128xi32, #tpu.memory_space<hbm>>)
    %add3A_156 = arith.constant 0 : i32
    %add3A_157 = arith.addi %add3A_156, %add3A_151 : i32
    "tpu.region"() ({
      %run_scoped3A = tpu.sem_alloc : memref<!tpu.dma_semaphore, #tpu.memory_space<semaphore_mem>>
      %dma_start3A_239 = tpu.memref_slice %arg3[%add3A_157] : memref<160000xi32, #tpu.memory_space<hbm>> -> memref<200xi32, #tpu.memory_space<hbm>>
      %dma_start3A_240 = tpu.memref_slice %arg3[%add3A_157] : memref<160000xi32, #tpu.memory_space<hbm>> -> memref<200xi32, #tpu.memory_space<hbm>>
      tpu.enqueue_dma source(%dma_start3A_240 : memref<200xi32, #tpu.memory_space<hbm>>) target(%arg6 : memref<200xi32, #tpu.memory_space<vmem>>) target_semaphore(%run_scoped3A : memref<!tpu.dma_semaphore, #tpu.memory_space<semaphore_mem>>)
      %dma_wait3A_241 = tpu.memref_slice %arg3[%add3A_157] : memref<160000xi32, #tpu.memory_space<hbm>> -> memref<200xi32, #tpu.memory_space<hbm>>
      %dma_wait3A_242 = tpu.memref_slice %arg3[%add3A_157] : memref<160000xi32, #tpu.memory_space<hbm>> -> memref<200xi32, #tpu.memory_space<hbm>>
      tpu.wait_dma2 semaphore(%run_scoped3A : memref<!tpu.dma_semaphore, #tpu.memory_space<semaphore_mem>>) src(%dma_wait3A_242 : memref<200xi32, #tpu.memory_space<hbm>>) dst(%arg6 : memref<200xi32, #tpu.memory_space<vmem>>)
      tpu.yield
    }) : () -> ()
    %dma_start3A_158 = arith.constant 0 : i32
    %dma_start3A_159 = arith.constant 0 : i32
    %dma_start3A_160 = tpu.memref_slice %arg2[%dma_start3A_158, %dma_start3A_159] : memref<10000x128xi32, #tpu.memory_space<hbm>> -> memref<10000x128xi32, #tpu.memory_space<hbm>>
    tpu.enqueue_indirect_dma source(%dma_start3A_160 : memref<10000x128xi32, #tpu.memory_space<hbm>>) target(%arg8 : memref<200x128xi32, #tpu.memory_space<vmem>>) offsets(%arg6 : memref<200xi32, #tpu.memory_space<vmem>>) semaphore(%arg10 : memref<!tpu.dma_semaphore, #tpu.memory_space<semaphore_mem>>)
    %mul3A_161 = arith.constant 2000 : i32
    %mul3A_162 = arith.muli %add3A, %mul3A_161 : i32
    %add3A_163 = arith.constant 1200 : i32
    %add3A_164 = arith.addi %mul3A_162, %add3A_163 : i32
    %dma_wait3A_165 = arith.constant 0 : i32
    %dma_wait3A_166 = arith.constant 0 : i32
    %dma_wait3A_167 = tpu.memref_slice %arg2[%dma_wait3A_165, %dma_wait3A_166] : memref<10000x128xi32, #tpu.memory_space<hbm>> -> memref<10000x128xi32, #tpu.memory_space<hbm>>
    tpu.wait_indirect_dma semaphore(%arg9 : memref<!tpu.dma_semaphore, #tpu.memory_space<semaphore_mem>>) src(%dma_wait3A_167 : memref<10000x128xi32, #tpu.memory_space<hbm>>) dst(%arg7 : memref<200x128xi32, #tpu.memory_space<vmem>>)
    %dma_start3A_168 = arith.constant 0 : i32
    %dma_start3A_169 = tpu.memref_slice %arg4[%add3A_164, %dma_start3A_168] : memref<64000x128xi32, #tpu.memory_space<hbm>> -> memref<200x128xi32, #tpu.memory_space<hbm>>
    %dma_start3A_170 = arith.constant 0 : i32
    %dma_start3A_171 = tpu.memref_slice %arg4[%add3A_164, %dma_start3A_170] : memref<64000x128xi32, #tpu.memory_space<hbm>> -> memref<200x128xi32, #tpu.memory_space<hbm>>
    tpu.enqueue_dma source(%arg7 : memref<200x128xi32, #tpu.memory_space<vmem>>) target(%dma_start3A_171 : memref<200x128xi32, #tpu.memory_space<hbm>>) target_semaphore(%arg11 : memref<!tpu.dma_semaphore, #tpu.memory_space<semaphore_mem>>)
    %mul3A_172 = arith.constant 2000 : i32
    %mul3A_173 = arith.muli %add3A, %mul3A_172 : i32
    %add3A_174 = arith.constant 1600 : i32
    %add3A_175 = arith.addi %mul3A_173, %add3A_174 : i32
    %dma_wait3A_176 = arith.constant 0 : i32
    %dma_wait3A_177 = tpu.memref_slice %arg4[%add3A_164, %dma_wait3A_176] : memref<64000x128xi32, #tpu.memory_space<hbm>> -> memref<200x128xi32, #tpu.memory_space<hbm>>
    %dma_wait3A_178 = arith.constant 0 : i32
    %dma_wait3A_179 = tpu.memref_slice %arg4[%add3A_164, %dma_wait3A_178] : memref<64000x128xi32, #tpu.memory_space<hbm>> -> memref<200x128xi32, #tpu.memory_space<hbm>>
    tpu.wait_dma2 semaphore(%arg11 : memref<!tpu.dma_semaphore, #tpu.memory_space<semaphore_mem>>) src(%arg7 : memref<200x128xi32, #tpu.memory_space<vmem>>) dst(%dma_wait3A_179 : memref<200x128xi32, #tpu.memory_space<hbm>>)
    %add3A_180 = arith.constant 0 : i32
    %add3A_181 = arith.addi %add3A_180, %add3A_175 : i32
    "tpu.region"() ({
      %run_scoped3A = tpu.sem_alloc : memref<!tpu.dma_semaphore, #tpu.memory_space<semaphore_mem>>
      %dma_start3A_239 = tpu.memref_slice %arg3[%add3A_181] : memref<160000xi32, #tpu.memory_space<hbm>> -> memref<200xi32, #tpu.memory_space<hbm>>
      %dma_start3A_240 = tpu.memref_slice %arg3[%add3A_181] : memref<160000xi32, #tpu.memory_space<hbm>> -> memref<200xi32, #tpu.memory_space<hbm>>
      tpu.enqueue_dma source(%dma_start3A_240 : memref<200xi32, #tpu.memory_space<hbm>>) target(%arg5 : memref<200xi32, #tpu.memory_space<vmem>>) target_semaphore(%run_scoped3A : memref<!tpu.dma_semaphore, #tpu.memory_space<semaphore_mem>>)
      %dma_wait3A_241 = tpu.memref_slice %arg3[%add3A_181] : memref<160000xi32, #tpu.memory_space<hbm>> -> memref<200xi32, #tpu.memory_space<hbm>>
      %dma_wait3A_242 = tpu.memref_slice %arg3[%add3A_181] : memref<160000xi32, #tpu.memory_space<hbm>> -> memref<200xi32, #tpu.memory_space<hbm>>
      tpu.wait_dma2 semaphore(%run_scoped3A : memref<!tpu.dma_semaphore, #tpu.memory_space<semaphore_mem>>) src(%dma_wait3A_242 : memref<200xi32, #tpu.memory_space<hbm>>) dst(%arg5 : memref<200xi32, #tpu.memory_space<vmem>>)
      tpu.yield
    }) : () -> ()
    %dma_start3A_182 = arith.constant 0 : i32
    %dma_start3A_183 = arith.constant 0 : i32
    %dma_start3A_184 = tpu.memref_slice %arg2[%dma_start3A_182, %dma_start3A_183] : memref<10000x128xi32, #tpu.memory_space<hbm>> -> memref<10000x128xi32, #tpu.memory_space<hbm>>
    tpu.enqueue_indirect_dma source(%dma_start3A_184 : memref<10000x128xi32, #tpu.memory_space<hbm>>) target(%arg7 : memref<200x128xi32, #tpu.memory_space<vmem>>) offsets(%arg5 : memref<200xi32, #tpu.memory_space<vmem>>) semaphore(%arg9 : memref<!tpu.dma_semaphore, #tpu.memory_space<semaphore_mem>>)
    %mul3A_185 = arith.constant 2000 : i32
    %mul3A_186 = arith.muli %add3A, %mul3A_185 : i32
    %add3A_187 = arith.constant 1400 : i32
    %add3A_188 = arith.addi %mul3A_186, %add3A_187 : i32
    %dma_wait3A_189 = arith.constant 0 : i32
    %dma_wait3A_190 = arith.constant 0 : i32
    %dma_wait3A_191 = tpu.memref_slice %arg2[%dma_wait3A_189, %dma_wait3A_190] : memref<10000x128xi32, #tpu.memory_space<hbm>> -> memref<10000x128xi32, #tpu.memory_space<hbm>>
    tpu.wait_indirect_dma semaphore(%arg10 : memref<!tpu.dma_semaphore, #tpu.memory_space<semaphore_mem>>) src(%dma_wait3A_191 : memref<10000x128xi32, #tpu.memory_space<hbm>>) dst(%arg8 : memref<200x128xi32, #tpu.memory_space<vmem>>)
    %dma_start3A_192 = arith.constant 0 : i32
    %dma_start3A_193 = tpu.memref_slice %arg4[%add3A_188, %dma_start3A_192] : memref<64000x128xi32, #tpu.memory_space<hbm>> -> memref<200x128xi32, #tpu.memory_space<hbm>>
    %dma_start3A_194 = arith.constant 0 : i32
    %dma_start3A_195 = tpu.memref_slice %arg4[%add3A_188, %dma_start3A_194] : memref<64000x128xi32, #tpu.memory_space<hbm>> -> memref<200x128xi32, #tpu.memory_space<hbm>>
    tpu.enqueue_dma source(%arg8 : memref<200x128xi32, #tpu.memory_space<vmem>>) target(%dma_start3A_195 : memref<200x128xi32, #tpu.memory_space<hbm>>) target_semaphore(%arg12 : memref<!tpu.dma_semaphore, #tpu.memory_space<semaphore_mem>>)
    %mul3A_196 = arith.constant 2000 : i32
    %mul3A_197 = arith.muli %add3A, %mul3A_196 : i32
    %add3A_198 = arith.constant 1800 : i32
    %add3A_199 = arith.addi %mul3A_197, %add3A_198 : i32
    %dma_wait3A_200 = arith.constant 0 : i32
    %dma_wait3A_201 = tpu.memref_slice %arg4[%add3A_188, %dma_wait3A_200] : memref<64000x128xi32, #tpu.memory_space<hbm>> -> memref<200x128xi32, #tpu.memory_space<hbm>>
    %dma_wait3A_202 = arith.constant 0 : i32
    %dma_wait3A_203 = tpu.memref_slice %arg4[%add3A_188, %dma_wait3A_202] : memref<64000x128xi32, #tpu.memory_space<hbm>> -> memref<200x128xi32, #tpu.memory_space<hbm>>
    tpu.wait_dma2 semaphore(%arg12 : memref<!tpu.dma_semaphore, #tpu.memory_space<semaphore_mem>>) src(%arg8 : memref<200x128xi32, #tpu.memory_space<vmem>>) dst(%dma_wait3A_203 : memref<200x128xi32, #tpu.memory_space<hbm>>)
    %add3A_204 = arith.constant 0 : i32
    %add3A_205 = arith.addi %add3A_204, %add3A_199 : i32
    "tpu.region"() ({
      %run_scoped3A = tpu.sem_alloc : memref<!tpu.dma_semaphore, #tpu.memory_space<semaphore_mem>>
      %dma_start3A_239 = tpu.memref_slice %arg3[%add3A_205] : memref<160000xi32, #tpu.memory_space<hbm>> -> memref<200xi32, #tpu.memory_space<hbm>>
      %dma_start3A_240 = tpu.memref_slice %arg3[%add3A_205] : memref<160000xi32, #tpu.memory_space<hbm>> -> memref<200xi32, #tpu.memory_space<hbm>>
      tpu.enqueue_dma source(%dma_start3A_240 : memref<200xi32, #tpu.memory_space<hbm>>) target(%arg6 : memref<200xi32, #tpu.memory_space<vmem>>) target_semaphore(%run_scoped3A : memref<!tpu.dma_semaphore, #tpu.memory_space<semaphore_mem>>)
      %dma_wait3A_241 = tpu.memref_slice %arg3[%add3A_205] : memref<160000xi32, #tpu.memory_space<hbm>> -> memref<200xi32, #tpu.memory_space<hbm>>
      %dma_wait3A_242 = tpu.memref_slice %arg3[%add3A_205] : memref<160000xi32, #tpu.memory_space<hbm>> -> memref<200xi32, #tpu.memory_space<hbm>>
      tpu.wait_dma2 semaphore(%run_scoped3A : memref<!tpu.dma_semaphore, #tpu.memory_space<semaphore_mem>>) src(%dma_wait3A_242 : memref<200xi32, #tpu.memory_space<hbm>>) dst(%arg6 : memref<200xi32, #tpu.memory_space<vmem>>)
      tpu.yield
    }) : () -> ()
    %dma_start3A_206 = arith.constant 0 : i32
    %dma_start3A_207 = arith.constant 0 : i32
    %dma_start3A_208 = tpu.memref_slice %arg2[%dma_start3A_206, %dma_start3A_207] : memref<10000x128xi32, #tpu.memory_space<hbm>> -> memref<10000x128xi32, #tpu.memory_space<hbm>>
    tpu.enqueue_indirect_dma source(%dma_start3A_208 : memref<10000x128xi32, #tpu.memory_space<hbm>>) target(%arg8 : memref<200x128xi32, #tpu.memory_space<vmem>>) offsets(%arg6 : memref<200xi32, #tpu.memory_space<vmem>>) semaphore(%arg10 : memref<!tpu.dma_semaphore, #tpu.memory_space<semaphore_mem>>)
    %mul3A_209 = arith.constant 2000 : i32
    %mul3A_210 = arith.muli %add3A, %mul3A_209 : i32
    %add3A_211 = arith.constant 1600 : i32
    %add3A_212 = arith.addi %mul3A_210, %add3A_211 : i32
    %dma_wait3A_213 = arith.constant 0 : i32
    %dma_wait3A_214 = arith.constant 0 : i32
    %dma_wait3A_215 = tpu.memref_slice %arg2[%dma_wait3A_213, %dma_wait3A_214] : memref<10000x128xi32, #tpu.memory_space<hbm>> -> memref<10000x128xi32, #tpu.memory_space<hbm>>
    tpu.wait_indirect_dma semaphore(%arg9 : memref<!tpu.dma_semaphore, #tpu.memory_space<semaphore_mem>>) src(%dma_wait3A_215 : memref<10000x128xi32, #tpu.memory_space<hbm>>) dst(%arg7 : memref<200x128xi32, #tpu.memory_space<vmem>>)
    %dma_start3A_216 = arith.constant 0 : i32
    %dma_start3A_217 = tpu.memref_slice %arg4[%add3A_212, %dma_start3A_216] : memref<64000x128xi32, #tpu.memory_space<hbm>> -> memref<200x128xi32, #tpu.memory_space<hbm>>
    %dma_start3A_218 = arith.constant 0 : i32
    %dma_start3A_219 = tpu.memref_slice %arg4[%add3A_212, %dma_start3A_218] : memref<64000x128xi32, #tpu.memory_space<hbm>> -> memref<200x128xi32, #tpu.memory_space<hbm>>
    tpu.enqueue_dma source(%arg7 : memref<200x128xi32, #tpu.memory_space<vmem>>) target(%dma_start3A_219 : memref<200x128xi32, #tpu.memory_space<hbm>>) target_semaphore(%arg11 : memref<!tpu.dma_semaphore, #tpu.memory_space<semaphore_mem>>)
    %mul3A_220 = arith.constant 2000 : i32
    %mul3A_221 = arith.muli %add3A, %mul3A_220 : i32
    %add3A_222 = arith.constant 1800 : i32
    %add3A_223 = arith.addi %mul3A_221, %add3A_222 : i32
    %dma_wait3A_224 = arith.constant 0 : i32
    %dma_wait3A_225 = arith.constant 0 : i32
    %dma_wait3A_226 = tpu.memref_slice %arg2[%dma_wait3A_224, %dma_wait3A_225] : memref<10000x128xi32, #tpu.memory_space<hbm>> -> memref<10000x128xi32, #tpu.memory_space<hbm>>
    tpu.wait_indirect_dma semaphore(%arg10 : memref<!tpu.dma_semaphore, #tpu.memory_space<semaphore_mem>>) src(%dma_wait3A_226 : memref<10000x128xi32, #tpu.memory_space<hbm>>) dst(%arg8 : memref<200x128xi32, #tpu.memory_space<vmem>>)
    %dma_start3A_227 = arith.constant 0 : i32
    %dma_start3A_228 = tpu.memref_slice %arg4[%add3A_223, %dma_start3A_227] : memref<64000x128xi32, #tpu.memory_space<hbm>> -> memref<200x128xi32, #tpu.memory_space<hbm>>
    %dma_start3A_229 = arith.constant 0 : i32
    %dma_start3A_230 = tpu.memref_slice %arg4[%add3A_223, %dma_start3A_229] : memref<64000x128xi32, #tpu.memory_space<hbm>> -> memref<200x128xi32, #tpu.memory_space<hbm>>
    tpu.enqueue_dma source(%arg8 : memref<200x128xi32, #tpu.memory_space<vmem>>) target(%dma_start3A_230 : memref<200x128xi32, #tpu.memory_space<hbm>>) target_semaphore(%arg12 : memref<!tpu.dma_semaphore, #tpu.memory_space<semaphore_mem>>)
    %dma_wait3A_231 = arith.constant 0 : i32
    %dma_wait3A_232 = tpu.memref_slice %arg4[%add3A_223, %dma_wait3A_231] : memref<64000x128xi32, #tpu.memory_space<hbm>> -> memref<200x128xi32, #tpu.memory_space<hbm>>
    %dma_wait3A_233 = arith.constant 0 : i32
    %dma_wait3A_234 = tpu.memref_slice %arg4[%add3A_223, %dma_wait3A_233] : memref<64000x128xi32, #tpu.memory_space<hbm>> -> memref<200x128xi32, #tpu.memory_space<hbm>>
    tpu.wait_dma2 semaphore(%arg12 : memref<!tpu.dma_semaphore, #tpu.memory_space<semaphore_mem>>) src(%arg8 : memref<200x128xi32, #tpu.memory_space<vmem>>) dst(%dma_wait3A_234 : memref<200x128xi32, #tpu.memory_space<hbm>>)
    %dma_wait3A_235 = arith.constant 0 : i32
    %dma_wait3A_236 = tpu.memref_slice %arg4[%add3A_212, %dma_wait3A_235] : memref<64000x128xi32, #tpu.memory_space<hbm>> -> memref<200x128xi32, #tpu.memory_space<hbm>>
    %dma_wait3A_237 = arith.constant 0 : i32
    %dma_wait3A_238 = tpu.memref_slice %arg4[%add3A_212, %dma_wait3A_237] : memref<64000x128xi32, #tpu.memory_space<hbm>> -> memref<200x128xi32, #tpu.memory_space<hbm>>
    tpu.wait_dma2 semaphore(%arg11 : memref<!tpu.dma_semaphore, #tpu.memory_space<semaphore_mem>>) src(%arg7 : memref<200x128xi32, #tpu.memory_space<vmem>>) dst(%dma_wait3A_238 : memref<200x128xi32, #tpu.memory_space<hbm>>)
    return
  }
}

#map = affine_map<(d0, d1) -> (0, 0)>
#map1 = affine_map<(d0, d1) -> (0)>
module attributes {stable_mosaic.version = 14 : i64} {
  func.func @body(%arg0: i32, %arg1: i32, %arg2: memref<10000x128xi32, #tpu.memory_space<hbm>>, %arg3: memref<160000xi32, #tpu.memory_space<hbm>>, %arg4: memref<96000x128xi32, #tpu.memory_space<hbm>>, %arg5: memref<200xi32, #tpu.memory_space<vmem>>, %arg6: memref<200xi32, #tpu.memory_space<vmem>>, %arg7: memref<200x128xi32, #tpu.memory_space<vmem>>, %arg8: memref<200x128xi32, #tpu.memory_space<vmem>>, %arg9: memref<!tpu.dma_semaphore, #tpu.memory_space<semaphore_mem>>, %arg10: memref<!tpu.dma_semaphore, #tpu.memory_space<semaphore_mem>>, %arg11: memref<!tpu.dma_semaphore, #tpu.memory_space<semaphore_mem>>, %arg12: memref<!tpu.dma_semaphore, #tpu.memory_space<semaphore_mem>>) attributes {dimension_semantics = [#tpu.dimension_semantics<core_parallel>, #tpu.dimension_semantics<subcore_parallel>], iteration_bounds = array<i64: 2, 16>, scalar_prefetch = 0 : i64, scratch_operands = 8 : i64, tpu.core_type = #tpu.core_type<sc_vector_subcore>, window_params = [{transform_indices = #map}, {transform_indices = #map1}, {transform_indices = #map}]} {
    %mul3A = arith.constant 2 : i32
    %mul3A_0 = arith.muli %arg1, %mul3A : i32
    %add3A = arith.addi %mul3A_0, %arg0 : i32
    %mul3A_1 = arith.constant 3000 : i32
    %mul3A_2 = arith.muli %add3A, %mul3A_1 : i32
    %add3A_3 = arith.constant 0 : i32
    %add3A_4 = arith.addi %mul3A_2, %add3A_3 : i32
    %add3A_5 = arith.constant 64000 : i32
    %add3A_6 = arith.addi %add3A_5, %add3A_4 : i32
    "tpu.region"() ({
      %run_scoped3A = tpu.sem_alloc : memref<!tpu.dma_semaphore, #tpu.memory_space<semaphore_mem>>
      %dma_start3A_359 = tpu.memref_slice %arg3[%add3A_6] : memref<160000xi32, #tpu.memory_space<hbm>> -> memref<200xi32, #tpu.memory_space<hbm>>
      %dma_start3A_360 = tpu.memref_slice %arg3[%add3A_6] : memref<160000xi32, #tpu.memory_space<hbm>> -> memref<200xi32, #tpu.memory_space<hbm>>
      tpu.enqueue_dma source(%dma_start3A_360 : memref<200xi32, #tpu.memory_space<hbm>>) target(%arg5 : memref<200xi32, #tpu.memory_space<vmem>>) target_semaphore(%run_scoped3A : memref<!tpu.dma_semaphore, #tpu.memory_space<semaphore_mem>>)
      %dma_wait3A_361 = tpu.memref_slice %arg3[%add3A_6] : memref<160000xi32, #tpu.memory_space<hbm>> -> memref<200xi32, #tpu.memory_space<hbm>>
      %dma_wait3A_362 = tpu.memref_slice %arg3[%add3A_6] : memref<160000xi32, #tpu.memory_space<hbm>> -> memref<200xi32, #tpu.memory_space<hbm>>
      tpu.wait_dma2 semaphore(%run_scoped3A : memref<!tpu.dma_semaphore, #tpu.memory_space<semaphore_mem>>) src(%dma_wait3A_362 : memref<200xi32, #tpu.memory_space<hbm>>) dst(%arg5 : memref<200xi32, #tpu.memory_space<vmem>>)
      tpu.yield
    }) : () -> ()
    %dma_start3A = arith.constant 0 : i32
    %dma_start3A_7 = arith.constant 0 : i32
    %dma_start3A_8 = tpu.memref_slice %arg2[%dma_start3A, %dma_start3A_7] : memref<10000x128xi32, #tpu.memory_space<hbm>> -> memref<10000x128xi32, #tpu.memory_space<hbm>>
    tpu.enqueue_indirect_dma source(%dma_start3A_8 : memref<10000x128xi32, #tpu.memory_space<hbm>>) target(%arg7 : memref<200x128xi32, #tpu.memory_space<vmem>>) offsets(%arg5 : memref<200xi32, #tpu.memory_space<vmem>>) semaphore(%arg9 : memref<!tpu.dma_semaphore, #tpu.memory_space<semaphore_mem>>)
    %mul3A_9 = arith.constant 3000 : i32
    %mul3A_10 = arith.muli %add3A, %mul3A_9 : i32
    %add3A_11 = arith.constant 200 : i32
    %add3A_12 = arith.addi %mul3A_10, %add3A_11 : i32
    %add3A_13 = arith.constant 64000 : i32
    %add3A_14 = arith.addi %add3A_13, %add3A_12 : i32
    "tpu.region"() ({
      %run_scoped3A = tpu.sem_alloc : memref<!tpu.dma_semaphore, #tpu.memory_space<semaphore_mem>>
      %dma_start3A_359 = tpu.memref_slice %arg3[%add3A_14] : memref<160000xi32, #tpu.memory_space<hbm>> -> memref<200xi32, #tpu.memory_space<hbm>>
      %dma_start3A_360 = tpu.memref_slice %arg3[%add3A_14] : memref<160000xi32, #tpu.memory_space<hbm>> -> memref<200xi32, #tpu.memory_space<hbm>>
      tpu.enqueue_dma source(%dma_start3A_360 : memref<200xi32, #tpu.memory_space<hbm>>) target(%arg6 : memref<200xi32, #tpu.memory_space<vmem>>) target_semaphore(%run_scoped3A : memref<!tpu.dma_semaphore, #tpu.memory_space<semaphore_mem>>)
      %dma_wait3A_361 = tpu.memref_slice %arg3[%add3A_14] : memref<160000xi32, #tpu.memory_space<hbm>> -> memref<200xi32, #tpu.memory_space<hbm>>
      %dma_wait3A_362 = tpu.memref_slice %arg3[%add3A_14] : memref<160000xi32, #tpu.memory_space<hbm>> -> memref<200xi32, #tpu.memory_space<hbm>>
      tpu.wait_dma2 semaphore(%run_scoped3A : memref<!tpu.dma_semaphore, #tpu.memory_space<semaphore_mem>>) src(%dma_wait3A_362 : memref<200xi32, #tpu.memory_space<hbm>>) dst(%arg6 : memref<200xi32, #tpu.memory_space<vmem>>)
      tpu.yield
    }) : () -> ()
    %dma_start3A_15 = arith.constant 0 : i32
    %dma_start3A_16 = arith.constant 0 : i32
    %dma_start3A_17 = tpu.memref_slice %arg2[%dma_start3A_15, %dma_start3A_16] : memref<10000x128xi32, #tpu.memory_space<hbm>> -> memref<10000x128xi32, #tpu.memory_space<hbm>>
    tpu.enqueue_indirect_dma source(%dma_start3A_17 : memref<10000x128xi32, #tpu.memory_space<hbm>>) target(%arg8 : memref<200x128xi32, #tpu.memory_space<vmem>>) offsets(%arg6 : memref<200xi32, #tpu.memory_space<vmem>>) semaphore(%arg10 : memref<!tpu.dma_semaphore, #tpu.memory_space<semaphore_mem>>)
    %mul3A_18 = arith.constant 3000 : i32
    %mul3A_19 = arith.muli %add3A, %mul3A_18 : i32
    %add3A_20 = arith.constant 0 : i32
    %add3A_21 = arith.addi %mul3A_19, %add3A_20 : i32
    %dma_wait3A = arith.constant 0 : i32
    %dma_wait3A_22 = arith.constant 0 : i32
    %dma_wait3A_23 = tpu.memref_slice %arg2[%dma_wait3A, %dma_wait3A_22] : memref<10000x128xi32, #tpu.memory_space<hbm>> -> memref<10000x128xi32, #tpu.memory_space<hbm>>
    tpu.wait_indirect_dma semaphore(%arg9 : memref<!tpu.dma_semaphore, #tpu.memory_space<semaphore_mem>>) src(%dma_wait3A_23 : memref<10000x128xi32, #tpu.memory_space<hbm>>) dst(%arg7 : memref<200x128xi32, #tpu.memory_space<vmem>>)
    %dma_start3A_24 = arith.constant 0 : i32
    %dma_start3A_25 = tpu.memref_slice %arg4[%add3A_21, %dma_start3A_24] : memref<96000x128xi32, #tpu.memory_space<hbm>> -> memref<200x128xi32, #tpu.memory_space<hbm>>
    %dma_start3A_26 = arith.constant 0 : i32
    %dma_start3A_27 = tpu.memref_slice %arg4[%add3A_21, %dma_start3A_26] : memref<96000x128xi32, #tpu.memory_space<hbm>> -> memref<200x128xi32, #tpu.memory_space<hbm>>
    tpu.enqueue_dma source(%arg7 : memref<200x128xi32, #tpu.memory_space<vmem>>) target(%dma_start3A_27 : memref<200x128xi32, #tpu.memory_space<hbm>>) target_semaphore(%arg11 : memref<!tpu.dma_semaphore, #tpu.memory_space<semaphore_mem>>)
    %mul3A_28 = arith.constant 3000 : i32
    %mul3A_29 = arith.muli %add3A, %mul3A_28 : i32
    %add3A_30 = arith.constant 400 : i32
    %add3A_31 = arith.addi %mul3A_29, %add3A_30 : i32
    %dma_wait3A_32 = arith.constant 0 : i32
    %dma_wait3A_33 = tpu.memref_slice %arg4[%add3A_21, %dma_wait3A_32] : memref<96000x128xi32, #tpu.memory_space<hbm>> -> memref<200x128xi32, #tpu.memory_space<hbm>>
    %dma_wait3A_34 = arith.constant 0 : i32
    %dma_wait3A_35 = tpu.memref_slice %arg4[%add3A_21, %dma_wait3A_34] : memref<96000x128xi32, #tpu.memory_space<hbm>> -> memref<200x128xi32, #tpu.memory_space<hbm>>
    tpu.wait_dma2 semaphore(%arg11 : memref<!tpu.dma_semaphore, #tpu.memory_space<semaphore_mem>>) src(%arg7 : memref<200x128xi32, #tpu.memory_space<vmem>>) dst(%dma_wait3A_35 : memref<200x128xi32, #tpu.memory_space<hbm>>)
    %add3A_36 = arith.constant 64000 : i32
    %add3A_37 = arith.addi %add3A_36, %add3A_31 : i32
    "tpu.region"() ({
      %run_scoped3A = tpu.sem_alloc : memref<!tpu.dma_semaphore, #tpu.memory_space<semaphore_mem>>
      %dma_start3A_359 = tpu.memref_slice %arg3[%add3A_37] : memref<160000xi32, #tpu.memory_space<hbm>> -> memref<200xi32, #tpu.memory_space<hbm>>
      %dma_start3A_360 = tpu.memref_slice %arg3[%add3A_37] : memref<160000xi32, #tpu.memory_space<hbm>> -> memref<200xi32, #tpu.memory_space<hbm>>
      tpu.enqueue_dma source(%dma_start3A_360 : memref<200xi32, #tpu.memory_space<hbm>>) target(%arg5 : memref<200xi32, #tpu.memory_space<vmem>>) target_semaphore(%run_scoped3A : memref<!tpu.dma_semaphore, #tpu.memory_space<semaphore_mem>>)
      %dma_wait3A_361 = tpu.memref_slice %arg3[%add3A_37] : memref<160000xi32, #tpu.memory_space<hbm>> -> memref<200xi32, #tpu.memory_space<hbm>>
      %dma_wait3A_362 = tpu.memref_slice %arg3[%add3A_37] : memref<160000xi32, #tpu.memory_space<hbm>> -> memref<200xi32, #tpu.memory_space<hbm>>
      tpu.wait_dma2 semaphore(%run_scoped3A : memref<!tpu.dma_semaphore, #tpu.memory_space<semaphore_mem>>) src(%dma_wait3A_362 : memref<200xi32, #tpu.memory_space<hbm>>) dst(%arg5 : memref<200xi32, #tpu.memory_space<vmem>>)
      tpu.yield
    }) : () -> ()
    %dma_start3A_38 = arith.constant 0 : i32
    %dma_start3A_39 = arith.constant 0 : i32
    %dma_start3A_40 = tpu.memref_slice %arg2[%dma_start3A_38, %dma_start3A_39] : memref<10000x128xi32, #tpu.memory_space<hbm>> -> memref<10000x128xi32, #tpu.memory_space<hbm>>
    tpu.enqueue_indirect_dma source(%dma_start3A_40 : memref<10000x128xi32, #tpu.memory_space<hbm>>) target(%arg7 : memref<200x128xi32, #tpu.memory_space<vmem>>) offsets(%arg5 : memref<200xi32, #tpu.memory_space<vmem>>) semaphore(%arg9 : memref<!tpu.dma_semaphore, #tpu.memory_space<semaphore_mem>>)
    %mul3A_41 = arith.constant 3000 : i32
    %mul3A_42 = arith.muli %add3A, %mul3A_41 : i32
    %add3A_43 = arith.constant 200 : i32
    %add3A_44 = arith.addi %mul3A_42, %add3A_43 : i32
    %dma_wait3A_45 = arith.constant 0 : i32
    %dma_wait3A_46 = arith.constant 0 : i32
    %dma_wait3A_47 = tpu.memref_slice %arg2[%dma_wait3A_45, %dma_wait3A_46] : memref<10000x128xi32, #tpu.memory_space<hbm>> -> memref<10000x128xi32, #tpu.memory_space<hbm>>
    tpu.wait_indirect_dma semaphore(%arg10 : memref<!tpu.dma_semaphore, #tpu.memory_space<semaphore_mem>>) src(%dma_wait3A_47 : memref<10000x128xi32, #tpu.memory_space<hbm>>) dst(%arg8 : memref<200x128xi32, #tpu.memory_space<vmem>>)
    %dma_start3A_48 = arith.constant 0 : i32
    %dma_start3A_49 = tpu.memref_slice %arg4[%add3A_44, %dma_start3A_48] : memref<96000x128xi32, #tpu.memory_space<hbm>> -> memref<200x128xi32, #tpu.memory_space<hbm>>
    %dma_start3A_50 = arith.constant 0 : i32
    %dma_start3A_51 = tpu.memref_slice %arg4[%add3A_44, %dma_start3A_50] : memref<96000x128xi32, #tpu.memory_space<hbm>> -> memref<200x128xi32, #tpu.memory_space<hbm>>
    tpu.enqueue_dma source(%arg8 : memref<200x128xi32, #tpu.memory_space<vmem>>) target(%dma_start3A_51 : memref<200x128xi32, #tpu.memory_space<hbm>>) target_semaphore(%arg12 : memref<!tpu.dma_semaphore, #tpu.memory_space<semaphore_mem>>)
    %mul3A_52 = arith.constant 3000 : i32
    %mul3A_53 = arith.muli %add3A, %mul3A_52 : i32
    %add3A_54 = arith.constant 600 : i32
    %add3A_55 = arith.addi %mul3A_53, %add3A_54 : i32
    %dma_wait3A_56 = arith.constant 0 : i32
    %dma_wait3A_57 = tpu.memref_slice %arg4[%add3A_44, %dma_wait3A_56] : memref<96000x128xi32, #tpu.memory_space<hbm>> -> memref<200x128xi32, #tpu.memory_space<hbm>>
    %dma_wait3A_58 = arith.constant 0 : i32
    %dma_wait3A_59 = tpu.memref_slice %arg4[%add3A_44, %dma_wait3A_58] : memref<96000x128xi32, #tpu.memory_space<hbm>> -> memref<200x128xi32, #tpu.memory_space<hbm>>
    tpu.wait_dma2 semaphore(%arg12 : memref<!tpu.dma_semaphore, #tpu.memory_space<semaphore_mem>>) src(%arg8 : memref<200x128xi32, #tpu.memory_space<vmem>>) dst(%dma_wait3A_59 : memref<200x128xi32, #tpu.memory_space<hbm>>)
    %add3A_60 = arith.constant 64000 : i32
    %add3A_61 = arith.addi %add3A_60, %add3A_55 : i32
    "tpu.region"() ({
      %run_scoped3A = tpu.sem_alloc : memref<!tpu.dma_semaphore, #tpu.memory_space<semaphore_mem>>
      %dma_start3A_359 = tpu.memref_slice %arg3[%add3A_61] : memref<160000xi32, #tpu.memory_space<hbm>> -> memref<200xi32, #tpu.memory_space<hbm>>
      %dma_start3A_360 = tpu.memref_slice %arg3[%add3A_61] : memref<160000xi32, #tpu.memory_space<hbm>> -> memref<200xi32, #tpu.memory_space<hbm>>
      tpu.enqueue_dma source(%dma_start3A_360 : memref<200xi32, #tpu.memory_space<hbm>>) target(%arg6 : memref<200xi32, #tpu.memory_space<vmem>>) target_semaphore(%run_scoped3A : memref<!tpu.dma_semaphore, #tpu.memory_space<semaphore_mem>>)
      %dma_wait3A_361 = tpu.memref_slice %arg3[%add3A_61] : memref<160000xi32, #tpu.memory_space<hbm>> -> memref<200xi32, #tpu.memory_space<hbm>>
      %dma_wait3A_362 = tpu.memref_slice %arg3[%add3A_61] : memref<160000xi32, #tpu.memory_space<hbm>> -> memref<200xi32, #tpu.memory_space<hbm>>
      tpu.wait_dma2 semaphore(%run_scoped3A : memref<!tpu.dma_semaphore, #tpu.memory_space<semaphore_mem>>) src(%dma_wait3A_362 : memref<200xi32, #tpu.memory_space<hbm>>) dst(%arg6 : memref<200xi32, #tpu.memory_space<vmem>>)
      tpu.yield
    }) : () -> ()
    %dma_start3A_62 = arith.constant 0 : i32
    %dma_start3A_63 = arith.constant 0 : i32
    %dma_start3A_64 = tpu.memref_slice %arg2[%dma_start3A_62, %dma_start3A_63] : memref<10000x128xi32, #tpu.memory_space<hbm>> -> memref<10000x128xi32, #tpu.memory_space<hbm>>
    tpu.enqueue_indirect_dma source(%dma_start3A_64 : memref<10000x128xi32, #tpu.memory_space<hbm>>) target(%arg8 : memref<200x128xi32, #tpu.memory_space<vmem>>) offsets(%arg6 : memref<200xi32, #tpu.memory_space<vmem>>) semaphore(%arg10 : memref<!tpu.dma_semaphore, #tpu.memory_space<semaphore_mem>>)
    %mul3A_65 = arith.constant 3000 : i32
    %mul3A_66 = arith.muli %add3A, %mul3A_65 : i32
    %add3A_67 = arith.constant 400 : i32
    %add3A_68 = arith.addi %mul3A_66, %add3A_67 : i32
    %dma_wait3A_69 = arith.constant 0 : i32
    %dma_wait3A_70 = arith.constant 0 : i32
    %dma_wait3A_71 = tpu.memref_slice %arg2[%dma_wait3A_69, %dma_wait3A_70] : memref<10000x128xi32, #tpu.memory_space<hbm>> -> memref<10000x128xi32, #tpu.memory_space<hbm>>
    tpu.wait_indirect_dma semaphore(%arg9 : memref<!tpu.dma_semaphore, #tpu.memory_space<semaphore_mem>>) src(%dma_wait3A_71 : memref<10000x128xi32, #tpu.memory_space<hbm>>) dst(%arg7 : memref<200x128xi32, #tpu.memory_space<vmem>>)
    %dma_start3A_72 = arith.constant 0 : i32
    %dma_start3A_73 = tpu.memref_slice %arg4[%add3A_68, %dma_start3A_72] : memref<96000x128xi32, #tpu.memory_space<hbm>> -> memref<200x128xi32, #tpu.memory_space<hbm>>
    %dma_start3A_74 = arith.constant 0 : i32
    %dma_start3A_75 = tpu.memref_slice %arg4[%add3A_68, %dma_start3A_74] : memref<96000x128xi32, #tpu.memory_space<hbm>> -> memref<200x128xi32, #tpu.memory_space<hbm>>
    tpu.enqueue_dma source(%arg7 : memref<200x128xi32, #tpu.memory_space<vmem>>) target(%dma_start3A_75 : memref<200x128xi32, #tpu.memory_space<hbm>>) target_semaphore(%arg11 : memref<!tpu.dma_semaphore, #tpu.memory_space<semaphore_mem>>)
    %mul3A_76 = arith.constant 3000 : i32
    %mul3A_77 = arith.muli %add3A, %mul3A_76 : i32
    %add3A_78 = arith.constant 800 : i32
    %add3A_79 = arith.addi %mul3A_77, %add3A_78 : i32
    %dma_wait3A_80 = arith.constant 0 : i32
    %dma_wait3A_81 = tpu.memref_slice %arg4[%add3A_68, %dma_wait3A_80] : memref<96000x128xi32, #tpu.memory_space<hbm>> -> memref<200x128xi32, #tpu.memory_space<hbm>>
    %dma_wait3A_82 = arith.constant 0 : i32
    %dma_wait3A_83 = tpu.memref_slice %arg4[%add3A_68, %dma_wait3A_82] : memref<96000x128xi32, #tpu.memory_space<hbm>> -> memref<200x128xi32, #tpu.memory_space<hbm>>
    tpu.wait_dma2 semaphore(%arg11 : memref<!tpu.dma_semaphore, #tpu.memory_space<semaphore_mem>>) src(%arg7 : memref<200x128xi32, #tpu.memory_space<vmem>>) dst(%dma_wait3A_83 : memref<200x128xi32, #tpu.memory_space<hbm>>)
    %add3A_84 = arith.constant 64000 : i32
    %add3A_85 = arith.addi %add3A_84, %add3A_79 : i32
    "tpu.region"() ({
      %run_scoped3A = tpu.sem_alloc : memref<!tpu.dma_semaphore, #tpu.memory_space<semaphore_mem>>
      %dma_start3A_359 = tpu.memref_slice %arg3[%add3A_85] : memref<160000xi32, #tpu.memory_space<hbm>> -> memref<200xi32, #tpu.memory_space<hbm>>
      %dma_start3A_360 = tpu.memref_slice %arg3[%add3A_85] : memref<160000xi32, #tpu.memory_space<hbm>> -> memref<200xi32, #tpu.memory_space<hbm>>
      tpu.enqueue_dma source(%dma_start3A_360 : memref<200xi32, #tpu.memory_space<hbm>>) target(%arg5 : memref<200xi32, #tpu.memory_space<vmem>>) target_semaphore(%run_scoped3A : memref<!tpu.dma_semaphore, #tpu.memory_space<semaphore_mem>>)
      %dma_wait3A_361 = tpu.memref_slice %arg3[%add3A_85] : memref<160000xi32, #tpu.memory_space<hbm>> -> memref<200xi32, #tpu.memory_space<hbm>>
      %dma_wait3A_362 = tpu.memref_slice %arg3[%add3A_85] : memref<160000xi32, #tpu.memory_space<hbm>> -> memref<200xi32, #tpu.memory_space<hbm>>
      tpu.wait_dma2 semaphore(%run_scoped3A : memref<!tpu.dma_semaphore, #tpu.memory_space<semaphore_mem>>) src(%dma_wait3A_362 : memref<200xi32, #tpu.memory_space<hbm>>) dst(%arg5 : memref<200xi32, #tpu.memory_space<vmem>>)
      tpu.yield
    }) : () -> ()
    %dma_start3A_86 = arith.constant 0 : i32
    %dma_start3A_87 = arith.constant 0 : i32
    %dma_start3A_88 = tpu.memref_slice %arg2[%dma_start3A_86, %dma_start3A_87] : memref<10000x128xi32, #tpu.memory_space<hbm>> -> memref<10000x128xi32, #tpu.memory_space<hbm>>
    tpu.enqueue_indirect_dma source(%dma_start3A_88 : memref<10000x128xi32, #tpu.memory_space<hbm>>) target(%arg7 : memref<200x128xi32, #tpu.memory_space<vmem>>) offsets(%arg5 : memref<200xi32, #tpu.memory_space<vmem>>) semaphore(%arg9 : memref<!tpu.dma_semaphore, #tpu.memory_space<semaphore_mem>>)
    %mul3A_89 = arith.constant 3000 : i32
    %mul3A_90 = arith.muli %add3A, %mul3A_89 : i32
    %add3A_91 = arith.constant 600 : i32
    %add3A_92 = arith.addi %mul3A_90, %add3A_91 : i32
    %dma_wait3A_93 = arith.constant 0 : i32
    %dma_wait3A_94 = arith.constant 0 : i32
    %dma_wait3A_95 = tpu.memref_slice %arg2[%dma_wait3A_93, %dma_wait3A_94] : memref<10000x128xi32, #tpu.memory_space<hbm>> -> memref<10000x128xi32, #tpu.memory_space<hbm>>
    tpu.wait_indirect_dma semaphore(%arg10 : memref<!tpu.dma_semaphore, #tpu.memory_space<semaphore_mem>>) src(%dma_wait3A_95 : memref<10000x128xi32, #tpu.memory_space<hbm>>) dst(%arg8 : memref<200x128xi32, #tpu.memory_space<vmem>>)
    %dma_start3A_96 = arith.constant 0 : i32
    %dma_start3A_97 = tpu.memref_slice %arg4[%add3A_92, %dma_start3A_96] : memref<96000x128xi32, #tpu.memory_space<hbm>> -> memref<200x128xi32, #tpu.memory_space<hbm>>
    %dma_start3A_98 = arith.constant 0 : i32
    %dma_start3A_99 = tpu.memref_slice %arg4[%add3A_92, %dma_start3A_98] : memref<96000x128xi32, #tpu.memory_space<hbm>> -> memref<200x128xi32, #tpu.memory_space<hbm>>
    tpu.enqueue_dma source(%arg8 : memref<200x128xi32, #tpu.memory_space<vmem>>) target(%dma_start3A_99 : memref<200x128xi32, #tpu.memory_space<hbm>>) target_semaphore(%arg12 : memref<!tpu.dma_semaphore, #tpu.memory_space<semaphore_mem>>)
    %mul3A_100 = arith.constant 3000 : i32
    %mul3A_101 = arith.muli %add3A, %mul3A_100 : i32
    %add3A_102 = arith.constant 1000 : i32
    %add3A_103 = arith.addi %mul3A_101, %add3A_102 : i32
    %dma_wait3A_104 = arith.constant 0 : i32
    %dma_wait3A_105 = tpu.memref_slice %arg4[%add3A_92, %dma_wait3A_104] : memref<96000x128xi32, #tpu.memory_space<hbm>> -> memref<200x128xi32, #tpu.memory_space<hbm>>
    %dma_wait3A_106 = arith.constant 0 : i32
    %dma_wait3A_107 = tpu.memref_slice %arg4[%add3A_92, %dma_wait3A_106] : memref<96000x128xi32, #tpu.memory_space<hbm>> -> memref<200x128xi32, #tpu.memory_space<hbm>>
    tpu.wait_dma2 semaphore(%arg12 : memref<!tpu.dma_semaphore, #tpu.memory_space<semaphore_mem>>) src(%arg8 : memref<200x128xi32, #tpu.memory_space<vmem>>) dst(%dma_wait3A_107 : memref<200x128xi32, #tpu.memory_space<hbm>>)
    %add3A_108 = arith.constant 64000 : i32
    %add3A_109 = arith.addi %add3A_108, %add3A_103 : i32
    "tpu.region"() ({
      %run_scoped3A = tpu.sem_alloc : memref<!tpu.dma_semaphore, #tpu.memory_space<semaphore_mem>>
      %dma_start3A_359 = tpu.memref_slice %arg3[%add3A_109] : memref<160000xi32, #tpu.memory_space<hbm>> -> memref<200xi32, #tpu.memory_space<hbm>>
      %dma_start3A_360 = tpu.memref_slice %arg3[%add3A_109] : memref<160000xi32, #tpu.memory_space<hbm>> -> memref<200xi32, #tpu.memory_space<hbm>>
      tpu.enqueue_dma source(%dma_start3A_360 : memref<200xi32, #tpu.memory_space<hbm>>) target(%arg6 : memref<200xi32, #tpu.memory_space<vmem>>) target_semaphore(%run_scoped3A : memref<!tpu.dma_semaphore, #tpu.memory_space<semaphore_mem>>)
      %dma_wait3A_361 = tpu.memref_slice %arg3[%add3A_109] : memref<160000xi32, #tpu.memory_space<hbm>> -> memref<200xi32, #tpu.memory_space<hbm>>
      %dma_wait3A_362 = tpu.memref_slice %arg3[%add3A_109] : memref<160000xi32, #tpu.memory_space<hbm>> -> memref<200xi32, #tpu.memory_space<hbm>>
      tpu.wait_dma2 semaphore(%run_scoped3A : memref<!tpu.dma_semaphore, #tpu.memory_space<semaphore_mem>>) src(%dma_wait3A_362 : memref<200xi32, #tpu.memory_space<hbm>>) dst(%arg6 : memref<200xi32, #tpu.memory_space<vmem>>)
      tpu.yield
    }) : () -> ()
    %dma_start3A_110 = arith.constant 0 : i32
    %dma_start3A_111 = arith.constant 0 : i32
    %dma_start3A_112 = tpu.memref_slice %arg2[%dma_start3A_110, %dma_start3A_111] : memref<10000x128xi32, #tpu.memory_space<hbm>> -> memref<10000x128xi32, #tpu.memory_space<hbm>>
    tpu.enqueue_indirect_dma source(%dma_start3A_112 : memref<10000x128xi32, #tpu.memory_space<hbm>>) target(%arg8 : memref<200x128xi32, #tpu.memory_space<vmem>>) offsets(%arg6 : memref<200xi32, #tpu.memory_space<vmem>>) semaphore(%arg10 : memref<!tpu.dma_semaphore, #tpu.memory_space<semaphore_mem>>)
    %mul3A_113 = arith.constant 3000 : i32
    %mul3A_114 = arith.muli %add3A, %mul3A_113 : i32
    %add3A_115 = arith.constant 800 : i32
    %add3A_116 = arith.addi %mul3A_114, %add3A_115 : i32
    %dma_wait3A_117 = arith.constant 0 : i32
    %dma_wait3A_118 = arith.constant 0 : i32
    %dma_wait3A_119 = tpu.memref_slice %arg2[%dma_wait3A_117, %dma_wait3A_118] : memref<10000x128xi32, #tpu.memory_space<hbm>> -> memref<10000x128xi32, #tpu.memory_space<hbm>>
    tpu.wait_indirect_dma semaphore(%arg9 : memref<!tpu.dma_semaphore, #tpu.memory_space<semaphore_mem>>) src(%dma_wait3A_119 : memref<10000x128xi32, #tpu.memory_space<hbm>>) dst(%arg7 : memref<200x128xi32, #tpu.memory_space<vmem>>)
    %dma_start3A_120 = arith.constant 0 : i32
    %dma_start3A_121 = tpu.memref_slice %arg4[%add3A_116, %dma_start3A_120] : memref<96000x128xi32, #tpu.memory_space<hbm>> -> memref<200x128xi32, #tpu.memory_space<hbm>>
    %dma_start3A_122 = arith.constant 0 : i32
    %dma_start3A_123 = tpu.memref_slice %arg4[%add3A_116, %dma_start3A_122] : memref<96000x128xi32, #tpu.memory_space<hbm>> -> memref<200x128xi32, #tpu.memory_space<hbm>>
    tpu.enqueue_dma source(%arg7 : memref<200x128xi32, #tpu.memory_space<vmem>>) target(%dma_start3A_123 : memref<200x128xi32, #tpu.memory_space<hbm>>) target_semaphore(%arg11 : memref<!tpu.dma_semaphore, #tpu.memory_space<semaphore_mem>>)
    %mul3A_124 = arith.constant 3000 : i32
    %mul3A_125 = arith.muli %add3A, %mul3A_124 : i32
    %add3A_126 = arith.constant 1200 : i32
    %add3A_127 = arith.addi %mul3A_125, %add3A_126 : i32
    %dma_wait3A_128 = arith.constant 0 : i32
    %dma_wait3A_129 = tpu.memref_slice %arg4[%add3A_116, %dma_wait3A_128] : memref<96000x128xi32, #tpu.memory_space<hbm>> -> memref<200x128xi32, #tpu.memory_space<hbm>>
    %dma_wait3A_130 = arith.constant 0 : i32
    %dma_wait3A_131 = tpu.memref_slice %arg4[%add3A_116, %dma_wait3A_130] : memref<96000x128xi32, #tpu.memory_space<hbm>> -> memref<200x128xi32, #tpu.memory_space<hbm>>
    tpu.wait_dma2 semaphore(%arg11 : memref<!tpu.dma_semaphore, #tpu.memory_space<semaphore_mem>>) src(%arg7 : memref<200x128xi32, #tpu.memory_space<vmem>>) dst(%dma_wait3A_131 : memref<200x128xi32, #tpu.memory_space<hbm>>)
    %add3A_132 = arith.constant 64000 : i32
    %add3A_133 = arith.addi %add3A_132, %add3A_127 : i32
    "tpu.region"() ({
      %run_scoped3A = tpu.sem_alloc : memref<!tpu.dma_semaphore, #tpu.memory_space<semaphore_mem>>
      %dma_start3A_359 = tpu.memref_slice %arg3[%add3A_133] : memref<160000xi32, #tpu.memory_space<hbm>> -> memref<200xi32, #tpu.memory_space<hbm>>
      %dma_start3A_360 = tpu.memref_slice %arg3[%add3A_133] : memref<160000xi32, #tpu.memory_space<hbm>> -> memref<200xi32, #tpu.memory_space<hbm>>
      tpu.enqueue_dma source(%dma_start3A_360 : memref<200xi32, #tpu.memory_space<hbm>>) target(%arg5 : memref<200xi32, #tpu.memory_space<vmem>>) target_semaphore(%run_scoped3A : memref<!tpu.dma_semaphore, #tpu.memory_space<semaphore_mem>>)
      %dma_wait3A_361 = tpu.memref_slice %arg3[%add3A_133] : memref<160000xi32, #tpu.memory_space<hbm>> -> memref<200xi32, #tpu.memory_space<hbm>>
      %dma_wait3A_362 = tpu.memref_slice %arg3[%add3A_133] : memref<160000xi32, #tpu.memory_space<hbm>> -> memref<200xi32, #tpu.memory_space<hbm>>
      tpu.wait_dma2 semaphore(%run_scoped3A : memref<!tpu.dma_semaphore, #tpu.memory_space<semaphore_mem>>) src(%dma_wait3A_362 : memref<200xi32, #tpu.memory_space<hbm>>) dst(%arg5 : memref<200xi32, #tpu.memory_space<vmem>>)
      tpu.yield
    }) : () -> ()
    %dma_start3A_134 = arith.constant 0 : i32
    %dma_start3A_135 = arith.constant 0 : i32
    %dma_start3A_136 = tpu.memref_slice %arg2[%dma_start3A_134, %dma_start3A_135] : memref<10000x128xi32, #tpu.memory_space<hbm>> -> memref<10000x128xi32, #tpu.memory_space<hbm>>
    tpu.enqueue_indirect_dma source(%dma_start3A_136 : memref<10000x128xi32, #tpu.memory_space<hbm>>) target(%arg7 : memref<200x128xi32, #tpu.memory_space<vmem>>) offsets(%arg5 : memref<200xi32, #tpu.memory_space<vmem>>) semaphore(%arg9 : memref<!tpu.dma_semaphore, #tpu.memory_space<semaphore_mem>>)
    %mul3A_137 = arith.constant 3000 : i32
    %mul3A_138 = arith.muli %add3A, %mul3A_137 : i32
    %add3A_139 = arith.constant 1000 : i32
    %add3A_140 = arith.addi %mul3A_138, %add3A_139 : i32
    %dma_wait3A_141 = arith.constant 0 : i32
    %dma_wait3A_142 = arith.constant 0 : i32
    %dma_wait3A_143 = tpu.memref_slice %arg2[%dma_wait3A_141, %dma_wait3A_142] : memref<10000x128xi32, #tpu.memory_space<hbm>> -> memref<10000x128xi32, #tpu.memory_space<hbm>>
    tpu.wait_indirect_dma semaphore(%arg10 : memref<!tpu.dma_semaphore, #tpu.memory_space<semaphore_mem>>) src(%dma_wait3A_143 : memref<10000x128xi32, #tpu.memory_space<hbm>>) dst(%arg8 : memref<200x128xi32, #tpu.memory_space<vmem>>)
    %dma_start3A_144 = arith.constant 0 : i32
    %dma_start3A_145 = tpu.memref_slice %arg4[%add3A_140, %dma_start3A_144] : memref<96000x128xi32, #tpu.memory_space<hbm>> -> memref<200x128xi32, #tpu.memory_space<hbm>>
    %dma_start3A_146 = arith.constant 0 : i32
    %dma_start3A_147 = tpu.memref_slice %arg4[%add3A_140, %dma_start3A_146] : memref<96000x128xi32, #tpu.memory_space<hbm>> -> memref<200x128xi32, #tpu.memory_space<hbm>>
    tpu.enqueue_dma source(%arg8 : memref<200x128xi32, #tpu.memory_space<vmem>>) target(%dma_start3A_147 : memref<200x128xi32, #tpu.memory_space<hbm>>) target_semaphore(%arg12 : memref<!tpu.dma_semaphore, #tpu.memory_space<semaphore_mem>>)
    %mul3A_148 = arith.constant 3000 : i32
    %mul3A_149 = arith.muli %add3A, %mul3A_148 : i32
    %add3A_150 = arith.constant 1400 : i32
    %add3A_151 = arith.addi %mul3A_149, %add3A_150 : i32
    %dma_wait3A_152 = arith.constant 0 : i32
    %dma_wait3A_153 = tpu.memref_slice %arg4[%add3A_140, %dma_wait3A_152] : memref<96000x128xi32, #tpu.memory_space<hbm>> -> memref<200x128xi32, #tpu.memory_space<hbm>>
    %dma_wait3A_154 = arith.constant 0 : i32
    %dma_wait3A_155 = tpu.memref_slice %arg4[%add3A_140, %dma_wait3A_154] : memref<96000x128xi32, #tpu.memory_space<hbm>> -> memref<200x128xi32, #tpu.memory_space<hbm>>
    tpu.wait_dma2 semaphore(%arg12 : memref<!tpu.dma_semaphore, #tpu.memory_space<semaphore_mem>>) src(%arg8 : memref<200x128xi32, #tpu.memory_space<vmem>>) dst(%dma_wait3A_155 : memref<200x128xi32, #tpu.memory_space<hbm>>)
    %add3A_156 = arith.constant 64000 : i32
    %add3A_157 = arith.addi %add3A_156, %add3A_151 : i32
    "tpu.region"() ({
      %run_scoped3A = tpu.sem_alloc : memref<!tpu.dma_semaphore, #tpu.memory_space<semaphore_mem>>
      %dma_start3A_359 = tpu.memref_slice %arg3[%add3A_157] : memref<160000xi32, #tpu.memory_space<hbm>> -> memref<200xi32, #tpu.memory_space<hbm>>
      %dma_start3A_360 = tpu.memref_slice %arg3[%add3A_157] : memref<160000xi32, #tpu.memory_space<hbm>> -> memref<200xi32, #tpu.memory_space<hbm>>
      tpu.enqueue_dma source(%dma_start3A_360 : memref<200xi32, #tpu.memory_space<hbm>>) target(%arg6 : memref<200xi32, #tpu.memory_space<vmem>>) target_semaphore(%run_scoped3A : memref<!tpu.dma_semaphore, #tpu.memory_space<semaphore_mem>>)
      %dma_wait3A_361 = tpu.memref_slice %arg3[%add3A_157] : memref<160000xi32, #tpu.memory_space<hbm>> -> memref<200xi32, #tpu.memory_space<hbm>>
      %dma_wait3A_362 = tpu.memref_slice %arg3[%add3A_157] : memref<160000xi32, #tpu.memory_space<hbm>> -> memref<200xi32, #tpu.memory_space<hbm>>
      tpu.wait_dma2 semaphore(%run_scoped3A : memref<!tpu.dma_semaphore, #tpu.memory_space<semaphore_mem>>) src(%dma_wait3A_362 : memref<200xi32, #tpu.memory_space<hbm>>) dst(%arg6 : memref<200xi32, #tpu.memory_space<vmem>>)
      tpu.yield
    }) : () -> ()
    %dma_start3A_158 = arith.constant 0 : i32
    %dma_start3A_159 = arith.constant 0 : i32
    %dma_start3A_160 = tpu.memref_slice %arg2[%dma_start3A_158, %dma_start3A_159] : memref<10000x128xi32, #tpu.memory_space<hbm>> -> memref<10000x128xi32, #tpu.memory_space<hbm>>
    tpu.enqueue_indirect_dma source(%dma_start3A_160 : memref<10000x128xi32, #tpu.memory_space<hbm>>) target(%arg8 : memref<200x128xi32, #tpu.memory_space<vmem>>) offsets(%arg6 : memref<200xi32, #tpu.memory_space<vmem>>) semaphore(%arg10 : memref<!tpu.dma_semaphore, #tpu.memory_space<semaphore_mem>>)
    %mul3A_161 = arith.constant 3000 : i32
    %mul3A_162 = arith.muli %add3A, %mul3A_161 : i32
    %add3A_163 = arith.constant 1200 : i32
    %add3A_164 = arith.addi %mul3A_162, %add3A_163 : i32
    %dma_wait3A_165 = arith.constant 0 : i32
    %dma_wait3A_166 = arith.constant 0 : i32
    %dma_wait3A_167 = tpu.memref_slice %arg2[%dma_wait3A_165, %dma_wait3A_166] : memref<10000x128xi32, #tpu.memory_space<hbm>> -> memref<10000x128xi32, #tpu.memory_space<hbm>>
    tpu.wait_indirect_dma semaphore(%arg9 : memref<!tpu.dma_semaphore, #tpu.memory_space<semaphore_mem>>) src(%dma_wait3A_167 : memref<10000x128xi32, #tpu.memory_space<hbm>>) dst(%arg7 : memref<200x128xi32, #tpu.memory_space<vmem>>)
    %dma_start3A_168 = arith.constant 0 : i32
    %dma_start3A_169 = tpu.memref_slice %arg4[%add3A_164, %dma_start3A_168] : memref<96000x128xi32, #tpu.memory_space<hbm>> -> memref<200x128xi32, #tpu.memory_space<hbm>>
    %dma_start3A_170 = arith.constant 0 : i32
    %dma_start3A_171 = tpu.memref_slice %arg4[%add3A_164, %dma_start3A_170] : memref<96000x128xi32, #tpu.memory_space<hbm>> -> memref<200x128xi32, #tpu.memory_space<hbm>>
    tpu.enqueue_dma source(%arg7 : memref<200x128xi32, #tpu.memory_space<vmem>>) target(%dma_start3A_171 : memref<200x128xi32, #tpu.memory_space<hbm>>) target_semaphore(%arg11 : memref<!tpu.dma_semaphore, #tpu.memory_space<semaphore_mem>>)
    %mul3A_172 = arith.constant 3000 : i32
    %mul3A_173 = arith.muli %add3A, %mul3A_172 : i32
    %add3A_174 = arith.constant 1600 : i32
    %add3A_175 = arith.addi %mul3A_173, %add3A_174 : i32
    %dma_wait3A_176 = arith.constant 0 : i32
    %dma_wait3A_177 = tpu.memref_slice %arg4[%add3A_164, %dma_wait3A_176] : memref<96000x128xi32, #tpu.memory_space<hbm>> -> memref<200x128xi32, #tpu.memory_space<hbm>>
    %dma_wait3A_178 = arith.constant 0 : i32
    %dma_wait3A_179 = tpu.memref_slice %arg4[%add3A_164, %dma_wait3A_178] : memref<96000x128xi32, #tpu.memory_space<hbm>> -> memref<200x128xi32, #tpu.memory_space<hbm>>
    tpu.wait_dma2 semaphore(%arg11 : memref<!tpu.dma_semaphore, #tpu.memory_space<semaphore_mem>>) src(%arg7 : memref<200x128xi32, #tpu.memory_space<vmem>>) dst(%dma_wait3A_179 : memref<200x128xi32, #tpu.memory_space<hbm>>)
    %add3A_180 = arith.constant 64000 : i32
    %add3A_181 = arith.addi %add3A_180, %add3A_175 : i32
    "tpu.region"() ({
      %run_scoped3A = tpu.sem_alloc : memref<!tpu.dma_semaphore, #tpu.memory_space<semaphore_mem>>
      %dma_start3A_359 = tpu.memref_slice %arg3[%add3A_181] : memref<160000xi32, #tpu.memory_space<hbm>> -> memref<200xi32, #tpu.memory_space<hbm>>
      %dma_start3A_360 = tpu.memref_slice %arg3[%add3A_181] : memref<160000xi32, #tpu.memory_space<hbm>> -> memref<200xi32, #tpu.memory_space<hbm>>
      tpu.enqueue_dma source(%dma_start3A_360 : memref<200xi32, #tpu.memory_space<hbm>>) target(%arg5 : memref<200xi32, #tpu.memory_space<vmem>>) target_semaphore(%run_scoped3A : memref<!tpu.dma_semaphore, #tpu.memory_space<semaphore_mem>>)
      %dma_wait3A_361 = tpu.memref_slice %arg3[%add3A_181] : memref<160000xi32, #tpu.memory_space<hbm>> -> memref<200xi32, #tpu.memory_space<hbm>>
      %dma_wait3A_362 = tpu.memref_slice %arg3[%add3A_181] : memref<160000xi32, #tpu.memory_space<hbm>> -> memref<200xi32, #tpu.memory_space<hbm>>
      tpu.wait_dma2 semaphore(%run_scoped3A : memref<!tpu.dma_semaphore, #tpu.memory_space<semaphore_mem>>) src(%dma_wait3A_362 : memref<200xi32, #tpu.memory_space<hbm>>) dst(%arg5 : memref<200xi32, #tpu.memory_space<vmem>>)
      tpu.yield
    }) : () -> ()
    %dma_start3A_182 = arith.constant 0 : i32
    %dma_start3A_183 = arith.constant 0 : i32
    %dma_start3A_184 = tpu.memref_slice %arg2[%dma_start3A_182, %dma_start3A_183] : memref<10000x128xi32, #tpu.memory_space<hbm>> -> memref<10000x128xi32, #tpu.memory_space<hbm>>
    tpu.enqueue_indirect_dma source(%dma_start3A_184 : memref<10000x128xi32, #tpu.memory_space<hbm>>) target(%arg7 : memref<200x128xi32, #tpu.memory_space<vmem>>) offsets(%arg5 : memref<200xi32, #tpu.memory_space<vmem>>) semaphore(%arg9 : memref<!tpu.dma_semaphore, #tpu.memory_space<semaphore_mem>>)
    %mul3A_185 = arith.constant 3000 : i32
    %mul3A_186 = arith.muli %add3A, %mul3A_185 : i32
    %add3A_187 = arith.constant 1400 : i32
    %add3A_188 = arith.addi %mul3A_186, %add3A_187 : i32
    %dma_wait3A_189 = arith.constant 0 : i32
    %dma_wait3A_190 = arith.constant 0 : i32
    %dma_wait3A_191 = tpu.memref_slice %arg2[%dma_wait3A_189, %dma_wait3A_190] : memref<10000x128xi32, #tpu.memory_space<hbm>> -> memref<10000x128xi32, #tpu.memory_space<hbm>>
    tpu.wait_indirect_dma semaphore(%arg10 : memref<!tpu.dma_semaphore, #tpu.memory_space<semaphore_mem>>) src(%dma_wait3A_191 : memref<10000x128xi32, #tpu.memory_space<hbm>>) dst(%arg8 : memref<200x128xi32, #tpu.memory_space<vmem>>)
    %dma_start3A_192 = arith.constant 0 : i32
    %dma_start3A_193 = tpu.memref_slice %arg4[%add3A_188, %dma_start3A_192] : memref<96000x128xi32, #tpu.memory_space<hbm>> -> memref<200x128xi32, #tpu.memory_space<hbm>>
    %dma_start3A_194 = arith.constant 0 : i32
    %dma_start3A_195 = tpu.memref_slice %arg4[%add3A_188, %dma_start3A_194] : memref<96000x128xi32, #tpu.memory_space<hbm>> -> memref<200x128xi32, #tpu.memory_space<hbm>>
    tpu.enqueue_dma source(%arg8 : memref<200x128xi32, #tpu.memory_space<vmem>>) target(%dma_start3A_195 : memref<200x128xi32, #tpu.memory_space<hbm>>) target_semaphore(%arg12 : memref<!tpu.dma_semaphore, #tpu.memory_space<semaphore_mem>>)
    %mul3A_196 = arith.constant 3000 : i32
    %mul3A_197 = arith.muli %add3A, %mul3A_196 : i32
    %add3A_198 = arith.constant 1800 : i32
    %add3A_199 = arith.addi %mul3A_197, %add3A_198 : i32
    %dma_wait3A_200 = arith.constant 0 : i32
    %dma_wait3A_201 = tpu.memref_slice %arg4[%add3A_188, %dma_wait3A_200] : memref<96000x128xi32, #tpu.memory_space<hbm>> -> memref<200x128xi32, #tpu.memory_space<hbm>>
    %dma_wait3A_202 = arith.constant 0 : i32
    %dma_wait3A_203 = tpu.memref_slice %arg4[%add3A_188, %dma_wait3A_202] : memref<96000x128xi32, #tpu.memory_space<hbm>> -> memref<200x128xi32, #tpu.memory_space<hbm>>
    tpu.wait_dma2 semaphore(%arg12 : memref<!tpu.dma_semaphore, #tpu.memory_space<semaphore_mem>>) src(%arg8 : memref<200x128xi32, #tpu.memory_space<vmem>>) dst(%dma_wait3A_203 : memref<200x128xi32, #tpu.memory_space<hbm>>)
    %add3A_204 = arith.constant 64000 : i32
    %add3A_205 = arith.addi %add3A_204, %add3A_199 : i32
    "tpu.region"() ({
      %run_scoped3A = tpu.sem_alloc : memref<!tpu.dma_semaphore, #tpu.memory_space<semaphore_mem>>
      %dma_start3A_359 = tpu.memref_slice %arg3[%add3A_205] : memref<160000xi32, #tpu.memory_space<hbm>> -> memref<200xi32, #tpu.memory_space<hbm>>
      %dma_start3A_360 = tpu.memref_slice %arg3[%add3A_205] : memref<160000xi32, #tpu.memory_space<hbm>> -> memref<200xi32, #tpu.memory_space<hbm>>
      tpu.enqueue_dma source(%dma_start3A_360 : memref<200xi32, #tpu.memory_space<hbm>>) target(%arg6 : memref<200xi32, #tpu.memory_space<vmem>>) target_semaphore(%run_scoped3A : memref<!tpu.dma_semaphore, #tpu.memory_space<semaphore_mem>>)
      %dma_wait3A_361 = tpu.memref_slice %arg3[%add3A_205] : memref<160000xi32, #tpu.memory_space<hbm>> -> memref<200xi32, #tpu.memory_space<hbm>>
      %dma_wait3A_362 = tpu.memref_slice %arg3[%add3A_205] : memref<160000xi32, #tpu.memory_space<hbm>> -> memref<200xi32, #tpu.memory_space<hbm>>
      tpu.wait_dma2 semaphore(%run_scoped3A : memref<!tpu.dma_semaphore, #tpu.memory_space<semaphore_mem>>) src(%dma_wait3A_362 : memref<200xi32, #tpu.memory_space<hbm>>) dst(%arg6 : memref<200xi32, #tpu.memory_space<vmem>>)
      tpu.yield
    }) : () -> ()
    %dma_start3A_206 = arith.constant 0 : i32
    %dma_start3A_207 = arith.constant 0 : i32
    %dma_start3A_208 = tpu.memref_slice %arg2[%dma_start3A_206, %dma_start3A_207] : memref<10000x128xi32, #tpu.memory_space<hbm>> -> memref<10000x128xi32, #tpu.memory_space<hbm>>
    tpu.enqueue_indirect_dma source(%dma_start3A_208 : memref<10000x128xi32, #tpu.memory_space<hbm>>) target(%arg8 : memref<200x128xi32, #tpu.memory_space<vmem>>) offsets(%arg6 : memref<200xi32, #tpu.memory_space<vmem>>) semaphore(%arg10 : memref<!tpu.dma_semaphore, #tpu.memory_space<semaphore_mem>>)
    %mul3A_209 = arith.constant 3000 : i32
    %mul3A_210 = arith.muli %add3A, %mul3A_209 : i32
    %add3A_211 = arith.constant 1600 : i32
    %add3A_212 = arith.addi %mul3A_210, %add3A_211 : i32
    %dma_wait3A_213 = arith.constant 0 : i32
    %dma_wait3A_214 = arith.constant 0 : i32
    %dma_wait3A_215 = tpu.memref_slice %arg2[%dma_wait3A_213, %dma_wait3A_214] : memref<10000x128xi32, #tpu.memory_space<hbm>> -> memref<10000x128xi32, #tpu.memory_space<hbm>>
    tpu.wait_indirect_dma semaphore(%arg9 : memref<!tpu.dma_semaphore, #tpu.memory_space<semaphore_mem>>) src(%dma_wait3A_215 : memref<10000x128xi32, #tpu.memory_space<hbm>>) dst(%arg7 : memref<200x128xi32, #tpu.memory_space<vmem>>)
    %dma_start3A_216 = arith.constant 0 : i32
    %dma_start3A_217 = tpu.memref_slice %arg4[%add3A_212, %dma_start3A_216] : memref<96000x128xi32, #tpu.memory_space<hbm>> -> memref<200x128xi32, #tpu.memory_space<hbm>>
    %dma_start3A_218 = arith.constant 0 : i32
    %dma_start3A_219 = tpu.memref_slice %arg4[%add3A_212, %dma_start3A_218] : memref<96000x128xi32, #tpu.memory_space<hbm>> -> memref<200x128xi32, #tpu.memory_space<hbm>>
    tpu.enqueue_dma source(%arg7 : memref<200x128xi32, #tpu.memory_space<vmem>>) target(%dma_start3A_219 : memref<200x128xi32, #tpu.memory_space<hbm>>) target_semaphore(%arg11 : memref<!tpu.dma_semaphore, #tpu.memory_space<semaphore_mem>>)
    %mul3A_220 = arith.constant 3000 : i32
    %mul3A_221 = arith.muli %add3A, %mul3A_220 : i32
    %add3A_222 = arith.constant 2000 : i32
    %add3A_223 = arith.addi %mul3A_221, %add3A_222 : i32
    %dma_wait3A_224 = arith.constant 0 : i32
    %dma_wait3A_225 = tpu.memref_slice %arg4[%add3A_212, %dma_wait3A_224] : memref<96000x128xi32, #tpu.memory_space<hbm>> -> memref<200x128xi32, #tpu.memory_space<hbm>>
    %dma_wait3A_226 = arith.constant 0 : i32
    %dma_wait3A_227 = tpu.memref_slice %arg4[%add3A_212, %dma_wait3A_226] : memref<96000x128xi32, #tpu.memory_space<hbm>> -> memref<200x128xi32, #tpu.memory_space<hbm>>
    tpu.wait_dma2 semaphore(%arg11 : memref<!tpu.dma_semaphore, #tpu.memory_space<semaphore_mem>>) src(%arg7 : memref<200x128xi32, #tpu.memory_space<vmem>>) dst(%dma_wait3A_227 : memref<200x128xi32, #tpu.memory_space<hbm>>)
    %add3A_228 = arith.constant 64000 : i32
    %add3A_229 = arith.addi %add3A_228, %add3A_223 : i32
    "tpu.region"() ({
      %run_scoped3A = tpu.sem_alloc : memref<!tpu.dma_semaphore, #tpu.memory_space<semaphore_mem>>
      %dma_start3A_359 = tpu.memref_slice %arg3[%add3A_229] : memref<160000xi32, #tpu.memory_space<hbm>> -> memref<200xi32, #tpu.memory_space<hbm>>
      %dma_start3A_360 = tpu.memref_slice %arg3[%add3A_229] : memref<160000xi32, #tpu.memory_space<hbm>> -> memref<200xi32, #tpu.memory_space<hbm>>
      tpu.enqueue_dma source(%dma_start3A_360 : memref<200xi32, #tpu.memory_space<hbm>>) target(%arg5 : memref<200xi32, #tpu.memory_space<vmem>>) target_semaphore(%run_scoped3A : memref<!tpu.dma_semaphore, #tpu.memory_space<semaphore_mem>>)
      %dma_wait3A_361 = tpu.memref_slice %arg3[%add3A_229] : memref<160000xi32, #tpu.memory_space<hbm>> -> memref<200xi32, #tpu.memory_space<hbm>>
      %dma_wait3A_362 = tpu.memref_slice %arg3[%add3A_229] : memref<160000xi32, #tpu.memory_space<hbm>> -> memref<200xi32, #tpu.memory_space<hbm>>
      tpu.wait_dma2 semaphore(%run_scoped3A : memref<!tpu.dma_semaphore, #tpu.memory_space<semaphore_mem>>) src(%dma_wait3A_362 : memref<200xi32, #tpu.memory_space<hbm>>) dst(%arg5 : memref<200xi32, #tpu.memory_space<vmem>>)
      tpu.yield
    }) : () -> ()
    %dma_start3A_230 = arith.constant 0 : i32
    %dma_start3A_231 = arith.constant 0 : i32
    %dma_start3A_232 = tpu.memref_slice %arg2[%dma_start3A_230, %dma_start3A_231] : memref<10000x128xi32, #tpu.memory_space<hbm>> -> memref<10000x128xi32, #tpu.memory_space<hbm>>
    tpu.enqueue_indirect_dma source(%dma_start3A_232 : memref<10000x128xi32, #tpu.memory_space<hbm>>) target(%arg7 : memref<200x128xi32, #tpu.memory_space<vmem>>) offsets(%arg5 : memref<200xi32, #tpu.memory_space<vmem>>) semaphore(%arg9 : memref<!tpu.dma_semaphore, #tpu.memory_space<semaphore_mem>>)
    %mul3A_233 = arith.constant 3000 : i32
    %mul3A_234 = arith.muli %add3A, %mul3A_233 : i32
    %add3A_235 = arith.constant 1800 : i32
    %add3A_236 = arith.addi %mul3A_234, %add3A_235 : i32
    %dma_wait3A_237 = arith.constant 0 : i32
    %dma_wait3A_238 = arith.constant 0 : i32
    %dma_wait3A_239 = tpu.memref_slice %arg2[%dma_wait3A_237, %dma_wait3A_238] : memref<10000x128xi32, #tpu.memory_space<hbm>> -> memref<10000x128xi32, #tpu.memory_space<hbm>>
    tpu.wait_indirect_dma semaphore(%arg10 : memref<!tpu.dma_semaphore, #tpu.memory_space<semaphore_mem>>) src(%dma_wait3A_239 : memref<10000x128xi32, #tpu.memory_space<hbm>>) dst(%arg8 : memref<200x128xi32, #tpu.memory_space<vmem>>)
    %dma_start3A_240 = arith.constant 0 : i32
    %dma_start3A_241 = tpu.memref_slice %arg4[%add3A_236, %dma_start3A_240] : memref<96000x128xi32, #tpu.memory_space<hbm>> -> memref<200x128xi32, #tpu.memory_space<hbm>>
    %dma_start3A_242 = arith.constant 0 : i32
    %dma_start3A_243 = tpu.memref_slice %arg4[%add3A_236, %dma_start3A_242] : memref<96000x128xi32, #tpu.memory_space<hbm>> -> memref<200x128xi32, #tpu.memory_space<hbm>>
    tpu.enqueue_dma source(%arg8 : memref<200x128xi32, #tpu.memory_space<vmem>>) target(%dma_start3A_243 : memref<200x128xi32, #tpu.memory_space<hbm>>) target_semaphore(%arg12 : memref<!tpu.dma_semaphore, #tpu.memory_space<semaphore_mem>>)
    %mul3A_244 = arith.constant 3000 : i32
    %mul3A_245 = arith.muli %add3A, %mul3A_244 : i32
    %add3A_246 = arith.constant 2200 : i32
    %add3A_247 = arith.addi %mul3A_245, %add3A_246 : i32
    %dma_wait3A_248 = arith.constant 0 : i32
    %dma_wait3A_249 = tpu.memref_slice %arg4[%add3A_236, %dma_wait3A_248] : memref<96000x128xi32, #tpu.memory_space<hbm>> -> memref<200x128xi32, #tpu.memory_space<hbm>>
    %dma_wait3A_250 = arith.constant 0 : i32
    %dma_wait3A_251 = tpu.memref_slice %arg4[%add3A_236, %dma_wait3A_250] : memref<96000x128xi32, #tpu.memory_space<hbm>> -> memref<200x128xi32, #tpu.memory_space<hbm>>
    tpu.wait_dma2 semaphore(%arg12 : memref<!tpu.dma_semaphore, #tpu.memory_space<semaphore_mem>>) src(%arg8 : memref<200x128xi32, #tpu.memory_space<vmem>>) dst(%dma_wait3A_251 : memref<200x128xi32, #tpu.memory_space<hbm>>)
    %add3A_252 = arith.constant 64000 : i32
    %add3A_253 = arith.addi %add3A_252, %add3A_247 : i32
    "tpu.region"() ({
      %run_scoped3A = tpu.sem_alloc : memref<!tpu.dma_semaphore, #tpu.memory_space<semaphore_mem>>
      %dma_start3A_359 = tpu.memref_slice %arg3[%add3A_253] : memref<160000xi32, #tpu.memory_space<hbm>> -> memref<200xi32, #tpu.memory_space<hbm>>
      %dma_start3A_360 = tpu.memref_slice %arg3[%add3A_253] : memref<160000xi32, #tpu.memory_space<hbm>> -> memref<200xi32, #tpu.memory_space<hbm>>
      tpu.enqueue_dma source(%dma_start3A_360 : memref<200xi32, #tpu.memory_space<hbm>>) target(%arg6 : memref<200xi32, #tpu.memory_space<vmem>>) target_semaphore(%run_scoped3A : memref<!tpu.dma_semaphore, #tpu.memory_space<semaphore_mem>>)
      %dma_wait3A_361 = tpu.memref_slice %arg3[%add3A_253] : memref<160000xi32, #tpu.memory_space<hbm>> -> memref<200xi32, #tpu.memory_space<hbm>>
      %dma_wait3A_362 = tpu.memref_slice %arg3[%add3A_253] : memref<160000xi32, #tpu.memory_space<hbm>> -> memref<200xi32, #tpu.memory_space<hbm>>
      tpu.wait_dma2 semaphore(%run_scoped3A : memref<!tpu.dma_semaphore, #tpu.memory_space<semaphore_mem>>) src(%dma_wait3A_362 : memref<200xi32, #tpu.memory_space<hbm>>) dst(%arg6 : memref<200xi32, #tpu.memory_space<vmem>>)
      tpu.yield
    }) : () -> ()
    %dma_start3A_254 = arith.constant 0 : i32
    %dma_start3A_255 = arith.constant 0 : i32
    %dma_start3A_256 = tpu.memref_slice %arg2[%dma_start3A_254, %dma_start3A_255] : memref<10000x128xi32, #tpu.memory_space<hbm>> -> memref<10000x128xi32, #tpu.memory_space<hbm>>
    tpu.enqueue_indirect_dma source(%dma_start3A_256 : memref<10000x128xi32, #tpu.memory_space<hbm>>) target(%arg8 : memref<200x128xi32, #tpu.memory_space<vmem>>) offsets(%arg6 : memref<200xi32, #tpu.memory_space<vmem>>) semaphore(%arg10 : memref<!tpu.dma_semaphore, #tpu.memory_space<semaphore_mem>>)
    %mul3A_257 = arith.constant 3000 : i32
    %mul3A_258 = arith.muli %add3A, %mul3A_257 : i32
    %add3A_259 = arith.constant 2000 : i32
    %add3A_260 = arith.addi %mul3A_258, %add3A_259 : i32
    %dma_wait3A_261 = arith.constant 0 : i32
    %dma_wait3A_262 = arith.constant 0 : i32
    %dma_wait3A_263 = tpu.memref_slice %arg2[%dma_wait3A_261, %dma_wait3A_262] : memref<10000x128xi32, #tpu.memory_space<hbm>> -> memref<10000x128xi32, #tpu.memory_space<hbm>>
    tpu.wait_indirect_dma semaphore(%arg9 : memref<!tpu.dma_semaphore, #tpu.memory_space<semaphore_mem>>) src(%dma_wait3A_263 : memref<10000x128xi32, #tpu.memory_space<hbm>>) dst(%arg7 : memref<200x128xi32, #tpu.memory_space<vmem>>)
    %dma_start3A_264 = arith.constant 0 : i32
    %dma_start3A_265 = tpu.memref_slice %arg4[%add3A_260, %dma_start3A_264] : memref<96000x128xi32, #tpu.memory_space<hbm>> -> memref<200x128xi32, #tpu.memory_space<hbm>>
    %dma_start3A_266 = arith.constant 0 : i32
    %dma_start3A_267 = tpu.memref_slice %arg4[%add3A_260, %dma_start3A_266] : memref<96000x128xi32, #tpu.memory_space<hbm>> -> memref<200x128xi32, #tpu.memory_space<hbm>>
    tpu.enqueue_dma source(%arg7 : memref<200x128xi32, #tpu.memory_space<vmem>>) target(%dma_start3A_267 : memref<200x128xi32, #tpu.memory_space<hbm>>) target_semaphore(%arg11 : memref<!tpu.dma_semaphore, #tpu.memory_space<semaphore_mem>>)
    %mul3A_268 = arith.constant 3000 : i32
    %mul3A_269 = arith.muli %add3A, %mul3A_268 : i32
    %add3A_270 = arith.constant 2400 : i32
    %add3A_271 = arith.addi %mul3A_269, %add3A_270 : i32
    %dma_wait3A_272 = arith.constant 0 : i32
    %dma_wait3A_273 = tpu.memref_slice %arg4[%add3A_260, %dma_wait3A_272] : memref<96000x128xi32, #tpu.memory_space<hbm>> -> memref<200x128xi32, #tpu.memory_space<hbm>>
    %dma_wait3A_274 = arith.constant 0 : i32
    %dma_wait3A_275 = tpu.memref_slice %arg4[%add3A_260, %dma_wait3A_274] : memref<96000x128xi32, #tpu.memory_space<hbm>> -> memref<200x128xi32, #tpu.memory_space<hbm>>
    tpu.wait_dma2 semaphore(%arg11 : memref<!tpu.dma_semaphore, #tpu.memory_space<semaphore_mem>>) src(%arg7 : memref<200x128xi32, #tpu.memory_space<vmem>>) dst(%dma_wait3A_275 : memref<200x128xi32, #tpu.memory_space<hbm>>)
    %add3A_276 = arith.constant 64000 : i32
    %add3A_277 = arith.addi %add3A_276, %add3A_271 : i32
    "tpu.region"() ({
      %run_scoped3A = tpu.sem_alloc : memref<!tpu.dma_semaphore, #tpu.memory_space<semaphore_mem>>
      %dma_start3A_359 = tpu.memref_slice %arg3[%add3A_277] : memref<160000xi32, #tpu.memory_space<hbm>> -> memref<200xi32, #tpu.memory_space<hbm>>
      %dma_start3A_360 = tpu.memref_slice %arg3[%add3A_277] : memref<160000xi32, #tpu.memory_space<hbm>> -> memref<200xi32, #tpu.memory_space<hbm>>
      tpu.enqueue_dma source(%dma_start3A_360 : memref<200xi32, #tpu.memory_space<hbm>>) target(%arg5 : memref<200xi32, #tpu.memory_space<vmem>>) target_semaphore(%run_scoped3A : memref<!tpu.dma_semaphore, #tpu.memory_space<semaphore_mem>>)
      %dma_wait3A_361 = tpu.memref_slice %arg3[%add3A_277] : memref<160000xi32, #tpu.memory_space<hbm>> -> memref<200xi32, #tpu.memory_space<hbm>>
      %dma_wait3A_362 = tpu.memref_slice %arg3[%add3A_277] : memref<160000xi32, #tpu.memory_space<hbm>> -> memref<200xi32, #tpu.memory_space<hbm>>
      tpu.wait_dma2 semaphore(%run_scoped3A : memref<!tpu.dma_semaphore, #tpu.memory_space<semaphore_mem>>) src(%dma_wait3A_362 : memref<200xi32, #tpu.memory_space<hbm>>) dst(%arg5 : memref<200xi32, #tpu.memory_space<vmem>>)
      tpu.yield
    }) : () -> ()
    %dma_start3A_278 = arith.constant 0 : i32
    %dma_start3A_279 = arith.constant 0 : i32
    %dma_start3A_280 = tpu.memref_slice %arg2[%dma_start3A_278, %dma_start3A_279] : memref<10000x128xi32, #tpu.memory_space<hbm>> -> memref<10000x128xi32, #tpu.memory_space<hbm>>
    tpu.enqueue_indirect_dma source(%dma_start3A_280 : memref<10000x128xi32, #tpu.memory_space<hbm>>) target(%arg7 : memref<200x128xi32, #tpu.memory_space<vmem>>) offsets(%arg5 : memref<200xi32, #tpu.memory_space<vmem>>) semaphore(%arg9 : memref<!tpu.dma_semaphore, #tpu.memory_space<semaphore_mem>>)
    %mul3A_281 = arith.constant 3000 : i32
    %mul3A_282 = arith.muli %add3A, %mul3A_281 : i32
    %add3A_283 = arith.constant 2200 : i32
    %add3A_284 = arith.addi %mul3A_282, %add3A_283 : i32
    %dma_wait3A_285 = arith.constant 0 : i32
    %dma_wait3A_286 = arith.constant 0 : i32
    %dma_wait3A_287 = tpu.memref_slice %arg2[%dma_wait3A_285, %dma_wait3A_286] : memref<10000x128xi32, #tpu.memory_space<hbm>> -> memref<10000x128xi32, #tpu.memory_space<hbm>>
    tpu.wait_indirect_dma semaphore(%arg10 : memref<!tpu.dma_semaphore, #tpu.memory_space<semaphore_mem>>) src(%dma_wait3A_287 : memref<10000x128xi32, #tpu.memory_space<hbm>>) dst(%arg8 : memref<200x128xi32, #tpu.memory_space<vmem>>)
    %dma_start3A_288 = arith.constant 0 : i32
    %dma_start3A_289 = tpu.memref_slice %arg4[%add3A_284, %dma_start3A_288] : memref<96000x128xi32, #tpu.memory_space<hbm>> -> memref<200x128xi32, #tpu.memory_space<hbm>>
    %dma_start3A_290 = arith.constant 0 : i32
    %dma_start3A_291 = tpu.memref_slice %arg4[%add3A_284, %dma_start3A_290] : memref<96000x128xi32, #tpu.memory_space<hbm>> -> memref<200x128xi32, #tpu.memory_space<hbm>>
    tpu.enqueue_dma source(%arg8 : memref<200x128xi32, #tpu.memory_space<vmem>>) target(%dma_start3A_291 : memref<200x128xi32, #tpu.memory_space<hbm>>) target_semaphore(%arg12 : memref<!tpu.dma_semaphore, #tpu.memory_space<semaphore_mem>>)
    %mul3A_292 = arith.constant 3000 : i32
    %mul3A_293 = arith.muli %add3A, %mul3A_292 : i32
    %add3A_294 = arith.constant 2600 : i32
    %add3A_295 = arith.addi %mul3A_293, %add3A_294 : i32
    %dma_wait3A_296 = arith.constant 0 : i32
    %dma_wait3A_297 = tpu.memref_slice %arg4[%add3A_284, %dma_wait3A_296] : memref<96000x128xi32, #tpu.memory_space<hbm>> -> memref<200x128xi32, #tpu.memory_space<hbm>>
    %dma_wait3A_298 = arith.constant 0 : i32
    %dma_wait3A_299 = tpu.memref_slice %arg4[%add3A_284, %dma_wait3A_298] : memref<96000x128xi32, #tpu.memory_space<hbm>> -> memref<200x128xi32, #tpu.memory_space<hbm>>
    tpu.wait_dma2 semaphore(%arg12 : memref<!tpu.dma_semaphore, #tpu.memory_space<semaphore_mem>>) src(%arg8 : memref<200x128xi32, #tpu.memory_space<vmem>>) dst(%dma_wait3A_299 : memref<200x128xi32, #tpu.memory_space<hbm>>)
    %add3A_300 = arith.constant 64000 : i32
    %add3A_301 = arith.addi %add3A_300, %add3A_295 : i32
    "tpu.region"() ({
      %run_scoped3A = tpu.sem_alloc : memref<!tpu.dma_semaphore, #tpu.memory_space<semaphore_mem>>
      %dma_start3A_359 = tpu.memref_slice %arg3[%add3A_301] : memref<160000xi32, #tpu.memory_space<hbm>> -> memref<200xi32, #tpu.memory_space<hbm>>
      %dma_start3A_360 = tpu.memref_slice %arg3[%add3A_301] : memref<160000xi32, #tpu.memory_space<hbm>> -> memref<200xi32, #tpu.memory_space<hbm>>
      tpu.enqueue_dma source(%dma_start3A_360 : memref<200xi32, #tpu.memory_space<hbm>>) target(%arg6 : memref<200xi32, #tpu.memory_space<vmem>>) target_semaphore(%run_scoped3A : memref<!tpu.dma_semaphore, #tpu.memory_space<semaphore_mem>>)
      %dma_wait3A_361 = tpu.memref_slice %arg3[%add3A_301] : memref<160000xi32, #tpu.memory_space<hbm>> -> memref<200xi32, #tpu.memory_space<hbm>>
      %dma_wait3A_362 = tpu.memref_slice %arg3[%add3A_301] : memref<160000xi32, #tpu.memory_space<hbm>> -> memref<200xi32, #tpu.memory_space<hbm>>
      tpu.wait_dma2 semaphore(%run_scoped3A : memref<!tpu.dma_semaphore, #tpu.memory_space<semaphore_mem>>) src(%dma_wait3A_362 : memref<200xi32, #tpu.memory_space<hbm>>) dst(%arg6 : memref<200xi32, #tpu.memory_space<vmem>>)
      tpu.yield
    }) : () -> ()
    %dma_start3A_302 = arith.constant 0 : i32
    %dma_start3A_303 = arith.constant 0 : i32
    %dma_start3A_304 = tpu.memref_slice %arg2[%dma_start3A_302, %dma_start3A_303] : memref<10000x128xi32, #tpu.memory_space<hbm>> -> memref<10000x128xi32, #tpu.memory_space<hbm>>
    tpu.enqueue_indirect_dma source(%dma_start3A_304 : memref<10000x128xi32, #tpu.memory_space<hbm>>) target(%arg8 : memref<200x128xi32, #tpu.memory_space<vmem>>) offsets(%arg6 : memref<200xi32, #tpu.memory_space<vmem>>) semaphore(%arg10 : memref<!tpu.dma_semaphore, #tpu.memory_space<semaphore_mem>>)
    %mul3A_305 = arith.constant 3000 : i32
    %mul3A_306 = arith.muli %add3A, %mul3A_305 : i32
    %add3A_307 = arith.constant 2400 : i32
    %add3A_308 = arith.addi %mul3A_306, %add3A_307 : i32
    %dma_wait3A_309 = arith.constant 0 : i32
    %dma_wait3A_310 = arith.constant 0 : i32
    %dma_wait3A_311 = tpu.memref_slice %arg2[%dma_wait3A_309, %dma_wait3A_310] : memref<10000x128xi32, #tpu.memory_space<hbm>> -> memref<10000x128xi32, #tpu.memory_space<hbm>>
    tpu.wait_indirect_dma semaphore(%arg9 : memref<!tpu.dma_semaphore, #tpu.memory_space<semaphore_mem>>) src(%dma_wait3A_311 : memref<10000x128xi32, #tpu.memory_space<hbm>>) dst(%arg7 : memref<200x128xi32, #tpu.memory_space<vmem>>)
    %dma_start3A_312 = arith.constant 0 : i32
    %dma_start3A_313 = tpu.memref_slice %arg4[%add3A_308, %dma_start3A_312] : memref<96000x128xi32, #tpu.memory_space<hbm>> -> memref<200x128xi32, #tpu.memory_space<hbm>>
    %dma_start3A_314 = arith.constant 0 : i32
    %dma_start3A_315 = tpu.memref_slice %arg4[%add3A_308, %dma_start3A_314] : memref<96000x128xi32, #tpu.memory_space<hbm>> -> memref<200x128xi32, #tpu.memory_space<hbm>>
    tpu.enqueue_dma source(%arg7 : memref<200x128xi32, #tpu.memory_space<vmem>>) target(%dma_start3A_315 : memref<200x128xi32, #tpu.memory_space<hbm>>) target_semaphore(%arg11 : memref<!tpu.dma_semaphore, #tpu.memory_space<semaphore_mem>>)
    %mul3A_316 = arith.constant 3000 : i32
    %mul3A_317 = arith.muli %add3A, %mul3A_316 : i32
    %add3A_318 = arith.constant 2800 : i32
    %add3A_319 = arith.addi %mul3A_317, %add3A_318 : i32
    %dma_wait3A_320 = arith.constant 0 : i32
    %dma_wait3A_321 = tpu.memref_slice %arg4[%add3A_308, %dma_wait3A_320] : memref<96000x128xi32, #tpu.memory_space<hbm>> -> memref<200x128xi32, #tpu.memory_space<hbm>>
    %dma_wait3A_322 = arith.constant 0 : i32
    %dma_wait3A_323 = tpu.memref_slice %arg4[%add3A_308, %dma_wait3A_322] : memref<96000x128xi32, #tpu.memory_space<hbm>> -> memref<200x128xi32, #tpu.memory_space<hbm>>
    tpu.wait_dma2 semaphore(%arg11 : memref<!tpu.dma_semaphore, #tpu.memory_space<semaphore_mem>>) src(%arg7 : memref<200x128xi32, #tpu.memory_space<vmem>>) dst(%dma_wait3A_323 : memref<200x128xi32, #tpu.memory_space<hbm>>)
    %add3A_324 = arith.constant 64000 : i32
    %add3A_325 = arith.addi %add3A_324, %add3A_319 : i32
    "tpu.region"() ({
      %run_scoped3A = tpu.sem_alloc : memref<!tpu.dma_semaphore, #tpu.memory_space<semaphore_mem>>
      %dma_start3A_359 = tpu.memref_slice %arg3[%add3A_325] : memref<160000xi32, #tpu.memory_space<hbm>> -> memref<200xi32, #tpu.memory_space<hbm>>
      %dma_start3A_360 = tpu.memref_slice %arg3[%add3A_325] : memref<160000xi32, #tpu.memory_space<hbm>> -> memref<200xi32, #tpu.memory_space<hbm>>
      tpu.enqueue_dma source(%dma_start3A_360 : memref<200xi32, #tpu.memory_space<hbm>>) target(%arg5 : memref<200xi32, #tpu.memory_space<vmem>>) target_semaphore(%run_scoped3A : memref<!tpu.dma_semaphore, #tpu.memory_space<semaphore_mem>>)
      %dma_wait3A_361 = tpu.memref_slice %arg3[%add3A_325] : memref<160000xi32, #tpu.memory_space<hbm>> -> memref<200xi32, #tpu.memory_space<hbm>>
      %dma_wait3A_362 = tpu.memref_slice %arg3[%add3A_325] : memref<160000xi32, #tpu.memory_space<hbm>> -> memref<200xi32, #tpu.memory_space<hbm>>
      tpu.wait_dma2 semaphore(%run_scoped3A : memref<!tpu.dma_semaphore, #tpu.memory_space<semaphore_mem>>) src(%dma_wait3A_362 : memref<200xi32, #tpu.memory_space<hbm>>) dst(%arg5 : memref<200xi32, #tpu.memory_space<vmem>>)
      tpu.yield
    }) : () -> ()
    %dma_start3A_326 = arith.constant 0 : i32
    %dma_start3A_327 = arith.constant 0 : i32
    %dma_start3A_328 = tpu.memref_slice %arg2[%dma_start3A_326, %dma_start3A_327] : memref<10000x128xi32, #tpu.memory_space<hbm>> -> memref<10000x128xi32, #tpu.memory_space<hbm>>
    tpu.enqueue_indirect_dma source(%dma_start3A_328 : memref<10000x128xi32, #tpu.memory_space<hbm>>) target(%arg7 : memref<200x128xi32, #tpu.memory_space<vmem>>) offsets(%arg5 : memref<200xi32, #tpu.memory_space<vmem>>) semaphore(%arg9 : memref<!tpu.dma_semaphore, #tpu.memory_space<semaphore_mem>>)
    %mul3A_329 = arith.constant 3000 : i32
    %mul3A_330 = arith.muli %add3A, %mul3A_329 : i32
    %add3A_331 = arith.constant 2600 : i32
    %add3A_332 = arith.addi %mul3A_330, %add3A_331 : i32
    %dma_wait3A_333 = arith.constant 0 : i32
    %dma_wait3A_334 = arith.constant 0 : i32
    %dma_wait3A_335 = tpu.memref_slice %arg2[%dma_wait3A_333, %dma_wait3A_334] : memref<10000x128xi32, #tpu.memory_space<hbm>> -> memref<10000x128xi32, #tpu.memory_space<hbm>>
    tpu.wait_indirect_dma semaphore(%arg10 : memref<!tpu.dma_semaphore, #tpu.memory_space<semaphore_mem>>) src(%dma_wait3A_335 : memref<10000x128xi32, #tpu.memory_space<hbm>>) dst(%arg8 : memref<200x128xi32, #tpu.memory_space<vmem>>)
    %dma_start3A_336 = arith.constant 0 : i32
    %dma_start3A_337 = tpu.memref_slice %arg4[%add3A_332, %dma_start3A_336] : memref<96000x128xi32, #tpu.memory_space<hbm>> -> memref<200x128xi32, #tpu.memory_space<hbm>>
    %dma_start3A_338 = arith.constant 0 : i32
    %dma_start3A_339 = tpu.memref_slice %arg4[%add3A_332, %dma_start3A_338] : memref<96000x128xi32, #tpu.memory_space<hbm>> -> memref<200x128xi32, #tpu.memory_space<hbm>>
    tpu.enqueue_dma source(%arg8 : memref<200x128xi32, #tpu.memory_space<vmem>>) target(%dma_start3A_339 : memref<200x128xi32, #tpu.memory_space<hbm>>) target_semaphore(%arg12 : memref<!tpu.dma_semaphore, #tpu.memory_space<semaphore_mem>>)
    %mul3A_340 = arith.constant 3000 : i32
    %mul3A_341 = arith.muli %add3A, %mul3A_340 : i32
    %add3A_342 = arith.constant 2800 : i32
    %add3A_343 = arith.addi %mul3A_341, %add3A_342 : i32
    %dma_wait3A_344 = arith.constant 0 : i32
    %dma_wait3A_345 = arith.constant 0 : i32
    %dma_wait3A_346 = tpu.memref_slice %arg2[%dma_wait3A_344, %dma_wait3A_345] : memref<10000x128xi32, #tpu.memory_space<hbm>> -> memref<10000x128xi32, #tpu.memory_space<hbm>>
    tpu.wait_indirect_dma semaphore(%arg9 : memref<!tpu.dma_semaphore, #tpu.memory_space<semaphore_mem>>) src(%dma_wait3A_346 : memref<10000x128xi32, #tpu.memory_space<hbm>>) dst(%arg7 : memref<200x128xi32, #tpu.memory_space<vmem>>)
    %dma_start3A_347 = arith.constant 0 : i32
    %dma_start3A_348 = tpu.memref_slice %arg4[%add3A_343, %dma_start3A_347] : memref<96000x128xi32, #tpu.memory_space<hbm>> -> memref<200x128xi32, #tpu.memory_space<hbm>>
    %dma_start3A_349 = arith.constant 0 : i32
    %dma_start3A_350 = tpu.memref_slice %arg4[%add3A_343, %dma_start3A_349] : memref<96000x128xi32, #tpu.memory_space<hbm>> -> memref<200x128xi32, #tpu.memory_space<hbm>>
    tpu.enqueue_dma source(%arg7 : memref<200x128xi32, #tpu.memory_space<vmem>>) target(%dma_start3A_350 : memref<200x128xi32, #tpu.memory_space<hbm>>) target_semaphore(%arg11 : memref<!tpu.dma_semaphore, #tpu.memory_space<semaphore_mem>>)
    %dma_wait3A_351 = arith.constant 0 : i32
    %dma_wait3A_352 = tpu.memref_slice %arg4[%add3A_343, %dma_wait3A_351] : memref<96000x128xi32, #tpu.memory_space<hbm>> -> memref<200x128xi32, #tpu.memory_space<hbm>>
    %dma_wait3A_353 = arith.constant 0 : i32
    %dma_wait3A_354 = tpu.memref_slice %arg4[%add3A_343, %dma_wait3A_353] : memref<96000x128xi32, #tpu.memory_space<hbm>> -> memref<200x128xi32, #tpu.memory_space<hbm>>
    tpu.wait_dma2 semaphore(%arg11 : memref<!tpu.dma_semaphore, #tpu.memory_space<semaphore_mem>>) src(%arg7 : memref<200x128xi32, #tpu.memory_space<vmem>>) dst(%dma_wait3A_354 : memref<200x128xi32, #tpu.memory_space<hbm>>)
    %dma_wait3A_355 = arith.constant 0 : i32
    %dma_wait3A_356 = tpu.memref_slice %arg4[%add3A_332, %dma_wait3A_355] : memref<96000x128xi32, #tpu.memory_space<hbm>> -> memref<200x128xi32, #tpu.memory_space<hbm>>
    %dma_wait3A_357 = arith.constant 0 : i32
    %dma_wait3A_358 = tpu.memref_slice %arg4[%add3A_332, %dma_wait3A_357] : memref<96000x128xi32, #tpu.memory_space<hbm>> -> memref<200x128xi32, #tpu.memory_space<hbm>>
    tpu.wait_dma2 semaphore(%arg12 : memref<!tpu.dma_semaphore, #tpu.memory_space<semaphore_mem>>) src(%arg8 : memref<200x128xi32, #tpu.memory_space<vmem>>) dst(%dma_wait3A_358 : memref<200x128xi32, #tpu.memory_space<hbm>>)
    return
  }
}

#map = affine_map<(d0, d1) -> (0, 0)>
#map1 = affine_map<(d0, d1) -> (0)>
module attributes {stable_mosaic.version = 14 : i64} {
  func.func @body(%arg0: i32, %arg1: i32, %arg2: memref<10000x128xi32, #tpu.memory_space<hbm>>, %arg3: memref<160000xi32, #tpu.memory_space<hbm>>, %arg4: memref<160000x128xi32, #tpu.memory_space<hbm>>, %arg5: memref<200xi32, #tpu.memory_space<vmem>>, %arg6: memref<200xi32, #tpu.memory_space<vmem>>, %arg7: memref<200x128xi32, #tpu.memory_space<vmem>>, %arg8: memref<200x128xi32, #tpu.memory_space<vmem>>, %arg9: memref<!tpu.dma_semaphore, #tpu.memory_space<semaphore_mem>>, %arg10: memref<!tpu.dma_semaphore, #tpu.memory_space<semaphore_mem>>, %arg11: memref<!tpu.dma_semaphore, #tpu.memory_space<semaphore_mem>>, %arg12: memref<!tpu.dma_semaphore, #tpu.memory_space<semaphore_mem>>) attributes {dimension_semantics = [#tpu.dimension_semantics<core_parallel>, #tpu.dimension_semantics<subcore_parallel>], iteration_bounds = array<i64: 2, 16>, scalar_prefetch = 0 : i64, scratch_operands = 8 : i64, tpu.core_type = #tpu.core_type<sc_vector_subcore>, window_params = [{transform_indices = #map}, {transform_indices = #map1}, {transform_indices = #map}]} {
    %mul3A = arith.constant 2 : i32
    %mul3A_0 = arith.muli %arg1, %mul3A : i32
    %add3A = arith.addi %mul3A_0, %arg0 : i32
    %mul3A_1 = arith.constant 5000 : i32
    %mul3A_2 = arith.muli %add3A, %mul3A_1 : i32
    %add3A_3 = arith.constant 0 : i32
    %add3A_4 = arith.addi %mul3A_2, %add3A_3 : i32
    %add3A_5 = arith.constant 0 : i32
    %add3A_6 = arith.addi %add3A_5, %add3A_4 : i32
    "tpu.region"() ({
      %run_scoped3A = tpu.sem_alloc : memref<!tpu.dma_semaphore, #tpu.memory_space<semaphore_mem>>
      %dma_start3A_599 = tpu.memref_slice %arg3[%add3A_6] : memref<160000xi32, #tpu.memory_space<hbm>> -> memref<200xi32, #tpu.memory_space<hbm>>
      %dma_start3A_600 = tpu.memref_slice %arg3[%add3A_6] : memref<160000xi32, #tpu.memory_space<hbm>> -> memref<200xi32, #tpu.memory_space<hbm>>
      tpu.enqueue_dma source(%dma_start3A_600 : memref<200xi32, #tpu.memory_space<hbm>>) target(%arg5 : memref<200xi32, #tpu.memory_space<vmem>>) target_semaphore(%run_scoped3A : memref<!tpu.dma_semaphore, #tpu.memory_space<semaphore_mem>>)
      %dma_wait3A_601 = tpu.memref_slice %arg3[%add3A_6] : memref<160000xi32, #tpu.memory_space<hbm>> -> memref<200xi32, #tpu.memory_space<hbm>>
      %dma_wait3A_602 = tpu.memref_slice %arg3[%add3A_6] : memref<160000xi32, #tpu.memory_space<hbm>> -> memref<200xi32, #tpu.memory_space<hbm>>
      tpu.wait_dma2 semaphore(%run_scoped3A : memref<!tpu.dma_semaphore, #tpu.memory_space<semaphore_mem>>) src(%dma_wait3A_602 : memref<200xi32, #tpu.memory_space<hbm>>) dst(%arg5 : memref<200xi32, #tpu.memory_space<vmem>>)
      tpu.yield
    }) : () -> ()
    %dma_start3A = arith.constant 0 : i32
    %dma_start3A_7 = arith.constant 0 : i32
    %dma_start3A_8 = tpu.memref_slice %arg2[%dma_start3A, %dma_start3A_7] : memref<10000x128xi32, #tpu.memory_space<hbm>> -> memref<10000x128xi32, #tpu.memory_space<hbm>>
    tpu.enqueue_indirect_dma source(%dma_start3A_8 : memref<10000x128xi32, #tpu.memory_space<hbm>>) target(%arg7 : memref<200x128xi32, #tpu.memory_space<vmem>>) offsets(%arg5 : memref<200xi32, #tpu.memory_space<vmem>>) semaphore(%arg9 : memref<!tpu.dma_semaphore, #tpu.memory_space<semaphore_mem>>)
    %mul3A_9 = arith.constant 5000 : i32
    %mul3A_10 = arith.muli %add3A, %mul3A_9 : i32
    %add3A_11 = arith.constant 200 : i32
    %add3A_12 = arith.addi %mul3A_10, %add3A_11 : i32
    %add3A_13 = arith.constant 0 : i32
    %add3A_14 = arith.addi %add3A_13, %add3A_12 : i32
    "tpu.region"() ({
      %run_scoped3A = tpu.sem_alloc : memref<!tpu.dma_semaphore, #tpu.memory_space<semaphore_mem>>
      %dma_start3A_599 = tpu.memref_slice %arg3[%add3A_14] : memref<160000xi32, #tpu.memory_space<hbm>> -> memref<200xi32, #tpu.memory_space<hbm>>
      %dma_start3A_600 = tpu.memref_slice %arg3[%add3A_14] : memref<160000xi32, #tpu.memory_space<hbm>> -> memref<200xi32, #tpu.memory_space<hbm>>
      tpu.enqueue_dma source(%dma_start3A_600 : memref<200xi32, #tpu.memory_space<hbm>>) target(%arg6 : memref<200xi32, #tpu.memory_space<vmem>>) target_semaphore(%run_scoped3A : memref<!tpu.dma_semaphore, #tpu.memory_space<semaphore_mem>>)
      %dma_wait3A_601 = tpu.memref_slice %arg3[%add3A_14] : memref<160000xi32, #tpu.memory_space<hbm>> -> memref<200xi32, #tpu.memory_space<hbm>>
      %dma_wait3A_602 = tpu.memref_slice %arg3[%add3A_14] : memref<160000xi32, #tpu.memory_space<hbm>> -> memref<200xi32, #tpu.memory_space<hbm>>
      tpu.wait_dma2 semaphore(%run_scoped3A : memref<!tpu.dma_semaphore, #tpu.memory_space<semaphore_mem>>) src(%dma_wait3A_602 : memref<200xi32, #tpu.memory_space<hbm>>) dst(%arg6 : memref<200xi32, #tpu.memory_space<vmem>>)
      tpu.yield
    }) : () -> ()
    %dma_start3A_15 = arith.constant 0 : i32
    %dma_start3A_16 = arith.constant 0 : i32
    %dma_start3A_17 = tpu.memref_slice %arg2[%dma_start3A_15, %dma_start3A_16] : memref<10000x128xi32, #tpu.memory_space<hbm>> -> memref<10000x128xi32, #tpu.memory_space<hbm>>
    tpu.enqueue_indirect_dma source(%dma_start3A_17 : memref<10000x128xi32, #tpu.memory_space<hbm>>) target(%arg8 : memref<200x128xi32, #tpu.memory_space<vmem>>) offsets(%arg6 : memref<200xi32, #tpu.memory_space<vmem>>) semaphore(%arg10 : memref<!tpu.dma_semaphore, #tpu.memory_space<semaphore_mem>>)
    %mul3A_18 = arith.constant 5000 : i32
    %mul3A_19 = arith.muli %add3A, %mul3A_18 : i32
    %add3A_20 = arith.constant 0 : i32
    %add3A_21 = arith.addi %mul3A_19, %add3A_20 : i32
    %dma_wait3A = arith.constant 0 : i32
    %dma_wait3A_22 = arith.constant 0 : i32
    %dma_wait3A_23 = tpu.memref_slice %arg2[%dma_wait3A, %dma_wait3A_22] : memref<10000x128xi32, #tpu.memory_space<hbm>> -> memref<10000x128xi32, #tpu.memory_space<hbm>>
    tpu.wait_indirect_dma semaphore(%arg9 : memref<!tpu.dma_semaphore, #tpu.memory_space<semaphore_mem>>) src(%dma_wait3A_23 : memref<10000x128xi32, #tpu.memory_space<hbm>>) dst(%arg7 : memref<200x128xi32, #tpu.memory_space<vmem>>)
    %dma_start3A_24 = arith.constant 0 : i32
    %dma_start3A_25 = tpu.memref_slice %arg4[%add3A_21, %dma_start3A_24] : memref<160000x128xi32, #tpu.memory_space<hbm>> -> memref<200x128xi32, #tpu.memory_space<hbm>>
    %dma_start3A_26 = arith.constant 0 : i32
    %dma_start3A_27 = tpu.memref_slice %arg4[%add3A_21, %dma_start3A_26] : memref<160000x128xi32, #tpu.memory_space<hbm>> -> memref<200x128xi32, #tpu.memory_space<hbm>>
    tpu.enqueue_dma source(%arg7 : memref<200x128xi32, #tpu.memory_space<vmem>>) target(%dma_start3A_27 : memref<200x128xi32, #tpu.memory_space<hbm>>) target_semaphore(%arg11 : memref<!tpu.dma_semaphore, #tpu.memory_space<semaphore_mem>>)
    %mul3A_28 = arith.constant 5000 : i32
    %mul3A_29 = arith.muli %add3A, %mul3A_28 : i32
    %add3A_30 = arith.constant 400 : i32
    %add3A_31 = arith.addi %mul3A_29, %add3A_30 : i32
    %dma_wait3A_32 = arith.constant 0 : i32
    %dma_wait3A_33 = tpu.memref_slice %arg4[%add3A_21, %dma_wait3A_32] : memref<160000x128xi32, #tpu.memory_space<hbm>> -> memref<200x128xi32, #tpu.memory_space<hbm>>
    %dma_wait3A_34 = arith.constant 0 : i32
    %dma_wait3A_35 = tpu.memref_slice %arg4[%add3A_21, %dma_wait3A_34] : memref<160000x128xi32, #tpu.memory_space<hbm>> -> memref<200x128xi32, #tpu.memory_space<hbm>>
    tpu.wait_dma2 semaphore(%arg11 : memref<!tpu.dma_semaphore, #tpu.memory_space<semaphore_mem>>) src(%arg7 : memref<200x128xi32, #tpu.memory_space<vmem>>) dst(%dma_wait3A_35 : memref<200x128xi32, #tpu.memory_space<hbm>>)
    %add3A_36 = arith.constant 0 : i32
    %add3A_37 = arith.addi %add3A_36, %add3A_31 : i32
    "tpu.region"() ({
      %run_scoped3A = tpu.sem_alloc : memref<!tpu.dma_semaphore, #tpu.memory_space<semaphore_mem>>
      %dma_start3A_599 = tpu.memref_slice %arg3[%add3A_37] : memref<160000xi32, #tpu.memory_space<hbm>> -> memref<200xi32, #tpu.memory_space<hbm>>
      %dma_start3A_600 = tpu.memref_slice %arg3[%add3A_37] : memref<160000xi32, #tpu.memory_space<hbm>> -> memref<200xi32, #tpu.memory_space<hbm>>
      tpu.enqueue_dma source(%dma_start3A_600 : memref<200xi32, #tpu.memory_space<hbm>>) target(%arg5 : memref<200xi32, #tpu.memory_space<vmem>>) target_semaphore(%run_scoped3A : memref<!tpu.dma_semaphore, #tpu.memory_space<semaphore_mem>>)
      %dma_wait3A_601 = tpu.memref_slice %arg3[%add3A_37] : memref<160000xi32, #tpu.memory_space<hbm>> -> memref<200xi32, #tpu.memory_space<hbm>>
      %dma_wait3A_602 = tpu.memref_slice %arg3[%add3A_37] : memref<160000xi32, #tpu.memory_space<hbm>> -> memref<200xi32, #tpu.memory_space<hbm>>
      tpu.wait_dma2 semaphore(%run_scoped3A : memref<!tpu.dma_semaphore, #tpu.memory_space<semaphore_mem>>) src(%dma_wait3A_602 : memref<200xi32, #tpu.memory_space<hbm>>) dst(%arg5 : memref<200xi32, #tpu.memory_space<vmem>>)
      tpu.yield
    }) : () -> ()
    %dma_start3A_38 = arith.constant 0 : i32
    %dma_start3A_39 = arith.constant 0 : i32
    %dma_start3A_40 = tpu.memref_slice %arg2[%dma_start3A_38, %dma_start3A_39] : memref<10000x128xi32, #tpu.memory_space<hbm>> -> memref<10000x128xi32, #tpu.memory_space<hbm>>
    tpu.enqueue_indirect_dma source(%dma_start3A_40 : memref<10000x128xi32, #tpu.memory_space<hbm>>) target(%arg7 : memref<200x128xi32, #tpu.memory_space<vmem>>) offsets(%arg5 : memref<200xi32, #tpu.memory_space<vmem>>) semaphore(%arg9 : memref<!tpu.dma_semaphore, #tpu.memory_space<semaphore_mem>>)
    %mul3A_41 = arith.constant 5000 : i32
    %mul3A_42 = arith.muli %add3A, %mul3A_41 : i32
    %add3A_43 = arith.constant 200 : i32
    %add3A_44 = arith.addi %mul3A_42, %add3A_43 : i32
    %dma_wait3A_45 = arith.constant 0 : i32
    %dma_wait3A_46 = arith.constant 0 : i32
    %dma_wait3A_47 = tpu.memref_slice %arg2[%dma_wait3A_45, %dma_wait3A_46] : memref<10000x128xi32, #tpu.memory_space<hbm>> -> memref<10000x128xi32, #tpu.memory_space<hbm>>
    tpu.wait_indirect_dma semaphore(%arg10 : memref<!tpu.dma_semaphore, #tpu.memory_space<semaphore_mem>>) src(%dma_wait3A_47 : memref<10000x128xi32, #tpu.memory_space<hbm>>) dst(%arg8 : memref<200x128xi32, #tpu.memory_space<vmem>>)
    %dma_start3A_48 = arith.constant 0 : i32
    %dma_start3A_49 = tpu.memref_slice %arg4[%add3A_44, %dma_start3A_48] : memref<160000x128xi32, #tpu.memory_space<hbm>> -> memref<200x128xi32, #tpu.memory_space<hbm>>
    %dma_start3A_50 = arith.constant 0 : i32
    %dma_start3A_51 = tpu.memref_slice %arg4[%add3A_44, %dma_start3A_50] : memref<160000x128xi32, #tpu.memory_space<hbm>> -> memref<200x128xi32, #tpu.memory_space<hbm>>
    tpu.enqueue_dma source(%arg8 : memref<200x128xi32, #tpu.memory_space<vmem>>) target(%dma_start3A_51 : memref<200x128xi32, #tpu.memory_space<hbm>>) target_semaphore(%arg12 : memref<!tpu.dma_semaphore, #tpu.memory_space<semaphore_mem>>)
    %mul3A_52 = arith.constant 5000 : i32
    %mul3A_53 = arith.muli %add3A, %mul3A_52 : i32
    %add3A_54 = arith.constant 600 : i32
    %add3A_55 = arith.addi %mul3A_53, %add3A_54 : i32
    %dma_wait3A_56 = arith.constant 0 : i32
    %dma_wait3A_57 = tpu.memref_slice %arg4[%add3A_44, %dma_wait3A_56] : memref<160000x128xi32, #tpu.memory_space<hbm>> -> memref<200x128xi32, #tpu.memory_space<hbm>>
    %dma_wait3A_58 = arith.constant 0 : i32
    %dma_wait3A_59 = tpu.memref_slice %arg4[%add3A_44, %dma_wait3A_58] : memref<160000x128xi32, #tpu.memory_space<hbm>> -> memref<200x128xi32, #tpu.memory_space<hbm>>
    tpu.wait_dma2 semaphore(%arg12 : memref<!tpu.dma_semaphore, #tpu.memory_space<semaphore_mem>>) src(%arg8 : memref<200x128xi32, #tpu.memory_space<vmem>>) dst(%dma_wait3A_59 : memref<200x128xi32, #tpu.memory_space<hbm>>)
    %add3A_60 = arith.constant 0 : i32
    %add3A_61 = arith.addi %add3A_60, %add3A_55 : i32
    "tpu.region"() ({
      %run_scoped3A = tpu.sem_alloc : memref<!tpu.dma_semaphore, #tpu.memory_space<semaphore_mem>>
      %dma_start3A_599 = tpu.memref_slice %arg3[%add3A_61] : memref<160000xi32, #tpu.memory_space<hbm>> -> memref<200xi32, #tpu.memory_space<hbm>>
      %dma_start3A_600 = tpu.memref_slice %arg3[%add3A_61] : memref<160000xi32, #tpu.memory_space<hbm>> -> memref<200xi32, #tpu.memory_space<hbm>>
      tpu.enqueue_dma source(%dma_start3A_600 : memref<200xi32, #tpu.memory_space<hbm>>) target(%arg6 : memref<200xi32, #tpu.memory_space<vmem>>) target_semaphore(%run_scoped3A : memref<!tpu.dma_semaphore, #tpu.memory_space<semaphore_mem>>)
      %dma_wait3A_601 = tpu.memref_slice %arg3[%add3A_61] : memref<160000xi32, #tpu.memory_space<hbm>> -> memref<200xi32, #tpu.memory_space<hbm>>
      %dma_wait3A_602 = tpu.memref_slice %arg3[%add3A_61] : memref<160000xi32, #tpu.memory_space<hbm>> -> memref<200xi32, #tpu.memory_space<hbm>>
      tpu.wait_dma2 semaphore(%run_scoped3A : memref<!tpu.dma_semaphore, #tpu.memory_space<semaphore_mem>>) src(%dma_wait3A_602 : memref<200xi32, #tpu.memory_space<hbm>>) dst(%arg6 : memref<200xi32, #tpu.memory_space<vmem>>)
      tpu.yield
    }) : () -> ()
    %dma_start3A_62 = arith.constant 0 : i32
    %dma_start3A_63 = arith.constant 0 : i32
    %dma_start3A_64 = tpu.memref_slice %arg2[%dma_start3A_62, %dma_start3A_63] : memref<10000x128xi32, #tpu.memory_space<hbm>> -> memref<10000x128xi32, #tpu.memory_space<hbm>>
    tpu.enqueue_indirect_dma source(%dma_start3A_64 : memref<10000x128xi32, #tpu.memory_space<hbm>>) target(%arg8 : memref<200x128xi32, #tpu.memory_space<vmem>>) offsets(%arg6 : memref<200xi32, #tpu.memory_space<vmem>>) semaphore(%arg10 : memref<!tpu.dma_semaphore, #tpu.memory_space<semaphore_mem>>)
    %mul3A_65 = arith.constant 5000 : i32
    %mul3A_66 = arith.muli %add3A, %mul3A_65 : i32
    %add3A_67 = arith.constant 400 : i32
    %add3A_68 = arith.addi %mul3A_66, %add3A_67 : i32
    %dma_wait3A_69 = arith.constant 0 : i32
    %dma_wait3A_70 = arith.constant 0 : i32
    %dma_wait3A_71 = tpu.memref_slice %arg2[%dma_wait3A_69, %dma_wait3A_70] : memref<10000x128xi32, #tpu.memory_space<hbm>> -> memref<10000x128xi32, #tpu.memory_space<hbm>>
    tpu.wait_indirect_dma semaphore(%arg9 : memref<!tpu.dma_semaphore, #tpu.memory_space<semaphore_mem>>) src(%dma_wait3A_71 : memref<10000x128xi32, #tpu.memory_space<hbm>>) dst(%arg7 : memref<200x128xi32, #tpu.memory_space<vmem>>)
    %dma_start3A_72 = arith.constant 0 : i32
    %dma_start3A_73 = tpu.memref_slice %arg4[%add3A_68, %dma_start3A_72] : memref<160000x128xi32, #tpu.memory_space<hbm>> -> memref<200x128xi32, #tpu.memory_space<hbm>>
    %dma_start3A_74 = arith.constant 0 : i32
    %dma_start3A_75 = tpu.memref_slice %arg4[%add3A_68, %dma_start3A_74] : memref<160000x128xi32, #tpu.memory_space<hbm>> -> memref<200x128xi32, #tpu.memory_space<hbm>>
    tpu.enqueue_dma source(%arg7 : memref<200x128xi32, #tpu.memory_space<vmem>>) target(%dma_start3A_75 : memref<200x128xi32, #tpu.memory_space<hbm>>) target_semaphore(%arg11 : memref<!tpu.dma_semaphore, #tpu.memory_space<semaphore_mem>>)
    %mul3A_76 = arith.constant 5000 : i32
    %mul3A_77 = arith.muli %add3A, %mul3A_76 : i32
    %add3A_78 = arith.constant 800 : i32
    %add3A_79 = arith.addi %mul3A_77, %add3A_78 : i32
    %dma_wait3A_80 = arith.constant 0 : i32
    %dma_wait3A_81 = tpu.memref_slice %arg4[%add3A_68, %dma_wait3A_80] : memref<160000x128xi32, #tpu.memory_space<hbm>> -> memref<200x128xi32, #tpu.memory_space<hbm>>
    %dma_wait3A_82 = arith.constant 0 : i32
    %dma_wait3A_83 = tpu.memref_slice %arg4[%add3A_68, %dma_wait3A_82] : memref<160000x128xi32, #tpu.memory_space<hbm>> -> memref<200x128xi32, #tpu.memory_space<hbm>>
    tpu.wait_dma2 semaphore(%arg11 : memref<!tpu.dma_semaphore, #tpu.memory_space<semaphore_mem>>) src(%arg7 : memref<200x128xi32, #tpu.memory_space<vmem>>) dst(%dma_wait3A_83 : memref<200x128xi32, #tpu.memory_space<hbm>>)
    %add3A_84 = arith.constant 0 : i32
    %add3A_85 = arith.addi %add3A_84, %add3A_79 : i32
    "tpu.region"() ({
      %run_scoped3A = tpu.sem_alloc : memref<!tpu.dma_semaphore, #tpu.memory_space<semaphore_mem>>
      %dma_start3A_599 = tpu.memref_slice %arg3[%add3A_85] : memref<160000xi32, #tpu.memory_space<hbm>> -> memref<200xi32, #tpu.memory_space<hbm>>
      %dma_start3A_600 = tpu.memref_slice %arg3[%add3A_85] : memref<160000xi32, #tpu.memory_space<hbm>> -> memref<200xi32, #tpu.memory_space<hbm>>
      tpu.enqueue_dma source(%dma_start3A_600 : memref<200xi32, #tpu.memory_space<hbm>>) target(%arg5 : memref<200xi32, #tpu.memory_space<vmem>>) target_semaphore(%run_scoped3A : memref<!tpu.dma_semaphore, #tpu.memory_space<semaphore_mem>>)
      %dma_wait3A_601 = tpu.memref_slice %arg3[%add3A_85] : memref<160000xi32, #tpu.memory_space<hbm>> -> memref<200xi32, #tpu.memory_space<hbm>>
      %dma_wait3A_602 = tpu.memref_slice %arg3[%add3A_85] : memref<160000xi32, #tpu.memory_space<hbm>> -> memref<200xi32, #tpu.memory_space<hbm>>
      tpu.wait_dma2 semaphore(%run_scoped3A : memref<!tpu.dma_semaphore, #tpu.memory_space<semaphore_mem>>) src(%dma_wait3A_602 : memref<200xi32, #tpu.memory_space<hbm>>) dst(%arg5 : memref<200xi32, #tpu.memory_space<vmem>>)
      tpu.yield
    }) : () -> ()
    %dma_start3A_86 = arith.constant 0 : i32
    %dma_start3A_87 = arith.constant 0 : i32
    %dma_start3A_88 = tpu.memref_slice %arg2[%dma_start3A_86, %dma_start3A_87] : memref<10000x128xi32, #tpu.memory_space<hbm>> -> memref<10000x128xi32, #tpu.memory_space<hbm>>
    tpu.enqueue_indirect_dma source(%dma_start3A_88 : memref<10000x128xi32, #tpu.memory_space<hbm>>) target(%arg7 : memref<200x128xi32, #tpu.memory_space<vmem>>) offsets(%arg5 : memref<200xi32, #tpu.memory_space<vmem>>) semaphore(%arg9 : memref<!tpu.dma_semaphore, #tpu.memory_space<semaphore_mem>>)
    %mul3A_89 = arith.constant 5000 : i32
    %mul3A_90 = arith.muli %add3A, %mul3A_89 : i32
    %add3A_91 = arith.constant 600 : i32
    %add3A_92 = arith.addi %mul3A_90, %add3A_91 : i32
    %dma_wait3A_93 = arith.constant 0 : i32
    %dma_wait3A_94 = arith.constant 0 : i32
    %dma_wait3A_95 = tpu.memref_slice %arg2[%dma_wait3A_93, %dma_wait3A_94] : memref<10000x128xi32, #tpu.memory_space<hbm>> -> memref<10000x128xi32, #tpu.memory_space<hbm>>
    tpu.wait_indirect_dma semaphore(%arg10 : memref<!tpu.dma_semaphore, #tpu.memory_space<semaphore_mem>>) src(%dma_wait3A_95 : memref<10000x128xi32, #tpu.memory_space<hbm>>) dst(%arg8 : memref<200x128xi32, #tpu.memory_space<vmem>>)
    %dma_start3A_96 = arith.constant 0 : i32
    %dma_start3A_97 = tpu.memref_slice %arg4[%add3A_92, %dma_start3A_96] : memref<160000x128xi32, #tpu.memory_space<hbm>> -> memref<200x128xi32, #tpu.memory_space<hbm>>
    %dma_start3A_98 = arith.constant 0 : i32
    %dma_start3A_99 = tpu.memref_slice %arg4[%add3A_92, %dma_start3A_98] : memref<160000x128xi32, #tpu.memory_space<hbm>> -> memref<200x128xi32, #tpu.memory_space<hbm>>
    tpu.enqueue_dma source(%arg8 : memref<200x128xi32, #tpu.memory_space<vmem>>) target(%dma_start3A_99 : memref<200x128xi32, #tpu.memory_space<hbm>>) target_semaphore(%arg12 : memref<!tpu.dma_semaphore, #tpu.memory_space<semaphore_mem>>)
    %mul3A_100 = arith.constant 5000 : i32
    %mul3A_101 = arith.muli %add3A, %mul3A_100 : i32
    %add3A_102 = arith.constant 1000 : i32
    %add3A_103 = arith.addi %mul3A_101, %add3A_102 : i32
    %dma_wait3A_104 = arith.constant 0 : i32
    %dma_wait3A_105 = tpu.memref_slice %arg4[%add3A_92, %dma_wait3A_104] : memref<160000x128xi32, #tpu.memory_space<hbm>> -> memref<200x128xi32, #tpu.memory_space<hbm>>
    %dma_wait3A_106 = arith.constant 0 : i32
    %dma_wait3A_107 = tpu.memref_slice %arg4[%add3A_92, %dma_wait3A_106] : memref<160000x128xi32, #tpu.memory_space<hbm>> -> memref<200x128xi32, #tpu.memory_space<hbm>>
    tpu.wait_dma2 semaphore(%arg12 : memref<!tpu.dma_semaphore, #tpu.memory_space<semaphore_mem>>) src(%arg8 : memref<200x128xi32, #tpu.memory_space<vmem>>) dst(%dma_wait3A_107 : memref<200x128xi32, #tpu.memory_space<hbm>>)
    %add3A_108 = arith.constant 0 : i32
    %add3A_109 = arith.addi %add3A_108, %add3A_103 : i32
    "tpu.region"() ({
      %run_scoped3A = tpu.sem_alloc : memref<!tpu.dma_semaphore, #tpu.memory_space<semaphore_mem>>
      %dma_start3A_599 = tpu.memref_slice %arg3[%add3A_109] : memref<160000xi32, #tpu.memory_space<hbm>> -> memref<200xi32, #tpu.memory_space<hbm>>
      %dma_start3A_600 = tpu.memref_slice %arg3[%add3A_109] : memref<160000xi32, #tpu.memory_space<hbm>> -> memref<200xi32, #tpu.memory_space<hbm>>
      tpu.enqueue_dma source(%dma_start3A_600 : memref<200xi32, #tpu.memory_space<hbm>>) target(%arg6 : memref<200xi32, #tpu.memory_space<vmem>>) target_semaphore(%run_scoped3A : memref<!tpu.dma_semaphore, #tpu.memory_space<semaphore_mem>>)
      %dma_wait3A_601 = tpu.memref_slice %arg3[%add3A_109] : memref<160000xi32, #tpu.memory_space<hbm>> -> memref<200xi32, #tpu.memory_space<hbm>>
      %dma_wait3A_602 = tpu.memref_slice %arg3[%add3A_109] : memref<160000xi32, #tpu.memory_space<hbm>> -> memref<200xi32, #tpu.memory_space<hbm>>
      tpu.wait_dma2 semaphore(%run_scoped3A : memref<!tpu.dma_semaphore, #tpu.memory_space<semaphore_mem>>) src(%dma_wait3A_602 : memref<200xi32, #tpu.memory_space<hbm>>) dst(%arg6 : memref<200xi32, #tpu.memory_space<vmem>>)
      tpu.yield
    }) : () -> ()
    %dma_start3A_110 = arith.constant 0 : i32
    %dma_start3A_111 = arith.constant 0 : i32
    %dma_start3A_112 = tpu.memref_slice %arg2[%dma_start3A_110, %dma_start3A_111] : memref<10000x128xi32, #tpu.memory_space<hbm>> -> memref<10000x128xi32, #tpu.memory_space<hbm>>
    tpu.enqueue_indirect_dma source(%dma_start3A_112 : memref<10000x128xi32, #tpu.memory_space<hbm>>) target(%arg8 : memref<200x128xi32, #tpu.memory_space<vmem>>) offsets(%arg6 : memref<200xi32, #tpu.memory_space<vmem>>) semaphore(%arg10 : memref<!tpu.dma_semaphore, #tpu.memory_space<semaphore_mem>>)
    %mul3A_113 = arith.constant 5000 : i32
    %mul3A_114 = arith.muli %add3A, %mul3A_113 : i32
    %add3A_115 = arith.constant 800 : i32
    %add3A_116 = arith.addi %mul3A_114, %add3A_115 : i32
    %dma_wait3A_117 = arith.constant 0 : i32
    %dma_wait3A_118 = arith.constant 0 : i32
    %dma_wait3A_119 = tpu.memref_slice %arg2[%dma_wait3A_117, %dma_wait3A_118] : memref<10000x128xi32, #tpu.memory_space<hbm>> -> memref<10000x128xi32, #tpu.memory_space<hbm>>
    tpu.wait_indirect_dma semaphore(%arg9 : memref<!tpu.dma_semaphore, #tpu.memory_space<semaphore_mem>>) src(%dma_wait3A_119 : memref<10000x128xi32, #tpu.memory_space<hbm>>) dst(%arg7 : memref<200x128xi32, #tpu.memory_space<vmem>>)
    %dma_start3A_120 = arith.constant 0 : i32
    %dma_start3A_121 = tpu.memref_slice %arg4[%add3A_116, %dma_start3A_120] : memref<160000x128xi32, #tpu.memory_space<hbm>> -> memref<200x128xi32, #tpu.memory_space<hbm>>
    %dma_start3A_122 = arith.constant 0 : i32
    %dma_start3A_123 = tpu.memref_slice %arg4[%add3A_116, %dma_start3A_122] : memref<160000x128xi32, #tpu.memory_space<hbm>> -> memref<200x128xi32, #tpu.memory_space<hbm>>
    tpu.enqueue_dma source(%arg7 : memref<200x128xi32, #tpu.memory_space<vmem>>) target(%dma_start3A_123 : memref<200x128xi32, #tpu.memory_space<hbm>>) target_semaphore(%arg11 : memref<!tpu.dma_semaphore, #tpu.memory_space<semaphore_mem>>)
    %mul3A_124 = arith.constant 5000 : i32
    %mul3A_125 = arith.muli %add3A, %mul3A_124 : i32
    %add3A_126 = arith.constant 1200 : i32
    %add3A_127 = arith.addi %mul3A_125, %add3A_126 : i32
    %dma_wait3A_128 = arith.constant 0 : i32
    %dma_wait3A_129 = tpu.memref_slice %arg4[%add3A_116, %dma_wait3A_128] : memref<160000x128xi32, #tpu.memory_space<hbm>> -> memref<200x128xi32, #tpu.memory_space<hbm>>
    %dma_wait3A_130 = arith.constant 0 : i32
    %dma_wait3A_131 = tpu.memref_slice %arg4[%add3A_116, %dma_wait3A_130] : memref<160000x128xi32, #tpu.memory_space<hbm>> -> memref<200x128xi32, #tpu.memory_space<hbm>>
    tpu.wait_dma2 semaphore(%arg11 : memref<!tpu.dma_semaphore, #tpu.memory_space<semaphore_mem>>) src(%arg7 : memref<200x128xi32, #tpu.memory_space<vmem>>) dst(%dma_wait3A_131 : memref<200x128xi32, #tpu.memory_space<hbm>>)
    %add3A_132 = arith.constant 0 : i32
    %add3A_133 = arith.addi %add3A_132, %add3A_127 : i32
    "tpu.region"() ({
      %run_scoped3A = tpu.sem_alloc : memref<!tpu.dma_semaphore, #tpu.memory_space<semaphore_mem>>
      %dma_start3A_599 = tpu.memref_slice %arg3[%add3A_133] : memref<160000xi32, #tpu.memory_space<hbm>> -> memref<200xi32, #tpu.memory_space<hbm>>
      %dma_start3A_600 = tpu.memref_slice %arg3[%add3A_133] : memref<160000xi32, #tpu.memory_space<hbm>> -> memref<200xi32, #tpu.memory_space<hbm>>
      tpu.enqueue_dma source(%dma_start3A_600 : memref<200xi32, #tpu.memory_space<hbm>>) target(%arg5 : memref<200xi32, #tpu.memory_space<vmem>>) target_semaphore(%run_scoped3A : memref<!tpu.dma_semaphore, #tpu.memory_space<semaphore_mem>>)
      %dma_wait3A_601 = tpu.memref_slice %arg3[%add3A_133] : memref<160000xi32, #tpu.memory_space<hbm>> -> memref<200xi32, #tpu.memory_space<hbm>>
      %dma_wait3A_602 = tpu.memref_slice %arg3[%add3A_133] : memref<160000xi32, #tpu.memory_space<hbm>> -> memref<200xi32, #tpu.memory_space<hbm>>
      tpu.wait_dma2 semaphore(%run_scoped3A : memref<!tpu.dma_semaphore, #tpu.memory_space<semaphore_mem>>) src(%dma_wait3A_602 : memref<200xi32, #tpu.memory_space<hbm>>) dst(%arg5 : memref<200xi32, #tpu.memory_space<vmem>>)
      tpu.yield
    }) : () -> ()
    %dma_start3A_134 = arith.constant 0 : i32
    %dma_start3A_135 = arith.constant 0 : i32
    %dma_start3A_136 = tpu.memref_slice %arg2[%dma_start3A_134, %dma_start3A_135] : memref<10000x128xi32, #tpu.memory_space<hbm>> -> memref<10000x128xi32, #tpu.memory_space<hbm>>
    tpu.enqueue_indirect_dma source(%dma_start3A_136 : memref<10000x128xi32, #tpu.memory_space<hbm>>) target(%arg7 : memref<200x128xi32, #tpu.memory_space<vmem>>) offsets(%arg5 : memref<200xi32, #tpu.memory_space<vmem>>) semaphore(%arg9 : memref<!tpu.dma_semaphore, #tpu.memory_space<semaphore_mem>>)
    %mul3A_137 = arith.constant 5000 : i32
    %mul3A_138 = arith.muli %add3A, %mul3A_137 : i32
    %add3A_139 = arith.constant 1000 : i32
    %add3A_140 = arith.addi %mul3A_138, %add3A_139 : i32
    %dma_wait3A_141 = arith.constant 0 : i32
    %dma_wait3A_142 = arith.constant 0 : i32
    %dma_wait3A_143 = tpu.memref_slice %arg2[%dma_wait3A_141, %dma_wait3A_142] : memref<10000x128xi32, #tpu.memory_space<hbm>> -> memref<10000x128xi32, #tpu.memory_space<hbm>>
    tpu.wait_indirect_dma semaphore(%arg10 : memref<!tpu.dma_semaphore, #tpu.memory_space<semaphore_mem>>) src(%dma_wait3A_143 : memref<10000x128xi32, #tpu.memory_space<hbm>>) dst(%arg8 : memref<200x128xi32, #tpu.memory_space<vmem>>)
    %dma_start3A_144 = arith.constant 0 : i32
    %dma_start3A_145 = tpu.memref_slice %arg4[%add3A_140, %dma_start3A_144] : memref<160000x128xi32, #tpu.memory_space<hbm>> -> memref<200x128xi32, #tpu.memory_space<hbm>>
    %dma_start3A_146 = arith.constant 0 : i32
    %dma_start3A_147 = tpu.memref_slice %arg4[%add3A_140, %dma_start3A_146] : memref<160000x128xi32, #tpu.memory_space<hbm>> -> memref<200x128xi32, #tpu.memory_space<hbm>>
    tpu.enqueue_dma source(%arg8 : memref<200x128xi32, #tpu.memory_space<vmem>>) target(%dma_start3A_147 : memref<200x128xi32, #tpu.memory_space<hbm>>) target_semaphore(%arg12 : memref<!tpu.dma_semaphore, #tpu.memory_space<semaphore_mem>>)
    %mul3A_148 = arith.constant 5000 : i32
    %mul3A_149 = arith.muli %add3A, %mul3A_148 : i32
    %add3A_150 = arith.constant 1400 : i32
    %add3A_151 = arith.addi %mul3A_149, %add3A_150 : i32
    %dma_wait3A_152 = arith.constant 0 : i32
    %dma_wait3A_153 = tpu.memref_slice %arg4[%add3A_140, %dma_wait3A_152] : memref<160000x128xi32, #tpu.memory_space<hbm>> -> memref<200x128xi32, #tpu.memory_space<hbm>>
    %dma_wait3A_154 = arith.constant 0 : i32
    %dma_wait3A_155 = tpu.memref_slice %arg4[%add3A_140, %dma_wait3A_154] : memref<160000x128xi32, #tpu.memory_space<hbm>> -> memref<200x128xi32, #tpu.memory_space<hbm>>
    tpu.wait_dma2 semaphore(%arg12 : memref<!tpu.dma_semaphore, #tpu.memory_space<semaphore_mem>>) src(%arg8 : memref<200x128xi32, #tpu.memory_space<vmem>>) dst(%dma_wait3A_155 : memref<200x128xi32, #tpu.memory_space<hbm>>)
    %add3A_156 = arith.constant 0 : i32
    %add3A_157 = arith.addi %add3A_156, %add3A_151 : i32
    "tpu.region"() ({
      %run_scoped3A = tpu.sem_alloc : memref<!tpu.dma_semaphore, #tpu.memory_space<semaphore_mem>>
      %dma_start3A_599 = tpu.memref_slice %arg3[%add3A_157] : memref<160000xi32, #tpu.memory_space<hbm>> -> memref<200xi32, #tpu.memory_space<hbm>>
      %dma_start3A_600 = tpu.memref_slice %arg3[%add3A_157] : memref<160000xi32, #tpu.memory_space<hbm>> -> memref<200xi32, #tpu.memory_space<hbm>>
      tpu.enqueue_dma source(%dma_start3A_600 : memref<200xi32, #tpu.memory_space<hbm>>) target(%arg6 : memref<200xi32, #tpu.memory_space<vmem>>) target_semaphore(%run_scoped3A : memref<!tpu.dma_semaphore, #tpu.memory_space<semaphore_mem>>)
      %dma_wait3A_601 = tpu.memref_slice %arg3[%add3A_157] : memref<160000xi32, #tpu.memory_space<hbm>> -> memref<200xi32, #tpu.memory_space<hbm>>
      %dma_wait3A_602 = tpu.memref_slice %arg3[%add3A_157] : memref<160000xi32, #tpu.memory_space<hbm>> -> memref<200xi32, #tpu.memory_space<hbm>>
      tpu.wait_dma2 semaphore(%run_scoped3A : memref<!tpu.dma_semaphore, #tpu.memory_space<semaphore_mem>>) src(%dma_wait3A_602 : memref<200xi32, #tpu.memory_space<hbm>>) dst(%arg6 : memref<200xi32, #tpu.memory_space<vmem>>)
      tpu.yield
    }) : () -> ()
    %dma_start3A_158 = arith.constant 0 : i32
    %dma_start3A_159 = arith.constant 0 : i32
    %dma_start3A_160 = tpu.memref_slice %arg2[%dma_start3A_158, %dma_start3A_159] : memref<10000x128xi32, #tpu.memory_space<hbm>> -> memref<10000x128xi32, #tpu.memory_space<hbm>>
    tpu.enqueue_indirect_dma source(%dma_start3A_160 : memref<10000x128xi32, #tpu.memory_space<hbm>>) target(%arg8 : memref<200x128xi32, #tpu.memory_space<vmem>>) offsets(%arg6 : memref<200xi32, #tpu.memory_space<vmem>>) semaphore(%arg10 : memref<!tpu.dma_semaphore, #tpu.memory_space<semaphore_mem>>)
    %mul3A_161 = arith.constant 5000 : i32
    %mul3A_162 = arith.muli %add3A, %mul3A_161 : i32
    %add3A_163 = arith.constant 1200 : i32
    %add3A_164 = arith.addi %mul3A_162, %add3A_163 : i32
    %dma_wait3A_165 = arith.constant 0 : i32
    %dma_wait3A_166 = arith.constant 0 : i32
    %dma_wait3A_167 = tpu.memref_slice %arg2[%dma_wait3A_165, %dma_wait3A_166] : memref<10000x128xi32, #tpu.memory_space<hbm>> -> memref<10000x128xi32, #tpu.memory_space<hbm>>
    tpu.wait_indirect_dma semaphore(%arg9 : memref<!tpu.dma_semaphore, #tpu.memory_space<semaphore_mem>>) src(%dma_wait3A_167 : memref<10000x128xi32, #tpu.memory_space<hbm>>) dst(%arg7 : memref<200x128xi32, #tpu.memory_space<vmem>>)
    %dma_start3A_168 = arith.constant 0 : i32
    %dma_start3A_169 = tpu.memref_slice %arg4[%add3A_164, %dma_start3A_168] : memref<160000x128xi32, #tpu.memory_space<hbm>> -> memref<200x128xi32, #tpu.memory_space<hbm>>
    %dma_start3A_170 = arith.constant 0 : i32
    %dma_start3A_171 = tpu.memref_slice %arg4[%add3A_164, %dma_start3A_170] : memref<160000x128xi32, #tpu.memory_space<hbm>> -> memref<200x128xi32, #tpu.memory_space<hbm>>
    tpu.enqueue_dma source(%arg7 : memref<200x128xi32, #tpu.memory_space<vmem>>) target(%dma_start3A_171 : memref<200x128xi32, #tpu.memory_space<hbm>>) target_semaphore(%arg11 : memref<!tpu.dma_semaphore, #tpu.memory_space<semaphore_mem>>)
    %mul3A_172 = arith.constant 5000 : i32
    %mul3A_173 = arith.muli %add3A, %mul3A_172 : i32
    %add3A_174 = arith.constant 1600 : i32
    %add3A_175 = arith.addi %mul3A_173, %add3A_174 : i32
    %dma_wait3A_176 = arith.constant 0 : i32
    %dma_wait3A_177 = tpu.memref_slice %arg4[%add3A_164, %dma_wait3A_176] : memref<160000x128xi32, #tpu.memory_space<hbm>> -> memref<200x128xi32, #tpu.memory_space<hbm>>
    %dma_wait3A_178 = arith.constant 0 : i32
    %dma_wait3A_179 = tpu.memref_slice %arg4[%add3A_164, %dma_wait3A_178] : memref<160000x128xi32, #tpu.memory_space<hbm>> -> memref<200x128xi32, #tpu.memory_space<hbm>>
    tpu.wait_dma2 semaphore(%arg11 : memref<!tpu.dma_semaphore, #tpu.memory_space<semaphore_mem>>) src(%arg7 : memref<200x128xi32, #tpu.memory_space<vmem>>) dst(%dma_wait3A_179 : memref<200x128xi32, #tpu.memory_space<hbm>>)
    %add3A_180 = arith.constant 0 : i32
    %add3A_181 = arith.addi %add3A_180, %add3A_175 : i32
    "tpu.region"() ({
      %run_scoped3A = tpu.sem_alloc : memref<!tpu.dma_semaphore, #tpu.memory_space<semaphore_mem>>
      %dma_start3A_599 = tpu.memref_slice %arg3[%add3A_181] : memref<160000xi32, #tpu.memory_space<hbm>> -> memref<200xi32, #tpu.memory_space<hbm>>
      %dma_start3A_600 = tpu.memref_slice %arg3[%add3A_181] : memref<160000xi32, #tpu.memory_space<hbm>> -> memref<200xi32, #tpu.memory_space<hbm>>
      tpu.enqueue_dma source(%dma_start3A_600 : memref<200xi32, #tpu.memory_space<hbm>>) target(%arg5 : memref<200xi32, #tpu.memory_space<vmem>>) target_semaphore(%run_scoped3A : memref<!tpu.dma_semaphore, #tpu.memory_space<semaphore_mem>>)
      %dma_wait3A_601 = tpu.memref_slice %arg3[%add3A_181] : memref<160000xi32, #tpu.memory_space<hbm>> -> memref<200xi32, #tpu.memory_space<hbm>>
      %dma_wait3A_602 = tpu.memref_slice %arg3[%add3A_181] : memref<160000xi32, #tpu.memory_space<hbm>> -> memref<200xi32, #tpu.memory_space<hbm>>
      tpu.wait_dma2 semaphore(%run_scoped3A : memref<!tpu.dma_semaphore, #tpu.memory_space<semaphore_mem>>) src(%dma_wait3A_602 : memref<200xi32, #tpu.memory_space<hbm>>) dst(%arg5 : memref<200xi32, #tpu.memory_space<vmem>>)
      tpu.yield
    }) : () -> ()
    %dma_start3A_182 = arith.constant 0 : i32
    %dma_start3A_183 = arith.constant 0 : i32
    %dma_start3A_184 = tpu.memref_slice %arg2[%dma_start3A_182, %dma_start3A_183] : memref<10000x128xi32, #tpu.memory_space<hbm>> -> memref<10000x128xi32, #tpu.memory_space<hbm>>
    tpu.enqueue_indirect_dma source(%dma_start3A_184 : memref<10000x128xi32, #tpu.memory_space<hbm>>) target(%arg7 : memref<200x128xi32, #tpu.memory_space<vmem>>) offsets(%arg5 : memref<200xi32, #tpu.memory_space<vmem>>) semaphore(%arg9 : memref<!tpu.dma_semaphore, #tpu.memory_space<semaphore_mem>>)
    %mul3A_185 = arith.constant 5000 : i32
    %mul3A_186 = arith.muli %add3A, %mul3A_185 : i32
    %add3A_187 = arith.constant 1400 : i32
    %add3A_188 = arith.addi %mul3A_186, %add3A_187 : i32
    %dma_wait3A_189 = arith.constant 0 : i32
    %dma_wait3A_190 = arith.constant 0 : i32
    %dma_wait3A_191 = tpu.memref_slice %arg2[%dma_wait3A_189, %dma_wait3A_190] : memref<10000x128xi32, #tpu.memory_space<hbm>> -> memref<10000x128xi32, #tpu.memory_space<hbm>>
    tpu.wait_indirect_dma semaphore(%arg10 : memref<!tpu.dma_semaphore, #tpu.memory_space<semaphore_mem>>) src(%dma_wait3A_191 : memref<10000x128xi32, #tpu.memory_space<hbm>>) dst(%arg8 : memref<200x128xi32, #tpu.memory_space<vmem>>)
    %dma_start3A_192 = arith.constant 0 : i32
    %dma_start3A_193 = tpu.memref_slice %arg4[%add3A_188, %dma_start3A_192] : memref<160000x128xi32, #tpu.memory_space<hbm>> -> memref<200x128xi32, #tpu.memory_space<hbm>>
    %dma_start3A_194 = arith.constant 0 : i32
    %dma_start3A_195 = tpu.memref_slice %arg4[%add3A_188, %dma_start3A_194] : memref<160000x128xi32, #tpu.memory_space<hbm>> -> memref<200x128xi32, #tpu.memory_space<hbm>>
    tpu.enqueue_dma source(%arg8 : memref<200x128xi32, #tpu.memory_space<vmem>>) target(%dma_start3A_195 : memref<200x128xi32, #tpu.memory_space<hbm>>) target_semaphore(%arg12 : memref<!tpu.dma_semaphore, #tpu.memory_space<semaphore_mem>>)
    %mul3A_196 = arith.constant 5000 : i32
    %mul3A_197 = arith.muli %add3A, %mul3A_196 : i32
    %add3A_198 = arith.constant 1800 : i32
    %add3A_199 = arith.addi %mul3A_197, %add3A_198 : i32
    %dma_wait3A_200 = arith.constant 0 : i32
    %dma_wait3A_201 = tpu.memref_slice %arg4[%add3A_188, %dma_wait3A_200] : memref<160000x128xi32, #tpu.memory_space<hbm>> -> memref<200x128xi32, #tpu.memory_space<hbm>>
    %dma_wait3A_202 = arith.constant 0 : i32
    %dma_wait3A_203 = tpu.memref_slice %arg4[%add3A_188, %dma_wait3A_202] : memref<160000x128xi32, #tpu.memory_space<hbm>> -> memref<200x128xi32, #tpu.memory_space<hbm>>
    tpu.wait_dma2 semaphore(%arg12 : memref<!tpu.dma_semaphore, #tpu.memory_space<semaphore_mem>>) src(%arg8 : memref<200x128xi32, #tpu.memory_space<vmem>>) dst(%dma_wait3A_203 : memref<200x128xi32, #tpu.memory_space<hbm>>)
    %add3A_204 = arith.constant 0 : i32
    %add3A_205 = arith.addi %add3A_204, %add3A_199 : i32
    "tpu.region"() ({
      %run_scoped3A = tpu.sem_alloc : memref<!tpu.dma_semaphore, #tpu.memory_space<semaphore_mem>>
      %dma_start3A_599 = tpu.memref_slice %arg3[%add3A_205] : memref<160000xi32, #tpu.memory_space<hbm>> -> memref<200xi32, #tpu.memory_space<hbm>>
      %dma_start3A_600 = tpu.memref_slice %arg3[%add3A_205] : memref<160000xi32, #tpu.memory_space<hbm>> -> memref<200xi32, #tpu.memory_space<hbm>>
      tpu.enqueue_dma source(%dma_start3A_600 : memref<200xi32, #tpu.memory_space<hbm>>) target(%arg6 : memref<200xi32, #tpu.memory_space<vmem>>) target_semaphore(%run_scoped3A : memref<!tpu.dma_semaphore, #tpu.memory_space<semaphore_mem>>)
      %dma_wait3A_601 = tpu.memref_slice %arg3[%add3A_205] : memref<160000xi32, #tpu.memory_space<hbm>> -> memref<200xi32, #tpu.memory_space<hbm>>
      %dma_wait3A_602 = tpu.memref_slice %arg3[%add3A_205] : memref<160000xi32, #tpu.memory_space<hbm>> -> memref<200xi32, #tpu.memory_space<hbm>>
      tpu.wait_dma2 semaphore(%run_scoped3A : memref<!tpu.dma_semaphore, #tpu.memory_space<semaphore_mem>>) src(%dma_wait3A_602 : memref<200xi32, #tpu.memory_space<hbm>>) dst(%arg6 : memref<200xi32, #tpu.memory_space<vmem>>)
      tpu.yield
    }) : () -> ()
    %dma_start3A_206 = arith.constant 0 : i32
    %dma_start3A_207 = arith.constant 0 : i32
    %dma_start3A_208 = tpu.memref_slice %arg2[%dma_start3A_206, %dma_start3A_207] : memref<10000x128xi32, #tpu.memory_space<hbm>> -> memref<10000x128xi32, #tpu.memory_space<hbm>>
    tpu.enqueue_indirect_dma source(%dma_start3A_208 : memref<10000x128xi32, #tpu.memory_space<hbm>>) target(%arg8 : memref<200x128xi32, #tpu.memory_space<vmem>>) offsets(%arg6 : memref<200xi32, #tpu.memory_space<vmem>>) semaphore(%arg10 : memref<!tpu.dma_semaphore, #tpu.memory_space<semaphore_mem>>)
    %mul3A_209 = arith.constant 5000 : i32
    %mul3A_210 = arith.muli %add3A, %mul3A_209 : i32
    %add3A_211 = arith.constant 1600 : i32
    %add3A_212 = arith.addi %mul3A_210, %add3A_211 : i32
    %dma_wait3A_213 = arith.constant 0 : i32
    %dma_wait3A_214 = arith.constant 0 : i32
    %dma_wait3A_215 = tpu.memref_slice %arg2[%dma_wait3A_213, %dma_wait3A_214] : memref<10000x128xi32, #tpu.memory_space<hbm>> -> memref<10000x128xi32, #tpu.memory_space<hbm>>
    tpu.wait_indirect_dma semaphore(%arg9 : memref<!tpu.dma_semaphore, #tpu.memory_space<semaphore_mem>>) src(%dma_wait3A_215 : memref<10000x128xi32, #tpu.memory_space<hbm>>) dst(%arg7 : memref<200x128xi32, #tpu.memory_space<vmem>>)
    %dma_start3A_216 = arith.constant 0 : i32
    %dma_start3A_217 = tpu.memref_slice %arg4[%add3A_212, %dma_start3A_216] : memref<160000x128xi32, #tpu.memory_space<hbm>> -> memref<200x128xi32, #tpu.memory_space<hbm>>
    %dma_start3A_218 = arith.constant 0 : i32
    %dma_start3A_219 = tpu.memref_slice %arg4[%add3A_212, %dma_start3A_218] : memref<160000x128xi32, #tpu.memory_space<hbm>> -> memref<200x128xi32, #tpu.memory_space<hbm>>
    tpu.enqueue_dma source(%arg7 : memref<200x128xi32, #tpu.memory_space<vmem>>) target(%dma_start3A_219 : memref<200x128xi32, #tpu.memory_space<hbm>>) target_semaphore(%arg11 : memref<!tpu.dma_semaphore, #tpu.memory_space<semaphore_mem>>)
    %mul3A_220 = arith.constant 5000 : i32
    %mul3A_221 = arith.muli %add3A, %mul3A_220 : i32
    %add3A_222 = arith.constant 2000 : i32
    %add3A_223 = arith.addi %mul3A_221, %add3A_222 : i32
    %dma_wait3A_224 = arith.constant 0 : i32
    %dma_wait3A_225 = tpu.memref_slice %arg4[%add3A_212, %dma_wait3A_224] : memref<160000x128xi32, #tpu.memory_space<hbm>> -> memref<200x128xi32, #tpu.memory_space<hbm>>
    %dma_wait3A_226 = arith.constant 0 : i32
    %dma_wait3A_227 = tpu.memref_slice %arg4[%add3A_212, %dma_wait3A_226] : memref<160000x128xi32, #tpu.memory_space<hbm>> -> memref<200x128xi32, #tpu.memory_space<hbm>>
    tpu.wait_dma2 semaphore(%arg11 : memref<!tpu.dma_semaphore, #tpu.memory_space<semaphore_mem>>) src(%arg7 : memref<200x128xi32, #tpu.memory_space<vmem>>) dst(%dma_wait3A_227 : memref<200x128xi32, #tpu.memory_space<hbm>>)
    %add3A_228 = arith.constant 0 : i32
    %add3A_229 = arith.addi %add3A_228, %add3A_223 : i32
    "tpu.region"() ({
      %run_scoped3A = tpu.sem_alloc : memref<!tpu.dma_semaphore, #tpu.memory_space<semaphore_mem>>
      %dma_start3A_599 = tpu.memref_slice %arg3[%add3A_229] : memref<160000xi32, #tpu.memory_space<hbm>> -> memref<200xi32, #tpu.memory_space<hbm>>
      %dma_start3A_600 = tpu.memref_slice %arg3[%add3A_229] : memref<160000xi32, #tpu.memory_space<hbm>> -> memref<200xi32, #tpu.memory_space<hbm>>
      tpu.enqueue_dma source(%dma_start3A_600 : memref<200xi32, #tpu.memory_space<hbm>>) target(%arg5 : memref<200xi32, #tpu.memory_space<vmem>>) target_semaphore(%run_scoped3A : memref<!tpu.dma_semaphore, #tpu.memory_space<semaphore_mem>>)
      %dma_wait3A_601 = tpu.memref_slice %arg3[%add3A_229] : memref<160000xi32, #tpu.memory_space<hbm>> -> memref<200xi32, #tpu.memory_space<hbm>>
      %dma_wait3A_602 = tpu.memref_slice %arg3[%add3A_229] : memref<160000xi32, #tpu.memory_space<hbm>> -> memref<200xi32, #tpu.memory_space<hbm>>
      tpu.wait_dma2 semaphore(%run_scoped3A : memref<!tpu.dma_semaphore, #tpu.memory_space<semaphore_mem>>) src(%dma_wait3A_602 : memref<200xi32, #tpu.memory_space<hbm>>) dst(%arg5 : memref<200xi32, #tpu.memory_space<vmem>>)
      tpu.yield
    }) : () -> ()
    %dma_start3A_230 = arith.constant 0 : i32
    %dma_start3A_231 = arith.constant 0 : i32
    %dma_start3A_232 = tpu.memref_slice %arg2[%dma_start3A_230, %dma_start3A_231] : memref<10000x128xi32, #tpu.memory_space<hbm>> -> memref<10000x128xi32, #tpu.memory_space<hbm>>
    tpu.enqueue_indirect_dma source(%dma_start3A_232 : memref<10000x128xi32, #tpu.memory_space<hbm>>) target(%arg7 : memref<200x128xi32, #tpu.memory_space<vmem>>) offsets(%arg5 : memref<200xi32, #tpu.memory_space<vmem>>) semaphore(%arg9 : memref<!tpu.dma_semaphore, #tpu.memory_space<semaphore_mem>>)
    %mul3A_233 = arith.constant 5000 : i32
    %mul3A_234 = arith.muli %add3A, %mul3A_233 : i32
    %add3A_235 = arith.constant 1800 : i32
    %add3A_236 = arith.addi %mul3A_234, %add3A_235 : i32
    %dma_wait3A_237 = arith.constant 0 : i32
    %dma_wait3A_238 = arith.constant 0 : i32
    %dma_wait3A_239 = tpu.memref_slice %arg2[%dma_wait3A_237, %dma_wait3A_238] : memref<10000x128xi32, #tpu.memory_space<hbm>> -> memref<10000x128xi32, #tpu.memory_space<hbm>>
    tpu.wait_indirect_dma semaphore(%arg10 : memref<!tpu.dma_semaphore, #tpu.memory_space<semaphore_mem>>) src(%dma_wait3A_239 : memref<10000x128xi32, #tpu.memory_space<hbm>>) dst(%arg8 : memref<200x128xi32, #tpu.memory_space<vmem>>)
    %dma_start3A_240 = arith.constant 0 : i32
    %dma_start3A_241 = tpu.memref_slice %arg4[%add3A_236, %dma_start3A_240] : memref<160000x128xi32, #tpu.memory_space<hbm>> -> memref<200x128xi32, #tpu.memory_space<hbm>>
    %dma_start3A_242 = arith.constant 0 : i32
    %dma_start3A_243 = tpu.memref_slice %arg4[%add3A_236, %dma_start3A_242] : memref<160000x128xi32, #tpu.memory_space<hbm>> -> memref<200x128xi32, #tpu.memory_space<hbm>>
    tpu.enqueue_dma source(%arg8 : memref<200x128xi32, #tpu.memory_space<vmem>>) target(%dma_start3A_243 : memref<200x128xi32, #tpu.memory_space<hbm>>) target_semaphore(%arg12 : memref<!tpu.dma_semaphore, #tpu.memory_space<semaphore_mem>>)
    %mul3A_244 = arith.constant 5000 : i32
    %mul3A_245 = arith.muli %add3A, %mul3A_244 : i32
    %add3A_246 = arith.constant 2200 : i32
    %add3A_247 = arith.addi %mul3A_245, %add3A_246 : i32
    %dma_wait3A_248 = arith.constant 0 : i32
    %dma_wait3A_249 = tpu.memref_slice %arg4[%add3A_236, %dma_wait3A_248] : memref<160000x128xi32, #tpu.memory_space<hbm>> -> memref<200x128xi32, #tpu.memory_space<hbm>>
    %dma_wait3A_250 = arith.constant 0 : i32
    %dma_wait3A_251 = tpu.memref_slice %arg4[%add3A_236, %dma_wait3A_250] : memref<160000x128xi32, #tpu.memory_space<hbm>> -> memref<200x128xi32, #tpu.memory_space<hbm>>
    tpu.wait_dma2 semaphore(%arg12 : memref<!tpu.dma_semaphore, #tpu.memory_space<semaphore_mem>>) src(%arg8 : memref<200x128xi32, #tpu.memory_space<vmem>>) dst(%dma_wait3A_251 : memref<200x128xi32, #tpu.memory_space<hbm>>)
    %add3A_252 = arith.constant 0 : i32
    %add3A_253 = arith.addi %add3A_252, %add3A_247 : i32
    "tpu.region"() ({
      %run_scoped3A = tpu.sem_alloc : memref<!tpu.dma_semaphore, #tpu.memory_space<semaphore_mem>>
      %dma_start3A_599 = tpu.memref_slice %arg3[%add3A_253] : memref<160000xi32, #tpu.memory_space<hbm>> -> memref<200xi32, #tpu.memory_space<hbm>>
      %dma_start3A_600 = tpu.memref_slice %arg3[%add3A_253] : memref<160000xi32, #tpu.memory_space<hbm>> -> memref<200xi32, #tpu.memory_space<hbm>>
      tpu.enqueue_dma source(%dma_start3A_600 : memref<200xi32, #tpu.memory_space<hbm>>) target(%arg6 : memref<200xi32, #tpu.memory_space<vmem>>) target_semaphore(%run_scoped3A : memref<!tpu.dma_semaphore, #tpu.memory_space<semaphore_mem>>)
      %dma_wait3A_601 = tpu.memref_slice %arg3[%add3A_253] : memref<160000xi32, #tpu.memory_space<hbm>> -> memref<200xi32, #tpu.memory_space<hbm>>
      %dma_wait3A_602 = tpu.memref_slice %arg3[%add3A_253] : memref<160000xi32, #tpu.memory_space<hbm>> -> memref<200xi32, #tpu.memory_space<hbm>>
      tpu.wait_dma2 semaphore(%run_scoped3A : memref<!tpu.dma_semaphore, #tpu.memory_space<semaphore_mem>>) src(%dma_wait3A_602 : memref<200xi32, #tpu.memory_space<hbm>>) dst(%arg6 : memref<200xi32, #tpu.memory_space<vmem>>)
      tpu.yield
    }) : () -> ()
    %dma_start3A_254 = arith.constant 0 : i32
    %dma_start3A_255 = arith.constant 0 : i32
    %dma_start3A_256 = tpu.memref_slice %arg2[%dma_start3A_254, %dma_start3A_255] : memref<10000x128xi32, #tpu.memory_space<hbm>> -> memref<10000x128xi32, #tpu.memory_space<hbm>>
    tpu.enqueue_indirect_dma source(%dma_start3A_256 : memref<10000x128xi32, #tpu.memory_space<hbm>>) target(%arg8 : memref<200x128xi32, #tpu.memory_space<vmem>>) offsets(%arg6 : memref<200xi32, #tpu.memory_space<vmem>>) semaphore(%arg10 : memref<!tpu.dma_semaphore, #tpu.memory_space<semaphore_mem>>)
    %mul3A_257 = arith.constant 5000 : i32
    %mul3A_258 = arith.muli %add3A, %mul3A_257 : i32
    %add3A_259 = arith.constant 2000 : i32
    %add3A_260 = arith.addi %mul3A_258, %add3A_259 : i32
    %dma_wait3A_261 = arith.constant 0 : i32
    %dma_wait3A_262 = arith.constant 0 : i32
    %dma_wait3A_263 = tpu.memref_slice %arg2[%dma_wait3A_261, %dma_wait3A_262] : memref<10000x128xi32, #tpu.memory_space<hbm>> -> memref<10000x128xi32, #tpu.memory_space<hbm>>
    tpu.wait_indirect_dma semaphore(%arg9 : memref<!tpu.dma_semaphore, #tpu.memory_space<semaphore_mem>>) src(%dma_wait3A_263 : memref<10000x128xi32, #tpu.memory_space<hbm>>) dst(%arg7 : memref<200x128xi32, #tpu.memory_space<vmem>>)
    %dma_start3A_264 = arith.constant 0 : i32
    %dma_start3A_265 = tpu.memref_slice %arg4[%add3A_260, %dma_start3A_264] : memref<160000x128xi32, #tpu.memory_space<hbm>> -> memref<200x128xi32, #tpu.memory_space<hbm>>
    %dma_start3A_266 = arith.constant 0 : i32
    %dma_start3A_267 = tpu.memref_slice %arg4[%add3A_260, %dma_start3A_266] : memref<160000x128xi32, #tpu.memory_space<hbm>> -> memref<200x128xi32, #tpu.memory_space<hbm>>
    tpu.enqueue_dma source(%arg7 : memref<200x128xi32, #tpu.memory_space<vmem>>) target(%dma_start3A_267 : memref<200x128xi32, #tpu.memory_space<hbm>>) target_semaphore(%arg11 : memref<!tpu.dma_semaphore, #tpu.memory_space<semaphore_mem>>)
    %mul3A_268 = arith.constant 5000 : i32
    %mul3A_269 = arith.muli %add3A, %mul3A_268 : i32
    %add3A_270 = arith.constant 2400 : i32
    %add3A_271 = arith.addi %mul3A_269, %add3A_270 : i32
    %dma_wait3A_272 = arith.constant 0 : i32
    %dma_wait3A_273 = tpu.memref_slice %arg4[%add3A_260, %dma_wait3A_272] : memref<160000x128xi32, #tpu.memory_space<hbm>> -> memref<200x128xi32, #tpu.memory_space<hbm>>
    %dma_wait3A_274 = arith.constant 0 : i32
    %dma_wait3A_275 = tpu.memref_slice %arg4[%add3A_260, %dma_wait3A_274] : memref<160000x128xi32, #tpu.memory_space<hbm>> -> memref<200x128xi32, #tpu.memory_space<hbm>>
    tpu.wait_dma2 semaphore(%arg11 : memref<!tpu.dma_semaphore, #tpu.memory_space<semaphore_mem>>) src(%arg7 : memref<200x128xi32, #tpu.memory_space<vmem>>) dst(%dma_wait3A_275 : memref<200x128xi32, #tpu.memory_space<hbm>>)
    %add3A_276 = arith.constant 0 : i32
    %add3A_277 = arith.addi %add3A_276, %add3A_271 : i32
    "tpu.region"() ({
      %run_scoped3A = tpu.sem_alloc : memref<!tpu.dma_semaphore, #tpu.memory_space<semaphore_mem>>
      %dma_start3A_599 = tpu.memref_slice %arg3[%add3A_277] : memref<160000xi32, #tpu.memory_space<hbm>> -> memref<200xi32, #tpu.memory_space<hbm>>
      %dma_start3A_600 = tpu.memref_slice %arg3[%add3A_277] : memref<160000xi32, #tpu.memory_space<hbm>> -> memref<200xi32, #tpu.memory_space<hbm>>
      tpu.enqueue_dma source(%dma_start3A_600 : memref<200xi32, #tpu.memory_space<hbm>>) target(%arg5 : memref<200xi32, #tpu.memory_space<vmem>>) target_semaphore(%run_scoped3A : memref<!tpu.dma_semaphore, #tpu.memory_space<semaphore_mem>>)
      %dma_wait3A_601 = tpu.memref_slice %arg3[%add3A_277] : memref<160000xi32, #tpu.memory_space<hbm>> -> memref<200xi32, #tpu.memory_space<hbm>>
      %dma_wait3A_602 = tpu.memref_slice %arg3[%add3A_277] : memref<160000xi32, #tpu.memory_space<hbm>> -> memref<200xi32, #tpu.memory_space<hbm>>
      tpu.wait_dma2 semaphore(%run_scoped3A : memref<!tpu.dma_semaphore, #tpu.memory_space<semaphore_mem>>) src(%dma_wait3A_602 : memref<200xi32, #tpu.memory_space<hbm>>) dst(%arg5 : memref<200xi32, #tpu.memory_space<vmem>>)
      tpu.yield
    }) : () -> ()
    %dma_start3A_278 = arith.constant 0 : i32
    %dma_start3A_279 = arith.constant 0 : i32
    %dma_start3A_280 = tpu.memref_slice %arg2[%dma_start3A_278, %dma_start3A_279] : memref<10000x128xi32, #tpu.memory_space<hbm>> -> memref<10000x128xi32, #tpu.memory_space<hbm>>
    tpu.enqueue_indirect_dma source(%dma_start3A_280 : memref<10000x128xi32, #tpu.memory_space<hbm>>) target(%arg7 : memref<200x128xi32, #tpu.memory_space<vmem>>) offsets(%arg5 : memref<200xi32, #tpu.memory_space<vmem>>) semaphore(%arg9 : memref<!tpu.dma_semaphore, #tpu.memory_space<semaphore_mem>>)
    %mul3A_281 = arith.constant 5000 : i32
    %mul3A_282 = arith.muli %add3A, %mul3A_281 : i32
    %add3A_283 = arith.constant 2200 : i32
    %add3A_284 = arith.addi %mul3A_282, %add3A_283 : i32
    %dma_wait3A_285 = arith.constant 0 : i32
    %dma_wait3A_286 = arith.constant 0 : i32
    %dma_wait3A_287 = tpu.memref_slice %arg2[%dma_wait3A_285, %dma_wait3A_286] : memref<10000x128xi32, #tpu.memory_space<hbm>> -> memref<10000x128xi32, #tpu.memory_space<hbm>>
    tpu.wait_indirect_dma semaphore(%arg10 : memref<!tpu.dma_semaphore, #tpu.memory_space<semaphore_mem>>) src(%dma_wait3A_287 : memref<10000x128xi32, #tpu.memory_space<hbm>>) dst(%arg8 : memref<200x128xi32, #tpu.memory_space<vmem>>)
    %dma_start3A_288 = arith.constant 0 : i32
    %dma_start3A_289 = tpu.memref_slice %arg4[%add3A_284, %dma_start3A_288] : memref<160000x128xi32, #tpu.memory_space<hbm>> -> memref<200x128xi32, #tpu.memory_space<hbm>>
    %dma_start3A_290 = arith.constant 0 : i32
    %dma_start3A_291 = tpu.memref_slice %arg4[%add3A_284, %dma_start3A_290] : memref<160000x128xi32, #tpu.memory_space<hbm>> -> memref<200x128xi32, #tpu.memory_space<hbm>>
    tpu.enqueue_dma source(%arg8 : memref<200x128xi32, #tpu.memory_space<vmem>>) target(%dma_start3A_291 : memref<200x128xi32, #tpu.memory_space<hbm>>) target_semaphore(%arg12 : memref<!tpu.dma_semaphore, #tpu.memory_space<semaphore_mem>>)
    %mul3A_292 = arith.constant 5000 : i32
    %mul3A_293 = arith.muli %add3A, %mul3A_292 : i32
    %add3A_294 = arith.constant 2600 : i32
    %add3A_295 = arith.addi %mul3A_293, %add3A_294 : i32
    %dma_wait3A_296 = arith.constant 0 : i32
    %dma_wait3A_297 = tpu.memref_slice %arg4[%add3A_284, %dma_wait3A_296] : memref<160000x128xi32, #tpu.memory_space<hbm>> -> memref<200x128xi32, #tpu.memory_space<hbm>>
    %dma_wait3A_298 = arith.constant 0 : i32
    %dma_wait3A_299 = tpu.memref_slice %arg4[%add3A_284, %dma_wait3A_298] : memref<160000x128xi32, #tpu.memory_space<hbm>> -> memref<200x128xi32, #tpu.memory_space<hbm>>
    tpu.wait_dma2 semaphore(%arg12 : memref<!tpu.dma_semaphore, #tpu.memory_space<semaphore_mem>>) src(%arg8 : memref<200x128xi32, #tpu.memory_space<vmem>>) dst(%dma_wait3A_299 : memref<200x128xi32, #tpu.memory_space<hbm>>)
    %add3A_300 = arith.constant 0 : i32
    %add3A_301 = arith.addi %add3A_300, %add3A_295 : i32
    "tpu.region"() ({
      %run_scoped3A = tpu.sem_alloc : memref<!tpu.dma_semaphore, #tpu.memory_space<semaphore_mem>>
      %dma_start3A_599 = tpu.memref_slice %arg3[%add3A_301] : memref<160000xi32, #tpu.memory_space<hbm>> -> memref<200xi32, #tpu.memory_space<hbm>>
      %dma_start3A_600 = tpu.memref_slice %arg3[%add3A_301] : memref<160000xi32, #tpu.memory_space<hbm>> -> memref<200xi32, #tpu.memory_space<hbm>>
      tpu.enqueue_dma source(%dma_start3A_600 : memref<200xi32, #tpu.memory_space<hbm>>) target(%arg6 : memref<200xi32, #tpu.memory_space<vmem>>) target_semaphore(%run_scoped3A : memref<!tpu.dma_semaphore, #tpu.memory_space<semaphore_mem>>)
      %dma_wait3A_601 = tpu.memref_slice %arg3[%add3A_301] : memref<160000xi32, #tpu.memory_space<hbm>> -> memref<200xi32, #tpu.memory_space<hbm>>
      %dma_wait3A_602 = tpu.memref_slice %arg3[%add3A_301] : memref<160000xi32, #tpu.memory_space<hbm>> -> memref<200xi32, #tpu.memory_space<hbm>>
      tpu.wait_dma2 semaphore(%run_scoped3A : memref<!tpu.dma_semaphore, #tpu.memory_space<semaphore_mem>>) src(%dma_wait3A_602 : memref<200xi32, #tpu.memory_space<hbm>>) dst(%arg6 : memref<200xi32, #tpu.memory_space<vmem>>)
      tpu.yield
    }) : () -> ()
    %dma_start3A_302 = arith.constant 0 : i32
    %dma_start3A_303 = arith.constant 0 : i32
    %dma_start3A_304 = tpu.memref_slice %arg2[%dma_start3A_302, %dma_start3A_303] : memref<10000x128xi32, #tpu.memory_space<hbm>> -> memref<10000x128xi32, #tpu.memory_space<hbm>>
    tpu.enqueue_indirect_dma source(%dma_start3A_304 : memref<10000x128xi32, #tpu.memory_space<hbm>>) target(%arg8 : memref<200x128xi32, #tpu.memory_space<vmem>>) offsets(%arg6 : memref<200xi32, #tpu.memory_space<vmem>>) semaphore(%arg10 : memref<!tpu.dma_semaphore, #tpu.memory_space<semaphore_mem>>)
    %mul3A_305 = arith.constant 5000 : i32
    %mul3A_306 = arith.muli %add3A, %mul3A_305 : i32
    %add3A_307 = arith.constant 2400 : i32
    %add3A_308 = arith.addi %mul3A_306, %add3A_307 : i32
    %dma_wait3A_309 = arith.constant 0 : i32
    %dma_wait3A_310 = arith.constant 0 : i32
    %dma_wait3A_311 = tpu.memref_slice %arg2[%dma_wait3A_309, %dma_wait3A_310] : memref<10000x128xi32, #tpu.memory_space<hbm>> -> memref<10000x128xi32, #tpu.memory_space<hbm>>
    tpu.wait_indirect_dma semaphore(%arg9 : memref<!tpu.dma_semaphore, #tpu.memory_space<semaphore_mem>>) src(%dma_wait3A_311 : memref<10000x128xi32, #tpu.memory_space<hbm>>) dst(%arg7 : memref<200x128xi32, #tpu.memory_space<vmem>>)
    %dma_start3A_312 = arith.constant 0 : i32
    %dma_start3A_313 = tpu.memref_slice %arg4[%add3A_308, %dma_start3A_312] : memref<160000x128xi32, #tpu.memory_space<hbm>> -> memref<200x128xi32, #tpu.memory_space<hbm>>
    %dma_start3A_314 = arith.constant 0 : i32
    %dma_start3A_315 = tpu.memref_slice %arg4[%add3A_308, %dma_start3A_314] : memref<160000x128xi32, #tpu.memory_space<hbm>> -> memref<200x128xi32, #tpu.memory_space<hbm>>
    tpu.enqueue_dma source(%arg7 : memref<200x128xi32, #tpu.memory_space<vmem>>) target(%dma_start3A_315 : memref<200x128xi32, #tpu.memory_space<hbm>>) target_semaphore(%arg11 : memref<!tpu.dma_semaphore, #tpu.memory_space<semaphore_mem>>)
    %mul3A_316 = arith.constant 5000 : i32
    %mul3A_317 = arith.muli %add3A, %mul3A_316 : i32
    %add3A_318 = arith.constant 2800 : i32
    %add3A_319 = arith.addi %mul3A_317, %add3A_318 : i32
    %dma_wait3A_320 = arith.constant 0 : i32
    %dma_wait3A_321 = tpu.memref_slice %arg4[%add3A_308, %dma_wait3A_320] : memref<160000x128xi32, #tpu.memory_space<hbm>> -> memref<200x128xi32, #tpu.memory_space<hbm>>
    %dma_wait3A_322 = arith.constant 0 : i32
    %dma_wait3A_323 = tpu.memref_slice %arg4[%add3A_308, %dma_wait3A_322] : memref<160000x128xi32, #tpu.memory_space<hbm>> -> memref<200x128xi32, #tpu.memory_space<hbm>>
    tpu.wait_dma2 semaphore(%arg11 : memref<!tpu.dma_semaphore, #tpu.memory_space<semaphore_mem>>) src(%arg7 : memref<200x128xi32, #tpu.memory_space<vmem>>) dst(%dma_wait3A_323 : memref<200x128xi32, #tpu.memory_space<hbm>>)
    %add3A_324 = arith.constant 0 : i32
    %add3A_325 = arith.addi %add3A_324, %add3A_319 : i32
    "tpu.region"() ({
      %run_scoped3A = tpu.sem_alloc : memref<!tpu.dma_semaphore, #tpu.memory_space<semaphore_mem>>
      %dma_start3A_599 = tpu.memref_slice %arg3[%add3A_325] : memref<160000xi32, #tpu.memory_space<hbm>> -> memref<200xi32, #tpu.memory_space<hbm>>
      %dma_start3A_600 = tpu.memref_slice %arg3[%add3A_325] : memref<160000xi32, #tpu.memory_space<hbm>> -> memref<200xi32, #tpu.memory_space<hbm>>
      tpu.enqueue_dma source(%dma_start3A_600 : memref<200xi32, #tpu.memory_space<hbm>>) target(%arg5 : memref<200xi32, #tpu.memory_space<vmem>>) target_semaphore(%run_scoped3A : memref<!tpu.dma_semaphore, #tpu.memory_space<semaphore_mem>>)
      %dma_wait3A_601 = tpu.memref_slice %arg3[%add3A_325] : memref<160000xi32, #tpu.memory_space<hbm>> -> memref<200xi32, #tpu.memory_space<hbm>>
      %dma_wait3A_602 = tpu.memref_slice %arg3[%add3A_325] : memref<160000xi32, #tpu.memory_space<hbm>> -> memref<200xi32, #tpu.memory_space<hbm>>
      tpu.wait_dma2 semaphore(%run_scoped3A : memref<!tpu.dma_semaphore, #tpu.memory_space<semaphore_mem>>) src(%dma_wait3A_602 : memref<200xi32, #tpu.memory_space<hbm>>) dst(%arg5 : memref<200xi32, #tpu.memory_space<vmem>>)
      tpu.yield
    }) : () -> ()
    %dma_start3A_326 = arith.constant 0 : i32
    %dma_start3A_327 = arith.constant 0 : i32
    %dma_start3A_328 = tpu.memref_slice %arg2[%dma_start3A_326, %dma_start3A_327] : memref<10000x128xi32, #tpu.memory_space<hbm>> -> memref<10000x128xi32, #tpu.memory_space<hbm>>
    tpu.enqueue_indirect_dma source(%dma_start3A_328 : memref<10000x128xi32, #tpu.memory_space<hbm>>) target(%arg7 : memref<200x128xi32, #tpu.memory_space<vmem>>) offsets(%arg5 : memref<200xi32, #tpu.memory_space<vmem>>) semaphore(%arg9 : memref<!tpu.dma_semaphore, #tpu.memory_space<semaphore_mem>>)
    %mul3A_329 = arith.constant 5000 : i32
    %mul3A_330 = arith.muli %add3A, %mul3A_329 : i32
    %add3A_331 = arith.constant 2600 : i32
    %add3A_332 = arith.addi %mul3A_330, %add3A_331 : i32
    %dma_wait3A_333 = arith.constant 0 : i32
    %dma_wait3A_334 = arith.constant 0 : i32
    %dma_wait3A_335 = tpu.memref_slice %arg2[%dma_wait3A_333, %dma_wait3A_334] : memref<10000x128xi32, #tpu.memory_space<hbm>> -> memref<10000x128xi32, #tpu.memory_space<hbm>>
    tpu.wait_indirect_dma semaphore(%arg10 : memref<!tpu.dma_semaphore, #tpu.memory_space<semaphore_mem>>) src(%dma_wait3A_335 : memref<10000x128xi32, #tpu.memory_space<hbm>>) dst(%arg8 : memref<200x128xi32, #tpu.memory_space<vmem>>)
    %dma_start3A_336 = arith.constant 0 : i32
    %dma_start3A_337 = tpu.memref_slice %arg4[%add3A_332, %dma_start3A_336] : memref<160000x128xi32, #tpu.memory_space<hbm>> -> memref<200x128xi32, #tpu.memory_space<hbm>>
    %dma_start3A_338 = arith.constant 0 : i32
    %dma_start3A_339 = tpu.memref_slice %arg4[%add3A_332, %dma_start3A_338] : memref<160000x128xi32, #tpu.memory_space<hbm>> -> memref<200x128xi32, #tpu.memory_space<hbm>>
    tpu.enqueue_dma source(%arg8 : memref<200x128xi32, #tpu.memory_space<vmem>>) target(%dma_start3A_339 : memref<200x128xi32, #tpu.memory_space<hbm>>) target_semaphore(%arg12 : memref<!tpu.dma_semaphore, #tpu.memory_space<semaphore_mem>>)
    %mul3A_340 = arith.constant 5000 : i32
    %mul3A_341 = arith.muli %add3A, %mul3A_340 : i32
    %add3A_342 = arith.constant 3000 : i32
    %add3A_343 = arith.addi %mul3A_341, %add3A_342 : i32
    %dma_wait3A_344 = arith.constant 0 : i32
    %dma_wait3A_345 = tpu.memref_slice %arg4[%add3A_332, %dma_wait3A_344] : memref<160000x128xi32, #tpu.memory_space<hbm>> -> memref<200x128xi32, #tpu.memory_space<hbm>>
    %dma_wait3A_346 = arith.constant 0 : i32
    %dma_wait3A_347 = tpu.memref_slice %arg4[%add3A_332, %dma_wait3A_346] : memref<160000x128xi32, #tpu.memory_space<hbm>> -> memref<200x128xi32, #tpu.memory_space<hbm>>
    tpu.wait_dma2 semaphore(%arg12 : memref<!tpu.dma_semaphore, #tpu.memory_space<semaphore_mem>>) src(%arg8 : memref<200x128xi32, #tpu.memory_space<vmem>>) dst(%dma_wait3A_347 : memref<200x128xi32, #tpu.memory_space<hbm>>)
    %add3A_348 = arith.constant 0 : i32
    %add3A_349 = arith.addi %add3A_348, %add3A_343 : i32
    "tpu.region"() ({
      %run_scoped3A = tpu.sem_alloc : memref<!tpu.dma_semaphore, #tpu.memory_space<semaphore_mem>>
      %dma_start3A_599 = tpu.memref_slice %arg3[%add3A_349] : memref<160000xi32, #tpu.memory_space<hbm>> -> memref<200xi32, #tpu.memory_space<hbm>>
      %dma_start3A_600 = tpu.memref_slice %arg3[%add3A_349] : memref<160000xi32, #tpu.memory_space<hbm>> -> memref<200xi32, #tpu.memory_space<hbm>>
      tpu.enqueue_dma source(%dma_start3A_600 : memref<200xi32, #tpu.memory_space<hbm>>) target(%arg6 : memref<200xi32, #tpu.memory_space<vmem>>) target_semaphore(%run_scoped3A : memref<!tpu.dma_semaphore, #tpu.memory_space<semaphore_mem>>)
      %dma_wait3A_601 = tpu.memref_slice %arg3[%add3A_349] : memref<160000xi32, #tpu.memory_space<hbm>> -> memref<200xi32, #tpu.memory_space<hbm>>
      %dma_wait3A_602 = tpu.memref_slice %arg3[%add3A_349] : memref<160000xi32, #tpu.memory_space<hbm>> -> memref<200xi32, #tpu.memory_space<hbm>>
      tpu.wait_dma2 semaphore(%run_scoped3A : memref<!tpu.dma_semaphore, #tpu.memory_space<semaphore_mem>>) src(%dma_wait3A_602 : memref<200xi32, #tpu.memory_space<hbm>>) dst(%arg6 : memref<200xi32, #tpu.memory_space<vmem>>)
      tpu.yield
    }) : () -> ()
    %dma_start3A_350 = arith.constant 0 : i32
    %dma_start3A_351 = arith.constant 0 : i32
    %dma_start3A_352 = tpu.memref_slice %arg2[%dma_start3A_350, %dma_start3A_351] : memref<10000x128xi32, #tpu.memory_space<hbm>> -> memref<10000x128xi32, #tpu.memory_space<hbm>>
    tpu.enqueue_indirect_dma source(%dma_start3A_352 : memref<10000x128xi32, #tpu.memory_space<hbm>>) target(%arg8 : memref<200x128xi32, #tpu.memory_space<vmem>>) offsets(%arg6 : memref<200xi32, #tpu.memory_space<vmem>>) semaphore(%arg10 : memref<!tpu.dma_semaphore, #tpu.memory_space<semaphore_mem>>)
    %mul3A_353 = arith.constant 5000 : i32
    %mul3A_354 = arith.muli %add3A, %mul3A_353 : i32
    %add3A_355 = arith.constant 2800 : i32
    %add3A_356 = arith.addi %mul3A_354, %add3A_355 : i32
    %dma_wait3A_357 = arith.constant 0 : i32
    %dma_wait3A_358 = arith.constant 0 : i32
    %dma_wait3A_359 = tpu.memref_slice %arg2[%dma_wait3A_357, %dma_wait3A_358] : memref<10000x128xi32, #tpu.memory_space<hbm>> -> memref<10000x128xi32, #tpu.memory_space<hbm>>
    tpu.wait_indirect_dma semaphore(%arg9 : memref<!tpu.dma_semaphore, #tpu.memory_space<semaphore_mem>>) src(%dma_wait3A_359 : memref<10000x128xi32, #tpu.memory_space<hbm>>) dst(%arg7 : memref<200x128xi32, #tpu.memory_space<vmem>>)
    %dma_start3A_360 = arith.constant 0 : i32
    %dma_start3A_361 = tpu.memref_slice %arg4[%add3A_356, %dma_start3A_360] : memref<160000x128xi32, #tpu.memory_space<hbm>> -> memref<200x128xi32, #tpu.memory_space<hbm>>
    %dma_start3A_362 = arith.constant 0 : i32
    %dma_start3A_363 = tpu.memref_slice %arg4[%add3A_356, %dma_start3A_362] : memref<160000x128xi32, #tpu.memory_space<hbm>> -> memref<200x128xi32, #tpu.memory_space<hbm>>
    tpu.enqueue_dma source(%arg7 : memref<200x128xi32, #tpu.memory_space<vmem>>) target(%dma_start3A_363 : memref<200x128xi32, #tpu.memory_space<hbm>>) target_semaphore(%arg11 : memref<!tpu.dma_semaphore, #tpu.memory_space<semaphore_mem>>)
    %mul3A_364 = arith.constant 5000 : i32
    %mul3A_365 = arith.muli %add3A, %mul3A_364 : i32
    %add3A_366 = arith.constant 3200 : i32
    %add3A_367 = arith.addi %mul3A_365, %add3A_366 : i32
    %dma_wait3A_368 = arith.constant 0 : i32
    %dma_wait3A_369 = tpu.memref_slice %arg4[%add3A_356, %dma_wait3A_368] : memref<160000x128xi32, #tpu.memory_space<hbm>> -> memref<200x128xi32, #tpu.memory_space<hbm>>
    %dma_wait3A_370 = arith.constant 0 : i32
    %dma_wait3A_371 = tpu.memref_slice %arg4[%add3A_356, %dma_wait3A_370] : memref<160000x128xi32, #tpu.memory_space<hbm>> -> memref<200x128xi32, #tpu.memory_space<hbm>>
    tpu.wait_dma2 semaphore(%arg11 : memref<!tpu.dma_semaphore, #tpu.memory_space<semaphore_mem>>) src(%arg7 : memref<200x128xi32, #tpu.memory_space<vmem>>) dst(%dma_wait3A_371 : memref<200x128xi32, #tpu.memory_space<hbm>>)
    %add3A_372 = arith.constant 0 : i32
    %add3A_373 = arith.addi %add3A_372, %add3A_367 : i32
    "tpu.region"() ({
      %run_scoped3A = tpu.sem_alloc : memref<!tpu.dma_semaphore, #tpu.memory_space<semaphore_mem>>
      %dma_start3A_599 = tpu.memref_slice %arg3[%add3A_373] : memref<160000xi32, #tpu.memory_space<hbm>> -> memref<200xi32, #tpu.memory_space<hbm>>
      %dma_start3A_600 = tpu.memref_slice %arg3[%add3A_373] : memref<160000xi32, #tpu.memory_space<hbm>> -> memref<200xi32, #tpu.memory_space<hbm>>
      tpu.enqueue_dma source(%dma_start3A_600 : memref<200xi32, #tpu.memory_space<hbm>>) target(%arg5 : memref<200xi32, #tpu.memory_space<vmem>>) target_semaphore(%run_scoped3A : memref<!tpu.dma_semaphore, #tpu.memory_space<semaphore_mem>>)
      %dma_wait3A_601 = tpu.memref_slice %arg3[%add3A_373] : memref<160000xi32, #tpu.memory_space<hbm>> -> memref<200xi32, #tpu.memory_space<hbm>>
      %dma_wait3A_602 = tpu.memref_slice %arg3[%add3A_373] : memref<160000xi32, #tpu.memory_space<hbm>> -> memref<200xi32, #tpu.memory_space<hbm>>
      tpu.wait_dma2 semaphore(%run_scoped3A : memref<!tpu.dma_semaphore, #tpu.memory_space<semaphore_mem>>) src(%dma_wait3A_602 : memref<200xi32, #tpu.memory_space<hbm>>) dst(%arg5 : memref<200xi32, #tpu.memory_space<vmem>>)
      tpu.yield
    }) : () -> ()
    %dma_start3A_374 = arith.constant 0 : i32
    %dma_start3A_375 = arith.constant 0 : i32
    %dma_start3A_376 = tpu.memref_slice %arg2[%dma_start3A_374, %dma_start3A_375] : memref<10000x128xi32, #tpu.memory_space<hbm>> -> memref<10000x128xi32, #tpu.memory_space<hbm>>
    tpu.enqueue_indirect_dma source(%dma_start3A_376 : memref<10000x128xi32, #tpu.memory_space<hbm>>) target(%arg7 : memref<200x128xi32, #tpu.memory_space<vmem>>) offsets(%arg5 : memref<200xi32, #tpu.memory_space<vmem>>) semaphore(%arg9 : memref<!tpu.dma_semaphore, #tpu.memory_space<semaphore_mem>>)
    %mul3A_377 = arith.constant 5000 : i32
    %mul3A_378 = arith.muli %add3A, %mul3A_377 : i32
    %add3A_379 = arith.constant 3000 : i32
    %add3A_380 = arith.addi %mul3A_378, %add3A_379 : i32
    %dma_wait3A_381 = arith.constant 0 : i32
    %dma_wait3A_382 = arith.constant 0 : i32
    %dma_wait3A_383 = tpu.memref_slice %arg2[%dma_wait3A_381, %dma_wait3A_382] : memref<10000x128xi32, #tpu.memory_space<hbm>> -> memref<10000x128xi32, #tpu.memory_space<hbm>>
    tpu.wait_indirect_dma semaphore(%arg10 : memref<!tpu.dma_semaphore, #tpu.memory_space<semaphore_mem>>) src(%dma_wait3A_383 : memref<10000x128xi32, #tpu.memory_space<hbm>>) dst(%arg8 : memref<200x128xi32, #tpu.memory_space<vmem>>)
    %dma_start3A_384 = arith.constant 0 : i32
    %dma_start3A_385 = tpu.memref_slice %arg4[%add3A_380, %dma_start3A_384] : memref<160000x128xi32, #tpu.memory_space<hbm>> -> memref<200x128xi32, #tpu.memory_space<hbm>>
    %dma_start3A_386 = arith.constant 0 : i32
    %dma_start3A_387 = tpu.memref_slice %arg4[%add3A_380, %dma_start3A_386] : memref<160000x128xi32, #tpu.memory_space<hbm>> -> memref<200x128xi32, #tpu.memory_space<hbm>>
    tpu.enqueue_dma source(%arg8 : memref<200x128xi32, #tpu.memory_space<vmem>>) target(%dma_start3A_387 : memref<200x128xi32, #tpu.memory_space<hbm>>) target_semaphore(%arg12 : memref<!tpu.dma_semaphore, #tpu.memory_space<semaphore_mem>>)
    %mul3A_388 = arith.constant 5000 : i32
    %mul3A_389 = arith.muli %add3A, %mul3A_388 : i32
    %add3A_390 = arith.constant 3400 : i32
    %add3A_391 = arith.addi %mul3A_389, %add3A_390 : i32
    %dma_wait3A_392 = arith.constant 0 : i32
    %dma_wait3A_393 = tpu.memref_slice %arg4[%add3A_380, %dma_wait3A_392] : memref<160000x128xi32, #tpu.memory_space<hbm>> -> memref<200x128xi32, #tpu.memory_space<hbm>>
    %dma_wait3A_394 = arith.constant 0 : i32
    %dma_wait3A_395 = tpu.memref_slice %arg4[%add3A_380, %dma_wait3A_394] : memref<160000x128xi32, #tpu.memory_space<hbm>> -> memref<200x128xi32, #tpu.memory_space<hbm>>
    tpu.wait_dma2 semaphore(%arg12 : memref<!tpu.dma_semaphore, #tpu.memory_space<semaphore_mem>>) src(%arg8 : memref<200x128xi32, #tpu.memory_space<vmem>>) dst(%dma_wait3A_395 : memref<200x128xi32, #tpu.memory_space<hbm>>)
    %add3A_396 = arith.constant 0 : i32
    %add3A_397 = arith.addi %add3A_396, %add3A_391 : i32
    "tpu.region"() ({
      %run_scoped3A = tpu.sem_alloc : memref<!tpu.dma_semaphore, #tpu.memory_space<semaphore_mem>>
      %dma_start3A_599 = tpu.memref_slice %arg3[%add3A_397] : memref<160000xi32, #tpu.memory_space<hbm>> -> memref<200xi32, #tpu.memory_space<hbm>>
      %dma_start3A_600 = tpu.memref_slice %arg3[%add3A_397] : memref<160000xi32, #tpu.memory_space<hbm>> -> memref<200xi32, #tpu.memory_space<hbm>>
      tpu.enqueue_dma source(%dma_start3A_600 : memref<200xi32, #tpu.memory_space<hbm>>) target(%arg6 : memref<200xi32, #tpu.memory_space<vmem>>) target_semaphore(%run_scoped3A : memref<!tpu.dma_semaphore, #tpu.memory_space<semaphore_mem>>)
      %dma_wait3A_601 = tpu.memref_slice %arg3[%add3A_397] : memref<160000xi32, #tpu.memory_space<hbm>> -> memref<200xi32, #tpu.memory_space<hbm>>
      %dma_wait3A_602 = tpu.memref_slice %arg3[%add3A_397] : memref<160000xi32, #tpu.memory_space<hbm>> -> memref<200xi32, #tpu.memory_space<hbm>>
      tpu.wait_dma2 semaphore(%run_scoped3A : memref<!tpu.dma_semaphore, #tpu.memory_space<semaphore_mem>>) src(%dma_wait3A_602 : memref<200xi32, #tpu.memory_space<hbm>>) dst(%arg6 : memref<200xi32, #tpu.memory_space<vmem>>)
      tpu.yield
    }) : () -> ()
    %dma_start3A_398 = arith.constant 0 : i32
    %dma_start3A_399 = arith.constant 0 : i32
    %dma_start3A_400 = tpu.memref_slice %arg2[%dma_start3A_398, %dma_start3A_399] : memref<10000x128xi32, #tpu.memory_space<hbm>> -> memref<10000x128xi32, #tpu.memory_space<hbm>>
    tpu.enqueue_indirect_dma source(%dma_start3A_400 : memref<10000x128xi32, #tpu.memory_space<hbm>>) target(%arg8 : memref<200x128xi32, #tpu.memory_space<vmem>>) offsets(%arg6 : memref<200xi32, #tpu.memory_space<vmem>>) semaphore(%arg10 : memref<!tpu.dma_semaphore, #tpu.memory_space<semaphore_mem>>)
    %mul3A_401 = arith.constant 5000 : i32
    %mul3A_402 = arith.muli %add3A, %mul3A_401 : i32
    %add3A_403 = arith.constant 3200 : i32
    %add3A_404 = arith.addi %mul3A_402, %add3A_403 : i32
    %dma_wait3A_405 = arith.constant 0 : i32
    %dma_wait3A_406 = arith.constant 0 : i32
    %dma_wait3A_407 = tpu.memref_slice %arg2[%dma_wait3A_405, %dma_wait3A_406] : memref<10000x128xi32, #tpu.memory_space<hbm>> -> memref<10000x128xi32, #tpu.memory_space<hbm>>
    tpu.wait_indirect_dma semaphore(%arg9 : memref<!tpu.dma_semaphore, #tpu.memory_space<semaphore_mem>>) src(%dma_wait3A_407 : memref<10000x128xi32, #tpu.memory_space<hbm>>) dst(%arg7 : memref<200x128xi32, #tpu.memory_space<vmem>>)
    %dma_start3A_408 = arith.constant 0 : i32
    %dma_start3A_409 = tpu.memref_slice %arg4[%add3A_404, %dma_start3A_408] : memref<160000x128xi32, #tpu.memory_space<hbm>> -> memref<200x128xi32, #tpu.memory_space<hbm>>
    %dma_start3A_410 = arith.constant 0 : i32
    %dma_start3A_411 = tpu.memref_slice %arg4[%add3A_404, %dma_start3A_410] : memref<160000x128xi32, #tpu.memory_space<hbm>> -> memref<200x128xi32, #tpu.memory_space<hbm>>
    tpu.enqueue_dma source(%arg7 : memref<200x128xi32, #tpu.memory_space<vmem>>) target(%dma_start3A_411 : memref<200x128xi32, #tpu.memory_space<hbm>>) target_semaphore(%arg11 : memref<!tpu.dma_semaphore, #tpu.memory_space<semaphore_mem>>)
    %mul3A_412 = arith.constant 5000 : i32
    %mul3A_413 = arith.muli %add3A, %mul3A_412 : i32
    %add3A_414 = arith.constant 3600 : i32
    %add3A_415 = arith.addi %mul3A_413, %add3A_414 : i32
    %dma_wait3A_416 = arith.constant 0 : i32
    %dma_wait3A_417 = tpu.memref_slice %arg4[%add3A_404, %dma_wait3A_416] : memref<160000x128xi32, #tpu.memory_space<hbm>> -> memref<200x128xi32, #tpu.memory_space<hbm>>
    %dma_wait3A_418 = arith.constant 0 : i32
    %dma_wait3A_419 = tpu.memref_slice %arg4[%add3A_404, %dma_wait3A_418] : memref<160000x128xi32, #tpu.memory_space<hbm>> -> memref<200x128xi32, #tpu.memory_space<hbm>>
    tpu.wait_dma2 semaphore(%arg11 : memref<!tpu.dma_semaphore, #tpu.memory_space<semaphore_mem>>) src(%arg7 : memref<200x128xi32, #tpu.memory_space<vmem>>) dst(%dma_wait3A_419 : memref<200x128xi32, #tpu.memory_space<hbm>>)
    %add3A_420 = arith.constant 0 : i32
    %add3A_421 = arith.addi %add3A_420, %add3A_415 : i32
    "tpu.region"() ({
      %run_scoped3A = tpu.sem_alloc : memref<!tpu.dma_semaphore, #tpu.memory_space<semaphore_mem>>
      %dma_start3A_599 = tpu.memref_slice %arg3[%add3A_421] : memref<160000xi32, #tpu.memory_space<hbm>> -> memref<200xi32, #tpu.memory_space<hbm>>
      %dma_start3A_600 = tpu.memref_slice %arg3[%add3A_421] : memref<160000xi32, #tpu.memory_space<hbm>> -> memref<200xi32, #tpu.memory_space<hbm>>
      tpu.enqueue_dma source(%dma_start3A_600 : memref<200xi32, #tpu.memory_space<hbm>>) target(%arg5 : memref<200xi32, #tpu.memory_space<vmem>>) target_semaphore(%run_scoped3A : memref<!tpu.dma_semaphore, #tpu.memory_space<semaphore_mem>>)
      %dma_wait3A_601 = tpu.memref_slice %arg3[%add3A_421] : memref<160000xi32, #tpu.memory_space<hbm>> -> memref<200xi32, #tpu.memory_space<hbm>>
      %dma_wait3A_602 = tpu.memref_slice %arg3[%add3A_421] : memref<160000xi32, #tpu.memory_space<hbm>> -> memref<200xi32, #tpu.memory_space<hbm>>
      tpu.wait_dma2 semaphore(%run_scoped3A : memref<!tpu.dma_semaphore, #tpu.memory_space<semaphore_mem>>) src(%dma_wait3A_602 : memref<200xi32, #tpu.memory_space<hbm>>) dst(%arg5 : memref<200xi32, #tpu.memory_space<vmem>>)
      tpu.yield
    }) : () -> ()
    %dma_start3A_422 = arith.constant 0 : i32
    %dma_start3A_423 = arith.constant 0 : i32
    %dma_start3A_424 = tpu.memref_slice %arg2[%dma_start3A_422, %dma_start3A_423] : memref<10000x128xi32, #tpu.memory_space<hbm>> -> memref<10000x128xi32, #tpu.memory_space<hbm>>
    tpu.enqueue_indirect_dma source(%dma_start3A_424 : memref<10000x128xi32, #tpu.memory_space<hbm>>) target(%arg7 : memref<200x128xi32, #tpu.memory_space<vmem>>) offsets(%arg5 : memref<200xi32, #tpu.memory_space<vmem>>) semaphore(%arg9 : memref<!tpu.dma_semaphore, #tpu.memory_space<semaphore_mem>>)
    %mul3A_425 = arith.constant 5000 : i32
    %mul3A_426 = arith.muli %add3A, %mul3A_425 : i32
    %add3A_427 = arith.constant 3400 : i32
    %add3A_428 = arith.addi %mul3A_426, %add3A_427 : i32
    %dma_wait3A_429 = arith.constant 0 : i32
    %dma_wait3A_430 = arith.constant 0 : i32
    %dma_wait3A_431 = tpu.memref_slice %arg2[%dma_wait3A_429, %dma_wait3A_430] : memref<10000x128xi32, #tpu.memory_space<hbm>> -> memref<10000x128xi32, #tpu.memory_space<hbm>>
    tpu.wait_indirect_dma semaphore(%arg10 : memref<!tpu.dma_semaphore, #tpu.memory_space<semaphore_mem>>) src(%dma_wait3A_431 : memref<10000x128xi32, #tpu.memory_space<hbm>>) dst(%arg8 : memref<200x128xi32, #tpu.memory_space<vmem>>)
    %dma_start3A_432 = arith.constant 0 : i32
    %dma_start3A_433 = tpu.memref_slice %arg4[%add3A_428, %dma_start3A_432] : memref<160000x128xi32, #tpu.memory_space<hbm>> -> memref<200x128xi32, #tpu.memory_space<hbm>>
    %dma_start3A_434 = arith.constant 0 : i32
    %dma_start3A_435 = tpu.memref_slice %arg4[%add3A_428, %dma_start3A_434] : memref<160000x128xi32, #tpu.memory_space<hbm>> -> memref<200x128xi32, #tpu.memory_space<hbm>>
    tpu.enqueue_dma source(%arg8 : memref<200x128xi32, #tpu.memory_space<vmem>>) target(%dma_start3A_435 : memref<200x128xi32, #tpu.memory_space<hbm>>) target_semaphore(%arg12 : memref<!tpu.dma_semaphore, #tpu.memory_space<semaphore_mem>>)
    %mul3A_436 = arith.constant 5000 : i32
    %mul3A_437 = arith.muli %add3A, %mul3A_436 : i32
    %add3A_438 = arith.constant 3800 : i32
    %add3A_439 = arith.addi %mul3A_437, %add3A_438 : i32
    %dma_wait3A_440 = arith.constant 0 : i32
    %dma_wait3A_441 = tpu.memref_slice %arg4[%add3A_428, %dma_wait3A_440] : memref<160000x128xi32, #tpu.memory_space<hbm>> -> memref<200x128xi32, #tpu.memory_space<hbm>>
    %dma_wait3A_442 = arith.constant 0 : i32
    %dma_wait3A_443 = tpu.memref_slice %arg4[%add3A_428, %dma_wait3A_442] : memref<160000x128xi32, #tpu.memory_space<hbm>> -> memref<200x128xi32, #tpu.memory_space<hbm>>
    tpu.wait_dma2 semaphore(%arg12 : memref<!tpu.dma_semaphore, #tpu.memory_space<semaphore_mem>>) src(%arg8 : memref<200x128xi32, #tpu.memory_space<vmem>>) dst(%dma_wait3A_443 : memref<200x128xi32, #tpu.memory_space<hbm>>)
    %add3A_444 = arith.constant 0 : i32
    %add3A_445 = arith.addi %add3A_444, %add3A_439 : i32
    "tpu.region"() ({
      %run_scoped3A = tpu.sem_alloc : memref<!tpu.dma_semaphore, #tpu.memory_space<semaphore_mem>>
      %dma_start3A_599 = tpu.memref_slice %arg3[%add3A_445] : memref<160000xi32, #tpu.memory_space<hbm>> -> memref<200xi32, #tpu.memory_space<hbm>>
      %dma_start3A_600 = tpu.memref_slice %arg3[%add3A_445] : memref<160000xi32, #tpu.memory_space<hbm>> -> memref<200xi32, #tpu.memory_space<hbm>>
      tpu.enqueue_dma source(%dma_start3A_600 : memref<200xi32, #tpu.memory_space<hbm>>) target(%arg6 : memref<200xi32, #tpu.memory_space<vmem>>) target_semaphore(%run_scoped3A : memref<!tpu.dma_semaphore, #tpu.memory_space<semaphore_mem>>)
      %dma_wait3A_601 = tpu.memref_slice %arg3[%add3A_445] : memref<160000xi32, #tpu.memory_space<hbm>> -> memref<200xi32, #tpu.memory_space<hbm>>
      %dma_wait3A_602 = tpu.memref_slice %arg3[%add3A_445] : memref<160000xi32, #tpu.memory_space<hbm>> -> memref<200xi32, #tpu.memory_space<hbm>>
      tpu.wait_dma2 semaphore(%run_scoped3A : memref<!tpu.dma_semaphore, #tpu.memory_space<semaphore_mem>>) src(%dma_wait3A_602 : memref<200xi32, #tpu.memory_space<hbm>>) dst(%arg6 : memref<200xi32, #tpu.memory_space<vmem>>)
      tpu.yield
    }) : () -> ()
    %dma_start3A_446 = arith.constant 0 : i32
    %dma_start3A_447 = arith.constant 0 : i32
    %dma_start3A_448 = tpu.memref_slice %arg2[%dma_start3A_446, %dma_start3A_447] : memref<10000x128xi32, #tpu.memory_space<hbm>> -> memref<10000x128xi32, #tpu.memory_space<hbm>>
    tpu.enqueue_indirect_dma source(%dma_start3A_448 : memref<10000x128xi32, #tpu.memory_space<hbm>>) target(%arg8 : memref<200x128xi32, #tpu.memory_space<vmem>>) offsets(%arg6 : memref<200xi32, #tpu.memory_space<vmem>>) semaphore(%arg10 : memref<!tpu.dma_semaphore, #tpu.memory_space<semaphore_mem>>)
    %mul3A_449 = arith.constant 5000 : i32
    %mul3A_450 = arith.muli %add3A, %mul3A_449 : i32
    %add3A_451 = arith.constant 3600 : i32
    %add3A_452 = arith.addi %mul3A_450, %add3A_451 : i32
    %dma_wait3A_453 = arith.constant 0 : i32
    %dma_wait3A_454 = arith.constant 0 : i32
    %dma_wait3A_455 = tpu.memref_slice %arg2[%dma_wait3A_453, %dma_wait3A_454] : memref<10000x128xi32, #tpu.memory_space<hbm>> -> memref<10000x128xi32, #tpu.memory_space<hbm>>
    tpu.wait_indirect_dma semaphore(%arg9 : memref<!tpu.dma_semaphore, #tpu.memory_space<semaphore_mem>>) src(%dma_wait3A_455 : memref<10000x128xi32, #tpu.memory_space<hbm>>) dst(%arg7 : memref<200x128xi32, #tpu.memory_space<vmem>>)
    %dma_start3A_456 = arith.constant 0 : i32
    %dma_start3A_457 = tpu.memref_slice %arg4[%add3A_452, %dma_start3A_456] : memref<160000x128xi32, #tpu.memory_space<hbm>> -> memref<200x128xi32, #tpu.memory_space<hbm>>
    %dma_start3A_458 = arith.constant 0 : i32
    %dma_start3A_459 = tpu.memref_slice %arg4[%add3A_452, %dma_start3A_458] : memref<160000x128xi32, #tpu.memory_space<hbm>> -> memref<200x128xi32, #tpu.memory_space<hbm>>
    tpu.enqueue_dma source(%arg7 : memref<200x128xi32, #tpu.memory_space<vmem>>) target(%dma_start3A_459 : memref<200x128xi32, #tpu.memory_space<hbm>>) target_semaphore(%arg11 : memref<!tpu.dma_semaphore, #tpu.memory_space<semaphore_mem>>)
    %mul3A_460 = arith.constant 5000 : i32
    %mul3A_461 = arith.muli %add3A, %mul3A_460 : i32
    %add3A_462 = arith.constant 4000 : i32
    %add3A_463 = arith.addi %mul3A_461, %add3A_462 : i32
    %dma_wait3A_464 = arith.constant 0 : i32
    %dma_wait3A_465 = tpu.memref_slice %arg4[%add3A_452, %dma_wait3A_464] : memref<160000x128xi32, #tpu.memory_space<hbm>> -> memref<200x128xi32, #tpu.memory_space<hbm>>
    %dma_wait3A_466 = arith.constant 0 : i32
    %dma_wait3A_467 = tpu.memref_slice %arg4[%add3A_452, %dma_wait3A_466] : memref<160000x128xi32, #tpu.memory_space<hbm>> -> memref<200x128xi32, #tpu.memory_space<hbm>>
    tpu.wait_dma2 semaphore(%arg11 : memref<!tpu.dma_semaphore, #tpu.memory_space<semaphore_mem>>) src(%arg7 : memref<200x128xi32, #tpu.memory_space<vmem>>) dst(%dma_wait3A_467 : memref<200x128xi32, #tpu.memory_space<hbm>>)
    %add3A_468 = arith.constant 0 : i32
    %add3A_469 = arith.addi %add3A_468, %add3A_463 : i32
    "tpu.region"() ({
      %run_scoped3A = tpu.sem_alloc : memref<!tpu.dma_semaphore, #tpu.memory_space<semaphore_mem>>
      %dma_start3A_599 = tpu.memref_slice %arg3[%add3A_469] : memref<160000xi32, #tpu.memory_space<hbm>> -> memref<200xi32, #tpu.memory_space<hbm>>
      %dma_start3A_600 = tpu.memref_slice %arg3[%add3A_469] : memref<160000xi32, #tpu.memory_space<hbm>> -> memref<200xi32, #tpu.memory_space<hbm>>
      tpu.enqueue_dma source(%dma_start3A_600 : memref<200xi32, #tpu.memory_space<hbm>>) target(%arg5 : memref<200xi32, #tpu.memory_space<vmem>>) target_semaphore(%run_scoped3A : memref<!tpu.dma_semaphore, #tpu.memory_space<semaphore_mem>>)
      %dma_wait3A_601 = tpu.memref_slice %arg3[%add3A_469] : memref<160000xi32, #tpu.memory_space<hbm>> -> memref<200xi32, #tpu.memory_space<hbm>>
      %dma_wait3A_602 = tpu.memref_slice %arg3[%add3A_469] : memref<160000xi32, #tpu.memory_space<hbm>> -> memref<200xi32, #tpu.memory_space<hbm>>
      tpu.wait_dma2 semaphore(%run_scoped3A : memref<!tpu.dma_semaphore, #tpu.memory_space<semaphore_mem>>) src(%dma_wait3A_602 : memref<200xi32, #tpu.memory_space<hbm>>) dst(%arg5 : memref<200xi32, #tpu.memory_space<vmem>>)
      tpu.yield
    }) : () -> ()
    %dma_start3A_470 = arith.constant 0 : i32
    %dma_start3A_471 = arith.constant 0 : i32
    %dma_start3A_472 = tpu.memref_slice %arg2[%dma_start3A_470, %dma_start3A_471] : memref<10000x128xi32, #tpu.memory_space<hbm>> -> memref<10000x128xi32, #tpu.memory_space<hbm>>
    tpu.enqueue_indirect_dma source(%dma_start3A_472 : memref<10000x128xi32, #tpu.memory_space<hbm>>) target(%arg7 : memref<200x128xi32, #tpu.memory_space<vmem>>) offsets(%arg5 : memref<200xi32, #tpu.memory_space<vmem>>) semaphore(%arg9 : memref<!tpu.dma_semaphore, #tpu.memory_space<semaphore_mem>>)
    %mul3A_473 = arith.constant 5000 : i32
    %mul3A_474 = arith.muli %add3A, %mul3A_473 : i32
    %add3A_475 = arith.constant 3800 : i32
    %add3A_476 = arith.addi %mul3A_474, %add3A_475 : i32
    %dma_wait3A_477 = arith.constant 0 : i32
    %dma_wait3A_478 = arith.constant 0 : i32
    %dma_wait3A_479 = tpu.memref_slice %arg2[%dma_wait3A_477, %dma_wait3A_478] : memref<10000x128xi32, #tpu.memory_space<hbm>> -> memref<10000x128xi32, #tpu.memory_space<hbm>>
    tpu.wait_indirect_dma semaphore(%arg10 : memref<!tpu.dma_semaphore, #tpu.memory_space<semaphore_mem>>) src(%dma_wait3A_479 : memref<10000x128xi32, #tpu.memory_space<hbm>>) dst(%arg8 : memref<200x128xi32, #tpu.memory_space<vmem>>)
    %dma_start3A_480 = arith.constant 0 : i32
    %dma_start3A_481 = tpu.memref_slice %arg4[%add3A_476, %dma_start3A_480] : memref<160000x128xi32, #tpu.memory_space<hbm>> -> memref<200x128xi32, #tpu.memory_space<hbm>>
    %dma_start3A_482 = arith.constant 0 : i32
    %dma_start3A_483 = tpu.memref_slice %arg4[%add3A_476, %dma_start3A_482] : memref<160000x128xi32, #tpu.memory_space<hbm>> -> memref<200x128xi32, #tpu.memory_space<hbm>>
    tpu.enqueue_dma source(%arg8 : memref<200x128xi32, #tpu.memory_space<vmem>>) target(%dma_start3A_483 : memref<200x128xi32, #tpu.memory_space<hbm>>) target_semaphore(%arg12 : memref<!tpu.dma_semaphore, #tpu.memory_space<semaphore_mem>>)
    %mul3A_484 = arith.constant 5000 : i32
    %mul3A_485 = arith.muli %add3A, %mul3A_484 : i32
    %add3A_486 = arith.constant 4200 : i32
    %add3A_487 = arith.addi %mul3A_485, %add3A_486 : i32
    %dma_wait3A_488 = arith.constant 0 : i32
    %dma_wait3A_489 = tpu.memref_slice %arg4[%add3A_476, %dma_wait3A_488] : memref<160000x128xi32, #tpu.memory_space<hbm>> -> memref<200x128xi32, #tpu.memory_space<hbm>>
    %dma_wait3A_490 = arith.constant 0 : i32
    %dma_wait3A_491 = tpu.memref_slice %arg4[%add3A_476, %dma_wait3A_490] : memref<160000x128xi32, #tpu.memory_space<hbm>> -> memref<200x128xi32, #tpu.memory_space<hbm>>
    tpu.wait_dma2 semaphore(%arg12 : memref<!tpu.dma_semaphore, #tpu.memory_space<semaphore_mem>>) src(%arg8 : memref<200x128xi32, #tpu.memory_space<vmem>>) dst(%dma_wait3A_491 : memref<200x128xi32, #tpu.memory_space<hbm>>)
    %add3A_492 = arith.constant 0 : i32
    %add3A_493 = arith.addi %add3A_492, %add3A_487 : i32
    "tpu.region"() ({
      %run_scoped3A = tpu.sem_alloc : memref<!tpu.dma_semaphore, #tpu.memory_space<semaphore_mem>>
      %dma_start3A_599 = tpu.memref_slice %arg3[%add3A_493] : memref<160000xi32, #tpu.memory_space<hbm>> -> memref<200xi32, #tpu.memory_space<hbm>>
      %dma_start3A_600 = tpu.memref_slice %arg3[%add3A_493] : memref<160000xi32, #tpu.memory_space<hbm>> -> memref<200xi32, #tpu.memory_space<hbm>>
      tpu.enqueue_dma source(%dma_start3A_600 : memref<200xi32, #tpu.memory_space<hbm>>) target(%arg6 : memref<200xi32, #tpu.memory_space<vmem>>) target_semaphore(%run_scoped3A : memref<!tpu.dma_semaphore, #tpu.memory_space<semaphore_mem>>)
      %dma_wait3A_601 = tpu.memref_slice %arg3[%add3A_493] : memref<160000xi32, #tpu.memory_space<hbm>> -> memref<200xi32, #tpu.memory_space<hbm>>
      %dma_wait3A_602 = tpu.memref_slice %arg3[%add3A_493] : memref<160000xi32, #tpu.memory_space<hbm>> -> memref<200xi32, #tpu.memory_space<hbm>>
      tpu.wait_dma2 semaphore(%run_scoped3A : memref<!tpu.dma_semaphore, #tpu.memory_space<semaphore_mem>>) src(%dma_wait3A_602 : memref<200xi32, #tpu.memory_space<hbm>>) dst(%arg6 : memref<200xi32, #tpu.memory_space<vmem>>)
      tpu.yield
    }) : () -> ()
    %dma_start3A_494 = arith.constant 0 : i32
    %dma_start3A_495 = arith.constant 0 : i32
    %dma_start3A_496 = tpu.memref_slice %arg2[%dma_start3A_494, %dma_start3A_495] : memref<10000x128xi32, #tpu.memory_space<hbm>> -> memref<10000x128xi32, #tpu.memory_space<hbm>>
    tpu.enqueue_indirect_dma source(%dma_start3A_496 : memref<10000x128xi32, #tpu.memory_space<hbm>>) target(%arg8 : memref<200x128xi32, #tpu.memory_space<vmem>>) offsets(%arg6 : memref<200xi32, #tpu.memory_space<vmem>>) semaphore(%arg10 : memref<!tpu.dma_semaphore, #tpu.memory_space<semaphore_mem>>)
    %mul3A_497 = arith.constant 5000 : i32
    %mul3A_498 = arith.muli %add3A, %mul3A_497 : i32
    %add3A_499 = arith.constant 4000 : i32
    %add3A_500 = arith.addi %mul3A_498, %add3A_499 : i32
    %dma_wait3A_501 = arith.constant 0 : i32
    %dma_wait3A_502 = arith.constant 0 : i32
    %dma_wait3A_503 = tpu.memref_slice %arg2[%dma_wait3A_501, %dma_wait3A_502] : memref<10000x128xi32, #tpu.memory_space<hbm>> -> memref<10000x128xi32, #tpu.memory_space<hbm>>
    tpu.wait_indirect_dma semaphore(%arg9 : memref<!tpu.dma_semaphore, #tpu.memory_space<semaphore_mem>>) src(%dma_wait3A_503 : memref<10000x128xi32, #tpu.memory_space<hbm>>) dst(%arg7 : memref<200x128xi32, #tpu.memory_space<vmem>>)
    %dma_start3A_504 = arith.constant 0 : i32
    %dma_start3A_505 = tpu.memref_slice %arg4[%add3A_500, %dma_start3A_504] : memref<160000x128xi32, #tpu.memory_space<hbm>> -> memref<200x128xi32, #tpu.memory_space<hbm>>
    %dma_start3A_506 = arith.constant 0 : i32
    %dma_start3A_507 = tpu.memref_slice %arg4[%add3A_500, %dma_start3A_506] : memref<160000x128xi32, #tpu.memory_space<hbm>> -> memref<200x128xi32, #tpu.memory_space<hbm>>
    tpu.enqueue_dma source(%arg7 : memref<200x128xi32, #tpu.memory_space<vmem>>) target(%dma_start3A_507 : memref<200x128xi32, #tpu.memory_space<hbm>>) target_semaphore(%arg11 : memref<!tpu.dma_semaphore, #tpu.memory_space<semaphore_mem>>)
    %mul3A_508 = arith.constant 5000 : i32
    %mul3A_509 = arith.muli %add3A, %mul3A_508 : i32
    %add3A_510 = arith.constant 4400 : i32
    %add3A_511 = arith.addi %mul3A_509, %add3A_510 : i32
    %dma_wait3A_512 = arith.constant 0 : i32
    %dma_wait3A_513 = tpu.memref_slice %arg4[%add3A_500, %dma_wait3A_512] : memref<160000x128xi32, #tpu.memory_space<hbm>> -> memref<200x128xi32, #tpu.memory_space<hbm>>
    %dma_wait3A_514 = arith.constant 0 : i32
    %dma_wait3A_515 = tpu.memref_slice %arg4[%add3A_500, %dma_wait3A_514] : memref<160000x128xi32, #tpu.memory_space<hbm>> -> memref<200x128xi32, #tpu.memory_space<hbm>>
    tpu.wait_dma2 semaphore(%arg11 : memref<!tpu.dma_semaphore, #tpu.memory_space<semaphore_mem>>) src(%arg7 : memref<200x128xi32, #tpu.memory_space<vmem>>) dst(%dma_wait3A_515 : memref<200x128xi32, #tpu.memory_space<hbm>>)
    %add3A_516 = arith.constant 0 : i32
    %add3A_517 = arith.addi %add3A_516, %add3A_511 : i32
    "tpu.region"() ({
      %run_scoped3A = tpu.sem_alloc : memref<!tpu.dma_semaphore, #tpu.memory_space<semaphore_mem>>
      %dma_start3A_599 = tpu.memref_slice %arg3[%add3A_517] : memref<160000xi32, #tpu.memory_space<hbm>> -> memref<200xi32, #tpu.memory_space<hbm>>
      %dma_start3A_600 = tpu.memref_slice %arg3[%add3A_517] : memref<160000xi32, #tpu.memory_space<hbm>> -> memref<200xi32, #tpu.memory_space<hbm>>
      tpu.enqueue_dma source(%dma_start3A_600 : memref<200xi32, #tpu.memory_space<hbm>>) target(%arg5 : memref<200xi32, #tpu.memory_space<vmem>>) target_semaphore(%run_scoped3A : memref<!tpu.dma_semaphore, #tpu.memory_space<semaphore_mem>>)
      %dma_wait3A_601 = tpu.memref_slice %arg3[%add3A_517] : memref<160000xi32, #tpu.memory_space<hbm>> -> memref<200xi32, #tpu.memory_space<hbm>>
      %dma_wait3A_602 = tpu.memref_slice %arg3[%add3A_517] : memref<160000xi32, #tpu.memory_space<hbm>> -> memref<200xi32, #tpu.memory_space<hbm>>
      tpu.wait_dma2 semaphore(%run_scoped3A : memref<!tpu.dma_semaphore, #tpu.memory_space<semaphore_mem>>) src(%dma_wait3A_602 : memref<200xi32, #tpu.memory_space<hbm>>) dst(%arg5 : memref<200xi32, #tpu.memory_space<vmem>>)
      tpu.yield
    }) : () -> ()
    %dma_start3A_518 = arith.constant 0 : i32
    %dma_start3A_519 = arith.constant 0 : i32
    %dma_start3A_520 = tpu.memref_slice %arg2[%dma_start3A_518, %dma_start3A_519] : memref<10000x128xi32, #tpu.memory_space<hbm>> -> memref<10000x128xi32, #tpu.memory_space<hbm>>
    tpu.enqueue_indirect_dma source(%dma_start3A_520 : memref<10000x128xi32, #tpu.memory_space<hbm>>) target(%arg7 : memref<200x128xi32, #tpu.memory_space<vmem>>) offsets(%arg5 : memref<200xi32, #tpu.memory_space<vmem>>) semaphore(%arg9 : memref<!tpu.dma_semaphore, #tpu.memory_space<semaphore_mem>>)
    %mul3A_521 = arith.constant 5000 : i32
    %mul3A_522 = arith.muli %add3A, %mul3A_521 : i32
    %add3A_523 = arith.constant 4200 : i32
    %add3A_524 = arith.addi %mul3A_522, %add3A_523 : i32
    %dma_wait3A_525 = arith.constant 0 : i32
    %dma_wait3A_526 = arith.constant 0 : i32
    %dma_wait3A_527 = tpu.memref_slice %arg2[%dma_wait3A_525, %dma_wait3A_526] : memref<10000x128xi32, #tpu.memory_space<hbm>> -> memref<10000x128xi32, #tpu.memory_space<hbm>>
    tpu.wait_indirect_dma semaphore(%arg10 : memref<!tpu.dma_semaphore, #tpu.memory_space<semaphore_mem>>) src(%dma_wait3A_527 : memref<10000x128xi32, #tpu.memory_space<hbm>>) dst(%arg8 : memref<200x128xi32, #tpu.memory_space<vmem>>)
    %dma_start3A_528 = arith.constant 0 : i32
    %dma_start3A_529 = tpu.memref_slice %arg4[%add3A_524, %dma_start3A_528] : memref<160000x128xi32, #tpu.memory_space<hbm>> -> memref<200x128xi32, #tpu.memory_space<hbm>>
    %dma_start3A_530 = arith.constant 0 : i32
    %dma_start3A_531 = tpu.memref_slice %arg4[%add3A_524, %dma_start3A_530] : memref<160000x128xi32, #tpu.memory_space<hbm>> -> memref<200x128xi32, #tpu.memory_space<hbm>>
    tpu.enqueue_dma source(%arg8 : memref<200x128xi32, #tpu.memory_space<vmem>>) target(%dma_start3A_531 : memref<200x128xi32, #tpu.memory_space<hbm>>) target_semaphore(%arg12 : memref<!tpu.dma_semaphore, #tpu.memory_space<semaphore_mem>>)
    %mul3A_532 = arith.constant 5000 : i32
    %mul3A_533 = arith.muli %add3A, %mul3A_532 : i32
    %add3A_534 = arith.constant 4600 : i32
    %add3A_535 = arith.addi %mul3A_533, %add3A_534 : i32
    %dma_wait3A_536 = arith.constant 0 : i32
    %dma_wait3A_537 = tpu.memref_slice %arg4[%add3A_524, %dma_wait3A_536] : memref<160000x128xi32, #tpu.memory_space<hbm>> -> memref<200x128xi32, #tpu.memory_space<hbm>>
    %dma_wait3A_538 = arith.constant 0 : i32
    %dma_wait3A_539 = tpu.memref_slice %arg4[%add3A_524, %dma_wait3A_538] : memref<160000x128xi32, #tpu.memory_space<hbm>> -> memref<200x128xi32, #tpu.memory_space<hbm>>
    tpu.wait_dma2 semaphore(%arg12 : memref<!tpu.dma_semaphore, #tpu.memory_space<semaphore_mem>>) src(%arg8 : memref<200x128xi32, #tpu.memory_space<vmem>>) dst(%dma_wait3A_539 : memref<200x128xi32, #tpu.memory_space<hbm>>)
    %add3A_540 = arith.constant 0 : i32
    %add3A_541 = arith.addi %add3A_540, %add3A_535 : i32
    "tpu.region"() ({
      %run_scoped3A = tpu.sem_alloc : memref<!tpu.dma_semaphore, #tpu.memory_space<semaphore_mem>>
      %dma_start3A_599 = tpu.memref_slice %arg3[%add3A_541] : memref<160000xi32, #tpu.memory_space<hbm>> -> memref<200xi32, #tpu.memory_space<hbm>>
      %dma_start3A_600 = tpu.memref_slice %arg3[%add3A_541] : memref<160000xi32, #tpu.memory_space<hbm>> -> memref<200xi32, #tpu.memory_space<hbm>>
      tpu.enqueue_dma source(%dma_start3A_600 : memref<200xi32, #tpu.memory_space<hbm>>) target(%arg6 : memref<200xi32, #tpu.memory_space<vmem>>) target_semaphore(%run_scoped3A : memref<!tpu.dma_semaphore, #tpu.memory_space<semaphore_mem>>)
      %dma_wait3A_601 = tpu.memref_slice %arg3[%add3A_541] : memref<160000xi32, #tpu.memory_space<hbm>> -> memref<200xi32, #tpu.memory_space<hbm>>
      %dma_wait3A_602 = tpu.memref_slice %arg3[%add3A_541] : memref<160000xi32, #tpu.memory_space<hbm>> -> memref<200xi32, #tpu.memory_space<hbm>>
      tpu.wait_dma2 semaphore(%run_scoped3A : memref<!tpu.dma_semaphore, #tpu.memory_space<semaphore_mem>>) src(%dma_wait3A_602 : memref<200xi32, #tpu.memory_space<hbm>>) dst(%arg6 : memref<200xi32, #tpu.memory_space<vmem>>)
      tpu.yield
    }) : () -> ()
    %dma_start3A_542 = arith.constant 0 : i32
    %dma_start3A_543 = arith.constant 0 : i32
    %dma_start3A_544 = tpu.memref_slice %arg2[%dma_start3A_542, %dma_start3A_543] : memref<10000x128xi32, #tpu.memory_space<hbm>> -> memref<10000x128xi32, #tpu.memory_space<hbm>>
    tpu.enqueue_indirect_dma source(%dma_start3A_544 : memref<10000x128xi32, #tpu.memory_space<hbm>>) target(%arg8 : memref<200x128xi32, #tpu.memory_space<vmem>>) offsets(%arg6 : memref<200xi32, #tpu.memory_space<vmem>>) semaphore(%arg10 : memref<!tpu.dma_semaphore, #tpu.memory_space<semaphore_mem>>)
    %mul3A_545 = arith.constant 5000 : i32
    %mul3A_546 = arith.muli %add3A, %mul3A_545 : i32
    %add3A_547 = arith.constant 4400 : i32
    %add3A_548 = arith.addi %mul3A_546, %add3A_547 : i32
    %dma_wait3A_549 = arith.constant 0 : i32
    %dma_wait3A_550 = arith.constant 0 : i32
    %dma_wait3A_551 = tpu.memref_slice %arg2[%dma_wait3A_549, %dma_wait3A_550] : memref<10000x128xi32, #tpu.memory_space<hbm>> -> memref<10000x128xi32, #tpu.memory_space<hbm>>
    tpu.wait_indirect_dma semaphore(%arg9 : memref<!tpu.dma_semaphore, #tpu.memory_space<semaphore_mem>>) src(%dma_wait3A_551 : memref<10000x128xi32, #tpu.memory_space<hbm>>) dst(%arg7 : memref<200x128xi32, #tpu.memory_space<vmem>>)
    %dma_start3A_552 = arith.constant 0 : i32
    %dma_start3A_553 = tpu.memref_slice %arg4[%add3A_548, %dma_start3A_552] : memref<160000x128xi32, #tpu.memory_space<hbm>> -> memref<200x128xi32, #tpu.memory_space<hbm>>
    %dma_start3A_554 = arith.constant 0 : i32
    %dma_start3A_555 = tpu.memref_slice %arg4[%add3A_548, %dma_start3A_554] : memref<160000x128xi32, #tpu.memory_space<hbm>> -> memref<200x128xi32, #tpu.memory_space<hbm>>
    tpu.enqueue_dma source(%arg7 : memref<200x128xi32, #tpu.memory_space<vmem>>) target(%dma_start3A_555 : memref<200x128xi32, #tpu.memory_space<hbm>>) target_semaphore(%arg11 : memref<!tpu.dma_semaphore, #tpu.memory_space<semaphore_mem>>)
    %mul3A_556 = arith.constant 5000 : i32
    %mul3A_557 = arith.muli %add3A, %mul3A_556 : i32
    %add3A_558 = arith.constant 4800 : i32
    %add3A_559 = arith.addi %mul3A_557, %add3A_558 : i32
    %dma_wait3A_560 = arith.constant 0 : i32
    %dma_wait3A_561 = tpu.memref_slice %arg4[%add3A_548, %dma_wait3A_560] : memref<160000x128xi32, #tpu.memory_space<hbm>> -> memref<200x128xi32, #tpu.memory_space<hbm>>
    %dma_wait3A_562 = arith.constant 0 : i32
    %dma_wait3A_563 = tpu.memref_slice %arg4[%add3A_548, %dma_wait3A_562] : memref<160000x128xi32, #tpu.memory_space<hbm>> -> memref<200x128xi32, #tpu.memory_space<hbm>>
    tpu.wait_dma2 semaphore(%arg11 : memref<!tpu.dma_semaphore, #tpu.memory_space<semaphore_mem>>) src(%arg7 : memref<200x128xi32, #tpu.memory_space<vmem>>) dst(%dma_wait3A_563 : memref<200x128xi32, #tpu.memory_space<hbm>>)
    %add3A_564 = arith.constant 0 : i32
    %add3A_565 = arith.addi %add3A_564, %add3A_559 : i32
    "tpu.region"() ({
      %run_scoped3A = tpu.sem_alloc : memref<!tpu.dma_semaphore, #tpu.memory_space<semaphore_mem>>
      %dma_start3A_599 = tpu.memref_slice %arg3[%add3A_565] : memref<160000xi32, #tpu.memory_space<hbm>> -> memref<200xi32, #tpu.memory_space<hbm>>
      %dma_start3A_600 = tpu.memref_slice %arg3[%add3A_565] : memref<160000xi32, #tpu.memory_space<hbm>> -> memref<200xi32, #tpu.memory_space<hbm>>
      tpu.enqueue_dma source(%dma_start3A_600 : memref<200xi32, #tpu.memory_space<hbm>>) target(%arg5 : memref<200xi32, #tpu.memory_space<vmem>>) target_semaphore(%run_scoped3A : memref<!tpu.dma_semaphore, #tpu.memory_space<semaphore_mem>>)
      %dma_wait3A_601 = tpu.memref_slice %arg3[%add3A_565] : memref<160000xi32, #tpu.memory_space<hbm>> -> memref<200xi32, #tpu.memory_space<hbm>>
      %dma_wait3A_602 = tpu.memref_slice %arg3[%add3A_565] : memref<160000xi32, #tpu.memory_space<hbm>> -> memref<200xi32, #tpu.memory_space<hbm>>
      tpu.wait_dma2 semaphore(%run_scoped3A : memref<!tpu.dma_semaphore, #tpu.memory_space<semaphore_mem>>) src(%dma_wait3A_602 : memref<200xi32, #tpu.memory_space<hbm>>) dst(%arg5 : memref<200xi32, #tpu.memory_space<vmem>>)
      tpu.yield
    }) : () -> ()
    %dma_start3A_566 = arith.constant 0 : i32
    %dma_start3A_567 = arith.constant 0 : i32
    %dma_start3A_568 = tpu.memref_slice %arg2[%dma_start3A_566, %dma_start3A_567] : memref<10000x128xi32, #tpu.memory_space<hbm>> -> memref<10000x128xi32, #tpu.memory_space<hbm>>
    tpu.enqueue_indirect_dma source(%dma_start3A_568 : memref<10000x128xi32, #tpu.memory_space<hbm>>) target(%arg7 : memref<200x128xi32, #tpu.memory_space<vmem>>) offsets(%arg5 : memref<200xi32, #tpu.memory_space<vmem>>) semaphore(%arg9 : memref<!tpu.dma_semaphore, #tpu.memory_space<semaphore_mem>>)
    %mul3A_569 = arith.constant 5000 : i32
    %mul3A_570 = arith.muli %add3A, %mul3A_569 : i32
    %add3A_571 = arith.constant 4600 : i32
    %add3A_572 = arith.addi %mul3A_570, %add3A_571 : i32
    %dma_wait3A_573 = arith.constant 0 : i32
    %dma_wait3A_574 = arith.constant 0 : i32
    %dma_wait3A_575 = tpu.memref_slice %arg2[%dma_wait3A_573, %dma_wait3A_574] : memref<10000x128xi32, #tpu.memory_space<hbm>> -> memref<10000x128xi32, #tpu.memory_space<hbm>>
    tpu.wait_indirect_dma semaphore(%arg10 : memref<!tpu.dma_semaphore, #tpu.memory_space<semaphore_mem>>) src(%dma_wait3A_575 : memref<10000x128xi32, #tpu.memory_space<hbm>>) dst(%arg8 : memref<200x128xi32, #tpu.memory_space<vmem>>)
    %dma_start3A_576 = arith.constant 0 : i32
    %dma_start3A_577 = tpu.memref_slice %arg4[%add3A_572, %dma_start3A_576] : memref<160000x128xi32, #tpu.memory_space<hbm>> -> memref<200x128xi32, #tpu.memory_space<hbm>>
    %dma_start3A_578 = arith.constant 0 : i32
    %dma_start3A_579 = tpu.memref_slice %arg4[%add3A_572, %dma_start3A_578] : memref<160000x128xi32, #tpu.memory_space<hbm>> -> memref<200x128xi32, #tpu.memory_space<hbm>>
    tpu.enqueue_dma source(%arg8 : memref<200x128xi32, #tpu.memory_space<vmem>>) target(%dma_start3A_579 : memref<200x128xi32, #tpu.memory_space<hbm>>) target_semaphore(%arg12 : memref<!tpu.dma_semaphore, #tpu.memory_space<semaphore_mem>>)
    %mul3A_580 = arith.constant 5000 : i32
    %mul3A_581 = arith.muli %add3A, %mul3A_580 : i32
    %add3A_582 = arith.constant 4800 : i32
    %add3A_583 = arith.addi %mul3A_581, %add3A_582 : i32
    %dma_wait3A_584 = arith.constant 0 : i32
    %dma_wait3A_585 = arith.constant 0 : i32
    %dma_wait3A_586 = tpu.memref_slice %arg2[%dma_wait3A_584, %dma_wait3A_585] : memref<10000x128xi32, #tpu.memory_space<hbm>> -> memref<10000x128xi32, #tpu.memory_space<hbm>>
    tpu.wait_indirect_dma semaphore(%arg9 : memref<!tpu.dma_semaphore, #tpu.memory_space<semaphore_mem>>) src(%dma_wait3A_586 : memref<10000x128xi32, #tpu.memory_space<hbm>>) dst(%arg7 : memref<200x128xi32, #tpu.memory_space<vmem>>)
    %dma_start3A_587 = arith.constant 0 : i32
    %dma_start3A_588 = tpu.memref_slice %arg4[%add3A_583, %dma_start3A_587] : memref<160000x128xi32, #tpu.memory_space<hbm>> -> memref<200x128xi32, #tpu.memory_space<hbm>>
    %dma_start3A_589 = arith.constant 0 : i32
    %dma_start3A_590 = tpu.memref_slice %arg4[%add3A_583, %dma_start3A_589] : memref<160000x128xi32, #tpu.memory_space<hbm>> -> memref<200x128xi32, #tpu.memory_space<hbm>>
    tpu.enqueue_dma source(%arg7 : memref<200x128xi32, #tpu.memory_space<vmem>>) target(%dma_start3A_590 : memref<200x128xi32, #tpu.memory_space<hbm>>) target_semaphore(%arg11 : memref<!tpu.dma_semaphore, #tpu.memory_space<semaphore_mem>>)
    %dma_wait3A_591 = arith.constant 0 : i32
    %dma_wait3A_592 = tpu.memref_slice %arg4[%add3A_583, %dma_wait3A_591] : memref<160000x128xi32, #tpu.memory_space<hbm>> -> memref<200x128xi32, #tpu.memory_space<hbm>>
    %dma_wait3A_593 = arith.constant 0 : i32
    %dma_wait3A_594 = tpu.memref_slice %arg4[%add3A_583, %dma_wait3A_593] : memref<160000x128xi32, #tpu.memory_space<hbm>> -> memref<200x128xi32, #tpu.memory_space<hbm>>
    tpu.wait_dma2 semaphore(%arg11 : memref<!tpu.dma_semaphore, #tpu.memory_space<semaphore_mem>>) src(%arg7 : memref<200x128xi32, #tpu.memory_space<vmem>>) dst(%dma_wait3A_594 : memref<200x128xi32, #tpu.memory_space<hbm>>)
    %dma_wait3A_595 = arith.constant 0 : i32
    %dma_wait3A_596 = tpu.memref_slice %arg4[%add3A_572, %dma_wait3A_595] : memref<160000x128xi32, #tpu.memory_space<hbm>> -> memref<200x128xi32, #tpu.memory_space<hbm>>
    %dma_wait3A_597 = arith.constant 0 : i32
    %dma_wait3A_598 = tpu.memref_slice %arg4[%add3A_572, %dma_wait3A_597] : memref<160000x128xi32, #tpu.memory_space<hbm>> -> memref<200x128xi32, #tpu.memory_space<hbm>>
    tpu.wait_dma2 semaphore(%arg12 : memref<!tpu.dma_semaphore, #tpu.memory_space<semaphore_mem>>) src(%arg8 : memref<200x128xi32, #tpu.memory_space<vmem>>) dst(%dma_wait3A_598 : memref<200x128xi32, #tpu.memory_space<hbm>>)
    return
  }
}

module attributes {stable_mosaic.version = 14 : i64} {
  func.func @_proj_body(%arg0: i32, %arg1: memref<1x2000x128xf32, #tpu.memory_space<vmem>>, %arg2: memref<128x128xf32, #tpu.memory_space<vmem>>, %arg3: memref<1x2000x3xf32, #tpu.memory_space<vmem>>, %arg4: memref<3x64xf32, #tpu.memory_space<vmem>>, %arg5: memref<64x64xf32, #tpu.memory_space<vmem>>, %arg6: memref<64x128xf32, #tpu.memory_space<vmem>>, %arg7: memref<64x128xf32, #tpu.memory_space<vmem>>, %arg8: memref<1x64xf32, #tpu.memory_space<vmem>>, %arg9: memref<1x128xf32, #tpu.memory_space<vmem>>, %arg10: memref<2000x128xf32, #tpu.memory_space<vmem>>, %arg11: memref<2000x64xf32, #tpu.memory_space<vmem>>, %arg12: memref<2000x128xi32, #tpu.memory_space<vmem>>, %arg13: memref<64x128xf32, #tpu.memory_space<vmem>>, %arg14: memref<64x128xf32, #tpu.memory_space<vmem>>, %arg15: memref<1x128xf32, #tpu.memory_space<vmem>>) attributes {dimension_semantics = [#tpu.dimension_semantics<arbitrary>], iteration_bounds = array<i64: 5>, scalar_prefetch = 0 : i64, scratch_operands = 0 : i64, tpu.core_type = #tpu.core_type<tc>, window_params = [{transform_indices = @transform_0, window_bounds = array<i64: 1, 2000, 128>}, {pipeline_mode = #tpu.pipeline_mode<synchronous>, transform_indices = @transform_1, window_bounds = array<i64: 128, 128>}, {transform_indices = @transform_2, window_bounds = array<i64: 1, 2000, 3>}, {pipeline_mode = #tpu.pipeline_mode<synchronous>, transform_indices = @transform_3, window_bounds = array<i64: 3, 64>}, {pipeline_mode = #tpu.pipeline_mode<synchronous>, transform_indices = @transform_4, window_bounds = array<i64: 64, 64>}, {pipeline_mode = #tpu.pipeline_mode<synchronous>, transform_indices = @transform_5, window_bounds = array<i64: 64, 128>}, {pipeline_mode = #tpu.pipeline_mode<synchronous>, transform_indices = @transform_6, window_bounds = array<i64: 64, 128>}, {pipeline_mode = #tpu.pipeline_mode<synchronous>, transform_indices = @transform_7, window_bounds = array<i64: 1, 64>}, {pipeline_mode = #tpu.pipeline_mode<synchronous>, transform_indices = @transform_8, window_bounds = array<i64: 1, 128>}, {transform_indices = @transform_9, window_bounds = array<i64: 2000, 128>}, {transform_indices = @transform_10, window_bounds = array<i64: 2000, 64>}, {transform_indices = @transform_11, window_bounds = array<i64: 2000, 128>}, {pipeline_mode = #tpu.pipeline_mode<synchronous>, transform_indices = @transform_12, window_bounds = array<i64: 64, 128>}, {pipeline_mode = #tpu.pipeline_mode<synchronous>, transform_indices = @transform_13, window_bounds = array<i64: 64, 128>}, {pipeline_mode = #tpu.pipeline_mode<synchronous>, transform_indices = @transform_14, window_bounds = array<i64: 1, 128>}]} {
    %get3A = arith.constant 0 : index
    %get3A_0 = arith.constant 0 : index
    %get3A_1 = arith.constant 0 : index
    %get3A_2 = vector.load %arg1[%get3A, %get3A_0, %get3A_1] : memref<1x2000x128xf32, #tpu.memory_space<vmem>>, vector<1x2000x128xf32>
    %get3A_3 = vector.shape_cast %get3A_2 : vector<1x2000x128xf32> to vector<2000x128xf32>
    %get3A_4 = arith.constant 0 : index
    %get3A_5 = arith.constant 0 : index
    %get3A_6 = vector.load %arg2[%get3A_4, %get3A_5] : memref<128x128xf32, #tpu.memory_space<vmem>>, vector<128x128xf32>
    %dot_general3A = arith.constant dense<0.000000e+00> : vector<2000x128xf32>
    %dot_general3A_7 = tpu.matmul %get3A_3, %get3A_6, %dot_general3A {dimension_numbers = #tpu.dot_dimension_numbers<[1], [0], [0], [1], [0, 0, 1, 1], [], []>, transpose_lhs_hint = false} : vector<2000x128xf32>, vector<128x128xf32>, vector<2000x128xf32> -> vector<2000x128xf32>
    %swap3A = arith.constant 0 : index
    %swap3A_8 = arith.constant 0 : index
    %swap3A_9 = vector.load %arg10[%swap3A, %swap3A_8] : memref<2000x128xf32, #tpu.memory_space<vmem>>, vector<2000x128xf32>
    tpu.vector_store %arg10[%swap3A, %swap3A_8], %dot_general3A_7 {strides = array<i32>} : memref<2000x128xf32, #tpu.memory_space<vmem>>, vector<2000x128xf32>,
    %get3A_10 = arith.constant 0 : index
    %get3A_11 = arith.constant 0 : index
    %get3A_12 = arith.constant 0 : index
    %get3A_13 = vector.load %arg3[%get3A_10, %get3A_11, %get3A_12] : memref<1x2000x3xf32, #tpu.memory_space<vmem>>, vector<1x2000x3xf32>
    %get3A_14 = vector.shape_cast %get3A_13 : vector<1x2000x3xf32> to vector<2000x3xf32>
    %get3A_15 = arith.constant 0 : index
    %get3A_16 = arith.constant 0 : index
    %get3A_17 = vector.load %arg4[%get3A_15, %get3A_16] : memref<3x64xf32, #tpu.memory_space<vmem>>, vector<3x64xf32>
    %dot_general3A_18 = arith.constant dense<0.000000e+00> : vector<2000x64xf32>
    %dot_general3A_19 = tpu.matmul %get3A_14, %get3A_17, %dot_general3A_18 {dimension_numbers = #tpu.dot_dimension_numbers<[1], [0], [0], [1], [0, 0, 1, 1], [], []>, transpose_lhs_hint = false} : vector<2000x3xf32>, vector<3x64xf32>, vector<2000x64xf32> -> vector<2000x64xf32>
    %swap3A_20 = arith.constant 0 : index
    %swap3A_21 = arith.constant 0 : index
    %swap3A_22 = vector.load %arg11[%swap3A_20, %swap3A_21] : memref<2000x64xf32, #tpu.memory_space<vmem>>, vector<2000x64xf32>
    tpu.vector_store %arg11[%swap3A_20, %swap3A_21], %dot_general3A_19 {strides = array<i32>} : memref<2000x64xf32, #tpu.memory_space<vmem>>, vector<2000x64xf32>,
    %slice3A = vector.extract_strided_slice %dot_general3A_7 {offsets = [0, 0], sizes = [2000, 64], strides = [1, 1]} : vector<2000x128xf32> to vector<2000x64xf32>
    %bitcast_convert_type3A = tpu.bitcast %slice3A : vector<2000x64xf32> -> vector<2000x64xi32>
    %add3A = arith.constant 32768 : i32
    %add3A_23 = vector.broadcast %add3A : i32 to vector<2000x64xi32>
    %add3A_24 = arith.addi %bitcast_convert_type3A, %add3A_23 : vector<2000x64xi32>
    %slice3A_25 = vector.extract_strided_slice %dot_general3A_7 {offsets = [0, 64], sizes = [2000, 64], strides = [1, 1]} : vector<2000x128xf32> to vector<2000x64xf32>
    %bitcast_convert_type3A_26 = tpu.bitcast %slice3A_25 : vector<2000x64xf32> -> vector<2000x64xi32>
    %add3A_27 = arith.constant 32768 : i32
    %add3A_28 = vector.broadcast %add3A_27 : i32 to vector<2000x64xi32>
    %add3A_29 = arith.addi %bitcast_convert_type3A_26, %add3A_28 : vector<2000x64xi32>
    %and3A = arith.constant -65536 : i32
    %and3A_30 = vector.broadcast %and3A : i32 to vector<2000x64xi32>
    %and3A_31 = arith.andi %add3A_29, %and3A_30 : vector<2000x64xi32>
    %shift_right_logical3A = arith.constant 16 : i32
    %shift_right_logical3A_32 = vector.broadcast %shift_right_logical3A : i32 to vector<2000x64xi32>
    %shift_right_logical3A_33 = arith.shrui %add3A_24, %shift_right_logical3A_32 : vector<2000x64xi32>
    %or3A = arith.ori %and3A_31, %shift_right_logical3A_33 : vector<2000x64xi32>
    %bitcast_convert_type3A_34 = tpu.bitcast %dot_general3A_19 : vector<2000x64xf32> -> vector<2000x64xi32>
    %add3A_35 = arith.constant 32768 : i32
    %add3A_36 = vector.broadcast %add3A_35 : i32 to vector<2000x64xi32>
    %add3A_37 = arith.addi %bitcast_convert_type3A_34, %add3A_36 : vector<2000x64xi32>
    %and3A_38 = arith.constant -65536 : i32
    %and3A_39 = vector.broadcast %and3A_38 : i32 to vector<2000x64xi32>
    %and3A_40 = arith.andi %add3A_37, %and3A_39 : vector<2000x64xi32>
    %concatenate3A = tpu.concatenate %or3A, %and3A_40 in 1 : vector<2000x64xi32>, vector<2000x64xi32> -> vector<2000x128xi32>
    %swap3A_41 = arith.constant 0 : index
    %swap3A_42 = arith.constant 0 : index
    %swap3A_43 = vector.load %arg12[%swap3A_41, %swap3A_42] : memref<2000x128xi32, #tpu.memory_space<vmem>>, vector<2000x128xi32>
    tpu.vector_store %arg12[%swap3A_41, %swap3A_42], %concatenate3A {strides = array<i32>} : memref<2000x128xi32, #tpu.memory_space<vmem>>, vector<2000x128xi32>,
    %get3A_44 = arith.constant 0 : index
    %get3A_45 = arith.constant 0 : index
    %get3A_46 = vector.load %arg5[%get3A_44, %get3A_45] : memref<64x64xf32, #tpu.memory_space<vmem>>, vector<64x64xf32>
    %get3A_47 = arith.constant 0 : index
    %get3A_48 = arith.constant 0 : index
    %get3A_49 = vector.load %arg6[%get3A_47, %get3A_48] : memref<64x128xf32, #tpu.memory_space<vmem>>, vector<64x128xf32>
    %dot_general3A_50 = arith.constant dense<0.000000e+00> : vector<64x128xf32>
    %dot_general3A_51 = tpu.matmul %get3A_46, %get3A_49, %dot_general3A_50 {dimension_numbers = #tpu.dot_dimension_numbers<[1], [0], [0], [1], [0, 0, 1, 1], [], []>, transpose_lhs_hint = false} : vector<64x64xf32>, vector<64x128xf32>, vector<64x128xf32> -> vector<64x128xf32>
    %swap3A_52 = arith.constant 0 : index
    %swap3A_53 = arith.constant 0 : index
    %swap3A_54 = vector.load %arg13[%swap3A_52, %swap3A_53] : memref<64x128xf32, #tpu.memory_space<vmem>>, vector<64x128xf32>
    tpu.vector_store %arg13[%swap3A_52, %swap3A_53], %dot_general3A_51 {strides = array<i32>} : memref<64x128xf32, #tpu.memory_space<vmem>>, vector<64x128xf32>,
    %get3A_55 = arith.constant 0 : index
    %get3A_56 = arith.constant 0 : index
    %get3A_57 = vector.load %arg7[%get3A_55, %get3A_56] : memref<64x128xf32, #tpu.memory_space<vmem>>, vector<64x128xf32>
    %add3A_58 = arith.addf %dot_general3A_51, %get3A_57 : vector<64x128xf32>
    %swap3A_59 = arith.constant 0 : index
    %swap3A_60 = arith.constant 0 : index
    %swap3A_61 = vector.load %arg14[%swap3A_59, %swap3A_60] : memref<64x128xf32, #tpu.memory_space<vmem>>, vector<64x128xf32>
    tpu.vector_store %arg14[%swap3A_59, %swap3A_60], %add3A_58 {strides = array<i32>} : memref<64x128xf32, #tpu.memory_space<vmem>>, vector<64x128xf32>,
    %get3A_62 = arith.constant 0 : index
    %get3A_63 = arith.constant 0 : index
    %get3A_64 = vector.load %arg8[%get3A_62, %get3A_63] : memref<1x64xf32, #tpu.memory_space<vmem>>, vector<1x64xf32>
    %get3A_65 = arith.constant 0 : index
    %get3A_66 = arith.constant 0 : index
    %get3A_67 = vector.load %arg6[%get3A_65, %get3A_66] : memref<64x128xf32, #tpu.memory_space<vmem>>, vector<64x128xf32>
    %dot_general3A_68 = arith.constant dense<0.000000e+00> : vector<1x128xf32>
    %dot_general3A_69 = tpu.matmul %get3A_64, %get3A_67, %dot_general3A_68 {dimension_numbers = #tpu.dot_dimension_numbers<[1], [0], [0], [1], [0, 0, 1, 1], [], []>, transpose_lhs_hint = false} : vector<1x64xf32>, vector<64x128xf32>, vector<1x128xf32> -> vector<1x128xf32>
    %get3A_70 = arith.constant 0 : index
    %get3A_71 = arith.constant 0 : index
    %get3A_72 = vector.load %arg9[%get3A_70, %get3A_71] : memref<1x128xf32, #tpu.memory_space<vmem>>, vector<1x128xf32>
    %add3A_73 = arith.addf %dot_general3A_69, %get3A_72 : vector<1x128xf32>
    %swap3A_74 = arith.constant 0 : index
    %swap3A_75 = arith.constant 0 : index
    %swap3A_76 = vector.load %arg15[%swap3A_74, %swap3A_75] : memref<1x128xf32, #tpu.memory_space<vmem>>, vector<1x128xf32>
    tpu.vector_store %arg15[%swap3A_74, %swap3A_75], %add3A_73 {strides = array<i32>} : memref<1x128xf32, #tpu.memory_space<vmem>>, vector<1x128xf32>,
    return
  }
  func.func @transform_0(%arg0: i32) -> (i32, i32, i32) {
    %c0_i32 = arith.constant 0 : i32
    %c0_i32_0 = arith.constant 0 : i32
    %c0_i32_1 = arith.constant 0 : i32
    return %c0_i32, %arg0, %c0_i32_0 : i32, i32, i32
  }
  func.func @transform_1(%arg0: i32) -> (i32, i32) {
    %c0_i32 = arith.constant 0 : i32
    %c0_i32_0 = arith.constant 0 : i32
    %c0_i32_1 = arith.constant 0 : i32
    return %c0_i32, %c0_i32_0 : i32, i32
  }
  func.func @transform_2(%arg0: i32) -> (i32, i32, i32) {
    %c0_i32 = arith.constant 0 : i32
    %c0_i32_0 = arith.constant 0 : i32
    %c0_i32_1 = arith.constant 0 : i32
    return %c0_i32, %arg0, %c0_i32_0 : i32, i32, i32
  }
  func.func @transform_3(%arg0: i32) -> (i32, i32) {
    %c0_i32 = arith.constant 0 : i32
    %c0_i32_0 = arith.constant 0 : i32
    %c0_i32_1 = arith.constant 0 : i32
    return %c0_i32, %c0_i32_0 : i32, i32
  }
  func.func @transform_4(%arg0: i32) -> (i32, i32) {
    %c0_i32 = arith.constant 0 : i32
    %c0_i32_0 = arith.constant 0 : i32
    %c0_i32_1 = arith.constant 0 : i32
    return %c0_i32, %c0_i32_0 : i32, i32
  }
  func.func @transform_5(%arg0: i32) -> (i32, i32) {
    %c0_i32 = arith.constant 0 : i32
    %c0_i32_0 = arith.constant 0 : i32
    %c0_i32_1 = arith.constant 0 : i32
    return %c0_i32, %c0_i32_0 : i32, i32
  }
  func.func @transform_6(%arg0: i32) -> (i32, i32) {
    %c0_i32 = arith.constant 0 : i32
    %c0_i32_0 = arith.constant 0 : i32
    %c0_i32_1 = arith.constant 0 : i32
    return %c0_i32, %c0_i32_0 : i32, i32
  }
  func.func @transform_7(%arg0: i32) -> (i32, i32) {
    %c0_i32 = arith.constant 0 : i32
    %c0_i32_0 = arith.constant 0 : i32
    %c0_i32_1 = arith.constant 0 : i32
    return %c0_i32, %c0_i32_0 : i32, i32
  }
  func.func @transform_8(%arg0: i32) -> (i32, i32) {
    %c0_i32 = arith.constant 0 : i32
    %c0_i32_0 = arith.constant 0 : i32
    %c0_i32_1 = arith.constant 0 : i32
    return %c0_i32, %c0_i32_0 : i32, i32
  }
  func.func @transform_9(%arg0: i32) -> (i32, i32) {
    %c0_i32 = arith.constant 0 : i32
    %c0_i32_0 = arith.constant 0 : i32
    return %arg0, %c0_i32 : i32, i32
  }
  func.func @transform_10(%arg0: i32) -> (i32, i32) {
    %c0_i32 = arith.constant 0 : i32
    %c0_i32_0 = arith.constant 0 : i32
    return %arg0, %c0_i32 : i32, i32
  }
  func.func @transform_11(%arg0: i32) -> (i32, i32) {
    %c0_i32 = arith.constant 0 : i32
    %c0_i32_0 = arith.constant 0 : i32
    return %arg0, %c0_i32 : i32, i32
  }
  func.func @transform_12(%arg0: i32) -> (i32, i32) {
    %c0_i32 = arith.constant 0 : i32
    %c0_i32_0 = arith.constant 0 : i32
    %c0_i32_1 = arith.constant 0 : i32
    return %c0_i32, %c0_i32_0 : i32, i32
  }
  func.func @transform_13(%arg0: i32) -> (i32, i32) {
    %c0_i32 = arith.constant 0 : i32
    %c0_i32_0 = arith.constant 0 : i32
    %c0_i32_1 = arith.constant 0 : i32
    return %c0_i32, %c0_i32_0 : i32, i32
  }
  func.func @transform_14(%arg0: i32) -> (i32, i32) {
    %c0_i32 = arith.constant 0 : i32
    %c0_i32_0 = arith.constant 0 : i32
    %c0_i32_1 = arith.constant 0 : i32
    return %c0_i32, %c0_i32_0 : i32, i32
  }
}

module attributes {stable_mosaic.version = 14 : i64} {
  func.func @_proj_body(%arg0: i32, %arg1: memref<1x2000x128xf32, #tpu.memory_space<vmem>>, %arg2: memref<128x128xf32, #tpu.memory_space<vmem>>, %arg3: memref<1x2000x3xf32, #tpu.memory_space<vmem>>, %arg4: memref<3x64xf32, #tpu.memory_space<vmem>>, %arg5: memref<64x64xf32, #tpu.memory_space<vmem>>, %arg6: memref<64x128xf32, #tpu.memory_space<vmem>>, %arg7: memref<64x128xf32, #tpu.memory_space<vmem>>, %arg8: memref<1x64xf32, #tpu.memory_space<vmem>>, %arg9: memref<1x128xf32, #tpu.memory_space<vmem>>, %arg10: memref<2000x128xf32, #tpu.memory_space<vmem>>, %arg11: memref<2000x64xf32, #tpu.memory_space<vmem>>, %arg12: memref<2000x128xi32, #tpu.memory_space<vmem>>, %arg13: memref<64x128xf32, #tpu.memory_space<vmem>>, %arg14: memref<64x128xf32, #tpu.memory_space<vmem>>, %arg15: memref<1x128xf32, #tpu.memory_space<vmem>>) attributes {dimension_semantics = [#tpu.dimension_semantics<arbitrary>], iteration_bounds = array<i64: 5>, scalar_prefetch = 0 : i64, scratch_operands = 0 : i64, tpu.core_type = #tpu.core_type<tc>, window_params = [{transform_indices = @transform_0, window_bounds = array<i64: 1, 2000, 128>}, {pipeline_mode = #tpu.pipeline_mode<synchronous>, transform_indices = @transform_1, window_bounds = array<i64: 128, 128>}, {transform_indices = @transform_2, window_bounds = array<i64: 1, 2000, 3>}, {pipeline_mode = #tpu.pipeline_mode<synchronous>, transform_indices = @transform_3, window_bounds = array<i64: 3, 64>}, {pipeline_mode = #tpu.pipeline_mode<synchronous>, transform_indices = @transform_4, window_bounds = array<i64: 64, 64>}, {pipeline_mode = #tpu.pipeline_mode<synchronous>, transform_indices = @transform_5, window_bounds = array<i64: 64, 128>}, {pipeline_mode = #tpu.pipeline_mode<synchronous>, transform_indices = @transform_6, window_bounds = array<i64: 64, 128>}, {pipeline_mode = #tpu.pipeline_mode<synchronous>, transform_indices = @transform_7, window_bounds = array<i64: 1, 64>}, {pipeline_mode = #tpu.pipeline_mode<synchronous>, transform_indices = @transform_8, window_bounds = array<i64: 1, 128>}, {transform_indices = @transform_9, window_bounds = array<i64: 2000, 128>}, {transform_indices = @transform_10, window_bounds = array<i64: 2000, 64>}, {transform_indices = @transform_11, window_bounds = array<i64: 2000, 128>}, {pipeline_mode = #tpu.pipeline_mode<synchronous>, transform_indices = @transform_12, window_bounds = array<i64: 64, 128>}, {pipeline_mode = #tpu.pipeline_mode<synchronous>, transform_indices = @transform_13, window_bounds = array<i64: 64, 128>}, {pipeline_mode = #tpu.pipeline_mode<synchronous>, transform_indices = @transform_14, window_bounds = array<i64: 1, 128>}]} {
    %get3A = arith.constant 0 : index
    %get3A_0 = arith.constant 0 : index
    %get3A_1 = arith.constant 0 : index
    %get3A_2 = vector.load %arg1[%get3A, %get3A_0, %get3A_1] : memref<1x2000x128xf32, #tpu.memory_space<vmem>>, vector<1x2000x128xf32>
    %get3A_3 = vector.shape_cast %get3A_2 : vector<1x2000x128xf32> to vector<2000x128xf32>
    %get3A_4 = arith.constant 0 : index
    %get3A_5 = arith.constant 0 : index
    %get3A_6 = vector.load %arg2[%get3A_4, %get3A_5] : memref<128x128xf32, #tpu.memory_space<vmem>>, vector<128x128xf32>
    %dot_general3A = arith.constant dense<0.000000e+00> : vector<2000x128xf32>
    %dot_general3A_7 = tpu.matmul %get3A_3, %get3A_6, %dot_general3A {dimension_numbers = #tpu.dot_dimension_numbers<[1], [0], [0], [1], [0, 0, 1, 1], [], []>, transpose_lhs_hint = false} : vector<2000x128xf32>, vector<128x128xf32>, vector<2000x128xf32> -> vector<2000x128xf32>
    %swap3A = arith.constant 0 : index
    %swap3A_8 = arith.constant 0 : index
    %swap3A_9 = vector.load %arg10[%swap3A, %swap3A_8] : memref<2000x128xf32, #tpu.memory_space<vmem>>, vector<2000x128xf32>
    tpu.vector_store %arg10[%swap3A, %swap3A_8], %dot_general3A_7 {strides = array<i32>} : memref<2000x128xf32, #tpu.memory_space<vmem>>, vector<2000x128xf32>,
    %get3A_10 = arith.constant 0 : index
    %get3A_11 = arith.constant 0 : index
    %get3A_12 = arith.constant 0 : index
    %get3A_13 = vector.load %arg3[%get3A_10, %get3A_11, %get3A_12] : memref<1x2000x3xf32, #tpu.memory_space<vmem>>, vector<1x2000x3xf32>
    %get3A_14 = vector.shape_cast %get3A_13 : vector<1x2000x3xf32> to vector<2000x3xf32>
    %get3A_15 = arith.constant 0 : index
    %get3A_16 = arith.constant 0 : index
    %get3A_17 = vector.load %arg4[%get3A_15, %get3A_16] : memref<3x64xf32, #tpu.memory_space<vmem>>, vector<3x64xf32>
    %dot_general3A_18 = arith.constant dense<0.000000e+00> : vector<2000x64xf32>
    %dot_general3A_19 = tpu.matmul %get3A_14, %get3A_17, %dot_general3A_18 {dimension_numbers = #tpu.dot_dimension_numbers<[1], [0], [0], [1], [0, 0, 1, 1], [], []>, transpose_lhs_hint = false} : vector<2000x3xf32>, vector<3x64xf32>, vector<2000x64xf32> -> vector<2000x64xf32>
    %swap3A_20 = arith.constant 0 : index
    %swap3A_21 = arith.constant 0 : index
    %swap3A_22 = vector.load %arg11[%swap3A_20, %swap3A_21] : memref<2000x64xf32, #tpu.memory_space<vmem>>, vector<2000x64xf32>
    tpu.vector_store %arg11[%swap3A_20, %swap3A_21], %dot_general3A_19 {strides = array<i32>} : memref<2000x64xf32, #tpu.memory_space<vmem>>, vector<2000x64xf32>,
    %slice3A = vector.extract_strided_slice %dot_general3A_7 {offsets = [0, 0], sizes = [2000, 64], strides = [1, 1]} : vector<2000x128xf32> to vector<2000x64xf32>
    %bitcast_convert_type3A = tpu.bitcast %slice3A : vector<2000x64xf32> -> vector<2000x64xi32>
    %add3A = arith.constant 32768 : i32
    %add3A_23 = vector.broadcast %add3A : i32 to vector<2000x64xi32>
    %add3A_24 = arith.addi %bitcast_convert_type3A, %add3A_23 : vector<2000x64xi32>
    %slice3A_25 = vector.extract_strided_slice %dot_general3A_7 {offsets = [0, 64], sizes = [2000, 64], strides = [1, 1]} : vector<2000x128xf32> to vector<2000x64xf32>
    %bitcast_convert_type3A_26 = tpu.bitcast %slice3A_25 : vector<2000x64xf32> -> vector<2000x64xi32>
    %add3A_27 = arith.constant 32768 : i32
    %add3A_28 = vector.broadcast %add3A_27 : i32 to vector<2000x64xi32>
    %add3A_29 = arith.addi %bitcast_convert_type3A_26, %add3A_28 : vector<2000x64xi32>
    %and3A = arith.constant -65536 : i32
    %and3A_30 = vector.broadcast %and3A : i32 to vector<2000x64xi32>
    %and3A_31 = arith.andi %add3A_29, %and3A_30 : vector<2000x64xi32>
    %shift_right_logical3A = arith.constant 16 : i32
    %shift_right_logical3A_32 = vector.broadcast %shift_right_logical3A : i32 to vector<2000x64xi32>
    %shift_right_logical3A_33 = arith.shrui %add3A_24, %shift_right_logical3A_32 : vector<2000x64xi32>
    %or3A = arith.ori %and3A_31, %shift_right_logical3A_33 : vector<2000x64xi32>
    %bitcast_convert_type3A_34 = tpu.bitcast %dot_general3A_19 : vector<2000x64xf32> -> vector<2000x64xi32>
    %add3A_35 = arith.constant 32768 : i32
    %add3A_36 = vector.broadcast %add3A_35 : i32 to vector<2000x64xi32>
    %add3A_37 = arith.addi %bitcast_convert_type3A_34, %add3A_36 : vector<2000x64xi32>
    %and3A_38 = arith.constant -65536 : i32
    %and3A_39 = vector.broadcast %and3A_38 : i32 to vector<2000x64xi32>
    %and3A_40 = arith.andi %add3A_37, %and3A_39 : vector<2000x64xi32>
    %concatenate3A = tpu.concatenate %or3A, %and3A_40 in 1 : vector<2000x64xi32>, vector<2000x64xi32> -> vector<2000x128xi32>
    %swap3A_41 = arith.constant 0 : index
    %swap3A_42 = arith.constant 0 : index
    %swap3A_43 = vector.load %arg12[%swap3A_41, %swap3A_42] : memref<2000x128xi32, #tpu.memory_space<vmem>>, vector<2000x128xi32>
    tpu.vector_store %arg12[%swap3A_41, %swap3A_42], %concatenate3A {strides = array<i32>} : memref<2000x128xi32, #tpu.memory_space<vmem>>, vector<2000x128xi32>,
    %get3A_44 = arith.constant 0 : index
    %get3A_45 = arith.constant 0 : index
    %get3A_46 = vector.load %arg5[%get3A_44, %get3A_45] : memref<64x64xf32, #tpu.memory_space<vmem>>, vector<64x64xf32>
    %get3A_47 = arith.constant 0 : index
    %get3A_48 = arith.constant 0 : index
    %get3A_49 = vector.load %arg6[%get3A_47, %get3A_48] : memref<64x128xf32, #tpu.memory_space<vmem>>, vector<64x128xf32>
    %dot_general3A_50 = arith.constant dense<0.000000e+00> : vector<64x128xf32>
    %dot_general3A_51 = tpu.matmul %get3A_46, %get3A_49, %dot_general3A_50 {dimension_numbers = #tpu.dot_dimension_numbers<[1], [0], [0], [1], [0, 0, 1, 1], [], []>, transpose_lhs_hint = false} : vector<64x64xf32>, vector<64x128xf32>, vector<64x128xf32> -> vector<64x128xf32>
    %swap3A_52 = arith.constant 0 : index
    %swap3A_53 = arith.constant 0 : index
    %swap3A_54 = vector.load %arg13[%swap3A_52, %swap3A_53] : memref<64x128xf32, #tpu.memory_space<vmem>>, vector<64x128xf32>
    tpu.vector_store %arg13[%swap3A_52, %swap3A_53], %dot_general3A_51 {strides = array<i32>} : memref<64x128xf32, #tpu.memory_space<vmem>>, vector<64x128xf32>,
    %get3A_55 = arith.constant 0 : index
    %get3A_56 = arith.constant 0 : index
    %get3A_57 = vector.load %arg7[%get3A_55, %get3A_56] : memref<64x128xf32, #tpu.memory_space<vmem>>, vector<64x128xf32>
    %add3A_58 = arith.addf %dot_general3A_51, %get3A_57 : vector<64x128xf32>
    %swap3A_59 = arith.constant 0 : index
    %swap3A_60 = arith.constant 0 : index
    %swap3A_61 = vector.load %arg14[%swap3A_59, %swap3A_60] : memref<64x128xf32, #tpu.memory_space<vmem>>, vector<64x128xf32>
    tpu.vector_store %arg14[%swap3A_59, %swap3A_60], %add3A_58 {strides = array<i32>} : memref<64x128xf32, #tpu.memory_space<vmem>>, vector<64x128xf32>,
    %get3A_62 = arith.constant 0 : index
    %get3A_63 = arith.constant 0 : index
    %get3A_64 = vector.load %arg8[%get3A_62, %get3A_63] : memref<1x64xf32, #tpu.memory_space<vmem>>, vector<1x64xf32>
    %get3A_65 = arith.constant 0 : index
    %get3A_66 = arith.constant 0 : index
    %get3A_67 = vector.load %arg6[%get3A_65, %get3A_66] : memref<64x128xf32, #tpu.memory_space<vmem>>, vector<64x128xf32>
    %dot_general3A_68 = arith.constant dense<0.000000e+00> : vector<1x128xf32>
    %dot_general3A_69 = tpu.matmul %get3A_64, %get3A_67, %dot_general3A_68 {dimension_numbers = #tpu.dot_dimension_numbers<[1], [0], [0], [1], [0, 0, 1, 1], [], []>, transpose_lhs_hint = false} : vector<1x64xf32>, vector<64x128xf32>, vector<1x128xf32> -> vector<1x128xf32>
    %get3A_70 = arith.constant 0 : index
    %get3A_71 = arith.constant 0 : index
    %get3A_72 = vector.load %arg9[%get3A_70, %get3A_71] : memref<1x128xf32, #tpu.memory_space<vmem>>, vector<1x128xf32>
    %add3A_73 = arith.addf %dot_general3A_69, %get3A_72 : vector<1x128xf32>
    %swap3A_74 = arith.constant 0 : index
    %swap3A_75 = arith.constant 0 : index
    %swap3A_76 = vector.load %arg15[%swap3A_74, %swap3A_75] : memref<1x128xf32, #tpu.memory_space<vmem>>, vector<1x128xf32>
    tpu.vector_store %arg15[%swap3A_74, %swap3A_75], %add3A_73 {strides = array<i32>} : memref<1x128xf32, #tpu.memory_space<vmem>>, vector<1x128xf32>,
    return
  }
  func.func @transform_0(%arg0: i32) -> (i32, i32, i32) {
    %c1_i32 = arith.constant 1 : i32
    %c0_i32 = arith.constant 0 : i32
    %c0_i32_0 = arith.constant 0 : i32
    return %c1_i32, %arg0, %c0_i32 : i32, i32, i32
  }
  func.func @transform_1(%arg0: i32) -> (i32, i32) {
    %c0_i32 = arith.constant 0 : i32
    %c0_i32_0 = arith.constant 0 : i32
    %c0_i32_1 = arith.constant 0 : i32
    return %c0_i32, %c0_i32_0 : i32, i32
  }
  func.func @transform_2(%arg0: i32) -> (i32, i32, i32) {
    %c1_i32 = arith.constant 1 : i32
    %c0_i32 = arith.constant 0 : i32
    %c0_i32_0 = arith.constant 0 : i32
    return %c1_i32, %arg0, %c0_i32 : i32, i32, i32
  }
  func.func @transform_3(%arg0: i32) -> (i32, i32) {
    %c0_i32 = arith.constant 0 : i32
    %c0_i32_0 = arith.constant 0 : i32
    %c0_i32_1 = arith.constant 0 : i32
    return %c0_i32, %c0_i32_0 : i32, i32
  }
  func.func @transform_4(%arg0: i32) -> (i32, i32) {
    %c0_i32 = arith.constant 0 : i32
    %c0_i32_0 = arith.constant 0 : i32
    %c0_i32_1 = arith.constant 0 : i32
    return %c0_i32, %c0_i32_0 : i32, i32
  }
  func.func @transform_5(%arg0: i32) -> (i32, i32) {
    %c0_i32 = arith.constant 0 : i32
    %c0_i32_0 = arith.constant 0 : i32
    %c0_i32_1 = arith.constant 0 : i32
    return %c0_i32, %c0_i32_0 : i32, i32
  }
  func.func @transform_6(%arg0: i32) -> (i32, i32) {
    %c0_i32 = arith.constant 0 : i32
    %c0_i32_0 = arith.constant 0 : i32
    %c0_i32_1 = arith.constant 0 : i32
    return %c0_i32, %c0_i32_0 : i32, i32
  }
  func.func @transform_7(%arg0: i32) -> (i32, i32) {
    %c0_i32 = arith.constant 0 : i32
    %c0_i32_0 = arith.constant 0 : i32
    %c0_i32_1 = arith.constant 0 : i32
    return %c0_i32, %c0_i32_0 : i32, i32
  }
  func.func @transform_8(%arg0: i32) -> (i32, i32) {
    %c0_i32 = arith.constant 0 : i32
    %c0_i32_0 = arith.constant 0 : i32
    %c0_i32_1 = arith.constant 0 : i32
    return %c0_i32, %c0_i32_0 : i32, i32
  }
  func.func @transform_9(%arg0: i32) -> (i32, i32) {
    %c0_i32 = arith.constant 0 : i32
    %c0_i32_0 = arith.constant 0 : i32
    return %arg0, %c0_i32 : i32, i32
  }
  func.func @transform_10(%arg0: i32) -> (i32, i32) {
    %c0_i32 = arith.constant 0 : i32
    %c0_i32_0 = arith.constant 0 : i32
    return %arg0, %c0_i32 : i32, i32
  }
  func.func @transform_11(%arg0: i32) -> (i32, i32) {
    %c0_i32 = arith.constant 0 : i32
    %c0_i32_0 = arith.constant 0 : i32
    return %arg0, %c0_i32 : i32, i32
  }
  func.func @transform_12(%arg0: i32) -> (i32, i32) {
    %c0_i32 = arith.constant 0 : i32
    %c0_i32_0 = arith.constant 0 : i32
    %c0_i32_1 = arith.constant 0 : i32
    return %c0_i32, %c0_i32_0 : i32, i32
  }
  func.func @transform_13(%arg0: i32) -> (i32, i32) {
    %c0_i32 = arith.constant 0 : i32
    %c0_i32_0 = arith.constant 0 : i32
    %c0_i32_1 = arith.constant 0 : i32
    return %c0_i32, %c0_i32_0 : i32, i32
  }
  func.func @transform_14(%arg0: i32) -> (i32, i32) {
    %c0_i32 = arith.constant 0 : i32
    %c0_i32_0 = arith.constant 0 : i32
    %c0_i32_1 = arith.constant 0 : i32
    return %c0_i32, %c0_i32_0 : i32, i32
  }
}

module attributes {stable_mosaic.version = 14 : i64} {
  func.func @body(%arg0: i32, %arg1: memref<6400x128xi32, #tpu.memory_space<vmem>>, %arg2: memref<400x128xf32, #tpu.memory_space<vmem>>, %arg3: memref<400x64xf32, #tpu.memory_space<vmem>>, %arg4: memref<64x128xf32, #tpu.memory_space<vmem>>, %arg5: memref<64x128xf32, #tpu.memory_space<vmem>>, %arg6: memref<64x128xf32, #tpu.memory_space<vmem>>, %arg7: memref<1x128xf32, #tpu.memory_space<vmem>>, %arg8: memref<1x64xf32, #tpu.memory_space<vmem>>, %arg9: memref<128x128xf32, #tpu.memory_space<vmem>>, %arg10: memref<1x128xf32, #tpu.memory_space<vmem>>, %arg11: memref<400x128xf32, #tpu.memory_space<vmem>>, %arg12: memref<1x128xf32, #tpu.memory_space<vmem>>, %arg13: memref<1x128xf32, #tpu.memory_space<vmem>>) attributes {dimension_semantics = [#tpu.dimension_semantics<arbitrary>], iteration_bounds = array<i64: 10>, scalar_prefetch = 0 : i64, scratch_operands = 0 : i64, tpu.core_type = #tpu.core_type<tc>, window_params = [{transform_indices = @transform_0, window_bounds = array<i64: 6400, 128>}, {transform_indices = @transform_1, window_bounds = array<i64: 400, 128>}, {transform_indices = @transform_2, window_bounds = array<i64: 400, 64>}, {pipeline_mode = #tpu.pipeline_mode<synchronous>, transform_indices = @transform_3, window_bounds = array<i64: 64, 128>}, {pipeline_mode = #tpu.pipeline_mode<synchronous>, transform_indices = @transform_4, window_bounds = array<i64: 64, 128>}, {pipeline_mode = #tpu.pipeline_mode<synchronous>, transform_indices = @transform_5, window_bounds = array<i64: 64, 128>}, {pipeline_mode = #tpu.pipeline_mode<synchronous>, transform_indices = @transform_6, window_bounds = array<i64: 1, 128>}, {pipeline_mode = #tpu.pipeline_mode<synchronous>, transform_indices = @transform_7, window_bounds = array<i64: 1, 64>}, {pipeline_mode = #tpu.pipeline_mode<synchronous>, transform_indices = @transform_8, window_bounds = array<i64: 128, 128>}, {pipeline_mode = #tpu.pipeline_mode<synchronous>, transform_indices = @transform_9, window_bounds = array<i64: 1, 128>}, {transform_indices = @transform_10, window_bounds = array<i64: 400, 128>}, {pipeline_mode = #tpu.pipeline_mode<synchronous>, transform_indices = @transform_11, window_bounds = array<i64: 1, 128>}, {pipeline_mode = #tpu.pipeline_mode<synchronous>, transform_indices = @transform_12, window_bounds = array<i64: 1, 128>}]} {
    %get3A = arith.constant 0 : index
    %get3A_0 = arith.constant 0 : index
    %get3A_1 = vector.load %arg1[%get3A, %get3A_0] : memref<6400x128xi32, #tpu.memory_space<vmem>>, vector<6400x128xi32>
    %shift_left3A = arith.constant 16 : i32
    %shift_left3A_2 = vector.broadcast %shift_left3A : i32 to vector<6400x128xi32>
    %shift_left3A_3 = arith.shli %get3A_1, %shift_left3A_2 : vector<6400x128xi32>
    %bitcast_convert_type3A = tpu.bitcast %shift_left3A_3 : vector<6400x128xi32> -> vector<6400x128xf32>
    %and3A = arith.constant -65536 : i32
    %and3A_4 = vector.broadcast %and3A : i32 to vector<6400x128xi32>
    %and3A_5 = arith.andi %get3A_1, %and3A_4 : vector<6400x128xi32>
    %bitcast_convert_type3A_6 = tpu.bitcast %and3A_5 : vector<6400x128xi32> -> vector<6400x128xf32>
    %slice3A = vector.extract_strided_slice %bitcast_convert_type3A {offsets = [0, 0], sizes = [6400, 64], strides = [1, 1]} : vector<6400x128xf32> to vector<6400x64xf32>
    %slice3A_7 = vector.extract_strided_slice %bitcast_convert_type3A_6 {offsets = [0, 0], sizes = [6400, 64], strides = [1, 1]} : vector<6400x128xf32> to vector<6400x64xf32>
    %concatenate3A = tpu.concatenate %slice3A, %slice3A_7 in 1 : vector<6400x64xf32>, vector<6400x64xf32> -> vector<6400x128xf32>
    %slice3A_8 = vector.extract_strided_slice %bitcast_convert_type3A_6 {offsets = [0, 64], sizes = [6400, 64], strides = [1, 1]} : vector<6400x128xf32> to vector<6400x64xf32>
    %reshape3A = vector.shape_cast %slice3A_8 : vector<6400x64xf32> to vector<400x16x64xf32>
    %reduce_max3A = arith.constant dense<0xFF800000> : vector<400x64xf32>
    %reduce_max3A_9 = vector.multi_reduction <maximumf>, %reshape3A, %reduce_max3A [1] : vector<400x16x64xf32> to vector<400x64xf32>
    %get3A_10 = arith.constant 0 : index
    %get3A_11 = arith.constant 0 : index
    %get3A_12 = vector.load %arg8[%get3A_10, %get3A_11] : memref<1x64xf32, #tpu.memory_space<vmem>>, vector<1x64xf32>
    %get3A_13 = arith.constant 0 : index
    %get3A_14 = arith.constant 0 : index
    %get3A_15 = vector.load %arg3[%get3A_13, %get3A_14] : memref<400x64xf32, #tpu.memory_space<vmem>>, vector<400x64xf32>
    %sub3A = vector.broadcast %get3A_12 : vector<1x64xf32> to vector<400x64xf32>
    %sub3A_16 = arith.subf %sub3A, %get3A_15 : vector<400x64xf32>
    %get3A_17 = arith.constant 0 : index
    %get3A_18 = arith.constant 0 : index
    %get3A_19 = vector.load %arg6[%get3A_17, %get3A_18] : memref<64x128xf32, #tpu.memory_space<vmem>>, vector<64x128xf32>
    %dot_general3A = arith.constant dense<0.000000e+00> : vector<400x128xf32>
    %dot_general3A_20 = tpu.matmul %reduce_max3A_9, %get3A_19, %dot_general3A {dimension_numbers = #tpu.dot_dimension_numbers<[1], [0], [0], [1], [0, 0, 1, 1], [], []>, transpose_lhs_hint = false} : vector<400x64xf32>, vector<64x128xf32>, vector<400x128xf32> -> vector<400x128xf32>
    %get3A_21 = arith.constant 0 : index
    %get3A_22 = arith.constant 0 : index
    %get3A_23 = vector.load %arg5[%get3A_21, %get3A_22] : memref<64x128xf32, #tpu.memory_space<vmem>>, vector<64x128xf32>
    %dot_general3A_24 = arith.constant dense<0.000000e+00> : vector<400x128xf32>
    %dot_general3A_25 = tpu.matmul %sub3A_16, %get3A_23, %dot_general3A_24 {dimension_numbers = #tpu.dot_dimension_numbers<[1], [0], [0], [1], [0, 0, 1, 1], [], []>, transpose_lhs_hint = false} : vector<400x64xf32>, vector<64x128xf32>, vector<400x128xf32> -> vector<400x128xf32>
    %add3A = arith.addf %dot_general3A_20, %dot_general3A_25 : vector<400x128xf32>
    %get3A_26 = arith.constant 0 : index
    %get3A_27 = arith.constant 0 : index
    %get3A_28 = vector.load %arg7[%get3A_26, %get3A_27] : memref<1x128xf32, #tpu.memory_space<vmem>>, vector<1x128xf32>
    %add3A_29 = vector.broadcast %get3A_28 : vector<1x128xf32> to vector<400x128xf32>
    %add3A_30 = arith.addf %add3A, %add3A_29 : vector<400x128xf32>
    %convert_element_type3A = arith.truncf %slice3A_8 : vector<6400x64xf32> to vector<6400x64xbf16>
    %get3A_31 = arith.constant 0 : index
    %get3A_32 = arith.constant 0 : index
    %get3A_33 = vector.load %arg4[%get3A_31, %get3A_32] : memref<64x128xf32, #tpu.memory_space<vmem>>, vector<64x128xf32>
    %convert_element_type3A_34 = arith.truncf %get3A_33 : vector<64x128xf32> to vector<64x128xbf16>
    %dot_general3A_35 = arith.constant dense<0.000000e+00> : vector<6400x128xf32>
    %dot_general3A_36 = tpu.matmul %convert_element_type3A, %convert_element_type3A_34, %dot_general3A_35 {dimension_numbers = #tpu.dot_dimension_numbers<[1], [0], [0], [1], [0, 0, 1, 1], [], []>, transpose_lhs_hint = false} : vector<6400x64xbf16>, vector<64x128xbf16>, vector<6400x128xf32> -> vector<6400x128xf32>
    %reshape3A_37 = vector.shape_cast %dot_general3A_36 : vector<6400x128xf32> to vector<400x16x128xf32>
    %broadcast_in_dim3A = vector.shape_cast %add3A_30 : vector<400x128xf32> to vector<400x1x128xf32>
    %add3A_38 = vector.broadcast %broadcast_in_dim3A : vector<400x1x128xf32> to vector<400x16x128xf32>
    %add3A_39 = arith.addf %reshape3A_37, %add3A_38 : vector<400x16x128xf32>
    %mul3A = arith.constant 5.000000e-01 : f32
    %mul3A_40 = vector.broadcast %mul3A : f32 to vector<400x16x128xf32>
    %mul3A_41 = arith.mulf %mul3A_40, %add3A_39 : vector<400x16x128xf32>
    %mul3A_42 = arith.constant 0.707106769 : f32
    %mul3A_43 = vector.broadcast %mul3A_42 : f32 to vector<400x16x128xf32>
    %mul3A_44 = arith.mulf %add3A_39, %mul3A_43 : vector<400x16x128xf32>
    %erf3A = math.erf %mul3A_44 : vector<400x16x128xf32>
    %add3A_45 = arith.constant 1.000000e+00 : f32
    %add3A_46 = vector.broadcast %add3A_45 : f32 to vector<400x16x128xf32>
    %add3A_47 = arith.addf %add3A_46, %erf3A : vector<400x16x128xf32>
    %mul3A_48 = arith.mulf %mul3A_41, %add3A_47 : vector<400x16x128xf32>
    %reshape3A_49 = vector.shape_cast %mul3A_48 : vector<400x16x128xf32> to vector<6400x128xf32>
    %convert_element_type3A_50 = arith.truncf %reshape3A_49 : vector<6400x128xf32> to vector<6400x128xbf16>
    %get3A_51 = arith.constant 0 : index
    %get3A_52 = arith.constant 0 : index
    %get3A_53 = vector.load %arg9[%get3A_51, %get3A_52] : memref<128x128xf32, #tpu.memory_space<vmem>>, vector<128x128xf32>
    %convert_element_type3A_54 = arith.truncf %get3A_53 : vector<128x128xf32> to vector<128x128xbf16>
    %dot_general3A_55 = arith.constant dense<0.000000e+00> : vector<6400x128xf32>
    %dot_general3A_56 = tpu.matmul %convert_element_type3A_50, %convert_element_type3A_54, %dot_general3A_55 {dimension_numbers = #tpu.dot_dimension_numbers<[1], [0], [0], [1], [0, 0, 1, 1], [], []>, transpose_lhs_hint = false} : vector<6400x128xbf16>, vector<128x128xbf16>, vector<6400x128xf32> -> vector<6400x128xf32>
    %get3A_57 = arith.constant 0 : index
    %get3A_58 = arith.constant 0 : index
    %get3A_59 = vector.load %arg10[%get3A_57, %get3A_58] : memref<1x128xf32, #tpu.memory_space<vmem>>, vector<1x128xf32>
    %add3A_60 = vector.broadcast %get3A_59 : vector<1x128xf32> to vector<6400x128xf32>
    %add3A_61 = arith.addf %dot_general3A_56, %add3A_60 : vector<6400x128xf32>
    %add3A_62 = arith.addf %add3A_61, %concatenate3A : vector<6400x128xf32>
    %reshape3A_63 = vector.shape_cast %add3A_62 : vector<6400x128xf32> to vector<400x16x128xf32>
    %reduce_max3A_64 = arith.constant dense<0xFF800000> : vector<400x128xf32>
    %reduce_max3A_65 = vector.multi_reduction <maximumf>, %reshape3A_63, %reduce_max3A_64 [1] : vector<400x16x128xf32> to vector<400x128xf32>
    %get3A_66 = arith.constant 0 : index
    %get3A_67 = arith.constant 0 : index
    %get3A_68 = vector.load %arg2[%get3A_66, %get3A_67] : memref<400x128xf32, #tpu.memory_space<vmem>>, vector<400x128xf32>
    %sub3A_69 = arith.subf %reduce_max3A_65, %get3A_68 : vector<400x128xf32>
    %swap3A = arith.constant 0 : index
    %swap3A_70 = arith.constant 0 : index
    %swap3A_71 = vector.load %arg11[%swap3A, %swap3A_70] : memref<400x128xf32, #tpu.memory_space<vmem>>, vector<400x128xf32>
    tpu.vector_store %arg11[%swap3A, %swap3A_70], %sub3A_69 {strides = array<i32>} : memref<400x128xf32, #tpu.memory_space<vmem>>, vector<400x128xf32>,
    %eq3A = arith.constant 0 : i32
    %eq3A_72 = arith.cmpi eq, %arg0, %eq3A : i32
    %convert_element_type3A_73 = arith.extui %eq3A_72 : i1 to i32
    %cond3A = arith.constant 0 : i32
    %cond3A_74 = arith.cmpi ne, %convert_element_type3A_73, %cond3A : i32
    scf.if %cond3A_74 {
      %broadcast_in_dim3A_95 = arith.constant 0.000000e+00 : f32
      %broadcast_in_dim3A_96 = vector.broadcast %broadcast_in_dim3A_95 : f32 to vector<1x128xf32>
      %swap3A_97 = arith.constant 0 : index
      %swap3A_98 = arith.constant 0 : index
      %swap3A_99 = vector.load %arg12[%swap3A_97, %swap3A_98] : memref<1x128xf32, #tpu.memory_space<vmem>>, vector<1x128xf32>
      tpu.vector_store %arg12[%swap3A_97, %swap3A_98], %broadcast_in_dim3A_96 {strides = array<i32>} : memref<1x128xf32, #tpu.memory_space<vmem>>, vector<1x128xf32>,
      %broadcast_in_dim3A_100 = arith.constant 0.000000e+00 : f32
      %broadcast_in_dim3A_101 = vector.broadcast %broadcast_in_dim3A_100 : f32 to vector<1x128xf32>
      %swap3A_102 = arith.constant 0 : index
      %swap3A_103 = arith.constant 0 : index
      %swap3A_104 = vector.load %arg13[%swap3A_102, %swap3A_103] : memref<1x128xf32, #tpu.memory_space<vmem>>, vector<1x128xf32>
      tpu.vector_store %arg13[%swap3A_102, %swap3A_103], %broadcast_in_dim3A_101 {strides = array<i32>} : memref<1x128xf32, #tpu.memory_space<vmem>>, vector<1x128xf32>,
    } else {
    }
    %get3A_75 = arith.constant 0 : index
    %get3A_76 = arith.constant 0 : index
    %get3A_77 = vector.load %arg12[%get3A_75, %get3A_76] : memref<1x128xf32, #tpu.memory_space<vmem>>, vector<1x128xf32>
    %reduce_sum3A = arith.constant dense<0.000000e+00> : vector<128xf32>
    %reduce_sum3A_78 = vector.multi_reduction <add>, %sub3A_69, %reduce_sum3A [0] : vector<400x128xf32> to vector<128xf32>
    %broadcast_in_dim3A_79 = vector.shape_cast %reduce_sum3A_78 : vector<128xf32> to vector<1x128xf32>
    %add3A_80 = arith.addf %get3A_77, %broadcast_in_dim3A_79 : vector<1x128xf32>
    %swap3A_81 = arith.constant 0 : index
    %swap3A_82 = arith.constant 0 : index
    %swap3A_83 = vector.load %arg12[%swap3A_81, %swap3A_82] : memref<1x128xf32, #tpu.memory_space<vmem>>, vector<1x128xf32>
    tpu.vector_store %arg12[%swap3A_81, %swap3A_82], %add3A_80 {strides = array<i32>} : memref<1x128xf32, #tpu.memory_space<vmem>>, vector<1x128xf32>,
    %get3A_84 = arith.constant 0 : index
    %get3A_85 = arith.constant 0 : index
    %get3A_86 = vector.load %arg13[%get3A_84, %get3A_85] : memref<1x128xf32, #tpu.memory_space<vmem>>, vector<1x128xf32>
    %mul3A_87 = arith.mulf %sub3A_69, %sub3A_69 : vector<400x128xf32>
    %reduce_sum3A_88 = arith.constant dense<0.000000e+00> : vector<128xf32>
    %reduce_sum3A_89 = vector.multi_reduction <add>, %mul3A_87, %reduce_sum3A_88 [0] : vector<400x128xf32> to vector<128xf32>
    %broadcast_in_dim3A_90 = vector.shape_cast %reduce_sum3A_89 : vector<128xf32> to vector<1x128xf32>
    %add3A_91 = arith.addf %get3A_86, %broadcast_in_dim3A_90 : vector<1x128xf32>
    %swap3A_92 = arith.constant 0 : index
    %swap3A_93 = arith.constant 0 : index
    %swap3A_94 = vector.load %arg13[%swap3A_92, %swap3A_93] : memref<1x128xf32, #tpu.memory_space<vmem>>, vector<1x128xf32>
    tpu.vector_store %arg13[%swap3A_92, %swap3A_93], %add3A_91 {strides = array<i32>} : memref<1x128xf32, #tpu.memory_space<vmem>>, vector<1x128xf32>,
    return
  }
  func.func @transform_0(%arg0: i32) -> (i32, i32) {
    %c0_i32 = arith.constant 0 : i32
    %c0_i32_0 = arith.constant 0 : i32
    return %arg0, %c0_i32 : i32, i32
  }
  func.func @transform_1(%arg0: i32) -> (i32, i32) {
    %add3A = arith.constant 0 : i32
    %add3A_0 = arith.addi %arg0, %add3A : i32
    %c0_i32 = arith.constant 0 : i32
    %c0_i32_1 = arith.constant 0 : i32
    return %add3A_0, %c0_i32 : i32, i32
  }
  func.func @transform_2(%arg0: i32) -> (i32, i32) {
    %add3A = arith.constant 0 : i32
    %add3A_0 = arith.addi %arg0, %add3A : i32
    %c0_i32 = arith.constant 0 : i32
    %c0_i32_1 = arith.constant 0 : i32
    return %add3A_0, %c0_i32 : i32, i32
  }
  func.func @transform_3(%arg0: i32) -> (i32, i32) {
    %c0_i32 = arith.constant 0 : i32
    %c0_i32_0 = arith.constant 0 : i32
    %c0_i32_1 = arith.constant 0 : i32
    return %c0_i32, %c0_i32_0 : i32, i32
  }
  func.func @transform_4(%arg0: i32) -> (i32, i32) {
    %c0_i32 = arith.constant 0 : i32
    %c0_i32_0 = arith.constant 0 : i32
    %c0_i32_1 = arith.constant 0 : i32
    return %c0_i32, %c0_i32_0 : i32, i32
  }
  func.func @transform_5(%arg0: i32) -> (i32, i32) {
    %c0_i32 = arith.constant 0 : i32
    %c0_i32_0 = arith.constant 0 : i32
    %c0_i32_1 = arith.constant 0 : i32
    return %c0_i32, %c0_i32_0 : i32, i32
  }
  func.func @transform_6(%arg0: i32) -> (i32, i32) {
    %c0_i32 = arith.constant 0 : i32
    %c0_i32_0 = arith.constant 0 : i32
    %c0_i32_1 = arith.constant 0 : i32
    return %c0_i32, %c0_i32_0 : i32, i32
  }
  func.func @transform_7(%arg0: i32) -> (i32, i32) {
    %c0_i32 = arith.constant 0 : i32
    %c0_i32_0 = arith.constant 0 : i32
    %c0_i32_1 = arith.constant 0 : i32
    return %c0_i32, %c0_i32_0 : i32, i32
  }
  func.func @transform_8(%arg0: i32) -> (i32, i32) {
    %c0_i32 = arith.constant 0 : i32
    %c0_i32_0 = arith.constant 0 : i32
    %c0_i32_1 = arith.constant 0 : i32
    return %c0_i32, %c0_i32_0 : i32, i32
  }
  func.func @transform_9(%arg0: i32) -> (i32, i32) {
    %c0_i32 = arith.constant 0 : i32
    %c0_i32_0 = arith.constant 0 : i32
    %c0_i32_1 = arith.constant 0 : i32
    return %c0_i32, %c0_i32_0 : i32, i32
  }
  func.func @transform_10(%arg0: i32) -> (i32, i32) {
    %add3A = arith.constant 0 : i32
    %add3A_0 = arith.addi %arg0, %add3A : i32
    %c0_i32 = arith.constant 0 : i32
    %c0_i32_1 = arith.constant 0 : i32
    return %add3A_0, %c0_i32 : i32, i32
  }
  func.func @transform_11(%arg0: i32) -> (i32, i32) {
    %c0_i32 = arith.constant 0 : i32
    %c0_i32_0 = arith.constant 0 : i32
    %c0_i32_1 = arith.constant 0 : i32
    return %c0_i32, %c0_i32_0 : i32, i32
  }
  func.func @transform_12(%arg0: i32) -> (i32, i32) {
    %c0_i32 = arith.constant 0 : i32
    %c0_i32_0 = arith.constant 0 : i32
    %c0_i32_1 = arith.constant 0 : i32
    return %c0_i32, %c0_i32_0 : i32, i32
  }
}

module attributes {stable_mosaic.version = 14 : i64} {
  func.func @_main_body(%arg0: i32, %arg1: memref<6400x128xi32, #tpu.memory_space<vmem>>, %arg2: memref<400x128xf32, #tpu.memory_space<vmem>>, %arg3: memref<400x64xf32, #tpu.memory_space<vmem>>, %arg4: memref<64x128xf32, #tpu.memory_space<vmem>>, %arg5: memref<64x128xf32, #tpu.memory_space<vmem>>, %arg6: memref<64x128xf32, #tpu.memory_space<vmem>>, %arg7: memref<1x128xf32, #tpu.memory_space<vmem>>, %arg8: memref<1x64xf32, #tpu.memory_space<vmem>>, %arg9: memref<128x128xf32, #tpu.memory_space<vmem>>, %arg10: memref<1x128xf32, #tpu.memory_space<vmem>>, %arg11: memref<8x128xf32, #tpu.memory_space<vmem>>, %arg12: memref<400x128xf32, #tpu.memory_space<vmem>>, %arg13: memref<1x128xf32, #tpu.memory_space<vmem>>, %arg14: memref<1x128xf32, #tpu.memory_space<vmem>>) attributes {dimension_semantics = [#tpu.dimension_semantics<arbitrary>], iteration_bounds = array<i64: 15>, scalar_prefetch = 0 : i64, scratch_operands = 0 : i64, tpu.core_type = #tpu.core_type<tc>, window_params = [{transform_indices = @transform_0, window_bounds = array<i64: 6400, 128>}, {transform_indices = @transform_1, window_bounds = array<i64: 400, 128>}, {transform_indices = @transform_2, window_bounds = array<i64: 400, 64>}, {pipeline_mode = #tpu.pipeline_mode<synchronous>, transform_indices = @transform_3, window_bounds = array<i64: 64, 128>}, {pipeline_mode = #tpu.pipeline_mode<synchronous>, transform_indices = @transform_4, window_bounds = array<i64: 64, 128>}, {pipeline_mode = #tpu.pipeline_mode<synchronous>, transform_indices = @transform_5, window_bounds = array<i64: 64, 128>}, {pipeline_mode = #tpu.pipeline_mode<synchronous>, transform_indices = @transform_6, window_bounds = array<i64: 1, 128>}, {pipeline_mode = #tpu.pipeline_mode<synchronous>, transform_indices = @transform_7, window_bounds = array<i64: 1, 64>}, {pipeline_mode = #tpu.pipeline_mode<synchronous>, transform_indices = @transform_8, window_bounds = array<i64: 128, 128>}, {pipeline_mode = #tpu.pipeline_mode<synchronous>, transform_indices = @transform_9, window_bounds = array<i64: 1, 128>}, {transform_indices = @transform_10, window_bounds = array<i64: 8, 128>}, {transform_indices = @transform_11, window_bounds = array<i64: 400, 128>}, {pipeline_mode = #tpu.pipeline_mode<synchronous>, transform_indices = @transform_12, window_bounds = array<i64: 1, 128>}, {pipeline_mode = #tpu.pipeline_mode<synchronous>, transform_indices = @transform_13, window_bounds = array<i64: 1, 128>}]} {
    %get3A = arith.constant 0 : index
    %get3A_0 = arith.constant 0 : index
    %get3A_1 = vector.load %arg1[%get3A, %get3A_0] : memref<6400x128xi32, #tpu.memory_space<vmem>>, vector<6400x128xi32>
    %shift_left3A = arith.constant 16 : i32
    %shift_left3A_2 = vector.broadcast %shift_left3A : i32 to vector<6400x128xi32>
    %shift_left3A_3 = arith.shli %get3A_1, %shift_left3A_2 : vector<6400x128xi32>
    %bitcast_convert_type3A = tpu.bitcast %shift_left3A_3 : vector<6400x128xi32> -> vector<6400x128xf32>
    %and3A = arith.constant -65536 : i32
    %and3A_4 = vector.broadcast %and3A : i32 to vector<6400x128xi32>
    %and3A_5 = arith.andi %get3A_1, %and3A_4 : vector<6400x128xi32>
    %bitcast_convert_type3A_6 = tpu.bitcast %and3A_5 : vector<6400x128xi32> -> vector<6400x128xf32>
    %slice3A = vector.extract_strided_slice %bitcast_convert_type3A {offsets = [0, 0], sizes = [6400, 64], strides = [1, 1]} : vector<6400x128xf32> to vector<6400x64xf32>
    %slice3A_7 = vector.extract_strided_slice %bitcast_convert_type3A_6 {offsets = [0, 0], sizes = [6400, 64], strides = [1, 1]} : vector<6400x128xf32> to vector<6400x64xf32>
    %concatenate3A = tpu.concatenate %slice3A, %slice3A_7 in 1 : vector<6400x64xf32>, vector<6400x64xf32> -> vector<6400x128xf32>
    %slice3A_8 = vector.extract_strided_slice %bitcast_convert_type3A_6 {offsets = [0, 64], sizes = [6400, 64], strides = [1, 1]} : vector<6400x128xf32> to vector<6400x64xf32>
    %reshape3A = vector.shape_cast %slice3A_8 : vector<6400x64xf32> to vector<400x16x64xf32>
    %reduce_max3A = arith.constant dense<0xFF800000> : vector<400x64xf32>
    %reduce_max3A_9 = vector.multi_reduction <maximumf>, %reshape3A, %reduce_max3A [1] : vector<400x16x64xf32> to vector<400x64xf32>
    %get3A_10 = arith.constant 0 : index
    %get3A_11 = arith.constant 0 : index
    %get3A_12 = vector.load %arg8[%get3A_10, %get3A_11] : memref<1x64xf32, #tpu.memory_space<vmem>>, vector<1x64xf32>
    %get3A_13 = arith.constant 0 : index
    %get3A_14 = arith.constant 0 : index
    %get3A_15 = vector.load %arg3[%get3A_13, %get3A_14] : memref<400x64xf32, #tpu.memory_space<vmem>>, vector<400x64xf32>
    %sub3A = vector.broadcast %get3A_12 : vector<1x64xf32> to vector<400x64xf32>
    %sub3A_16 = arith.subf %sub3A, %get3A_15 : vector<400x64xf32>
    %get3A_17 = arith.constant 0 : index
    %get3A_18 = arith.constant 0 : index
    %get3A_19 = vector.load %arg6[%get3A_17, %get3A_18] : memref<64x128xf32, #tpu.memory_space<vmem>>, vector<64x128xf32>
    %dot_general3A = arith.constant dense<0.000000e+00> : vector<400x128xf32>
    %dot_general3A_20 = tpu.matmul %reduce_max3A_9, %get3A_19, %dot_general3A {dimension_numbers = #tpu.dot_dimension_numbers<[1], [0], [0], [1], [0, 0, 1, 1], [], []>, transpose_lhs_hint = false} : vector<400x64xf32>, vector<64x128xf32>, vector<400x128xf32> -> vector<400x128xf32>
    %get3A_21 = arith.constant 0 : index
    %get3A_22 = arith.constant 0 : index
    %get3A_23 = vector.load %arg5[%get3A_21, %get3A_22] : memref<64x128xf32, #tpu.memory_space<vmem>>, vector<64x128xf32>
    %dot_general3A_24 = arith.constant dense<0.000000e+00> : vector<400x128xf32>
    %dot_general3A_25 = tpu.matmul %sub3A_16, %get3A_23, %dot_general3A_24 {dimension_numbers = #tpu.dot_dimension_numbers<[1], [0], [0], [1], [0, 0, 1, 1], [], []>, transpose_lhs_hint = false} : vector<400x64xf32>, vector<64x128xf32>, vector<400x128xf32> -> vector<400x128xf32>
    %add3A = arith.addf %dot_general3A_20, %dot_general3A_25 : vector<400x128xf32>
    %get3A_26 = arith.constant 0 : index
    %get3A_27 = arith.constant 0 : index
    %get3A_28 = vector.load %arg7[%get3A_26, %get3A_27] : memref<1x128xf32, #tpu.memory_space<vmem>>, vector<1x128xf32>
    %add3A_29 = vector.broadcast %get3A_28 : vector<1x128xf32> to vector<400x128xf32>
    %add3A_30 = arith.addf %add3A, %add3A_29 : vector<400x128xf32>
    %convert_element_type3A = arith.truncf %slice3A_8 : vector<6400x64xf32> to vector<6400x64xbf16>
    %get3A_31 = arith.constant 0 : index
    %get3A_32 = arith.constant 0 : index
    %get3A_33 = vector.load %arg4[%get3A_31, %get3A_32] : memref<64x128xf32, #tpu.memory_space<vmem>>, vector<64x128xf32>
    %convert_element_type3A_34 = arith.truncf %get3A_33 : vector<64x128xf32> to vector<64x128xbf16>
    %dot_general3A_35 = arith.constant dense<0.000000e+00> : vector<6400x128xf32>
    %dot_general3A_36 = tpu.matmul %convert_element_type3A, %convert_element_type3A_34, %dot_general3A_35 {dimension_numbers = #tpu.dot_dimension_numbers<[1], [0], [0], [1], [0, 0, 1, 1], [], []>, transpose_lhs_hint = false} : vector<6400x64xbf16>, vector<64x128xbf16>, vector<6400x128xf32> -> vector<6400x128xf32>
    %reshape3A_37 = vector.shape_cast %dot_general3A_36 : vector<6400x128xf32> to vector<400x16x128xf32>
    %broadcast_in_dim3A = vector.shape_cast %add3A_30 : vector<400x128xf32> to vector<400x1x128xf32>
    %add3A_38 = vector.broadcast %broadcast_in_dim3A : vector<400x1x128xf32> to vector<400x16x128xf32>
    %add3A_39 = arith.addf %reshape3A_37, %add3A_38 : vector<400x16x128xf32>
    %mul3A = arith.constant 5.000000e-01 : f32
    %mul3A_40 = vector.broadcast %mul3A : f32 to vector<400x16x128xf32>
    %mul3A_41 = arith.mulf %mul3A_40, %add3A_39 : vector<400x16x128xf32>
    %mul3A_42 = arith.constant 0.707106769 : f32
    %mul3A_43 = vector.broadcast %mul3A_42 : f32 to vector<400x16x128xf32>
    %mul3A_44 = arith.mulf %add3A_39, %mul3A_43 : vector<400x16x128xf32>
    %erf3A = math.erf %mul3A_44 : vector<400x16x128xf32>
    %add3A_45 = arith.constant 1.000000e+00 : f32
    %add3A_46 = vector.broadcast %add3A_45 : f32 to vector<400x16x128xf32>
    %add3A_47 = arith.addf %add3A_46, %erf3A : vector<400x16x128xf32>
    %mul3A_48 = arith.mulf %mul3A_41, %add3A_47 : vector<400x16x128xf32>
    %reshape3A_49 = vector.shape_cast %mul3A_48 : vector<400x16x128xf32> to vector<6400x128xf32>
    %convert_element_type3A_50 = arith.truncf %reshape3A_49 : vector<6400x128xf32> to vector<6400x128xbf16>
    %get3A_51 = arith.constant 0 : index
    %get3A_52 = arith.constant 0 : index
    %get3A_53 = vector.load %arg9[%get3A_51, %get3A_52] : memref<128x128xf32, #tpu.memory_space<vmem>>, vector<128x128xf32>
    %convert_element_type3A_54 = arith.truncf %get3A_53 : vector<128x128xf32> to vector<128x128xbf16>
    %dot_general3A_55 = arith.constant dense<0.000000e+00> : vector<6400x128xf32>
    %dot_general3A_56 = tpu.matmul %convert_element_type3A_50, %convert_element_type3A_54, %dot_general3A_55 {dimension_numbers = #tpu.dot_dimension_numbers<[1], [0], [0], [1], [0, 0, 1, 1], [], []>, transpose_lhs_hint = false} : vector<6400x128xbf16>, vector<128x128xbf16>, vector<6400x128xf32> -> vector<6400x128xf32>
    %get3A_57 = arith.constant 0 : index
    %get3A_58 = arith.constant 0 : index
    %get3A_59 = vector.load %arg10[%get3A_57, %get3A_58] : memref<1x128xf32, #tpu.memory_space<vmem>>, vector<1x128xf32>
    %add3A_60 = vector.broadcast %get3A_59 : vector<1x128xf32> to vector<6400x128xf32>
    %add3A_61 = arith.addf %dot_general3A_56, %add3A_60 : vector<6400x128xf32>
    %add3A_62 = arith.addf %add3A_61, %concatenate3A : vector<6400x128xf32>
    %reshape3A_63 = vector.shape_cast %add3A_62 : vector<6400x128xf32> to vector<400x16x128xf32>
    %reduce_max3A_64 = arith.constant dense<0xFF800000> : vector<400x128xf32>
    %reduce_max3A_65 = vector.multi_reduction <maximumf>, %reshape3A_63, %reduce_max3A_64 [1] : vector<400x16x128xf32> to vector<400x128xf32>
    %get3A_66 = arith.constant 0 : index
    %get3A_67 = arith.constant 0 : index
    %get3A_68 = vector.load %arg2[%get3A_66, %get3A_67] : memref<400x128xf32, #tpu.memory_space<vmem>>, vector<400x128xf32>
    %sub3A_69 = arith.subf %reduce_max3A_65, %get3A_68 : vector<400x128xf32>
    %swap3A = arith.constant 0 : index
    %swap3A_70 = arith.constant 0 : index
    %swap3A_71 = vector.load %arg12[%swap3A, %swap3A_70] : memref<400x128xf32, #tpu.memory_space<vmem>>, vector<400x128xf32>
    tpu.vector_store %arg12[%swap3A, %swap3A_70], %sub3A_69 {strides = array<i32>} : memref<400x128xf32, #tpu.memory_space<vmem>>, vector<400x128xf32>,
    %eq3A = arith.constant 0 : i32
    %eq3A_72 = arith.cmpi eq, %arg0, %eq3A : i32
    %convert_element_type3A_73 = arith.extui %eq3A_72 : i1 to i32
    %cond3A = arith.constant 0 : i32
    %cond3A_74 = arith.cmpi ne, %convert_element_type3A_73, %cond3A : i32
    scf.if %cond3A_74 {
      %broadcast_in_dim3A_95 = arith.constant 0.000000e+00 : f32
      %broadcast_in_dim3A_96 = vector.broadcast %broadcast_in_dim3A_95 : f32 to vector<1x128xf32>
      %swap3A_97 = arith.constant 0 : index
      %swap3A_98 = arith.constant 0 : index
      %swap3A_99 = vector.load %arg13[%swap3A_97, %swap3A_98] : memref<1x128xf32, #tpu.memory_space<vmem>>, vector<1x128xf32>
      tpu.vector_store %arg13[%swap3A_97, %swap3A_98], %broadcast_in_dim3A_96 {strides = array<i32>} : memref<1x128xf32, #tpu.memory_space<vmem>>, vector<1x128xf32>,
      %broadcast_in_dim3A_100 = arith.constant 0.000000e+00 : f32
      %broadcast_in_dim3A_101 = vector.broadcast %broadcast_in_dim3A_100 : f32 to vector<1x128xf32>
      %swap3A_102 = arith.constant 0 : index
      %swap3A_103 = arith.constant 0 : index
      %swap3A_104 = vector.load %arg14[%swap3A_102, %swap3A_103] : memref<1x128xf32, #tpu.memory_space<vmem>>, vector<1x128xf32>
      tpu.vector_store %arg14[%swap3A_102, %swap3A_103], %broadcast_in_dim3A_101 {strides = array<i32>} : memref<1x128xf32, #tpu.memory_space<vmem>>, vector<1x128xf32>,
    } else {
    }
    %get3A_75 = arith.constant 0 : index
    %get3A_76 = arith.constant 0 : index
    %get3A_77 = vector.load %arg13[%get3A_75, %get3A_76] : memref<1x128xf32, #tpu.memory_space<vmem>>, vector<1x128xf32>
    %reduce_sum3A = arith.constant dense<0.000000e+00> : vector<128xf32>
    %reduce_sum3A_78 = vector.multi_reduction <add>, %sub3A_69, %reduce_sum3A [0] : vector<400x128xf32> to vector<128xf32>
    %broadcast_in_dim3A_79 = vector.shape_cast %reduce_sum3A_78 : vector<128xf32> to vector<1x128xf32>
    %add3A_80 = arith.addf %get3A_77, %broadcast_in_dim3A_79 : vector<1x128xf32>
    %swap3A_81 = arith.constant 0 : index
    %swap3A_82 = arith.constant 0 : index
    %swap3A_83 = vector.load %arg13[%swap3A_81, %swap3A_82] : memref<1x128xf32, #tpu.memory_space<vmem>>, vector<1x128xf32>
    tpu.vector_store %arg13[%swap3A_81, %swap3A_82], %add3A_80 {strides = array<i32>} : memref<1x128xf32, #tpu.memory_space<vmem>>, vector<1x128xf32>,
    %get3A_84 = arith.constant 0 : index
    %get3A_85 = arith.constant 0 : index
    %get3A_86 = vector.load %arg14[%get3A_84, %get3A_85] : memref<1x128xf32, #tpu.memory_space<vmem>>, vector<1x128xf32>
    %mul3A_87 = arith.mulf %sub3A_69, %sub3A_69 : vector<400x128xf32>
    %reduce_sum3A_88 = arith.constant dense<0.000000e+00> : vector<128xf32>
    %reduce_sum3A_89 = vector.multi_reduction <add>, %mul3A_87, %reduce_sum3A_88 [0] : vector<400x128xf32> to vector<128xf32>
    %broadcast_in_dim3A_90 = vector.shape_cast %reduce_sum3A_89 : vector<128xf32> to vector<1x128xf32>
    %add3A_91 = arith.addf %get3A_86, %broadcast_in_dim3A_90 : vector<1x128xf32>
    %swap3A_92 = arith.constant 0 : index
    %swap3A_93 = arith.constant 0 : index
    %swap3A_94 = vector.load %arg14[%swap3A_92, %swap3A_93] : memref<1x128xf32, #tpu.memory_space<vmem>>, vector<1x128xf32>
    tpu.vector_store %arg14[%swap3A_92, %swap3A_93], %add3A_91 {strides = array<i32>} : memref<1x128xf32, #tpu.memory_space<vmem>>, vector<1x128xf32>,
    return
  }
  func.func @transform_0(%arg0: i32) -> (i32, i32) {
    %c0_i32 = arith.constant 0 : i32
    %c0_i32_0 = arith.constant 0 : i32
    return %arg0, %c0_i32 : i32, i32
  }
  func.func @transform_1(%arg0: i32) -> (i32, i32) {
    %add3A = arith.constant 10 : i32
    %add3A_0 = arith.addi %arg0, %add3A : i32
    %c0_i32 = arith.constant 0 : i32
    %c0_i32_1 = arith.constant 0 : i32
    return %add3A_0, %c0_i32 : i32, i32
  }
  func.func @transform_2(%arg0: i32) -> (i32, i32) {
    %add3A = arith.constant 10 : i32
    %add3A_0 = arith.addi %arg0, %add3A : i32
    %c0_i32 = arith.constant 0 : i32
    %c0_i32_1 = arith.constant 0 : i32
    return %add3A_0, %c0_i32 : i32, i32
  }
  func.func @transform_3(%arg0: i32) -> (i32, i32) {
    %c0_i32 = arith.constant 0 : i32
    %c0_i32_0 = arith.constant 0 : i32
    %c0_i32_1 = arith.constant 0 : i32
    return %c0_i32, %c0_i32_0 : i32, i32
  }
  func.func @transform_4(%arg0: i32) -> (i32, i32) {
    %c0_i32 = arith.constant 0 : i32
    %c0_i32_0 = arith.constant 0 : i32
    %c0_i32_1 = arith.constant 0 : i32
    return %c0_i32, %c0_i32_0 : i32, i32
  }
  func.func @transform_5(%arg0: i32) -> (i32, i32) {
    %c0_i32 = arith.constant 0 : i32
    %c0_i32_0 = arith.constant 0 : i32
    %c0_i32_1 = arith.constant 0 : i32
    return %c0_i32, %c0_i32_0 : i32, i32
  }
  func.func @transform_6(%arg0: i32) -> (i32, i32) {
    %c0_i32 = arith.constant 0 : i32
    %c0_i32_0 = arith.constant 0 : i32
    %c0_i32_1 = arith.constant 0 : i32
    return %c0_i32, %c0_i32_0 : i32, i32
  }
  func.func @transform_7(%arg0: i32) -> (i32, i32) {
    %c0_i32 = arith.constant 0 : i32
    %c0_i32_0 = arith.constant 0 : i32
    %c0_i32_1 = arith.constant 0 : i32
    return %c0_i32, %c0_i32_0 : i32, i32
  }
  func.func @transform_8(%arg0: i32) -> (i32, i32) {
    %c0_i32 = arith.constant 0 : i32
    %c0_i32_0 = arith.constant 0 : i32
    %c0_i32_1 = arith.constant 0 : i32
    return %c0_i32, %c0_i32_0 : i32, i32
  }
  func.func @transform_9(%arg0: i32) -> (i32, i32) {
    %c0_i32 = arith.constant 0 : i32
    %c0_i32_0 = arith.constant 0 : i32
    %c0_i32_1 = arith.constant 0 : i32
    return %c0_i32, %c0_i32_0 : i32, i32
  }
  func.func @transform_10(%arg0: i32) -> (i32, i32) {
    %c0_i32 = arith.constant 0 : i32
    %c0_i32_0 = arith.constant 0 : i32
    %c0_i32_1 = arith.constant 0 : i32
    return %c0_i32, %c0_i32_0 : i32, i32
  }
  func.func @transform_11(%arg0: i32) -> (i32, i32) {
    %add3A = arith.constant 10 : i32
    %add3A_0 = arith.addi %arg0, %add3A : i32
    %c0_i32 = arith.constant 0 : i32
    %c0_i32_1 = arith.constant 0 : i32
    return %add3A_0, %c0_i32 : i32, i32
  }
  func.func @transform_12(%arg0: i32) -> (i32, i32) {
    %c0_i32 = arith.constant 0 : i32
    %c0_i32_0 = arith.constant 0 : i32
    %c0_i32_1 = arith.constant 0 : i32
    return %c0_i32, %c0_i32_0 : i32, i32
  }
  func.func @transform_13(%arg0: i32) -> (i32, i32) {
    %c0_i32 = arith.constant 0 : i32
    %c0_i32_0 = arith.constant 0 : i32
    %c0_i32_1 = arith.constant 0 : i32
    return %c0_i32, %c0_i32_0 : i32, i32
  }
}

module attributes {stable_mosaic.version = 14 : i64} {
  func.func @_main_body(%arg0: i32, %arg1: memref<6400x128xi32, #tpu.memory_space<vmem>>, %arg2: memref<400x128xf32, #tpu.memory_space<vmem>>, %arg3: memref<400x64xf32, #tpu.memory_space<vmem>>, %arg4: memref<64x128xf32, #tpu.memory_space<vmem>>, %arg5: memref<64x128xf32, #tpu.memory_space<vmem>>, %arg6: memref<64x128xf32, #tpu.memory_space<vmem>>, %arg7: memref<1x128xf32, #tpu.memory_space<vmem>>, %arg8: memref<1x64xf32, #tpu.memory_space<vmem>>, %arg9: memref<128x128xf32, #tpu.memory_space<vmem>>, %arg10: memref<1x128xf32, #tpu.memory_space<vmem>>, %arg11: memref<8x128xf32, #tpu.memory_space<vmem>>, %arg12: memref<400x128xf32, #tpu.memory_space<vmem>>, %arg13: memref<1x128xf32, #tpu.memory_space<vmem>>, %arg14: memref<1x128xf32, #tpu.memory_space<vmem>>) attributes {dimension_semantics = [#tpu.dimension_semantics<arbitrary>], iteration_bounds = array<i64: 25>, scalar_prefetch = 0 : i64, scratch_operands = 0 : i64, tpu.core_type = #tpu.core_type<tc>, window_params = [{transform_indices = @transform_0, window_bounds = array<i64: 6400, 128>}, {transform_indices = @transform_1, window_bounds = array<i64: 400, 128>}, {transform_indices = @transform_2, window_bounds = array<i64: 400, 64>}, {pipeline_mode = #tpu.pipeline_mode<synchronous>, transform_indices = @transform_3, window_bounds = array<i64: 64, 128>}, {pipeline_mode = #tpu.pipeline_mode<synchronous>, transform_indices = @transform_4, window_bounds = array<i64: 64, 128>}, {pipeline_mode = #tpu.pipeline_mode<synchronous>, transform_indices = @transform_5, window_bounds = array<i64: 64, 128>}, {pipeline_mode = #tpu.pipeline_mode<synchronous>, transform_indices = @transform_6, window_bounds = array<i64: 1, 128>}, {pipeline_mode = #tpu.pipeline_mode<synchronous>, transform_indices = @transform_7, window_bounds = array<i64: 1, 64>}, {pipeline_mode = #tpu.pipeline_mode<synchronous>, transform_indices = @transform_8, window_bounds = array<i64: 128, 128>}, {pipeline_mode = #tpu.pipeline_mode<synchronous>, transform_indices = @transform_9, window_bounds = array<i64: 1, 128>}, {transform_indices = @transform_10, window_bounds = array<i64: 8, 128>}, {transform_indices = @transform_11, window_bounds = array<i64: 400, 128>}, {pipeline_mode = #tpu.pipeline_mode<synchronous>, transform_indices = @transform_12, window_bounds = array<i64: 1, 128>}, {pipeline_mode = #tpu.pipeline_mode<synchronous>, transform_indices = @transform_13, window_bounds = array<i64: 1, 128>}]} {
    %get3A = arith.constant 0 : index
    %get3A_0 = arith.constant 0 : index
    %get3A_1 = vector.load %arg1[%get3A, %get3A_0] : memref<6400x128xi32, #tpu.memory_space<vmem>>, vector<6400x128xi32>
    %shift_left3A = arith.constant 16 : i32
    %shift_left3A_2 = vector.broadcast %shift_left3A : i32 to vector<6400x128xi32>
    %shift_left3A_3 = arith.shli %get3A_1, %shift_left3A_2 : vector<6400x128xi32>
    %bitcast_convert_type3A = tpu.bitcast %shift_left3A_3 : vector<6400x128xi32> -> vector<6400x128xf32>
    %and3A = arith.constant -65536 : i32
    %and3A_4 = vector.broadcast %and3A : i32 to vector<6400x128xi32>
    %and3A_5 = arith.andi %get3A_1, %and3A_4 : vector<6400x128xi32>
    %bitcast_convert_type3A_6 = tpu.bitcast %and3A_5 : vector<6400x128xi32> -> vector<6400x128xf32>
    %slice3A = vector.extract_strided_slice %bitcast_convert_type3A {offsets = [0, 0], sizes = [6400, 64], strides = [1, 1]} : vector<6400x128xf32> to vector<6400x64xf32>
    %slice3A_7 = vector.extract_strided_slice %bitcast_convert_type3A_6 {offsets = [0, 0], sizes = [6400, 64], strides = [1, 1]} : vector<6400x128xf32> to vector<6400x64xf32>
    %concatenate3A = tpu.concatenate %slice3A, %slice3A_7 in 1 : vector<6400x64xf32>, vector<6400x64xf32> -> vector<6400x128xf32>
    %slice3A_8 = vector.extract_strided_slice %bitcast_convert_type3A_6 {offsets = [0, 64], sizes = [6400, 64], strides = [1, 1]} : vector<6400x128xf32> to vector<6400x64xf32>
    %reshape3A = vector.shape_cast %slice3A_8 : vector<6400x64xf32> to vector<400x16x64xf32>
    %reduce_max3A = arith.constant dense<0xFF800000> : vector<400x64xf32>
    %reduce_max3A_9 = vector.multi_reduction <maximumf>, %reshape3A, %reduce_max3A [1] : vector<400x16x64xf32> to vector<400x64xf32>
    %get3A_10 = arith.constant 0 : index
    %get3A_11 = arith.constant 0 : index
    %get3A_12 = vector.load %arg8[%get3A_10, %get3A_11] : memref<1x64xf32, #tpu.memory_space<vmem>>, vector<1x64xf32>
    %get3A_13 = arith.constant 0 : index
    %get3A_14 = arith.constant 0 : index
    %get3A_15 = vector.load %arg3[%get3A_13, %get3A_14] : memref<400x64xf32, #tpu.memory_space<vmem>>, vector<400x64xf32>
    %sub3A = vector.broadcast %get3A_12 : vector<1x64xf32> to vector<400x64xf32>
    %sub3A_16 = arith.subf %sub3A, %get3A_15 : vector<400x64xf32>
    %get3A_17 = arith.constant 0 : index
    %get3A_18 = arith.constant 0 : index
    %get3A_19 = vector.load %arg6[%get3A_17, %get3A_18] : memref<64x128xf32, #tpu.memory_space<vmem>>, vector<64x128xf32>
    %dot_general3A = arith.constant dense<0.000000e+00> : vector<400x128xf32>
    %dot_general3A_20 = tpu.matmul %reduce_max3A_9, %get3A_19, %dot_general3A {dimension_numbers = #tpu.dot_dimension_numbers<[1], [0], [0], [1], [0, 0, 1, 1], [], []>, transpose_lhs_hint = false} : vector<400x64xf32>, vector<64x128xf32>, vector<400x128xf32> -> vector<400x128xf32>
    %get3A_21 = arith.constant 0 : index
    %get3A_22 = arith.constant 0 : index
    %get3A_23 = vector.load %arg5[%get3A_21, %get3A_22] : memref<64x128xf32, #tpu.memory_space<vmem>>, vector<64x128xf32>
    %dot_general3A_24 = arith.constant dense<0.000000e+00> : vector<400x128xf32>
    %dot_general3A_25 = tpu.matmul %sub3A_16, %get3A_23, %dot_general3A_24 {dimension_numbers = #tpu.dot_dimension_numbers<[1], [0], [0], [1], [0, 0, 1, 1], [], []>, transpose_lhs_hint = false} : vector<400x64xf32>, vector<64x128xf32>, vector<400x128xf32> -> vector<400x128xf32>
    %add3A = arith.addf %dot_general3A_20, %dot_general3A_25 : vector<400x128xf32>
    %get3A_26 = arith.constant 0 : index
    %get3A_27 = arith.constant 0 : index
    %get3A_28 = vector.load %arg7[%get3A_26, %get3A_27] : memref<1x128xf32, #tpu.memory_space<vmem>>, vector<1x128xf32>
    %add3A_29 = vector.broadcast %get3A_28 : vector<1x128xf32> to vector<400x128xf32>
    %add3A_30 = arith.addf %add3A, %add3A_29 : vector<400x128xf32>
    %convert_element_type3A = arith.truncf %slice3A_8 : vector<6400x64xf32> to vector<6400x64xbf16>
    %get3A_31 = arith.constant 0 : index
    %get3A_32 = arith.constant 0 : index
    %get3A_33 = vector.load %arg4[%get3A_31, %get3A_32] : memref<64x128xf32, #tpu.memory_space<vmem>>, vector<64x128xf32>
    %convert_element_type3A_34 = arith.truncf %get3A_33 : vector<64x128xf32> to vector<64x128xbf16>
    %dot_general3A_35 = arith.constant dense<0.000000e+00> : vector<6400x128xf32>
    %dot_general3A_36 = tpu.matmul %convert_element_type3A, %convert_element_type3A_34, %dot_general3A_35 {dimension_numbers = #tpu.dot_dimension_numbers<[1], [0], [0], [1], [0, 0, 1, 1], [], []>, transpose_lhs_hint = false} : vector<6400x64xbf16>, vector<64x128xbf16>, vector<6400x128xf32> -> vector<6400x128xf32>
    %reshape3A_37 = vector.shape_cast %dot_general3A_36 : vector<6400x128xf32> to vector<400x16x128xf32>
    %broadcast_in_dim3A = vector.shape_cast %add3A_30 : vector<400x128xf32> to vector<400x1x128xf32>
    %add3A_38 = vector.broadcast %broadcast_in_dim3A : vector<400x1x128xf32> to vector<400x16x128xf32>
    %add3A_39 = arith.addf %reshape3A_37, %add3A_38 : vector<400x16x128xf32>
    %mul3A = arith.constant 5.000000e-01 : f32
    %mul3A_40 = vector.broadcast %mul3A : f32 to vector<400x16x128xf32>
    %mul3A_41 = arith.mulf %mul3A_40, %add3A_39 : vector<400x16x128xf32>
    %mul3A_42 = arith.constant 0.707106769 : f32
    %mul3A_43 = vector.broadcast %mul3A_42 : f32 to vector<400x16x128xf32>
    %mul3A_44 = arith.mulf %add3A_39, %mul3A_43 : vector<400x16x128xf32>
    %erf3A = math.erf %mul3A_44 : vector<400x16x128xf32>
    %add3A_45 = arith.constant 1.000000e+00 : f32
    %add3A_46 = vector.broadcast %add3A_45 : f32 to vector<400x16x128xf32>
    %add3A_47 = arith.addf %add3A_46, %erf3A : vector<400x16x128xf32>
    %mul3A_48 = arith.mulf %mul3A_41, %add3A_47 : vector<400x16x128xf32>
    %reshape3A_49 = vector.shape_cast %mul3A_48 : vector<400x16x128xf32> to vector<6400x128xf32>
    %convert_element_type3A_50 = arith.truncf %reshape3A_49 : vector<6400x128xf32> to vector<6400x128xbf16>
    %get3A_51 = arith.constant 0 : index
    %get3A_52 = arith.constant 0 : index
    %get3A_53 = vector.load %arg9[%get3A_51, %get3A_52] : memref<128x128xf32, #tpu.memory_space<vmem>>, vector<128x128xf32>
    %convert_element_type3A_54 = arith.truncf %get3A_53 : vector<128x128xf32> to vector<128x128xbf16>
    %dot_general3A_55 = arith.constant dense<0.000000e+00> : vector<6400x128xf32>
    %dot_general3A_56 = tpu.matmul %convert_element_type3A_50, %convert_element_type3A_54, %dot_general3A_55 {dimension_numbers = #tpu.dot_dimension_numbers<[1], [0], [0], [1], [0, 0, 1, 1], [], []>, transpose_lhs_hint = false} : vector<6400x128xbf16>, vector<128x128xbf16>, vector<6400x128xf32> -> vector<6400x128xf32>
    %get3A_57 = arith.constant 0 : index
    %get3A_58 = arith.constant 0 : index
    %get3A_59 = vector.load %arg10[%get3A_57, %get3A_58] : memref<1x128xf32, #tpu.memory_space<vmem>>, vector<1x128xf32>
    %add3A_60 = vector.broadcast %get3A_59 : vector<1x128xf32> to vector<6400x128xf32>
    %add3A_61 = arith.addf %dot_general3A_56, %add3A_60 : vector<6400x128xf32>
    %add3A_62 = arith.addf %add3A_61, %concatenate3A : vector<6400x128xf32>
    %reshape3A_63 = vector.shape_cast %add3A_62 : vector<6400x128xf32> to vector<400x16x128xf32>
    %reduce_max3A_64 = arith.constant dense<0xFF800000> : vector<400x128xf32>
    %reduce_max3A_65 = vector.multi_reduction <maximumf>, %reshape3A_63, %reduce_max3A_64 [1] : vector<400x16x128xf32> to vector<400x128xf32>
    %get3A_66 = arith.constant 0 : index
    %get3A_67 = arith.constant 0 : index
    %get3A_68 = vector.load %arg2[%get3A_66, %get3A_67] : memref<400x128xf32, #tpu.memory_space<vmem>>, vector<400x128xf32>
    %sub3A_69 = arith.subf %reduce_max3A_65, %get3A_68 : vector<400x128xf32>
    %swap3A = arith.constant 0 : index
    %swap3A_70 = arith.constant 0 : index
    %swap3A_71 = vector.load %arg12[%swap3A, %swap3A_70] : memref<400x128xf32, #tpu.memory_space<vmem>>, vector<400x128xf32>
    tpu.vector_store %arg12[%swap3A, %swap3A_70], %sub3A_69 {strides = array<i32>} : memref<400x128xf32, #tpu.memory_space<vmem>>, vector<400x128xf32>,
    %eq3A = arith.constant 0 : i32
    %eq3A_72 = arith.cmpi eq, %arg0, %eq3A : i32
    %convert_element_type3A_73 = arith.extui %eq3A_72 : i1 to i32
    %cond3A = arith.constant 0 : i32
    %cond3A_74 = arith.cmpi ne, %convert_element_type3A_73, %cond3A : i32
    scf.if %cond3A_74 {
      %broadcast_in_dim3A_95 = arith.constant 0.000000e+00 : f32
      %broadcast_in_dim3A_96 = vector.broadcast %broadcast_in_dim3A_95 : f32 to vector<1x128xf32>
      %swap3A_97 = arith.constant 0 : index
      %swap3A_98 = arith.constant 0 : index
      %swap3A_99 = vector.load %arg13[%swap3A_97, %swap3A_98] : memref<1x128xf32, #tpu.memory_space<vmem>>, vector<1x128xf32>
      tpu.vector_store %arg13[%swap3A_97, %swap3A_98], %broadcast_in_dim3A_96 {strides = array<i32>} : memref<1x128xf32, #tpu.memory_space<vmem>>, vector<1x128xf32>,
      %broadcast_in_dim3A_100 = arith.constant 0.000000e+00 : f32
      %broadcast_in_dim3A_101 = vector.broadcast %broadcast_in_dim3A_100 : f32 to vector<1x128xf32>
      %swap3A_102 = arith.constant 0 : index
      %swap3A_103 = arith.constant 0 : index
      %swap3A_104 = vector.load %arg14[%swap3A_102, %swap3A_103] : memref<1x128xf32, #tpu.memory_space<vmem>>, vector<1x128xf32>
      tpu.vector_store %arg14[%swap3A_102, %swap3A_103], %broadcast_in_dim3A_101 {strides = array<i32>} : memref<1x128xf32, #tpu.memory_space<vmem>>, vector<1x128xf32>,
    } else {
    }
    %get3A_75 = arith.constant 0 : index
    %get3A_76 = arith.constant 0 : index
    %get3A_77 = vector.load %arg13[%get3A_75, %get3A_76] : memref<1x128xf32, #tpu.memory_space<vmem>>, vector<1x128xf32>
    %reduce_sum3A = arith.constant dense<0.000000e+00> : vector<128xf32>
    %reduce_sum3A_78 = vector.multi_reduction <add>, %sub3A_69, %reduce_sum3A [0] : vector<400x128xf32> to vector<128xf32>
    %broadcast_in_dim3A_79 = vector.shape_cast %reduce_sum3A_78 : vector<128xf32> to vector<1x128xf32>
    %add3A_80 = arith.addf %get3A_77, %broadcast_in_dim3A_79 : vector<1x128xf32>
    %swap3A_81 = arith.constant 0 : index
    %swap3A_82 = arith.constant 0 : index
    %swap3A_83 = vector.load %arg13[%swap3A_81, %swap3A_82] : memref<1x128xf32, #tpu.memory_space<vmem>>, vector<1x128xf32>
    tpu.vector_store %arg13[%swap3A_81, %swap3A_82], %add3A_80 {strides = array<i32>} : memref<1x128xf32, #tpu.memory_space<vmem>>, vector<1x128xf32>,
    %get3A_84 = arith.constant 0 : index
    %get3A_85 = arith.constant 0 : index
    %get3A_86 = vector.load %arg14[%get3A_84, %get3A_85] : memref<1x128xf32, #tpu.memory_space<vmem>>, vector<1x128xf32>
    %mul3A_87 = arith.mulf %sub3A_69, %sub3A_69 : vector<400x128xf32>
    %reduce_sum3A_88 = arith.constant dense<0.000000e+00> : vector<128xf32>
    %reduce_sum3A_89 = vector.multi_reduction <add>, %mul3A_87, %reduce_sum3A_88 [0] : vector<400x128xf32> to vector<128xf32>
    %broadcast_in_dim3A_90 = vector.shape_cast %reduce_sum3A_89 : vector<128xf32> to vector<1x128xf32>
    %add3A_91 = arith.addf %get3A_86, %broadcast_in_dim3A_90 : vector<1x128xf32>
    %swap3A_92 = arith.constant 0 : index
    %swap3A_93 = arith.constant 0 : index
    %swap3A_94 = vector.load %arg14[%swap3A_92, %swap3A_93] : memref<1x128xf32, #tpu.memory_space<vmem>>, vector<1x128xf32>
    tpu.vector_store %arg14[%swap3A_92, %swap3A_93], %add3A_91 {strides = array<i32>} : memref<1x128xf32, #tpu.memory_space<vmem>>, vector<1x128xf32>,
    return
  }
  func.func @transform_0(%arg0: i32) -> (i32, i32) {
    %c0_i32 = arith.constant 0 : i32
    %c0_i32_0 = arith.constant 0 : i32
    return %arg0, %c0_i32 : i32, i32
  }
  func.func @transform_1(%arg0: i32) -> (i32, i32) {
    %add3A = arith.constant 0 : i32
    %add3A_0 = arith.addi %arg0, %add3A : i32
    %c0_i32 = arith.constant 0 : i32
    %c0_i32_1 = arith.constant 0 : i32
    return %add3A_0, %c0_i32 : i32, i32
  }
  func.func @transform_2(%arg0: i32) -> (i32, i32) {
    %add3A = arith.constant 0 : i32
    %add3A_0 = arith.addi %arg0, %add3A : i32
    %c0_i32 = arith.constant 0 : i32
    %c0_i32_1 = arith.constant 0 : i32
    return %add3A_0, %c0_i32 : i32, i32
  }
  func.func @transform_3(%arg0: i32) -> (i32, i32) {
    %c0_i32 = arith.constant 0 : i32
    %c0_i32_0 = arith.constant 0 : i32
    %c0_i32_1 = arith.constant 0 : i32
    return %c0_i32, %c0_i32_0 : i32, i32
  }
  func.func @transform_4(%arg0: i32) -> (i32, i32) {
    %c0_i32 = arith.constant 0 : i32
    %c0_i32_0 = arith.constant 0 : i32
    %c0_i32_1 = arith.constant 0 : i32
    return %c0_i32, %c0_i32_0 : i32, i32
  }
  func.func @transform_5(%arg0: i32) -> (i32, i32) {
    %c0_i32 = arith.constant 0 : i32
    %c0_i32_0 = arith.constant 0 : i32
    %c0_i32_1 = arith.constant 0 : i32
    return %c0_i32, %c0_i32_0 : i32, i32
  }
  func.func @transform_6(%arg0: i32) -> (i32, i32) {
    %c0_i32 = arith.constant 0 : i32
    %c0_i32_0 = arith.constant 0 : i32
    %c0_i32_1 = arith.constant 0 : i32
    return %c0_i32, %c0_i32_0 : i32, i32
  }
  func.func @transform_7(%arg0: i32) -> (i32, i32) {
    %c0_i32 = arith.constant 0 : i32
    %c0_i32_0 = arith.constant 0 : i32
    %c0_i32_1 = arith.constant 0 : i32
    return %c0_i32, %c0_i32_0 : i32, i32
  }
  func.func @transform_8(%arg0: i32) -> (i32, i32) {
    %c0_i32 = arith.constant 0 : i32
    %c0_i32_0 = arith.constant 0 : i32
    %c0_i32_1 = arith.constant 0 : i32
    return %c0_i32, %c0_i32_0 : i32, i32
  }
  func.func @transform_9(%arg0: i32) -> (i32, i32) {
    %c0_i32 = arith.constant 0 : i32
    %c0_i32_0 = arith.constant 0 : i32
    %c0_i32_1 = arith.constant 0 : i32
    return %c0_i32, %c0_i32_0 : i32, i32
  }
  func.func @transform_10(%arg0: i32) -> (i32, i32) {
    %c0_i32 = arith.constant 0 : i32
    %c0_i32_0 = arith.constant 0 : i32
    %c0_i32_1 = arith.constant 0 : i32
    return %c0_i32, %c0_i32_0 : i32, i32
  }
  func.func @transform_11(%arg0: i32) -> (i32, i32) {
    %add3A = arith.constant 25 : i32
    %add3A_0 = arith.addi %arg0, %add3A : i32
    %c0_i32 = arith.constant 0 : i32
    %c0_i32_1 = arith.constant 0 : i32
    return %add3A_0, %c0_i32 : i32, i32
  }
  func.func @transform_12(%arg0: i32) -> (i32, i32) {
    %c0_i32 = arith.constant 0 : i32
    %c0_i32_0 = arith.constant 0 : i32
    %c0_i32_1 = arith.constant 0 : i32
    return %c0_i32, %c0_i32_0 : i32, i32
  }
  func.func @transform_13(%arg0: i32) -> (i32, i32) {
    %c0_i32 = arith.constant 0 : i32
    %c0_i32_0 = arith.constant 0 : i32
    %c0_i32_1 = arith.constant 0 : i32
    return %c0_i32, %c0_i32_0 : i32, i32
  }
}

module attributes {stable_mosaic.version = 14 : i64} {
  func.func @_bn_body(%arg0: i32, %arg1: memref<2000x128xf32, #tpu.memory_space<vmem>>, %arg2: memref<1x128xf32, #tpu.memory_space<vmem>>, %arg3: memref<1x128xf32, #tpu.memory_space<vmem>>, %arg4: memref<1x128xf32, #tpu.memory_space<vmem>>, %arg5: memref<1x128xf32, #tpu.memory_space<vmem>>, %arg6: memref<2000x128xf32, #tpu.memory_space<vmem>>) attributes {dimension_semantics = [#tpu.dimension_semantics<arbitrary>], iteration_bounds = array<i64: 10>, scalar_prefetch = 0 : i64, scratch_operands = 0 : i64, tpu.core_type = #tpu.core_type<tc>, window_params = [{transform_indices = @transform_0, window_bounds = array<i64: 2000, 128>}, {pipeline_mode = #tpu.pipeline_mode<synchronous>, transform_indices = @transform_1, window_bounds = array<i64: 1, 128>}, {pipeline_mode = #tpu.pipeline_mode<synchronous>, transform_indices = @transform_2, window_bounds = array<i64: 1, 128>}, {pipeline_mode = #tpu.pipeline_mode<synchronous>, transform_indices = @transform_3, window_bounds = array<i64: 1, 128>}, {pipeline_mode = #tpu.pipeline_mode<synchronous>, transform_indices = @transform_4, window_bounds = array<i64: 1, 128>}, {transform_indices = @transform_5, window_bounds = array<i64: 2000, 128>}]} {
    %get3A = arith.constant 0 : index
    %get3A_0 = arith.constant 0 : index
    %get3A_1 = vector.load %arg2[%get3A, %get3A_0] : memref<1x128xf32, #tpu.memory_space<vmem>>, vector<1x128xf32>
    %mul3A = arith.constant 5.000000e-05 : f32
    %mul3A_2 = vector.broadcast %mul3A : f32 to vector<1x128xf32>
    %mul3A_3 = arith.mulf %get3A_1, %mul3A_2 : vector<1x128xf32>
    %get3A_4 = arith.constant 0 : index
    %get3A_5 = arith.constant 0 : index
    %get3A_6 = vector.load %arg3[%get3A_4, %get3A_5] : memref<1x128xf32, #tpu.memory_space<vmem>>, vector<1x128xf32>
    %mul3A_7 = arith.constant 5.000000e-05 : f32
    %mul3A_8 = vector.broadcast %mul3A_7 : f32 to vector<1x128xf32>
    %mul3A_9 = arith.mulf %get3A_6, %mul3A_8 : vector<1x128xf32>
    %mul3A_10 = arith.mulf %mul3A_3, %mul3A_3 : vector<1x128xf32>
    %sub3A = arith.subf %mul3A_9, %mul3A_10 : vector<1x128xf32>
    %add3A = arith.constant 9.99999974E-6 : f32
    %add3A_11 = vector.broadcast %add3A : f32 to vector<1x128xf32>
    %add3A_12 = arith.addf %sub3A, %add3A_11 : vector<1x128xf32>
    %rsqrt3A = math.rsqrt %add3A_12 : vector<1x128xf32>
    %get3A_13 = arith.constant 0 : index
    %get3A_14 = arith.constant 0 : index
    %get3A_15 = vector.load %arg4[%get3A_13, %get3A_14] : memref<1x128xf32, #tpu.memory_space<vmem>>, vector<1x128xf32>
    %mul3A_16 = arith.mulf %rsqrt3A, %get3A_15 : vector<1x128xf32>
    %get3A_17 = arith.constant 0 : index
    %get3A_18 = arith.constant 0 : index
    %get3A_19 = vector.load %arg1[%get3A_17, %get3A_18] : memref<2000x128xf32, #tpu.memory_space<vmem>>, vector<2000x128xf32>
    %sub3A_20 = vector.broadcast %mul3A_3 : vector<1x128xf32> to vector<2000x128xf32>
    %sub3A_21 = arith.subf %get3A_19, %sub3A_20 : vector<2000x128xf32>
    %mul3A_22 = vector.broadcast %mul3A_16 : vector<1x128xf32> to vector<2000x128xf32>
    %mul3A_23 = arith.mulf %sub3A_21, %mul3A_22 : vector<2000x128xf32>
    %get3A_24 = arith.constant 0 : index
    %get3A_25 = arith.constant 0 : index
    %get3A_26 = vector.load %arg5[%get3A_24, %get3A_25] : memref<1x128xf32, #tpu.memory_space<vmem>>, vector<1x128xf32>
    %add3A_27 = vector.broadcast %get3A_26 : vector<1x128xf32> to vector<2000x128xf32>
    %add3A_28 = arith.addf %mul3A_23, %add3A_27 : vector<2000x128xf32>
    %swap3A = arith.constant 0 : index
    %swap3A_29 = arith.constant 0 : index
    %swap3A_30 = vector.load %arg6[%swap3A, %swap3A_29] : memref<2000x128xf32, #tpu.memory_space<vmem>>, vector<2000x128xf32>
    tpu.vector_store %arg6[%swap3A, %swap3A_29], %add3A_28 {strides = array<i32>} : memref<2000x128xf32, #tpu.memory_space<vmem>>, vector<2000x128xf32>,
    return
  }
  func.func @transform_0(%arg0: i32) -> (i32, i32) {
    %c0_i32 = arith.constant 0 : i32
    %c0_i32_0 = arith.constant 0 : i32
    return %arg0, %c0_i32 : i32, i32
  }
  func.func @transform_1(%arg0: i32) -> (i32, i32) {
    %c0_i32 = arith.constant 0 : i32
    %c0_i32_0 = arith.constant 0 : i32
    %c0_i32_1 = arith.constant 0 : i32
    return %c0_i32, %c0_i32_0 : i32, i32
  }
  func.func @transform_2(%arg0: i32) -> (i32, i32) {
    %c0_i32 = arith.constant 0 : i32
    %c0_i32_0 = arith.constant 0 : i32
    %c0_i32_1 = arith.constant 0 : i32
    return %c0_i32, %c0_i32_0 : i32, i32
  }
  func.func @transform_3(%arg0: i32) -> (i32, i32) {
    %c0_i32 = arith.constant 0 : i32
    %c0_i32_0 = arith.constant 0 : i32
    %c0_i32_1 = arith.constant 0 : i32
    return %c0_i32, %c0_i32_0 : i32, i32
  }
  func.func @transform_4(%arg0: i32) -> (i32, i32) {
    %c0_i32 = arith.constant 0 : i32
    %c0_i32_0 = arith.constant 0 : i32
    %c0_i32_1 = arith.constant 0 : i32
    return %c0_i32, %c0_i32_0 : i32, i32
  }
  func.func @transform_5(%arg0: i32) -> (i32, i32) {
    %c0_i32 = arith.constant 0 : i32
    %c0_i32_0 = arith.constant 0 : i32
    return %arg0, %c0_i32 : i32, i32
  }
}

</mosaic_0001>

<sc_bundles>
// kernel: kernel.11.cloned.1.call-start
scs
__scs_entry_jumppad:
0x0: {  	(pc) =	sbr.rel $0x88, $3  }
0x1: {  	(tag) =	ssettag $0x0;
	lr =	simm.s32 $0x1  }
0x2: {  	[smem:$0x3F93] =	sst lr;
	_ =	strace $0xD0000000  }
0x3: {  	_ = 	snop  }
0x4: {  	_ = 	snop  }
0x5: {  	_ = 	snop  }
0x6: {  	_ = 	snop  }
0x7: {  	_ = 	snop  }
__scs_overlays_trampoline_lowered:
0x8: {  	[smem:$0x3FA2] =	sst s0  }
0x9: {  	[smem:$0x3FA3] =	sst s1  }
0xa: {  	[smem:$0x3FA4] =	sst s2  }
0xb: {  	[smem:$0x3FA5] =	sst s3  }
0xc: {  	[smem:$0x3FA6] =	sst s4  }
0xd: {  	[smem:$0x3FA7] =	sst s5  }
0xe: {  	[smem:$0x3FA8] =	sst s6  }
0xf: {  	[smem:$0x3FA9] =	sst s7  }
0x10: {  	[smem:$0x3FAA] =	sst s8  }
0x11: {  	[smem:$0x3FAB] =	sst s9;
	s0 =	simm.s32 @!p0 $0x0  }
0x12: {  	s1 =	sld [smem:$0x3F91];
	s0 =	simm.s32 @p0 $0x1  }
0x13: {  	[smem:$0x3FAC] =	sst s0;
	s0 =	simm.s32 @!p1 $0x0  }
0x14: {  	s2 =	sld [smem:$0x3F90];
	s0 =	simm.s32 @p1 $0x1  }
0x15: {  	[smem:$0x3FAD] =	sst s0;
	s0 =	simm.s32 @!p2 $0x0  }
0x16: {  	s3 =	sld [smem:$0x3FDB];
	s0 =	simm.s32 @p2 $0x1  }
0x17: {  	s4 =	simm.s32 $0x1BF5;
	[smem:$0x3FAF] =	sst s0  }
0x18: {  	s0 =	sld [smem:$0x3F92];
	_ =	swait.ge [sflag:s4], $0x0  }
0x19: {  	s7 =	sld [smem:$0x3F93]  }
0x1a: {  	s8 =	sadd.s32 $0xFFFFE003, lr  }
0x1b: {  	s9 =	sadd.s32 $0xFFFFFEF7, lr;
	s5 =	simm.s32 $0xFFFFFFFF;
	p2 =	slt.u32 s8, $0xFFFFF086  }
0x1c: {  	p1 =	slt.u32 s9, $0xF7A;
	s5 =	simm.s32 @!p2 $0x0  }
0x1d: {  	s5 =	simm.s32 @p1 $0x1;
	p0 =	seq.s32 s7, s2  }
0x1e: {  	s7 =	smul.u32 @!p0 $0xF7A, s2;
	p2 =	seq.s32 @!p0 s5, $0x0  }
0x1f: {  	s9 =	smul.u32 $0xF7A, s1;
	s8 =	simm.s32 @!p0 $0x1BF5;
	p2 =	por !p2, p0  }
0x20: {  	[sflag:s8] =	ssyncset.s32 @!p0 $0xFFFFF086;
	s6 =	sadd.s32 @!p0 s3, s7;
	s7 =	simm.s32 @!p0 $0x108  }
0x21: {  	s3 =	sadd.s32 s3, s9;
	s6 =	sadd.s32 @!p0 $0x88, s6;
	s7 =	simm.s32 @p2 $0x1082  }
0x22: {  	[simem:s7], [sflag:s8] =	dma.local @!p0 [hbm:s6], $0xF7A  }
0x23: {  	s9 =	sor.u32 $0xD0000000, s2;
	s6 =	simm.s32 $0x108;
	_ =	swait.ge @!p0 [sflag:s8], $0x0  }
0x24: {  	s3 =	sadd.s32 $0x88, s3;
	s6 =	simm.s32 @!p1 $0x1082;
	[sflag:s4] =	ssyncset.s32 $0xFFFFF086  }
0x25: {  	[simem:s6], [sflag:s4] =	dma.local [hbm:s3], $0xF7A  }
0x26: {  	[smem:$0x3F93] =	sst s1;
	(tag) =	ssettag s2;
	_ =	strace s9  }
0x27: {  	s1 =	sld [smem:$0x3FA3]  }
0x28: {  	s2 =	sld [smem:$0x3FA4]  }
0x29: {  	s4 =	sld [smem:$0x3FA6]  }
0x2a: {  	p0 =	seq.s32 s5, $0x0;
	s5 =	sld [smem:$0x3FA7]  }
0x2b: {  	s6 =	sld [smem:$0x3FA8]  }
0x2c: {  	s7 =	sld [smem:$0x3FA9]  }
0x2d: {  	s3 =	simm.s32 $0x108;
	s8 =	sld [smem:$0x3FAA]  }
0x2e: {  	s3 =	simm.s32 @!p0 $0x1082;
	s9 =	sld [smem:$0x3FAB]  }
0x2f: {  	lr =	sadd.s32 s0, s3;
	s0 =	sld [smem:$0x3FA2]  }
0x30: {  	s3 =	sld [smem:$0x3FA5]  }
0x31: {  	[smem:$0x3FAE] =	sst s10  }
0x32: {  	s10 =	sld [smem:$0x3FAC];
	_ =	sdelay $0x3  }
0x33: {  	p0 =	seq.s32 s10, $0x1;
	s10 =	sld [smem:$0x3FAE];
	_ =	sdelay $0x3  }
0x34: {  	[smem:$0x3FAE] =	sst s10  }
0x35: {  	s10 =	sld [smem:$0x3FAD];
	_ =	sdelay $0x3  }
0x36: {  	p1 =	seq.s32 s10, $0x1;
	s10 =	sld [smem:$0x3FAE];
	_ =	sdelay $0x3  }
0x37: {  	[smem:$0x3FAE] =	sst s10  }
0x38: {  	s10 =	sld [smem:$0x3FAF]  }
0x39: {  	_ = 	snop;
	(pc) =	sbr.ind lr, $3  }
0x3a: {  	_ = 	snop  }
0x3b: {  	_ = 	snop  }
0x3c: {  	p2 =	seq.s32 s10, $0x1;
	s10 =	sld [smem:$0x3FAE]  }
0x3d: {  	_ =	shalt  }
0x3e: {  	_ =	shalt  }
0x3f: {  	_ =	shalt  }
0x40: {  	_ =	shalt  }
0x41: {  	_ =	shalt  }
0x42: {  	_ =	shalt  }
0x43: {  	_ =	shalt  }
0x44: {  	_ =	shalt  }
0x45: {  	_ =	shalt  }
0x46: {  	_ =	shalt  }
0x47: {  	_ =	shalt  }
0x48: {  	_ =	shalt  }
0x49: {  	_ =	shalt  }
0x4a: {  	_ =	shalt  }
0x4b: {  	_ =	shalt  }
0x4c: {  	_ =	shalt  }
0x4d: {  	_ =	shalt  }
0x4e: {  	_ =	shalt  }
0x4f: {  	_ =	shalt  }
0x50: {  	_ =	shalt  }
0x51: {  	_ =	shalt  }
0x52: {  	_ =	shalt  }
0x53: {  	_ =	shalt  }
0x54: {  	_ =	shalt  }
0x55: {  	_ =	shalt  }
0x56: {  	_ =	shalt  }
0x57: {  	_ =	shalt  }
0x58: {  	_ =	shalt  }
0x59: {  	_ =	shalt  }
0x5a: {  	_ =	shalt  }
0x5b: {  	_ =	shalt  }
0x5c: {  	_ =	shalt  }
0x5d: {  	_ =	shalt  }
0x5e: {  	_ =	shalt  }
0x5f: {  	_ =	shalt  }
0x60: {  	_ =	shalt  }
0x61: {  	_ =	shalt  }
0x62: {  	_ =	shalt  }
0x63: {  	_ =	shalt  }
0x64: {  	_ =	shalt  }
0x65: {  	_ =	shalt  }
0x66: {  	_ =	shalt  }
0x67: {  	_ =	shalt  }
0x68: {  	_ =	shalt  }
0x69: {  	_ =	shalt  }
0x6a: {  	_ =	shalt  }
0x6b: {  	_ =	shalt  }
0x6c: {  	_ =	shalt  }
0x6d: {  	_ =	shalt  }
0x6e: {  	_ =	shalt  }
0x6f: {  	_ =	shalt  }
0x70: {  	_ =	shalt  }
0x71: {  	_ =	shalt  }
0x72: {  	_ =	shalt  }
0x73: {  	_ =	shalt  }
0x74: {  	_ =	shalt  }
0x75: {  	_ =	shalt  }
0x76: {  	_ =	shalt  }
0x77: {  	_ =	shalt  }
0x78: {  	_ =	shalt  }
0x79: {  	_ =	shalt  }
0x7a: {  	_ =	shalt  }
0x7b: {  	_ =	shalt  }
0x7c: {  	_ =	shalt  }
0x7d: {  	_ =	shalt  }
0x7e: {  	_ =	shalt  }
0x7f: {  	_ =	shalt  }
0x80: {  	_ =	shalt  }
0x81: {  	_ =	shalt  }
0x82: {  	_ =	shalt  }
0x83: {  	_ =	shalt  }
0x84: {  	_ =	shalt  }
0x85: {  	_ =	shalt  }
0x86: {  	_ =	shalt  }
0x87: {  	_ =	shalt  }
.Lfunc_end0:
.L_simem_size_0:
called_computation_lowered:
.L_overlay_start_0:
0x88: {  	s2 =	sld [smem:$0x3FD9]  }
0x89: {  	s3 =	sld [smem:$0x3FFE];
	_ =	sdelay $0x1  }
0x8a: {  	s1 =	srdreg.scid  }
0x8b: {  	s0 =	sand.u32 $0x1, s1  }
0x8c: {  	s16 =	sshll.u32 s0, $0xA;
	s2 =	sadd.s32 s3, s2  }
0x8d: {  	s2 =	sadd.s32 s2, s16  }
0x8e: {  	[smem:$0x3FBA] =	sst s2  }
0x8f: {  	_ = 	snop  }
0x90: {  	(tm) =	ssettm $0x1  }
0x91: {  	s17 =	sld [smem:$0x3FFB];
	_ =	sdelay $0x3  }
0x92: {  	_ =	strace s17  }
0x93: {  	s2 =	sld [smem:$0x3FFC];
	_ =	sdelay $0x3  }
0x94: {  	_ =	strace s2  }
0x95: {  	s2 =	sld [smem:$0x3FFD];
	_ =	sdelay $0x3  }
0x96: {  	_ =	strace s2  }
0x97: {  	_ =	strace $0x8FFFFFFF  }
0x98: {  	s18 =	sld [smem:$0x3FDB];
	_ =	sdelay $0x1  }
0x99: {  	s19 =	simm.s32 $_scs_section_size  }
0x9a: {  	s4 =	simm.s32 $_size__tile_overlayer_lowered;
	s5 =	simm.s32 $_tile_overlayer_lowered  }
0x9b: {  	s22 =	simm.s32 $0x1BFF;
	s21 =	sshll.u32 s5, $0x1;
	s2 =	sadd.s32 s19, s18  }
0x9c: {  	s6 =	simm.s32 $0x0;
	s20 =	sshll.u32 s4, $0x1;
	s4 =	sadd.s32 s21, s2  }
0x9d: {  	[timem:s6], [sflag:s22] =	dma.local [hbm:s4], s20  }
0x9e: {  	_ =	swait.ge [sflag:s22], s20  }
0x9f: {  	s3 =	ssub.s32 $0x0, s20;
	[sflag:s22] =	ssyncset.done $0x0  }
0xa0: {  	[sflag:s22] =	ssyncadd.s32 s3;
	_ =	sdelay $0x1  }
0xa1: {  	s23 =	simm.s32 $0x1B8B  }
0xa2: {  	_ =	swait.ge [sflag:s23], $0x1  }
0xa3: {  	[sflag:s23] =	ssyncset.done $0x0  }
0xa4: {  	s25 =	simm.s32 $0x1B8E;
	s24 =	sld [smem:$0x3FFE];
	[sflag:s23] =	ssyncadd.s32 $0xFFFFFFFF  }
0xa5: {  	s26 =	simm.s32 $execute0_lowered;
	[smem:$0x3FD2] =	sst s25  }
0xa6: {  	s4 =	sshll.u32 s26, $0x1;
	_ =	strace $0x80000046;
	[dreg:$0x1] =	wrdreg $0xFFFFFFFF  }
0xa7: {  	s28 =	simm.s32 $_size_execute0_lowered;
	s2 =	sadd.s32 s2, s4;
	[dreg:$0x0] =	wrdreg $0x0  }
0xa8: {  	s4 =	sshll.u32 s28, $0x1;
	[dreg:$0x2] =	wrdreg s2  }
0xa9: {  	[dreg:$0x3] =	wrdreg s4  }
0xaa: {  	[dreg:$0x4] =	wrdreg $0xC0  }
0xab: {  	_ =	task [dreg:s6], $0x5FFFF  }
0xac: {  	[dreg:$0x1] =	wrdreg $0xFFFFFFFF  }
0xad: {  	[dreg:$0x0] =	wrdreg $0x60  }
0xae: {  	[dreg:$0x2] =	wrdreg s24  }
0xaf: {  	[dreg:$0x3] =	wrdreg $0x9  }
0xb0: {  	_ =	task.clear_ibuf [dreg:s6], $0x4FFFF;
	_ =	strace $0x90000046  }
0xb1: {  	s29 =	simm.s32 $0x9;
	_ =	strace $0x80000048  }
0xb2: {  	_ =	swait.ge [sflag:s29], $0x1  }
0xb3: {  	[sflag:s29] =	ssyncadd.s32 $0xFFFFFFFF  }
0xb4: {  	_ =	strace $0x90000048  }
0xb5: {  	_ =	sfence  }
0xb6: {  	s30 =	sld [smem:$0x0];
	_ =	sdelay $0x2  }
0xb7: {  	s31 =	sshll.u32 s1, $0xD;
	s1 =	sshrl.u32 s1, $0x2  }
0xb8: {  	s3 =	sand.u32 $0x4000, s31;
	s1 =	sadd.s32 s1, s30  }
0xb9: {  	s0 =	sor.u32 s3, s0;
	s1 =	sshll.u32 s1, $0x11  }
0xba: {  	s0 =	sor.u32 s1, s0  }
0xbb: {  	s0 =	sadd.s32 $0x8F2B, s0  }
0xbc: {  	[sflag:s0] =	ssyncadd.remote.s32 $0x1  }
0xbd: {  	_ =	sfence.sel $0xFFFF  }
0xbe: {  	[dreg:$0x0] =	wrdreg $0xFFFFFFFF;
	(pc) =	sbr.abs _section_cstart, $3  }
0xbf: {  	[dreg:$0x1] =	wrdreg $0xFFFFFFFF  }
0xc0: {  	_ =	task.clear_ibuf [dreg:s6], $0x2FFFF;
	_ =	strace $0x9FFFFFFF  }
0xc1: {  	(tm) =	ssettm $0x7FFFFFFF  }
tec
execute0_lowered:
.L_overlay_start_1:
0x0: {  	(tag) =	ssettag $0x1  }
0x1: {  	s1 =	srdreg.scid;
	s0 =	stileid.u32  }
0x2: {  	s1 =	sand.u32 $0x1, s1;
	s2 =	sshll.u32 s0, $0x1  }
0x3: {  	s10 =	sor.u32 s1, s2  }
0x4: {  	s11 =	rddreg [dreg:$0x0];
	s30 =	smul.u32 $0x7D0, s10  }
0x5: {  	s29 =	sadd.s32 $0x6400, s11  }
0x6: {  	[dreg:$0x4] =	wrdreg s1;
	s2 =	simm.s32 $0x0;
	s3 =	sshrl.u32 s30, $0x3  }
0x7: {  	[smem:$0x7FF] =	sst s2;
	s14 =	sadd.s32 $0xC8, s30;
	s3 =	sadd.s32 s29, s3  }
0x8: {  	_ =	strace $0x80000047;
	s0 =	sshrl.u32 s14, $0x3;
	[dreg:$0x2] =	wrdreg s3  }
0x9: {  	s3 =	sadd.s32 s29, s0;
	s4 =	rddreg [dreg:$0x2]  }
0xa: {  	[dreg:$0x3] =	wrdreg s3;
	s3 =	simm.s32 $0x5  }
0xb: {  	[tilespmem:s2], [sflag:$0x5] =	stream.linear.gather [hbm4b:s4+s2], $0xC8, $0x38;
	[tilespmem:$0xCA00] =	vst v63  }
0xc: {  	_ =	swait.ge [sflag:s3], $0xC8  }
0xd: {  	s5 =	simm.s32 $0xC8;
	[sflag:s3] =	ssyncset.done $0x0  }
0xe: {  	s6 =	simm.s32 $0x200;
	s4 =	sadd.s32 $0xB400, s11;
	[sflag:s3] =	ssyncadd.s32 $0xFFFFFF38  }
0xf: {  	[tilespmem:s6], [sflag:$0x1] =	stream.indirect.gather [hbm4b:s4+s5], $0x80, s2, s5, $0xb8;
	[tilespmem:$0xCA00] =	vst v63  }
0x10: {  	s7 =	simm.s32 $0x100;
	s8 =	rddreg [dreg:$0x3]  }
0x11: {  	[tilespmem:s7], [sflag:$0x5] =	stream.linear.gather [hbm4b:s8+s2], $0xC8, $0x38;
	[tilespmem:$0xCA00] =	vst v63  }
0x12: {  	_ =	swait.ge [sflag:s3], $0xC8  }
0x13: {  	[sflag:s3] =	ssyncset.done $0x0  }
0x14: {  	s9 =	simm.s32 $0x1;
	s8 =	simm.s32 $0x6600;
	[sflag:s3] =	ssyncadd.s32 $0xFFFFFF38  }
0x15: {  	[tilespmem:s8], [sflag:$0x2] =	stream.indirect.gather [hbm4b:s4+s5], $0x80, s7, s5, $0xb8;
	[tilespmem:$0xCA00] =	vst v63  }
0x16: {  	s10 =	smul.u32 $0x7D00, s10;
	_ =	swait.ge [sflag:s9], $0x6400  }
0x17: {  	s31 =	sadd.s32 $0x81400, s11;
	[sflag:s9] =	ssyncset.done $0x0  }
0x18: {  	s11 =	sadd.s32 s31, s10;
	s10 =	simm.s32 $0x3;
	[sflag:s9] =	ssyncadd.s32 $0xFFFF9C00  }
0x19: {  	[hbm4b:s11+s2] =	stream.linear.scatter [tilespmem:s6], [sflag:$0x3], $0x6400, $0x38;
	[tilespmem:$0xCA00] =	vst v63  }
0x1a: {  	s17 =	sadd.s32 $0x190, s30;
	_ =	swait.ge [sflag:s10], $0x6400  }
0x1b: {  	s12 =	sshrl.u32 s17, $0x3;
	[sflag:s10] =	ssyncset.done $0x0  }
0x1c: {  	s12 =	sadd.s32 s29, s12;
	[sflag:s10] =	ssyncadd.s32 $0xFFFF9C00  }
0x1d: {  	[tilespmem:s2], [sflag:$0x5] =	stream.linear.gather [hbm4b:s12+s2], $0xC8, $0x38;
	[tilespmem:$0xCA00] =	vst v63  }
0x1e: {  	_ =	swait.ge [sflag:s3], $0xC8  }
0x1f: {  	[sflag:s3] =	ssyncset.done $0x0  }
0x20: {  	s13 =	simm.s32 $0x2;
	[sflag:s3] =	ssyncadd.s32 $0xFFFFFF38  }
0x21: {  	[tilespmem:s6], [sflag:$0x1] =	stream.indirect.gather [hbm4b:s4+s5], $0x80, s2, s5, $0xb8;
	[tilespmem:$0xCA00] =	vst v63  }
0x22: {  	_ =	swait.ge [sflag:s13], $0x6400  }
0x23: {  	s14 =	sshll.u32 s14, $0x4;
	[sflag:s13] =	ssyncset.done $0x0  }
0x24: {  	s15 =	simm.s32 $0x4;
	s14 =	sadd.s32 s31, s14;
	[sflag:s13] =	ssyncadd.s32 $0xFFFF9C00  }
0x25: {  	[hbm4b:s14+s2] =	stream.linear.scatter [tilespmem:s8], [sflag:$0x4], $0x6400, $0x38;
	[tilespmem:$0xCA00] =	vst v63  }
0x26: {  	s19 =	sadd.s32 $0x258, s30;
	_ =	swait.ge [sflag:s15], $0x6400  }
0x27: {  	s16 =	sshrl.u32 s19, $0x3;
	[sflag:s15] =	ssyncset.done $0x0  }
0x28: {  	s16 =	sadd.s32 s29, s16;
	[sflag:s15] =	ssyncadd.s32 $0xFFFF9C00  }
0x29: {  	[tilespmem:s7], [sflag:$0x5] =	stream.linear.gather [hbm4b:s16+s2], $0xC8, $0x38;
	[tilespmem:$0xCA00] =	vst v63  }
0x2a: {  	_ =	swait.ge [sflag:s3], $0xC8  }
0x2b: {  	[sflag:s3] =	ssyncset.done $0x0  }
0x2c: {  	[sflag:s3] =	ssyncadd.s32 $0xFFFFFF38  }
0x2d: {  	[tilespmem:s8], [sflag:$0x2] =	stream.indirect.gather [hbm4b:s4+s5], $0x80, s7, s5, $0xb8;
	[tilespmem:$0xCA00] =	vst v63  }
0x2e: {  	_ =	swait.ge [sflag:s9], $0x6400  }
0x2f: {  	s17 =	sshll.u32 s17, $0x4;
	[sflag:s9] =	ssyncset.done $0x0  }
0x30: {  	s17 =	sadd.s32 s31, s17;
	[sflag:s9] =	ssyncadd.s32 $0xFFFF9C00  }
0x31: {  	[hbm4b:s17+s2] =	stream.linear.scatter [tilespmem:s6], [sflag:$0x3], $0x6400, $0x38;
	[tilespmem:$0xCA00] =	vst v63  }
0x32: {  	s21 =	sadd.s32 $0x320, s30;
	_ =	swait.ge [sflag:s10], $0x6400  }
0x33: {  	s18 =	sshrl.u32 s21, $0x3;
	[sflag:s10] =	ssyncset.done $0x0  }
0x34: {  	s18 =	sadd.s32 s29, s18;
	[sflag:s10] =	ssyncadd.s32 $0xFFFF9C00  }
0x35: {  	[tilespmem:s2], [sflag:$0x5] =	stream.linear.gather [hbm4b:s18+s2], $0xC8, $0x38;
	[tilespmem:$0xCA00] =	vst v63  }
0x36: {  	_ =	swait.ge [sflag:s3], $0xC8  }
0x37: {  	[sflag:s3] =	ssyncset.done $0x0  }
0x38: {  	[sflag:s3] =	ssyncadd.s32 $0xFFFFFF38  }
0x39: {  	[tilespmem:s6], [sflag:$0x1] =	stream.indirect.gather [hbm4b:s4+s5], $0x80, s2, s5, $0xb8;
	[tilespmem:$0xCA00] =	vst v63  }
0x3a: {  	_ =	swait.ge [sflag:s13], $0x6400  }
0x3b: {  	s19 =	sshll.u32 s19, $0x4;
	[sflag:s13] =	ssyncset.done $0x0  }
0x3c: {  	s19 =	sadd.s32 s31, s19;
	[sflag:s13] =	ssyncadd.s32 $0xFFFF9C00  }
0x3d: {  	[hbm4b:s19+s2] =	stream.linear.scatter [tilespmem:s8], [sflag:$0x4], $0x6400, $0x38;
	[tilespmem:$0xCA00] =	vst v63  }
0x3e: {  	s23 =	sadd.s32 $0x3E8, s30;
	_ =	swait.ge [sflag:s15], $0x6400  }
0x3f: {  	s20 =	sshrl.u32 s23, $0x3;
	[sflag:s15] =	ssyncset.done $0x0  }
0x40: {  	s20 =	sadd.s32 s29, s20;
	[sflag:s15] =	ssyncadd.s32 $0xFFFF9C00  }
0x41: {  	[tilespmem:s7], [sflag:$0x5] =	stream.linear.gather [hbm4b:s20+s2], $0xC8, $0x38;
	[tilespmem:$0xCA00] =	vst v63  }
0x42: {  	_ =	swait.ge [sflag:s3], $0xC8  }
0x43: {  	[sflag:s3] =	ssyncset.done $0x0  }
0x44: {  	[sflag:s3] =	ssyncadd.s32 $0xFFFFFF38  }
0x45: {  	[tilespmem:s8], [sflag:$0x2] =	stream.indirect.gather [hbm4b:s4+s5], $0x80, s7, s5, $0xb8;
	[tilespmem:$0xCA00] =	vst v63  }
0x46: {  	_ =	swait.ge [sflag:s9], $0x6400  }
0x47: {  	s21 =	sshll.u32 s21, $0x4;
	[sflag:s9] =	ssyncset.done $0x0  }
0x48: {  	s21 =	sadd.s32 s31, s21;
	[sflag:s9] =	ssyncadd.s32 $0xFFFF9C00  }
0x49: {  	[hbm4b:s21+s2] =	stream.linear.scatter [tilespmem:s6], [sflag:$0x3], $0x6400, $0x38;
	[tilespmem:$0xCA00] =	vst v63  }
0x4a: {  	s25 =	sadd.s32 $0x4B0, s30;
	_ =	swait.ge [sflag:s10], $0x6400  }
0x4b: {  	s22 =	sshrl.u32 s25, $0x3;
	[sflag:s10] =	ssyncset.done $0x0  }
0x4c: {  	s22 =	sadd.s32 s29, s22;
	[sflag:s10] =	ssyncadd.s32 $0xFFFF9C00  }
0x4d: {  	[tilespmem:s2], [sflag:$0x5] =	stream.linear.gather [hbm4b:s22+s2], $0xC8, $0x38;
	[tilespmem:$0xCA00] =	vst v63  }
0x4e: {  	_ =	swait.ge [sflag:s3], $0xC8  }
0x4f: {  	[sflag:s3] =	ssyncset.done $0x0  }
0x50: {  	[sflag:s3] =	ssyncadd.s32 $0xFFFFFF38  }
0x51: {  	[tilespmem:s6], [sflag:$0x1] =	stream.indirect.gather [hbm4b:s4+s5], $0x80, s2, s5, $0xb8;
	[tilespmem:$0xCA00] =	vst v63  }
0x52: {  	_ =	swait.ge [sflag:s13], $0x6400  }
0x53: {  	s23 =	sshll.u32 s23, $0x4;
	[sflag:s13] =	ssyncset.done $0x0  }
0x54: {  	s23 =	sadd.s32 s31, s23;
	[sflag:s13] =	ssyncadd.s32 $0xFFFF9C00  }
0x55: {  	[hbm4b:s23+s2] =	stream.linear.scatter [tilespmem:s8], [sflag:$0x4], $0x6400, $0x38;
	[tilespmem:$0xCA00] =	vst v63  }
0x56: {  	s28 =	sadd.s32 $0x578, s30;
	_ =	swait.ge [sflag:s15], $0x6400  }
0x57: {  	s24 =	sshrl.u32 s28, $0x3;
	[sflag:s15] =	ssyncset.done $0x0  }
0x58: {  	s24 =	sadd.s32 s29, s24;
	[sflag:s15] =	ssyncadd.s32 $0xFFFF9C00  }
0x59: {  	[tilespmem:s7], [sflag:$0x5] =	stream.linear.gather [hbm4b:s24+s2], $0xC8, $0x38;
	[tilespmem:$0xCA00] =	vst v63  }
0x5a: {  	_ =	swait.ge [sflag:s3], $0xC8  }
0x5b: {  	[sflag:s3] =	ssyncset.done $0x0  }
0x5c: {  	[sflag:s3] =	ssyncadd.s32 $0xFFFFFF38  }
0x5d: {  	[tilespmem:s8], [sflag:$0x2] =	stream.indirect.gather [hbm4b:s4+s5], $0x80, s7, s5, $0xb8;
	[tilespmem:$0xCA00] =	vst v63  }
0x5e: {  	_ =	swait.ge [sflag:s9], $0x6400  }
0x5f: {  	s25 =	sshll.u32 s25, $0x4;
	[sflag:s9] =	ssyncset.done $0x0  }
0x60: {  	s25 =	sadd.s32 s31, s25;
	[sflag:s9] =	ssyncadd.s32 $0xFFFF9C00  }
0x61: {  	[hbm4b:s25+s2] =	stream.linear.scatter [tilespmem:s6], [sflag:$0x3], $0x6400, $0x38;
	[tilespmem:$0xCA00] =	vst v63  }
0x62: {  	s1 =	sadd.s32 $0x640, s30;
	_ =	swait.ge [sflag:s10], $0x6400  }
0x63: {  	s26 =	sshrl.u32 s1, $0x3;
	[sflag:s10] =	ssyncset.done $0x0  }
0x64: {  	s26 =	sadd.s32 s29, s26;
	[sflag:s10] =	ssyncadd.s32 $0xFFFF9C00  }
0x65: {  	[tilespmem:s2], [sflag:$0x5] =	stream.linear.gather [hbm4b:s26+s2], $0xC8, $0x38;
	[tilespmem:$0xCA00] =	vst v63  }
0x66: {  	_ =	swait.ge [sflag:s3], $0xC8  }
0x67: {  	[sflag:s3] =	ssyncset.done $0x0  }
0x68: {  	[sflag:s3] =	ssyncadd.s32 $0xFFFFFF38  }
0x69: {  	[tilespmem:s6], [sflag:$0x1] =	stream.indirect.gather [hbm4b:s4+s5], $0x80, s2, s5, $0xb8;
	[tilespmem:$0xCA00] =	vst v63  }
0x6a: {  	_ =	swait.ge [sflag:s13], $0x6400  }
0x6b: {  	s28 =	sshll.u32 s28, $0x4;
	[sflag:s13] =	ssyncset.done $0x0  }
0x6c: {  	s28 =	sadd.s32 s31, s28;
	[sflag:s13] =	ssyncadd.s32 $0xFFFF9C00  }
0x6d: {  	[hbm4b:s28+s2] =	stream.linear.scatter [tilespmem:s8], [sflag:$0x4], $0x6400, $0x38;
	[tilespmem:$0xCA00] =	vst v63  }
0x6e: {  	s0 =	sadd.s32 $0x708, s30;
	_ =	swait.ge [sflag:s15], $0x6400  }
0x6f: {  	s30 =	sshrl.u32 s0, $0x3;
	[sflag:s15] =	ssyncset.done $0x0  }
0x70: {  	s29 =	sadd.s32 s29, s30;
	[sflag:s15] =	ssyncadd.s32 $0xFFFF9C00  }
0x71: {  	[tilespmem:s7], [sflag:$0x5] =	stream.linear.gather [hbm4b:s29+s2], $0xC8, $0x38;
	[tilespmem:$0xCA00] =	vst v63  }
0x72: {  	_ =	swait.ge [sflag:s3], $0xC8  }
0x73: {  	[sflag:s3] =	ssyncset.done $0x0  }
0x74: {  	[sflag:s3] =	ssyncadd.s32 $0xFFFFFF38  }
0x75: {  	[tilespmem:s8], [sflag:$0x2] =	stream.indirect.gather [hbm4b:s4+s5], $0x80, s7, s5, $0xb8;
	[tilespmem:$0xCA00] =	vst v63  }
0x76: {  	_ =	swait.ge [sflag:s9], $0x6400  }
0x77: {  	s1 =	sshll.u32 s1, $0x4;
	[sflag:s9] =	ssyncset.done $0x0  }
0x78: {  	s30 =	sadd.s32 s31, s1;
	[sflag:s9] =	ssyncadd.s32 $0xFFFF9C00  }
0x79: {  	[hbm4b:s30+s2] =	stream.linear.scatter [tilespmem:s6], [sflag:$0x3], $0x6400, $0x38;
	[tilespmem:$0xCA00] =	vst v63  }
0x7a: {  	_ =	swait.ge [sflag:s13], $0x6400  }
0x7b: {  	s0 =	sshll.u32 s0, $0x4;
	[sflag:s13] =	ssyncset.done $0x0;
	s1 =	rddreg [dreg:$0x4]  }
0x7c: {  	s31 =	sadd.s32 s31, s0;
	s0 =	ssub.s32 $0x2, s1;
	[sflag:s13] =	ssyncadd.s32 $0xFFFF9C00  }
0x7d: {  	[hbm4b:s31+s2] =	stream.linear.scatter [tilespmem:s8], [sflag:$0x4], $0x6400, $0x38;
	[tilespmem:$0xCA00] =	vst v63  }
0x7e: {  	s1 =	sshrl.u32 s0, $0x1  }
0x7f: {  	s0 =	ssub.s32 s0, s1  }
0x80: {  	s0 =	smax.u32 s0, $0x1  }
0x81: {  	p0 =	sne.s32 s0, $0x1  }
.Ltmp0:
0x82: {  	_ =	swait.ge [sflag:s15], $0x6400;
	(pc) =	sbr.rel @!p0 .LBB2_2-.Ltmp0, $4  }
0x83: {  	[sflag:s15] =	ssyncset.done $0x0  }
0x84: {  	[sflag:s15] =	ssyncadd.s32 $0xFFFF9C00  }
0x85: {  	_ =	swait.ge [sflag:s10], $0x6400  }
0x86: {  	s1 =	sadd.s32 $0xFFFFFFFF, s0;
	[sflag:s10] =	ssyncset.done $0x0  }
.LBB2_1:
0x87: {  	s0 =	rddreg [dreg:$0x2];
	[sflag:s10] =	ssyncadd.s32 $0xFFFF9C00  }
0x88: {  	[tilespmem:s2], [sflag:$0x5] =	stream.linear.gather [hbm4b:s0+s2], $0xC8, $0x38;
	[tilespmem:$0xCA00] =	vst v63  }
0x89: {  	_ =	swait.ge [sflag:s3], $0xC8  }
0x8a: {  	[sflag:s3] =	ssyncset.done $0x0  }
0x8b: {  	[sflag:s3] =	ssyncadd.s32 $0xFFFFFF38  }
0x8c: {  	[tilespmem:s6], [sflag:$0x1] =	stream.indirect.gather [hbm4b:s4+s5], $0x80, s2, s5, $0xb8;
	[tilespmem:$0xCA00] =	vst v63  }
0x8d: {  	s0 =	rddreg [dreg:$0x3]  }
0x8e: {  	[tilespmem:s7], [sflag:$0x5] =	stream.linear.gather [hbm4b:s0+s2], $0xC8, $0x38;
	[tilespmem:$0xCA00] =	vst v63  }
0x8f: {  	_ =	swait.ge [sflag:s3], $0xC8  }
0x90: {  	[sflag:s3] =	ssyncset.done $0x0  }
0x91: {  	[sflag:s3] =	ssyncadd.s32 $0xFFFFFF38  }
0x92: {  	[tilespmem:s8], [sflag:$0x2] =	stream.indirect.gather [hbm4b:s4+s5], $0x80, s7, s5, $0xb8;
	[tilespmem:$0xCA00] =	vst v63  }
0x93: {  	_ =	swait.ge [sflag:s9], $0x6400  }
0x94: {  	[sflag:s9] =	ssyncset.done $0x0  }
0x95: {  	[sflag:s9] =	ssyncadd.s32 $0xFFFF9C00  }
0x96: {  	[hbm4b:s11+s2] =	stream.linear.scatter [tilespmem:s6], [sflag:$0x3], $0x6400, $0x38;
	[tilespmem:$0xCA00] =	vst v63  }
0x97: {  	_ =	swait.ge [sflag:s10], $0x6400  }
0x98: {  	[sflag:s10] =	ssyncset.done $0x0  }
0x99: {  	[sflag:s10] =	ssyncadd.s32 $0xFFFF9C00  }
0x9a: {  	[tilespmem:s2], [sflag:$0x5] =	stream.linear.gather [hbm4b:s12+s2], $0xC8, $0x38;
	[tilespmem:$0xCA00] =	vst v63  }
0x9b: {  	_ =	swait.ge [sflag:s3], $0xC8  }
0x9c: {  	[sflag:s3] =	ssyncset.done $0x0  }
0x9d: {  	[sflag:s3] =	ssyncadd.s32 $0xFFFFFF38  }
0x9e: {  	[tilespmem:s6], [sflag:$0x1] =	stream.indirect.gather [hbm4b:s4+s5], $0x80, s2, s5, $0xb8;
	[tilespmem:$0xCA00] =	vst v63  }
0x9f: {  	_ =	swait.ge [sflag:s13], $0x6400  }
0xa0: {  	[sflag:s13] =	ssyncset.done $0x0  }
0xa1: {  	[sflag:s13] =	ssyncadd.s32 $0xFFFF9C00  }
0xa2: {  	[hbm4b:s14+s2] =	stream.linear.scatter [tilespmem:s8], [sflag:$0x4], $0x6400, $0x38;
	[tilespmem:$0xCA00] =	vst v63  }
0xa3: {  	_ =	swait.ge [sflag:s15], $0x6400  }
0xa4: {  	[sflag:s15] =	ssyncset.done $0x0  }
0xa5: {  	[sflag:s15] =	ssyncadd.s32 $0xFFFF9C00  }
0xa6: {  	[tilespmem:s7], [sflag:$0x5] =	stream.linear.gather [hbm4b:s16+s2], $0xC8, $0x38;
	[tilespmem:$0xCA00] =	vst v63  }
0xa7: {  	_ =	swait.ge [sflag:s3], $0xC8  }
0xa8: {  	[sflag:s3] =	ssyncset.done $0x0  }
0xa9: {  	[sflag:s3] =	ssyncadd.s32 $0xFFFFFF38  }
0xaa: {  	[tilespmem:s8], [sflag:$0x2] =	stream.indirect.gather [hbm4b:s4+s5], $0x80, s7, s5, $0xb8;
	[tilespmem:$0xCA00] =	vst v63  }
0xab: {  	_ =	swait.ge [sflag:s9], $0x6400  }
0xac: {  	[sflag:s9] =	ssyncset.done $0x0  }
0xad: {  	[sflag:s9] =	ssyncadd.s32 $0xFFFF9C00  }
0xae: {  	[hbm4b:s17+s2] =	stream.linear.scatter [tilespmem:s6], [sflag:$0x3], $0x6400, $0x38;
	[tilespmem:$0xCA00] =	vst v63  }
0xaf: {  	_ =	swait.ge [sflag:s10], $0x6400  }
0xb0: {  	[sflag:s10] =	ssyncset.done $0x0  }
0xb1: {  	[sflag:s10] =	ssyncadd.s32 $0xFFFF9C00  }
0xb2: {  	[tilespmem:s2], [sflag:$0x5] =	stream.linear.gather [hbm4b:s18+s2], $0xC8, $0x38;
	[tilespmem:$0xCA00] =	vst v63  }
0xb3: {  	_ =	swait.ge [sflag:s3], $0xC8  }
0xb4: {  	[sflag:s3] =	ssyncset.done $0x0  }
0xb5: {  	[sflag:s3] =	ssyncadd.s32 $0xFFFFFF38  }
0xb6: {  	[tilespmem:s6], [sflag:$0x1] =	stream.indirect.gather [hbm4b:s4+s5], $0x80, s2, s5, $0xb8;
	[tilespmem:$0xCA00] =	vst v63  }
0xb7: {  	_ =	swait.ge [sflag:s13], $0x6400  }
0xb8: {  	[sflag:s13] =	ssyncset.done $0x0  }
0xb9: {  	[sflag:s13] =	ssyncadd.s32 $0xFFFF9C00  }
0xba: {  	[hbm4b:s19+s2] =	stream.linear.scatter [tilespmem:s8], [sflag:$0x4], $0x6400, $0x38;
	[tilespmem:$0xCA00] =	vst v63  }
0xbb: {  	_ =	swait.ge [sflag:s15], $0x6400  }
0xbc: {  	[sflag:s15] =	ssyncset.done $0x0  }
0xbd: {  	[sflag:s15] =	ssyncadd.s32 $0xFFFF9C00  }
0xbe: {  	[tilespmem:s7], [sflag:$0x5] =	stream.linear.gather [hbm4b:s20+s2], $0xC8, $0x38;
	[tilespmem:$0xCA00] =	vst v63  }
0xbf: {  	_ =	swait.ge [sflag:s3], $0xC8  }
0xc0: {  	[sflag:s3] =	ssyncset.done $0x0  }
0xc1: {  	[sflag:s3] =	ssyncadd.s32 $0xFFFFFF38  }
0xc2: {  	[tilespmem:s8], [sflag:$0x2] =	stream.indirect.gather [hbm4b:s4+s5], $0x80, s7, s5, $0xb8;
	[tilespmem:$0xCA00] =	vst v63  }
0xc3: {  	_ =	swait.ge [sflag:s9], $0x6400  }
0xc4: {  	[sflag:s9] =	ssyncset.done $0x0  }
0xc5: {  	[sflag:s9] =	ssyncadd.s32 $0xFFFF9C00  }
0xc6: {  	[hbm4b:s21+s2] =	stream.linear.scatter [tilespmem:s6], [sflag:$0x3], $0x6400, $0x38;
	[tilespmem:$0xCA00] =	vst v63  }
0xc7: {  	_ =	swait.ge [sflag:s10], $0x6400  }
0xc8: {  	[sflag:s10] =	ssyncset.done $0x0  }
0xc9: {  	[sflag:s10] =	ssyncadd.s32 $0xFFFF9C00  }
0xca: {  	[tilespmem:s2], [sflag:$0x5] =	stream.linear.gather [hbm4b:s22+s2], $0xC8, $0x38;
	[tilespmem:$0xCA00] =	vst v63  }
0xcb: {  	_ =	swait.ge [sflag:s3], $0xC8  }
0xcc: {  	[sflag:s3] =	ssyncset.done $0x0  }
0xcd: {  	[sflag:s3] =	ssyncadd.s32 $0xFFFFFF38  }
0xce: {  	[tilespmem:s6], [sflag:$0x1] =	stream.indirect.gather [hbm4b:s4+s5], $0x80, s2, s5, $0xb8;
	[tilespmem:$0xCA00] =	vst v63  }
0xcf: {  	_ =	swait.ge [sflag:s13], $0x6400  }
0xd0: {  	[sflag:s13] =	ssyncset.done $0x0  }
0xd1: {  	[sflag:s13] =	ssyncadd.s32 $0xFFFF9C00  }
0xd2: {  	[hbm4b:s23+s2] =	stream.linear.scatter [tilespmem:s8], [sflag:$0x4], $0x6400, $0x38;
	[tilespmem:$0xCA00] =	vst v63  }
0xd3: {  	_ =	swait.ge [sflag:s15], $0x6400  }
0xd4: {  	[sflag:s15] =	ssyncset.done $0x0  }
0xd5: {  	[sflag:s15] =	ssyncadd.s32 $0xFFFF9C00  }
0xd6: {  	[tilespmem:s7], [sflag:$0x5] =	stream.linear.gather [hbm4b:s24+s2], $0xC8, $0x38;
	[tilespmem:$0xCA00] =	vst v63  }
0xd7: {  	_ =	swait.ge [sflag:s3], $0xC8  }
0xd8: {  	[sflag:s3] =	ssyncset.done $0x0  }
0xd9: {  	[sflag:s3] =	ssyncadd.s32 $0xFFFFFF38  }
0xda: {  	[tilespmem:s8], [sflag:$0x2] =	stream.indirect.gather [hbm4b:s4+s5], $0x80, s7, s5, $0xb8;
	[tilespmem:$0xCA00] =	vst v63  }
0xdb: {  	_ =	swait.ge [sflag:s9], $0x6400  }
0xdc: {  	[sflag:s9] =	ssyncset.done $0x0  }
0xdd: {  	[sflag:s9] =	ssyncadd.s32 $0xFFFF9C00  }
0xde: {  	[hbm4b:s25+s2] =	stream.linear.scatter [tilespmem:s6], [sflag:$0x3], $0x6400, $0x38;
	[tilespmem:$0xCA00] =	vst v63  }
0xdf: {  	_ =	swait.ge [sflag:s10], $0x6400  }
0xe0: {  	[sflag:s10] =	ssyncset.done $0x0  }
0xe1: {  	[sflag:s10] =	ssyncadd.s32 $0xFFFF9C00  }
0xe2: {  	[tilespmem:s2], [sflag:$0x5] =	stream.linear.gather [hbm4b:s26+s2], $0xC8, $0x38;
	[tilespmem:$0xCA00] =	vst v63  }
0xe3: {  	_ =	swait.ge [sflag:s3], $0xC8  }
0xe4: {  	[sflag:s3] =	ssyncset.done $0x0  }
0xe5: {  	[sflag:s3] =	ssyncadd.s32 $0xFFFFFF38  }
0xe6: {  	[tilespmem:s6], [sflag:$0x1] =	stream.indirect.gather [hbm4b:s4+s5], $0x80, s2, s5, $0xb8;
	[tilespmem:$0xCA00] =	vst v63  }
0xe7: {  	_ =	swait.ge [sflag:s13], $0x6400  }
0xe8: {  	[sflag:s13] =	ssyncset.done $0x0  }
0xe9: {  	[sflag:s13] =	ssyncadd.s32 $0xFFFF9C00  }
0xea: {  	[hbm4b:s28+s2] =	stream.linear.scatter [tilespmem:s8], [sflag:$0x4], $0x6400, $0x38;
	[tilespmem:$0xCA00] =	vst v63  }
0xeb: {  	_ =	swait.ge [sflag:s15], $0x6400  }
0xec: {  	[sflag:s15] =	ssyncset.done $0x0  }
0xed: {  	[sflag:s15] =	ssyncadd.s32 $0xFFFF9C00  }
0xee: {  	[tilespmem:s7], [sflag:$0x5] =	stream.linear.gather [hbm4b:s29+s2], $0xC8, $0x38;
	[tilespmem:$0xCA00] =	vst v63  }
0xef: {  	_ =	swait.ge [sflag:s3], $0xC8  }
0xf0: {  	[sflag:s3] =	ssyncset.done $0x0  }
0xf1: {  	[sflag:s3] =	ssyncadd.s32 $0xFFFFFF38  }
0xf2: {  	[tilespmem:s8], [sflag:$0x2] =	stream.indirect.gather [hbm4b:s4+s5], $0x80, s7, s5, $0xb8;
	[tilespmem:$0xCA00] =	vst v63  }
0xf3: {  	_ =	swait.ge [sflag:s9], $0x6400  }
0xf4: {  	[sflag:s9] =	ssyncset.done $0x0  }
0xf5: {  	[sflag:s9] =	ssyncadd.s32 $0xFFFF9C00  }
0xf6: {  	[hbm4b:s30+s2] =	stream.linear.scatter [tilespmem:s6], [sflag:$0x3], $0x6400, $0x38;
	[tilespmem:$0xCA00] =	vst v63  }
0xf7: {  	_ =	swait.ge [sflag:s13], $0x6400  }
0xf8: {  	[sflag:s13] =	ssyncset.done $0x0  }
0xf9: {  	p0 =	sne.s32 s1, $0x1;
	[sflag:s13] =	ssyncadd.s32 $0xFFFF9C00  }
0xfa: {  	[hbm4b:s31+s2] =	stream.linear.scatter [tilespmem:s8], [sflag:$0x4], $0x6400, $0x38;
	[tilespmem:$0xCA00] =	vst v63  }
.Ltmp1:
0xfb: {  	_ =	swait.ge [sflag:s15], $0x6400;
	(pc) =	sbr.rel @p0 .LBB2_1-.Ltmp1, $4  }
0xfc: {  	[sflag:s15] =	ssyncset.done $0x0  }
0xfd: {  	[sflag:s15] =	ssyncadd.s32 $0xFFFF9C00  }
0xfe: {  	_ =	swait.ge [sflag:s10], $0x6400  }
0xff: {  	s1 =	sadd.s32 $0xFFFFFFFF, s1;
	[sflag:s10] =	ssyncset.done $0x0  }
.LBB2_2:
0x100: {  	[sflag:s10] =	ssyncadd.s32 $0xFFFF9C00  }
0x101: {  	_ =	sfence.sel $0x180000  }
0x102: {  	[bflag:$0x0] =	sbarrier.arrive $0xFFFF  }
0x103: {  	_ =	strace $0x90000047  }
0x104: {  	s0 =	stileid.u32;
	[bflag:$0x2] =	sbarrier.arrive $0xFFFF  }
0x105: {  	p0 =	sne.s32 s0, $0x0;
	s0 =	rddreg [dreg:$0x1]  }
0x106: {  	s0 =	sadd.s32 @!p0 $0x100000, s0  }
0x107: {  	[sflag:s0] =	ssyncadd.tile.s32 @!p0 $0x1;
	_ =	shalt  }
.Lfunc_end2:
_tile_overlayer_lowered:
.L_overlay_start_2:
0x108: {  	(tag) =	ssettag $0x2  }
0x109: {  	s0 =	rddreg [dreg:$0x0];
	s2 =	stileid.u32  }
0x10a: {  	s1 =	rddreg [dreg:$0x1];
	p0 =	sne.s32 s2, $0x0  }
0x10b: {  	s3 =	rddreg [dreg:$0x2];
	[bflag:$0x3] =	sbarrier.arrive $0xFFFF;
	s2 =	simm.s32 @!p0 $0x1C05  }
0x10c: {  	[timem:s3], [sflag:s2] =	dma.local @!p0 [hbm:s0], s1  }
0x10d: {  	s0 =	simm.s32 @!p0 $0x5  }
0x10e: {  	_ =	swait.ge @!p0 [sflag:s0], s1  }
0x10f: {  	s1 =	ssub.s32 @!p0 $0x0, s1;
	[sflag:s0] =	ssyncset.done @!p0 $0x0  }
0x110: {  	[sflag:s0] =	ssyncadd.s32 @!p0 s1  }
0x111: {  	[bflag:$0x3] =	sbarrier.arrive $0xFFFF  }
0x112: {  	_ =	shalt  }

// kernel: kernel.14.cloned.1.call-start
scs
__scs_entry_jumppad:
0x0: {  	(pc) =	sbr.rel $0x88, $3  }
0x1: {  	(tag) =	ssettag $0x0;
	lr =	simm.s32 $0x1  }
0x2: {  	[smem:$0x3F93] =	sst lr;
	_ =	strace $0xD0000000  }
0x3: {  	_ = 	snop  }
0x4: {  	_ = 	snop  }
0x5: {  	_ = 	snop  }
0x6: {  	_ = 	snop  }
0x7: {  	_ = 	snop  }
__scs_overlays_trampoline_lowered:
0x8: {  	[smem:$0x3FA2] =	sst s0  }
0x9: {  	[smem:$0x3FA3] =	sst s1  }
0xa: {  	[smem:$0x3FA4] =	sst s2  }
0xb: {  	[smem:$0x3FA5] =	sst s3  }
0xc: {  	[smem:$0x3FA6] =	sst s4  }
0xd: {  	[smem:$0x3FA7] =	sst s5  }
0xe: {  	[smem:$0x3FA8] =	sst s6  }
0xf: {  	[smem:$0x3FA9] =	sst s7  }
0x10: {  	[smem:$0x3FAA] =	sst s8  }
0x11: {  	[smem:$0x3FAB] =	sst s9;
	s0 =	simm.s32 @!p0 $0x0  }
0x12: {  	s1 =	sld [smem:$0x3F91];
	s0 =	simm.s32 @p0 $0x1  }
0x13: {  	[smem:$0x3FAC] =	sst s0;
	s0 =	simm.s32 @!p1 $0x0  }
0x14: {  	s2 =	sld [smem:$0x3F90];
	s0 =	simm.s32 @p1 $0x1  }
0x15: {  	[smem:$0x3FAD] =	sst s0;
	s0 =	simm.s32 @!p2 $0x0  }
0x16: {  	s3 =	sld [smem:$0x3FDB];
	s0 =	simm.s32 @p2 $0x1  }
0x17: {  	s4 =	simm.s32 $0x1BF5;
	[smem:$0x3FAF] =	sst s0  }
0x18: {  	s0 =	sld [smem:$0x3F92];
	_ =	swait.ge [sflag:s4], $0x0  }
0x19: {  	s7 =	sld [smem:$0x3F93]  }
0x1a: {  	s8 =	sadd.s32 $0xFFFFE003, lr  }
0x1b: {  	s9 =	sadd.s32 $0xFFFFFEF7, lr;
	s5 =	simm.s32 $0xFFFFFFFF;
	p2 =	slt.u32 s8, $0xFFFFF086  }
0x1c: {  	p1 =	slt.u32 s9, $0xF7A;
	s5 =	simm.s32 @!p2 $0x0  }
0x1d: {  	s5 =	simm.s32 @p1 $0x1;
	p0 =	seq.s32 s7, s2  }
0x1e: {  	s7 =	smul.u32 @!p0 $0xF7A, s2;
	p2 =	seq.s32 @!p0 s5, $0x0  }
0x1f: {  	s9 =	smul.u32 $0xF7A, s1;
	s8 =	simm.s32 @!p0 $0x1BF5;
	p2 =	por !p2, p0  }
0x20: {  	[sflag:s8] =	ssyncset.s32 @!p0 $0xFFFFF086;
	s6 =	sadd.s32 @!p0 s3, s7;
	s7 =	simm.s32 @!p0 $0x108  }
0x21: {  	s3 =	sadd.s32 s3, s9;
	s6 =	sadd.s32 @!p0 $0x88, s6;
	s7 =	simm.s32 @p2 $0x1082  }
0x22: {  	[simem:s7], [sflag:s8] =	dma.local @!p0 [hbm:s6], $0xF7A  }
0x23: {  	s9 =	sor.u32 $0xD0000000, s2;
	s6 =	simm.s32 $0x108;
	_ =	swait.ge @!p0 [sflag:s8], $0x0  }
0x24: {  	s3 =	sadd.s32 $0x88, s3;
	s6 =	simm.s32 @!p1 $0x1082;
	[sflag:s4] =	ssyncset.s32 $0xFFFFF086  }
0x25: {  	[simem:s6], [sflag:s4] =	dma.local [hbm:s3], $0xF7A  }
0x26: {  	[smem:$0x3F93] =	sst s1;
	(tag) =	ssettag s2;
	_ =	strace s9  }
0x27: {  	s1 =	sld [smem:$0x3FA3]  }
0x28: {  	s2 =	sld [smem:$0x3FA4]  }
0x29: {  	s4 =	sld [smem:$0x3FA6]  }
0x2a: {  	p0 =	seq.s32 s5, $0x0;
	s5 =	sld [smem:$0x3FA7]  }
0x2b: {  	s6 =	sld [smem:$0x3FA8]  }
0x2c: {  	s7 =	sld [smem:$0x3FA9]  }
0x2d: {  	s3 =	simm.s32 $0x108;
	s8 =	sld [smem:$0x3FAA]  }
0x2e: {  	s3 =	simm.s32 @!p0 $0x1082;
	s9 =	sld [smem:$0x3FAB]  }
0x2f: {  	lr =	sadd.s32 s0, s3;
	s0 =	sld [smem:$0x3FA2]  }
0x30: {  	s3 =	sld [smem:$0x3FA5]  }
0x31: {  	[smem:$0x3FAE] =	sst s10  }
0x32: {  	s10 =	sld [smem:$0x3FAC];
	_ =	sdelay $0x3  }
0x33: {  	p0 =	seq.s32 s10, $0x1;
	s10 =	sld [smem:$0x3FAE];
	_ =	sdelay $0x3  }
0x34: {  	[smem:$0x3FAE] =	sst s10  }
0x35: {  	s10 =	sld [smem:$0x3FAD];
	_ =	sdelay $0x3  }
0x36: {  	p1 =	seq.s32 s10, $0x1;
	s10 =	sld [smem:$0x3FAE];
	_ =	sdelay $0x3  }
0x37: {  	[smem:$0x3FAE] =	sst s10  }
0x38: {  	s10 =	sld [smem:$0x3FAF]  }
0x39: {  	_ = 	snop;
	(pc) =	sbr.ind lr, $3  }
0x3a: {  	_ = 	snop  }
0x3b: {  	_ = 	snop  }
0x3c: {  	p2 =	seq.s32 s10, $0x1;
	s10 =	sld [smem:$0x3FAE]  }
0x3d: {  	_ =	shalt  }
0x3e: {  	_ =	shalt  }
0x3f: {  	_ =	shalt  }
0x40: {  	_ =	shalt  }
0x41: {  	_ =	shalt  }
0x42: {  	_ =	shalt  }
0x43: {  	_ =	shalt  }
0x44: {  	_ =	shalt  }
0x45: {  	_ =	shalt  }
0x46: {  	_ =	shalt  }
0x47: {  	_ =	shalt  }
0x48: {  	_ =	shalt  }
0x49: {  	_ =	shalt  }
0x4a: {  	_ =	shalt  }
0x4b: {  	_ =	shalt  }
0x4c: {  	_ =	shalt  }
0x4d: {  	_ =	shalt  }
0x4e: {  	_ =	shalt  }
0x4f: {  	_ =	shalt  }
0x50: {  	_ =	shalt  }
0x51: {  	_ =	shalt  }
0x52: {  	_ =	shalt  }
0x53: {  	_ =	shalt  }
0x54: {  	_ =	shalt  }
0x55: {  	_ =	shalt  }
0x56: {  	_ =	shalt  }
0x57: {  	_ =	shalt  }
0x58: {  	_ =	shalt  }
0x59: {  	_ =	shalt  }
0x5a: {  	_ =	shalt  }
0x5b: {  	_ =	shalt  }
0x5c: {  	_ =	shalt  }
0x5d: {  	_ =	shalt  }
0x5e: {  	_ =	shalt  }
0x5f: {  	_ =	shalt  }
0x60: {  	_ =	shalt  }
0x61: {  	_ =	shalt  }
0x62: {  	_ =	shalt  }
0x63: {  	_ =	shalt  }
0x64: {  	_ =	shalt  }
0x65: {  	_ =	shalt  }
0x66: {  	_ =	shalt  }
0x67: {  	_ =	shalt  }
0x68: {  	_ =	shalt  }
0x69: {  	_ =	shalt  }
0x6a: {  	_ =	shalt  }
0x6b: {  	_ =	shalt  }
0x6c: {  	_ =	shalt  }
0x6d: {  	_ =	shalt  }
0x6e: {  	_ =	shalt  }
0x6f: {  	_ =	shalt  }
0x70: {  	_ =	shalt  }
0x71: {  	_ =	shalt  }
0x72: {  	_ =	shalt  }
0x73: {  	_ =	shalt  }
0x74: {  	_ =	shalt  }
0x75: {  	_ =	shalt  }
0x76: {  	_ =	shalt  }
0x77: {  	_ =	shalt  }
0x78: {  	_ =	shalt  }
0x79: {  	_ =	shalt  }
0x7a: {  	_ =	shalt  }
0x7b: {  	_ =	shalt  }
0x7c: {  	_ =	shalt  }
0x7d: {  	_ =	shalt  }
0x7e: {  	_ =	shalt  }
0x7f: {  	_ =	shalt  }
0x80: {  	_ =	shalt  }
0x81: {  	_ =	shalt  }
0x82: {  	_ =	shalt  }
0x83: {  	_ =	shalt  }
0x84: {  	_ =	shalt  }
0x85: {  	_ =	shalt  }
0x86: {  	_ =	shalt  }
0x87: {  	_ =	shalt  }
.Lfunc_end0:
.L_simem_size_0:
called_computation.1_lowered:
.L_overlay_start_0:
0x88: {  	s2 =	sld [smem:$0x3FD9]  }
0x89: {  	s3 =	sld [smem:$0x3FFE];
	_ =	sdelay $0x1  }
0x8a: {  	s1 =	srdreg.scid  }
0x8b: {  	s0 =	sand.u32 $0x1, s1  }
0x8c: {  	s17 =	sshll.u32 s0, $0xA;
	s2 =	sadd.s32 s3, s2  }
0x8d: {  	s2 =	sadd.s32 s2, s17  }
0x8e: {  	[smem:$0x3FBA] =	sst s2  }
0x8f: {  	_ = 	snop  }
0x90: {  	(tm) =	ssettm $0x1  }
0x91: {  	s18 =	sld [smem:$0x3FFB];
	_ =	sdelay $0x3  }
0x92: {  	_ =	strace s18  }
0x93: {  	s2 =	sld [smem:$0x3FFC];
	_ =	sdelay $0x3  }
0x94: {  	_ =	strace s2  }
0x95: {  	s2 =	sld [smem:$0x3FFD];
	_ =	sdelay $0x3  }
0x96: {  	_ =	strace s2  }
0x97: {  	_ =	strace $0x8FFFFFFF  }
0x98: {  	s19 =	sld [smem:$0x3FDB];
	_ =	sdelay $0x1  }
0x99: {  	s20 =	simm.s32 $_scs_section_size  }
0x9a: {  	s4 =	simm.s32 $_size__tile_overlayer_lowered;
	s5 =	simm.s32 $_tile_overlayer_lowered  }
0x9b: {  	s6 =	simm.s32 $0x1BFF;
	s21 =	sshll.u32 s5, $0x1;
	s3 =	sadd.s32 s20, s19  }
0x9c: {  	s22 =	simm.s32 $0x0;
	s4 =	sshll.u32 s4, $0x1;
	s5 =	sadd.s32 s21, s3  }
0x9d: {  	[timem:s22], [sflag:s6] =	dma.local [hbm:s5], s4  }
0x9e: {  	_ =	swait.ge [sflag:s6], s4  }
0x9f: {  	s4 =	ssub.s32 $0x0, s4;
	[sflag:s6] =	ssyncset.done $0x0  }
0xa0: {  	[sflag:s6] =	ssyncadd.s32 s4;
	_ =	sdelay $0x1  }
0xa1: {  	s23 =	simm.s32 $0x1B8B  }
0xa2: {  	_ =	swait.ge [sflag:s23], $0x1  }
0xa3: {  	[sflag:s23] =	ssyncset.done $0x0  }
0xa4: {  	[sflag:s23] =	ssyncadd.s32 $0xFFFFFFFF  }
0xa5: {  	s4 =	sld [smem:$0x0]  }
0xa6: {  	s5 =	sand.u32 $0xFFFFFFFE, s1  }
0xa7: {  	p0 =	sne.s32 s1, s5  }
0xa8: {  	s5 =	sshll.u32 @p0 s5, $0xE  }
0xa9: {  	s5 =	sadd.s32 @p0 $0x11B8D, s5;
	s6 =	sshll.u32 @p0 s4, $0x11  }
0xaa: {  	s5 =	sor.u32 @p0 s6, s5  }
0xab: {  	[sflag:s5] =	ssyncadd.remote.s32 @p0 $0x1;
	_ =	sdelay $0x1  }
0xac: {  	s5 =	simm.s32 @p0 $0x1B8D  }
0xad: {  	_ =	swait.eq @p0 [sflag:s5], $0x1  }
0xae: {  	[sflag:s5] =	ssyncadd.s32 @p0 $0xFFFFFFFF  }
0xaf: {  	s6 =	sshll.u32 @!p0 s1, $0xE  }
0xb0: {  	s6 =	sor.u32 @!p0 $0x4000, s6;
	s5 =	simm.s32 @!p0 $0x1B8D  }
0xb1: {  	s4 =	sshll.u32 @!p0 s4, $0x11;
	s6 =	sadd.s32 @!p0 $0x11B8D, s6;
	_ =	swait.eq @!p0 [sflag:s5], $0x1  }
0xb2: {  	s4 =	sor.u32 @!p0 s4, s6;
	[sflag:s5] =	ssyncadd.s32 @!p0 $0xFFFFFFFF  }
0xb3: {  	s25 =	simm.s32 $0x1B8E;
	s24 =	sld [smem:$0x3FFE];
	[sflag:s4] =	ssyncadd.remote.s32 @!p0 $0x1  }
0xb4: {  	s26 =	simm.s32 $execute0_lowered;
	[smem:$0x3FD2] =	sst s25  }
0xb5: {  	s5 =	sshll.u32 s26, $0x1;
	_ =	strace $0x80000049;
	[dreg:$0x1] =	wrdreg $0xFFFFFFFF  }
0xb6: {  	s28 =	simm.s32 $_size_execute0_lowered;
	s3 =	sadd.s32 s3, s5;
	[dreg:$0x0] =	wrdreg $0x0  }
0xb7: {  	s5 =	sshll.u32 s28, $0x1;
	[dreg:$0x2] =	wrdreg s3  }
0xb8: {  	[dreg:$0x3] =	wrdreg s5  }
0xb9: {  	[dreg:$0x4] =	wrdreg $0xC0  }
0xba: {  	_ =	task [dreg:s22], $0x5FFFF  }
0xbb: {  	[dreg:$0x1] =	wrdreg $0xFFFFFFFF  }
0xbc: {  	[dreg:$0x0] =	wrdreg $0x60  }
0xbd: {  	[dreg:$0x2] =	wrdreg s24  }
0xbe: {  	[dreg:$0x3] =	wrdreg $0xA  }
0xbf: {  	_ =	task.clear_ibuf [dreg:s22], $0x4FFFF;
	_ =	strace $0x90000049  }
0xc0: {  	s29 =	simm.s32 $0xA;
	_ =	strace $0x8000004B  }
0xc1: {  	_ =	swait.ge [sflag:s29], $0x1  }
0xc2: {  	[sflag:s29] =	ssyncadd.s32 $0xFFFFFFFF  }
0xc3: {  	_ =	strace $0x9000004B  }
0xc4: {  	_ =	sfence  }
0xc5: {  	s30 =	sld [smem:$0x0];
	_ =	sdelay $0x2  }
0xc6: {  	s31 =	sshll.u32 s1, $0xD;
	s1 =	sshrl.u32 s1, $0x2  }
0xc7: {  	s4 =	sand.u32 $0x4000, s31;
	s1 =	sadd.s32 s1, s30  }
0xc8: {  	s0 =	sor.u32 s4, s0;
	s1 =	sshll.u32 s1, $0x11  }
0xc9: {  	s0 =	sor.u32 s1, s0  }
0xca: {  	s0 =	sadd.s32 $0x8F2B, s0  }
0xcb: {  	[sflag:s0] =	ssyncadd.remote.s32 $0x1  }
0xcc: {  	_ =	sfence.sel $0xFFFF  }
0xcd: {  	[dreg:$0x0] =	wrdreg $0xFFFFFFFF;
	(pc) =	sbr.abs _section_cstart, $3  }
0xce: {  	[dreg:$0x1] =	wrdreg $0xFFFFFFFF  }
0xcf: {  	_ =	task.clear_ibuf [dreg:s22], $0x2FFFF;
	_ =	strace $0x9FFFFFFF  }
0xd0: {  	(tm) =	ssettm $0x7FFFFFFF  }
0xd1: {  	_ =	shalt  }
tec
execute0_lowered:
.L_overlay_start_1:
0x0: {  	(tag) =	ssettag $0x1  }
0x1: {  	s1 =	srdreg.scid;
	s0 =	stileid.u32  }
0x2: {  	s1 =	sand.u32 $0x1, s1;
	s2 =	sshll.u32 s0, $0x1  }
0x3: {  	s4 =	rddreg [dreg:$0x0];
	s3 =	sor.u32 s1, s2  }
0x4: {  	s26 =	sadd.s32 $0x6400, s4;
	s2 =	simm.s32 $0x0;
	s28 =	smul.u32 $0xBB8, s3  }
0x5: {  	s6 =	sadd.s32 $0x17B400, s4;
	[smem:$0x7FF] =	sst s2;
	s8 =	smul.u32 $0xBB80, s3  }
0x6: {  	s3 =	smul.u32 $0x5DC00, s3;
	_ =	strace $0x8000004A;
	s5 =	sshrl.u32 s28, $0x3  }
0x7: {  	s24 =	sadd.s32 $0xFAC8, s28;
	s25 =	sadd.s32 s6, s8;
	s29 =	sadd.s32 s26, s5  }
0x8: {  	s5 =	sshrl.u32 s24, $0x3;
	[dreg:$0x4] =	wrdreg s25;
	s7 =	sadd.s32 $0x1F40, s29  }
0x9: {  	s3 =	sshrl.u32 s3, $0x3;
	s5 =	sadd.s32 s26, s5;
	[dreg:$0x2] =	wrdreg s7  }
0xa: {  	s31 =	sadd.s32 s6, s3;
	s0 =	sadd.s32 $0x1F72, s29;
	[dreg:$0x3] =	wrdreg s5  }
0xb: {  	s8 =	sadd.s32 $0xC80, s31;
	[dreg:$0x5] =	wrdreg s0  }
0xc: {  	s9 =	sadd.s32 $0x1900, s31;
	[dreg:$0x6] =	wrdreg s8  }
0xd: {  	s10 =	sadd.s32 $0x1FA4, s29;
	[dreg:$0x8] =	wrdreg s9  }
0xe: {  	s12 =	sadd.s32 $0x2580, s31;
	[dreg:$0x9] =	wrdreg s10  }
0xf: {  	s14 =	sadd.s32 $0x3200, s31;
	[dreg:$0xa] =	wrdreg s12  }
0x10: {  	s11 =	sadd.s32 $0xFDE8, s28;
	s16 =	sadd.s32 $0x1FD6, s29;
	[dreg:$0xc] =	wrdreg s14  }
0x11: {  	s7 =	sadd.s32 $0xFC58, s28;
	s5 =	sshrl.u32 s11, $0x3;
	[dreg:$0xd] =	wrdreg s16  }
0x12: {  	s3 =	sshrl.u32 s7, $0x3;
	s13 =	sadd.s32 s26, s5;
	s15 =	rddreg [dreg:$0x2]  }
0x13: {  	s3 =	sadd.s32 s26, s3;
	[dreg:$0xb] =	wrdreg s13  }
0x14: {  	[tilespmem:s2], [sflag:$0x5] =	stream.linear.gather [hbm4b:s15+s2], $0xC8, $0x38;
	[tilespmem:$0xCA00] =	vst v63  }
0x15: {  	[dreg:$0x7] =	wrdreg s3;
	s3 =	simm.s32 $0x5  }
0x16: {  	_ =	swait.ge [sflag:s3], $0xC8  }
0x17: {  	s4 =	sadd.s32 $0xB400, s4;
	[sflag:s3] =	ssyncset.done $0x0  }
0x18: {  	s6 =	simm.s32 $0x200;
	s5 =	simm.s32 $0xC8;
	[sflag:s3] =	ssyncadd.s32 $0xFFFFFF38  }
0x19: {  	[tilespmem:s6], [sflag:$0x1] =	stream.indirect.gather [hbm4b:s4+s5], $0x80, s2, s5, $0xb8;
	[tilespmem:$0xCA00] =	vst v63  }
0x1a: {  	s7 =	simm.s32 $0x100;
	s17 =	rddreg [dreg:$0x3]  }
0x1b: {  	[tilespmem:s7], [sflag:$0x5] =	stream.linear.gather [hbm4b:s17+s2], $0xC8, $0x38;
	[tilespmem:$0xCA00] =	vst v63  }
0x1c: {  	_ =	swait.ge [sflag:s3], $0xC8  }
0x1d: {  	[sflag:s3] =	ssyncset.done $0x0  }
0x1e: {  	s8 =	simm.s32 $0x6600;
	s9 =	simm.s32 $0x1;
	[sflag:s3] =	ssyncadd.s32 $0xFFFFFF38  }
0x1f: {  	[tilespmem:s8], [sflag:$0x2] =	stream.indirect.gather [hbm4b:s4+s5], $0x80, s7, s5, $0xb8;
	[tilespmem:$0xCA00] =	vst v63  }
0x20: {  	_ =	swait.ge [sflag:s9], $0x6400  }
0x21: {  	[sflag:s9] =	ssyncset.done $0x0  }
0x22: {  	s10 =	simm.s32 $0x3;
	s11 =	rddreg [dreg:$0x4];
	[sflag:s9] =	ssyncadd.s32 $0xFFFF9C00  }
0x23: {  	[hbm4b:s11+s2] =	stream.linear.scatter [tilespmem:s6], [sflag:$0x3], $0x6400, $0x38;
	[tilespmem:$0xCA00] =	vst v63  }
0x24: {  	_ =	swait.ge [sflag:s10], $0x6400  }
0x25: {  	[sflag:s10] =	ssyncset.done $0x0  }
0x26: {  	s18 =	rddreg [dreg:$0x5];
	[sflag:s10] =	ssyncadd.s32 $0xFFFF9C00  }
0x27: {  	[tilespmem:s2], [sflag:$0x5] =	stream.linear.gather [hbm4b:s18+s2], $0xC8, $0x38;
	[tilespmem:$0xCA00] =	vst v63  }
0x28: {  	_ =	swait.ge [sflag:s3], $0xC8  }
0x29: {  	[sflag:s3] =	ssyncset.done $0x0  }
0x2a: {  	s11 =	simm.s32 $0x2;
	[sflag:s3] =	ssyncadd.s32 $0xFFFFFF38  }
0x2b: {  	[tilespmem:s6], [sflag:$0x1] =	stream.indirect.gather [hbm4b:s4+s5], $0x80, s2, s5, $0xb8;
	[tilespmem:$0xCA00] =	vst v63  }
0x2c: {  	_ =	swait.ge [sflag:s11], $0x6400  }
0x2d: {  	[sflag:s11] =	ssyncset.done $0x0  }
0x2e: {  	s12 =	simm.s32 $0x4;
	s13 =	rddreg [dreg:$0x6];
	[sflag:s11] =	ssyncadd.s32 $0xFFFF9C00  }
0x2f: {  	[hbm4b:s13+s2] =	stream.linear.scatter [tilespmem:s8], [sflag:$0x4], $0x6400, $0x38;
	[tilespmem:$0xCA00] =	vst v63  }
0x30: {  	_ =	swait.ge [sflag:s12], $0x6400  }
0x31: {  	[sflag:s12] =	ssyncset.done $0x0  }
0x32: {  	s19 =	rddreg [dreg:$0x7];
	[sflag:s12] =	ssyncadd.s32 $0xFFFF9C00  }
0x33: {  	[tilespmem:s7], [sflag:$0x5] =	stream.linear.gather [hbm4b:s19+s2], $0xC8, $0x38;
	[tilespmem:$0xCA00] =	vst v63  }
0x34: {  	_ =	swait.ge [sflag:s3], $0xC8  }
0x35: {  	[sflag:s3] =	ssyncset.done $0x0  }
0x36: {  	[sflag:s3] =	ssyncadd.s32 $0xFFFFFF38  }
0x37: {  	[tilespmem:s8], [sflag:$0x2] =	stream.indirect.gather [hbm4b:s4+s5], $0x80, s7, s5, $0xb8;
	[tilespmem:$0xCA00] =	vst v63  }
0x38: {  	_ =	swait.ge [sflag:s9], $0x6400  }
0x39: {  	[sflag:s9] =	ssyncset.done $0x0  }
0x3a: {  	s20 =	rddreg [dreg:$0x8];
	[sflag:s9] =	ssyncadd.s32 $0xFFFF9C00  }
0x3b: {  	[hbm4b:s20+s2] =	stream.linear.scatter [tilespmem:s6], [sflag:$0x3], $0x6400, $0x38;
	[tilespmem:$0xCA00] =	vst v63  }
0x3c: {  	_ =	swait.ge [sflag:s10], $0x6400  }
0x3d: {  	[sflag:s10] =	ssyncset.done $0x0  }
0x3e: {  	s21 =	rddreg [dreg:$0x9];
	[sflag:s10] =	ssyncadd.s32 $0xFFFF9C00  }
0x3f: {  	[tilespmem:s2], [sflag:$0x5] =	stream.linear.gather [hbm4b:s21+s2], $0xC8, $0x38;
	[tilespmem:$0xCA00] =	vst v63  }
0x40: {  	_ =	swait.ge [sflag:s3], $0xC8  }
0x41: {  	[sflag:s3] =	ssyncset.done $0x0  }
0x42: {  	[sflag:s3] =	ssyncadd.s32 $0xFFFFFF38  }
0x43: {  	[tilespmem:s6], [sflag:$0x1] =	stream.indirect.gather [hbm4b:s4+s5], $0x80, s2, s5, $0xb8;
	[tilespmem:$0xCA00] =	vst v63  }
0x44: {  	_ =	swait.ge [sflag:s11], $0x6400  }
0x45: {  	[sflag:s11] =	ssyncset.done $0x0  }
0x46: {  	s22 =	rddreg [dreg:$0xa];
	[sflag:s11] =	ssyncadd.s32 $0xFFFF9C00  }
0x47: {  	[hbm4b:s22+s2] =	stream.linear.scatter [tilespmem:s8], [sflag:$0x4], $0x6400, $0x38;
	[tilespmem:$0xCA00] =	vst v63  }
0x48: {  	_ =	swait.ge [sflag:s12], $0x6400  }
0x49: {  	[sflag:s12] =	ssyncset.done $0x0  }
0x4a: {  	s23 =	rddreg [dreg:$0xb];
	[sflag:s12] =	ssyncadd.s32 $0xFFFF9C00  }
0x4b: {  	[tilespmem:s7], [sflag:$0x5] =	stream.linear.gather [hbm4b:s23+s2], $0xC8, $0x38;
	[tilespmem:$0xCA00] =	vst v63  }
0x4c: {  	_ =	swait.ge [sflag:s3], $0xC8  }
0x4d: {  	[sflag:s3] =	ssyncset.done $0x0  }
0x4e: {  	[sflag:s3] =	ssyncadd.s32 $0xFFFFFF38  }
0x4f: {  	[tilespmem:s8], [sflag:$0x2] =	stream.indirect.gather [hbm4b:s4+s5], $0x80, s7, s5, $0xb8;
	[tilespmem:$0xCA00] =	vst v63  }
0x50: {  	_ =	swait.ge [sflag:s9], $0x6400  }
0x51: {  	[sflag:s9] =	ssyncset.done $0x0  }
0x52: {  	s24 =	rddreg [dreg:$0xc];
	[sflag:s9] =	ssyncadd.s32 $0xFFFF9C00  }
0x53: {  	[hbm4b:s24+s2] =	stream.linear.scatter [tilespmem:s6], [sflag:$0x3], $0x6400, $0x38;
	[tilespmem:$0xCA00] =	vst v63  }
0x54: {  	_ =	swait.ge [sflag:s10], $0x6400  }
0x55: {  	[sflag:s10] =	ssyncset.done $0x0  }
0x56: {  	s25 =	rddreg [dreg:$0xd];
	[sflag:s10] =	ssyncadd.s32 $0xFFFF9C00  }
0x57: {  	[tilespmem:s2], [sflag:$0x5] =	stream.linear.gather [hbm4b:s25+s2], $0xC8, $0x38;
	[tilespmem:$0xCA00] =	vst v63  }
0x58: {  	_ =	swait.ge [sflag:s3], $0xC8  }
0x59: {  	[sflag:s3] =	ssyncset.done $0x0  }
0x5a: {  	[sflag:s3] =	ssyncadd.s32 $0xFFFFFF38  }
0x5b: {  	[tilespmem:s6], [sflag:$0x1] =	stream.indirect.gather [hbm4b:s4+s5], $0x80, s2, s5, $0xb8;
	[tilespmem:$0xCA00] =	vst v63  }
0x5c: {  	_ =	swait.ge [sflag:s11], $0x6400  }
0x5d: {  	[sflag:s11] =	ssyncset.done $0x0  }
0x5e: {  	s13 =	sadd.s32 $0x3E80, s31;
	[sflag:s11] =	ssyncadd.s32 $0xFFFF9C00  }
0x5f: {  	[hbm4b:s13+s2] =	stream.linear.scatter [tilespmem:s8], [sflag:$0x4], $0x6400, $0x38;
	[tilespmem:$0xCA00] =	vst v63  }
0x60: {  	s14 =	sadd.s32 $0xFF78, s28;
	_ =	swait.ge [sflag:s12], $0x6400  }
0x61: {  	s14 =	sshrl.u32 s14, $0x3;
	[sflag:s12] =	ssyncset.done $0x0  }
0x62: {  	s14 =	sadd.s32 s26, s14;
	[sflag:s12] =	ssyncadd.s32 $0xFFFF9C00  }
0x63: {  	[tilespmem:s7], [sflag:$0x5] =	stream.linear.gather [hbm4b:s14+s2], $0xC8, $0x38;
	[tilespmem:$0xCA00] =	vst v63  }
0x64: {  	_ =	swait.ge [sflag:s3], $0xC8  }
0x65: {  	[sflag:s3] =	ssyncset.done $0x0  }
0x66: {  	[sflag:s3] =	ssyncadd.s32 $0xFFFFFF38  }
0x67: {  	[tilespmem:s8], [sflag:$0x2] =	stream.indirect.gather [hbm4b:s4+s5], $0x80, s7, s5, $0xb8;
	[tilespmem:$0xCA00] =	vst v63  }
0x68: {  	_ =	swait.ge [sflag:s9], $0x6400  }
0x69: {  	[sflag:s9] =	ssyncset.done $0x0  }
0x6a: {  	s15 =	sadd.s32 $0x4B00, s31;
	[sflag:s9] =	ssyncadd.s32 $0xFFFF9C00  }
0x6b: {  	[hbm4b:s15+s2] =	stream.linear.scatter [tilespmem:s6], [sflag:$0x3], $0x6400, $0x38;
	[tilespmem:$0xCA00] =	vst v63  }
0x6c: {  	_ =	swait.ge [sflag:s10], $0x6400  }
0x6d: {  	[sflag:s10] =	ssyncset.done $0x0  }
0x6e: {  	s16 =	sadd.s32 $0x2008, s29;
	[sflag:s10] =	ssyncadd.s32 $0xFFFF9C00  }
0x6f: {  	[tilespmem:s2], [sflag:$0x5] =	stream.linear.gather [hbm4b:s16+s2], $0xC8, $0x38;
	[tilespmem:$0xCA00] =	vst v63  }
0x70: {  	_ =	swait.ge [sflag:s3], $0xC8  }
0x71: {  	[sflag:s3] =	ssyncset.done $0x0  }
0x72: {  	[sflag:s3] =	ssyncadd.s32 $0xFFFFFF38  }
0x73: {  	[tilespmem:s6], [sflag:$0x1] =	stream.indirect.gather [hbm4b:s4+s5], $0x80, s2, s5, $0xb8;
	[tilespmem:$0xCA00] =	vst v63  }
0x74: {  	_ =	swait.ge [sflag:s11], $0x6400  }
0x75: {  	[sflag:s11] =	ssyncset.done $0x0  }
0x76: {  	s17 =	sadd.s32 $0x5780, s31;
	[sflag:s11] =	ssyncadd.s32 $0xFFFF9C00  }
0x77: {  	[hbm4b:s17+s2] =	stream.linear.scatter [tilespmem:s8], [sflag:$0x4], $0x6400, $0x38;
	[tilespmem:$0xCA00] =	vst v63  }
0x78: {  	s18 =	sadd.s32 $0x10108, s28;
	_ =	swait.ge [sflag:s12], $0x6400  }
0x79: {  	s18 =	sshrl.u32 s18, $0x3;
	[sflag:s12] =	ssyncset.done $0x0  }
0x7a: {  	s18 =	sadd.s32 s26, s18;
	[sflag:s12] =	ssyncadd.s32 $0xFFFF9C00  }
0x7b: {  	[tilespmem:s7], [sflag:$0x5] =	stream.linear.gather [hbm4b:s18+s2], $0xC8, $0x38;
	[tilespmem:$0xCA00] =	vst v63  }
0x7c: {  	_ =	swait.ge [sflag:s3], $0xC8  }
0x7d: {  	[sflag:s3] =	ssyncset.done $0x0  }
0x7e: {  	[sflag:s3] =	ssyncadd.s32 $0xFFFFFF38  }
0x7f: {  	[tilespmem:s8], [sflag:$0x2] =	stream.indirect.gather [hbm4b:s4+s5], $0x80, s7, s5, $0xb8;
	[tilespmem:$0xCA00] =	vst v63  }
0x80: {  	_ =	swait.ge [sflag:s9], $0x6400  }
0x81: {  	[sflag:s9] =	ssyncset.done $0x0  }
0x82: {  	s19 =	sadd.s32 $0x6400, s31;
	[sflag:s9] =	ssyncadd.s32 $0xFFFF9C00  }
0x83: {  	[hbm4b:s19+s2] =	stream.linear.scatter [tilespmem:s6], [sflag:$0x3], $0x6400, $0x38;
	[tilespmem:$0xCA00] =	vst v63  }
0x84: {  	_ =	swait.ge [sflag:s10], $0x6400  }
0x85: {  	[sflag:s10] =	ssyncset.done $0x0  }
0x86: {  	s20 =	sadd.s32 $0x203A, s29;
	[sflag:s10] =	ssyncadd.s32 $0xFFFF9C00  }
0x87: {  	[tilespmem:s2], [sflag:$0x5] =	stream.linear.gather [hbm4b:s20+s2], $0xC8, $0x38;
	[tilespmem:$0xCA00] =	vst v63  }
0x88: {  	_ =	swait.ge [sflag:s3], $0xC8  }
0x89: {  	[sflag:s3] =	ssyncset.done $0x0  }
0x8a: {  	[sflag:s3] =	ssyncadd.s32 $0xFFFFFF38  }
0x8b: {  	[tilespmem:s6], [sflag:$0x1] =	stream.indirect.gather [hbm4b:s4+s5], $0x80, s2, s5, $0xb8;
	[tilespmem:$0xCA00] =	vst v63  }
0x8c: {  	_ =	swait.ge [sflag:s11], $0x6400  }
0x8d: {  	[sflag:s11] =	ssyncset.done $0x0  }
0x8e: {  	s21 =	sadd.s32 $0x7080, s31;
	[sflag:s11] =	ssyncadd.s32 $0xFFFF9C00  }
0x8f: {  	[hbm4b:s21+s2] =	stream.linear.scatter [tilespmem:s8], [sflag:$0x4], $0x6400, $0x38;
	[tilespmem:$0xCA00] =	vst v63  }
0x90: {  	s22 =	sadd.s32 $0x10298, s28;
	_ =	swait.ge [sflag:s12], $0x6400  }
0x91: {  	s22 =	sshrl.u32 s22, $0x3;
	[sflag:s12] =	ssyncset.done $0x0  }
0x92: {  	s22 =	sadd.s32 s26, s22;
	[sflag:s12] =	ssyncadd.s32 $0xFFFF9C00  }
0x93: {  	[tilespmem:s7], [sflag:$0x5] =	stream.linear.gather [hbm4b:s22+s2], $0xC8, $0x38;
	[tilespmem:$0xCA00] =	vst v63  }
0x94: {  	_ =	swait.ge [sflag:s3], $0xC8  }
0x95: {  	[sflag:s3] =	ssyncset.done $0x0  }
0x96: {  	[sflag:s3] =	ssyncadd.s32 $0xFFFFFF38  }
0x97: {  	[tilespmem:s8], [sflag:$0x2] =	stream.indirect.gather [hbm4b:s4+s5], $0x80, s7, s5, $0xb8;
	[tilespmem:$0xCA00] =	vst v63  }
0x98: {  	_ =	swait.ge [sflag:s9], $0x6400  }
0x99: {  	[sflag:s9] =	ssyncset.done $0x0  }
0x9a: {  	s23 =	sadd.s32 $0x7D00, s31;
	[sflag:s9] =	ssyncadd.s32 $0xFFFF9C00  }
0x9b: {  	[hbm4b:s23+s2] =	stream.linear.scatter [tilespmem:s6], [sflag:$0x3], $0x6400, $0x38;
	[tilespmem:$0xCA00] =	vst v63  }
0x9c: {  	_ =	swait.ge [sflag:s10], $0x6400  }
0x9d: {  	[sflag:s10] =	ssyncset.done $0x0  }
0x9e: {  	s24 =	sadd.s32 $0x206C, s29;
	[sflag:s10] =	ssyncadd.s32 $0xFFFF9C00  }
0x9f: {  	[tilespmem:s2], [sflag:$0x5] =	stream.linear.gather [hbm4b:s24+s2], $0xC8, $0x38;
	[tilespmem:$0xCA00] =	vst v63  }
0xa0: {  	_ =	swait.ge [sflag:s3], $0xC8  }
0xa1: {  	[sflag:s3] =	ssyncset.done $0x0  }
0xa2: {  	[sflag:s3] =	ssyncadd.s32 $0xFFFFFF38  }
0xa3: {  	[tilespmem:s6], [sflag:$0x1] =	stream.indirect.gather [hbm4b:s4+s5], $0x80, s2, s5, $0xb8;
	[tilespmem:$0xCA00] =	vst v63  }
0xa4: {  	_ =	swait.ge [sflag:s11], $0x6400  }
0xa5: {  	[sflag:s11] =	ssyncset.done $0x0  }
0xa6: {  	s25 =	sadd.s32 $0x8980, s31;
	[sflag:s11] =	ssyncadd.s32 $0xFFFF9C00  }
0xa7: {  	[hbm4b:s25+s2] =	stream.linear.scatter [tilespmem:s8], [sflag:$0x4], $0x6400, $0x38;
	[tilespmem:$0xCA00] =	vst v63  }
0xa8: {  	s28 =	sadd.s32 $0x10428, s28;
	_ =	swait.ge [sflag:s12], $0x6400  }
0xa9: {  	s28 =	sshrl.u32 s28, $0x3;
	[sflag:s12] =	ssyncset.done $0x0  }
0xaa: {  	s26 =	sadd.s32 s26, s28;
	[sflag:s12] =	ssyncadd.s32 $0xFFFF9C00  }
0xab: {  	[tilespmem:s7], [sflag:$0x5] =	stream.linear.gather [hbm4b:s26+s2], $0xC8, $0x38;
	[tilespmem:$0xCA00] =	vst v63  }
0xac: {  	_ =	swait.ge [sflag:s3], $0xC8  }
0xad: {  	[sflag:s3] =	ssyncset.done $0x0  }
0xae: {  	[sflag:s3] =	ssyncadd.s32 $0xFFFFFF38  }
0xaf: {  	[tilespmem:s8], [sflag:$0x2] =	stream.indirect.gather [hbm4b:s4+s5], $0x80, s7, s5, $0xb8;
	[tilespmem:$0xCA00] =	vst v63  }
0xb0: {  	_ =	swait.ge [sflag:s9], $0x6400  }
0xb1: {  	[sflag:s9] =	ssyncset.done $0x0  }
0xb2: {  	s28 =	sadd.s32 $0x9600, s31;
	[sflag:s9] =	ssyncadd.s32 $0xFFFF9C00  }
0xb3: {  	[hbm4b:s28+s2] =	stream.linear.scatter [tilespmem:s6], [sflag:$0x3], $0x6400, $0x38;
	[tilespmem:$0xCA00] =	vst v63  }
0xb4: {  	_ =	swait.ge [sflag:s10], $0x6400  }
0xb5: {  	[sflag:s10] =	ssyncset.done $0x0  }
0xb6: {  	s29 =	sadd.s32 $0x209E, s29;
	[sflag:s10] =	ssyncadd.s32 $0xFFFF9C00  }
0xb7: {  	[tilespmem:s2], [sflag:$0x5] =	stream.linear.gather [hbm4b:s29+s2], $0xC8, $0x38;
	[tilespmem:$0xCA00] =	vst v63  }
0xb8: {  	_ =	swait.ge [sflag:s3], $0xC8  }
0xb9: {  	[sflag:s3] =	ssyncset.done $0x0  }
0xba: {  	[sflag:s3] =	ssyncadd.s32 $0xFFFFFF38  }
0xbb: {  	[tilespmem:s6], [sflag:$0x1] =	stream.indirect.gather [hbm4b:s4+s5], $0x80, s2, s5, $0xb8;
	[tilespmem:$0xCA00] =	vst v63  }
0xbc: {  	_ =	swait.ge [sflag:s11], $0x6400  }
0xbd: {  	s1 =	ssub.s32 $0x2, s1;
	[sflag:s11] =	ssyncset.done $0x0  }
0xbe: {  	s30 =	sadd.s32 $0xA280, s31;
	s0 =	sshrl.u32 s1, $0x1;
	[sflag:s11] =	ssyncadd.s32 $0xFFFF9C00  }
0xbf: {  	[hbm4b:s30+s2] =	stream.linear.scatter [tilespmem:s8], [sflag:$0x4], $0x6400, $0x38;
	[tilespmem:$0xCA00] =	vst v63  }
0xc0: {  	s0 =	ssub.s32 s1, s0;
	_ =	swait.ge [sflag:s9], $0x6400  }
0xc1: {  	s0 =	smax.u32 s0, $0x1;
	[sflag:s9] =	ssyncset.done $0x0  }
0xc2: {  	p0 =	sne.s32 s0, $0x1;
	s31 =	sadd.s32 $0xAF00, s31;
	[sflag:s9] =	ssyncadd.s32 $0xFFFF9C00  }
0xc3: {  	[hbm4b:s31+s2] =	stream.linear.scatter [tilespmem:s6], [sflag:$0x3], $0x6400, $0x38;
	[tilespmem:$0xCA00] =	vst v63  }
.Ltmp0:
0xc4: {  	_ =	swait.ge [sflag:s10], $0x6400;
	(pc) =	sbr.rel @!p0 .LBB2_2-.Ltmp0, $4  }
0xc5: {  	[sflag:s10] =	ssyncset.done $0x0  }
0xc6: {  	[sflag:s10] =	ssyncadd.s32 $0xFFFF9C00  }
0xc7: {  	_ =	swait.ge [sflag:s12], $0x6400  }
0xc8: {  	s1 =	sadd.s32 $0xFFFFFFFF, s0;
	[sflag:s12] =	ssyncset.done $0x0  }
.LBB2_1:
0xc9: {  	s0 =	rddreg [dreg:$0x2];
	[sflag:s12] =	ssyncadd.s32 $0xFFFF9C00  }
0xca: {  	[tilespmem:s2], [sflag:$0x5] =	stream.linear.gather [hbm4b:s0+s2], $0xC8, $0x38;
	[tilespmem:$0xCA00] =	vst v63  }
0xcb: {  	_ =	swait.ge [sflag:s3], $0xC8  }
0xcc: {  	[sflag:s3] =	ssyncset.done $0x0  }
0xcd: {  	[sflag:s3] =	ssyncadd.s32 $0xFFFFFF38  }
0xce: {  	[tilespmem:s6], [sflag:$0x1] =	stream.indirect.gather [hbm4b:s4+s5], $0x80, s2, s5, $0xb8;
	[tilespmem:$0xCA00] =	vst v63  }
0xcf: {  	s0 =	rddreg [dreg:$0x3]  }
0xd0: {  	[tilespmem:s7], [sflag:$0x5] =	stream.linear.gather [hbm4b:s0+s2], $0xC8, $0x38;
	[tilespmem:$0xCA00] =	vst v63  }
0xd1: {  	_ =	swait.ge [sflag:s3], $0xC8  }
0xd2: {  	[sflag:s3] =	ssyncset.done $0x0  }
0xd3: {  	[sflag:s3] =	ssyncadd.s32 $0xFFFFFF38  }
0xd4: {  	[tilespmem:s8], [sflag:$0x2] =	stream.indirect.gather [hbm4b:s4+s5], $0x80, s7, s5, $0xb8;
	[tilespmem:$0xCA00] =	vst v63  }
0xd5: {  	_ =	swait.ge [sflag:s9], $0x6400  }
0xd6: {  	[sflag:s9] =	ssyncset.done $0x0  }
0xd7: {  	s0 =	rddreg [dreg:$0x4];
	[sflag:s9] =	ssyncadd.s32 $0xFFFF9C00  }
0xd8: {  	[hbm4b:s0+s2] =	stream.linear.scatter [tilespmem:s6], [sflag:$0x3], $0x6400, $0x38;
	[tilespmem:$0xCA00] =	vst v63  }
0xd9: {  	_ =	swait.ge [sflag:s10], $0x6400  }
0xda: {  	[sflag:s10] =	ssyncset.done $0x0  }
0xdb: {  	s0 =	rddreg [dreg:$0x5];
	[sflag:s10] =	ssyncadd.s32 $0xFFFF9C00  }
0xdc: {  	[tilespmem:s2], [sflag:$0x5] =	stream.linear.gather [hbm4b:s0+s2], $0xC8, $0x38;
	[tilespmem:$0xCA00] =	vst v63  }
0xdd: {  	_ =	swait.ge [sflag:s3], $0xC8  }
0xde: {  	[sflag:s3] =	ssyncset.done $0x0  }
0xdf: {  	[sflag:s3] =	ssyncadd.s32 $0xFFFFFF38  }
0xe0: {  	[tilespmem:s6], [sflag:$0x1] =	stream.indirect.gather [hbm4b:s4+s5], $0x80, s2, s5, $0xb8;
	[tilespmem:$0xCA00] =	vst v63  }
0xe1: {  	_ =	swait.ge [sflag:s11], $0x6400  }
0xe2: {  	[sflag:s11] =	ssyncset.done $0x0  }
0xe3: {  	s0 =	rddreg [dreg:$0x6];
	[sflag:s11] =	ssyncadd.s32 $0xFFFF9C00  }
0xe4: {  	[hbm4b:s0+s2] =	stream.linear.scatter [tilespmem:s8], [sflag:$0x4], $0x6400, $0x38;
	[tilespmem:$0xCA00] =	vst v63  }
0xe5: {  	_ =	swait.ge [sflag:s12], $0x6400  }
0xe6: {  	[sflag:s12] =	ssyncset.done $0x0  }
0xe7: {  	s0 =	rddreg [dreg:$0x7];
	[sflag:s12] =	ssyncadd.s32 $0xFFFF9C00  }
0xe8: {  	[tilespmem:s7], [sflag:$0x5] =	stream.linear.gather [hbm4b:s0+s2], $0xC8, $0x38;
	[tilespmem:$0xCA00] =	vst v63  }
0xe9: {  	_ =	swait.ge [sflag:s3], $0xC8  }
0xea: {  	[sflag:s3] =	ssyncset.done $0x0  }
0xeb: {  	[sflag:s3] =	ssyncadd.s32 $0xFFFFFF38  }
0xec: {  	[tilespmem:s8], [sflag:$0x2] =	stream.indirect.gather [hbm4b:s4+s5], $0x80, s7, s5, $0xb8;
	[tilespmem:$0xCA00] =	vst v63  }
0xed: {  	_ =	swait.ge [sflag:s9], $0x6400  }
0xee: {  	[sflag:s9] =	ssyncset.done $0x0  }
0xef: {  	s0 =	rddreg [dreg:$0x8];
	[sflag:s9] =	ssyncadd.s32 $0xFFFF9C00  }
0xf0: {  	[hbm4b:s0+s2] =	stream.linear.scatter [tilespmem:s6], [sflag:$0x3], $0x6400, $0x38;
	[tilespmem:$0xCA00] =	vst v63  }
0xf1: {  	_ =	swait.ge [sflag:s10], $0x6400  }
0xf2: {  	[sflag:s10] =	ssyncset.done $0x0  }
0xf3: {  	s0 =	rddreg [dreg:$0x9];
	[sflag:s10] =	ssyncadd.s32 $0xFFFF9C00  }
0xf4: {  	[tilespmem:s2], [sflag:$0x5] =	stream.linear.gather [hbm4b:s0+s2], $0xC8, $0x38;
	[tilespmem:$0xCA00] =	vst v63  }
0xf5: {  	_ =	swait.ge [sflag:s3], $0xC8  }
0xf6: {  	[sflag:s3] =	ssyncset.done $0x0  }
0xf7: {  	[sflag:s3] =	ssyncadd.s32 $0xFFFFFF38  }
0xf8: {  	[tilespmem:s6], [sflag:$0x1] =	stream.indirect.gather [hbm4b:s4+s5], $0x80, s2, s5, $0xb8;
	[tilespmem:$0xCA00] =	vst v63  }
0xf9: {  	_ =	swait.ge [sflag:s11], $0x6400  }
0xfa: {  	[sflag:s11] =	ssyncset.done $0x0  }
0xfb: {  	s0 =	rddreg [dreg:$0xa];
	[sflag:s11] =	ssyncadd.s32 $0xFFFF9C00  }
0xfc: {  	[hbm4b:s0+s2] =	stream.linear.scatter [tilespmem:s8], [sflag:$0x4], $0x6400, $0x38;
	[tilespmem:$0xCA00] =	vst v63  }
0xfd: {  	_ =	swait.ge [sflag:s12], $0x6400  }
0xfe: {  	[sflag:s12] =	ssyncset.done $0x0  }
0xff: {  	s0 =	rddreg [dreg:$0xb];
	[sflag:s12] =	ssyncadd.s32 $0xFFFF9C00  }
0x100: {  	[tilespmem:s7], [sflag:$0x5] =	stream.linear.gather [hbm4b:s0+s2], $0xC8, $0x38;
	[tilespmem:$0xCA00] =	vst v63  }
0x101: {  	_ =	swait.ge [sflag:s3], $0xC8  }
0x102: {  	[sflag:s3] =	ssyncset.done $0x0  }
0x103: {  	[sflag:s3] =	ssyncadd.s32 $0xFFFFFF38  }
0x104: {  	[tilespmem:s8], [sflag:$0x2] =	stream.indirect.gather [hbm4b:s4+s5], $0x80, s7, s5, $0xb8;
	[tilespmem:$0xCA00] =	vst v63  }
0x105: {  	_ =	swait.ge [sflag:s9], $0x6400  }
0x106: {  	[sflag:s9] =	ssyncset.done $0x0  }
0x107: {  	s0 =	rddreg [dreg:$0xc];
	[sflag:s9] =	ssyncadd.s32 $0xFFFF9C00  }
0x108: {  	[hbm4b:s0+s2] =	stream.linear.scatter [tilespmem:s6], [sflag:$0x3], $0x6400, $0x38;
	[tilespmem:$0xCA00] =	vst v63  }
0x109: {  	_ =	swait.ge [sflag:s10], $0x6400  }
0x10a: {  	[sflag:s10] =	ssyncset.done $0x0  }
0x10b: {  	s0 =	rddreg [dreg:$0xd];
	[sflag:s10] =	ssyncadd.s32 $0xFFFF9C00  }
0x10c: {  	[tilespmem:s2], [sflag:$0x5] =	stream.linear.gather [hbm4b:s0+s2], $0xC8, $0x38;
	[tilespmem:$0xCA00] =	vst v63  }
0x10d: {  	_ =	swait.ge [sflag:s3], $0xC8  }
0x10e: {  	[sflag:s3] =	ssyncset.done $0x0  }
0x10f: {  	[sflag:s3] =	ssyncadd.s32 $0xFFFFFF38  }
0x110: {  	[tilespmem:s6], [sflag:$0x1] =	stream.indirect.gather [hbm4b:s4+s5], $0x80, s2, s5, $0xb8;
	[tilespmem:$0xCA00] =	vst v63  }
0x111: {  	_ =	swait.ge [sflag:s11], $0x6400  }
0x112: {  	[sflag:s11] =	ssyncset.done $0x0  }
0x113: {  	[sflag:s11] =	ssyncadd.s32 $0xFFFF9C00  }
0x114: {  	[hbm4b:s13+s2] =	stream.linear.scatter [tilespmem:s8], [sflag:$0x4], $0x6400, $0x38;
	[tilespmem:$0xCA00] =	vst v63  }
0x115: {  	_ =	swait.ge [sflag:s12], $0x6400  }
0x116: {  	[sflag:s12] =	ssyncset.done $0x0  }
0x117: {  	[sflag:s12] =	ssyncadd.s32 $0xFFFF9C00  }
0x118: {  	[tilespmem:s7], [sflag:$0x5] =	stream.linear.gather [hbm4b:s14+s2], $0xC8, $0x38;
	[tilespmem:$0xCA00] =	vst v63  }
0x119: {  	_ =	swait.ge [sflag:s3], $0xC8  }
0x11a: {  	[sflag:s3] =	ssyncset.done $0x0  }
0x11b: {  	[sflag:s3] =	ssyncadd.s32 $0xFFFFFF38  }
0x11c: {  	[tilespmem:s8], [sflag:$0x2] =	stream.indirect.gather [hbm4b:s4+s5], $0x80, s7, s5, $0xb8;
	[tilespmem:$0xCA00] =	vst v63  }
0x11d: {  	_ =	swait.ge [sflag:s9], $0x6400  }
0x11e: {  	[sflag:s9] =	ssyncset.done $0x0  }
0x11f: {  	[sflag:s9] =	ssyncadd.s32 $0xFFFF9C00  }
0x120: {  	[hbm4b:s15+s2] =	stream.linear.scatter [tilespmem:s6], [sflag:$0x3], $0x6400, $0x38;
	[tilespmem:$0xCA00] =	vst v63  }
0x121: {  	_ =	swait.ge [sflag:s10], $0x6400  }
0x122: {  	[sflag:s10] =	ssyncset.done $0x0  }
0x123: {  	[sflag:s10] =	ssyncadd.s32 $0xFFFF9C00  }
0x124: {  	[tilespmem:s2], [sflag:$0x5] =	stream.linear.gather [hbm4b:s16+s2], $0xC8, $0x38;
	[tilespmem:$0xCA00] =	vst v63  }
0x125: {  	_ =	swait.ge [sflag:s3], $0xC8  }
0x126: {  	[sflag:s3] =	ssyncset.done $0x0  }
0x127: {  	[sflag:s3] =	ssyncadd.s32 $0xFFFFFF38  }
0x128: {  	[tilespmem:s6], [sflag:$0x1] =	stream.indirect.gather [hbm4b:s4+s5], $0x80, s2, s5, $0xb8;
	[tilespmem:$0xCA00] =	vst v63  }
0x129: {  	_ =	swait.ge [sflag:s11], $0x6400  }
0x12a: {  	[sflag:s11] =	ssyncset.done $0x0  }
0x12b: {  	[sflag:s11] =	ssyncadd.s32 $0xFFFF9C00  }
0x12c: {  	[hbm4b:s17+s2] =	stream.linear.scatter [tilespmem:s8], [sflag:$0x4], $0x6400, $0x38;
	[tilespmem:$0xCA00] =	vst v63  }
0x12d: {  	_ =	swait.ge [sflag:s12], $0x6400  }
0x12e: {  	[sflag:s12] =	ssyncset.done $0x0  }
0x12f: {  	[sflag:s12] =	ssyncadd.s32 $0xFFFF9C00  }
0x130: {  	[tilespmem:s7], [sflag:$0x5] =	stream.linear.gather [hbm4b:s18+s2], $0xC8, $0x38;
	[tilespmem:$0xCA00] =	vst v63  }
0x131: {  	_ =	swait.ge [sflag:s3], $0xC8  }
0x132: {  	[sflag:s3] =	ssyncset.done $0x0  }
0x133: {  	[sflag:s3] =	ssyncadd.s32 $0xFFFFFF38  }
0x134: {  	[tilespmem:s8], [sflag:$0x2] =	stream.indirect.gather [hbm4b:s4+s5], $0x80, s7, s5, $0xb8;
	[tilespmem:$0xCA00] =	vst v63  }
0x135: {  	_ =	swait.ge [sflag:s9], $0x6400  }
0x136: {  	[sflag:s9] =	ssyncset.done $0x0  }
0x137: {  	[sflag:s9] =	ssyncadd.s32 $0xFFFF9C00  }
0x138: {  	[hbm4b:s19+s2] =	stream.linear.scatter [tilespmem:s6], [sflag:$0x3], $0x6400, $0x38;
	[tilespmem:$0xCA00] =	vst v63  }
0x139: {  	_ =	swait.ge [sflag:s10], $0x6400  }
0x13a: {  	[sflag:s10] =	ssyncset.done $0x0  }
0x13b: {  	[sflag:s10] =	ssyncadd.s32 $0xFFFF9C00  }
0x13c: {  	[tilespmem:s2], [sflag:$0x5] =	stream.linear.gather [hbm4b:s20+s2], $0xC8, $0x38;
	[tilespmem:$0xCA00] =	vst v63  }
0x13d: {  	_ =	swait.ge [sflag:s3], $0xC8  }
0x13e: {  	[sflag:s3] =	ssyncset.done $0x0  }
0x13f: {  	[sflag:s3] =	ssyncadd.s32 $0xFFFFFF38  }
0x140: {  	[tilespmem:s6], [sflag:$0x1] =	stream.indirect.gather [hbm4b:s4+s5], $0x80, s2, s5, $0xb8;
	[tilespmem:$0xCA00] =	vst v63  }
0x141: {  	_ =	swait.ge [sflag:s11], $0x6400  }
0x142: {  	[sflag:s11] =	ssyncset.done $0x0  }
0x143: {  	[sflag:s11] =	ssyncadd.s32 $0xFFFF9C00  }
0x144: {  	[hbm4b:s21+s2] =	stream.linear.scatter [tilespmem:s8], [sflag:$0x4], $0x6400, $0x38;
	[tilespmem:$0xCA00] =	vst v63  }
0x145: {  	_ =	swait.ge [sflag:s12], $0x6400  }
0x146: {  	[sflag:s12] =	ssyncset.done $0x0  }
0x147: {  	[sflag:s12] =	ssyncadd.s32 $0xFFFF9C00  }
0x148: {  	[tilespmem:s7], [sflag:$0x5] =	stream.linear.gather [hbm4b:s22+s2], $0xC8, $0x38;
	[tilespmem:$0xCA00] =	vst v63  }
0x149: {  	_ =	swait.ge [sflag:s3], $0xC8  }
0x14a: {  	[sflag:s3] =	ssyncset.done $0x0  }
0x14b: {  	[sflag:s3] =	ssyncadd.s32 $0xFFFFFF38  }
0x14c: {  	[tilespmem:s8], [sflag:$0x2] =	stream.indirect.gather [hbm4b:s4+s5], $0x80, s7, s5, $0xb8;
	[tilespmem:$0xCA00] =	vst v63  }
0x14d: {  	_ =	swait.ge [sflag:s9], $0x6400  }
0x14e: {  	[sflag:s9] =	ssyncset.done $0x0  }
0x14f: {  	[sflag:s9] =	ssyncadd.s32 $0xFFFF9C00  }
0x150: {  	[hbm4b:s23+s2] =	stream.linear.scatter [tilespmem:s6], [sflag:$0x3], $0x6400, $0x38;
	[tilespmem:$0xCA00] =	vst v63  }
0x151: {  	_ =	swait.ge [sflag:s10], $0x6400  }
0x152: {  	[sflag:s10] =	ssyncset.done $0x0  }
0x153: {  	[sflag:s10] =	ssyncadd.s32 $0xFFFF9C00  }
0x154: {  	[tilespmem:s2], [sflag:$0x5] =	stream.linear.gather [hbm4b:s24+s2], $0xC8, $0x38;
	[tilespmem:$0xCA00] =	vst v63  }
0x155: {  	_ =	swait.ge [sflag:s3], $0xC8  }
0x156: {  	[sflag:s3] =	ssyncset.done $0x0  }
0x157: {  	[sflag:s3] =	ssyncadd.s32 $0xFFFFFF38  }
0x158: {  	[tilespmem:s6], [sflag:$0x1] =	stream.indirect.gather [hbm4b:s4+s5], $0x80, s2, s5, $0xb8;
	[tilespmem:$0xCA00] =	vst v63  }
0x159: {  	_ =	swait.ge [sflag:s11], $0x6400  }
0x15a: {  	[sflag:s11] =	ssyncset.done $0x0  }
0x15b: {  	[sflag:s11] =	ssyncadd.s32 $0xFFFF9C00  }
0x15c: {  	[hbm4b:s25+s2] =	stream.linear.scatter [tilespmem:s8], [sflag:$0x4], $0x6400, $0x38;
	[tilespmem:$0xCA00] =	vst v63  }
0x15d: {  	_ =	swait.ge [sflag:s12], $0x6400  }
0x15e: {  	[sflag:s12] =	ssyncset.done $0x0  }
0x15f: {  	[sflag:s12] =	ssyncadd.s32 $0xFFFF9C00  }
0x160: {  	[tilespmem:s7], [sflag:$0x5] =	stream.linear.gather [hbm4b:s26+s2], $0xC8, $0x38;
	[tilespmem:$0xCA00] =	vst v63  }
0x161: {  	_ =	swait.ge [sflag:s3], $0xC8  }
0x162: {  	[sflag:s3] =	ssyncset.done $0x0  }
0x163: {  	[sflag:s3] =	ssyncadd.s32 $0xFFFFFF38  }
0x164: {  	[tilespmem:s8], [sflag:$0x2] =	stream.indirect.gather [hbm4b:s4+s5], $0x80, s7, s5, $0xb8;
	[tilespmem:$0xCA00] =	vst v63  }
0x165: {  	_ =	swait.ge [sflag:s9], $0x6400  }
0x166: {  	[sflag:s9] =	ssyncset.done $0x0  }
0x167: {  	[sflag:s9] =	ssyncadd.s32 $0xFFFF9C00  }
0x168: {  	[hbm4b:s28+s2] =	stream.linear.scatter [tilespmem:s6], [sflag:$0x3], $0x6400, $0x38;
	[tilespmem:$0xCA00] =	vst v63  }
0x169: {  	_ =	swait.ge [sflag:s10], $0x6400  }
0x16a: {  	[sflag:s10] =	ssyncset.done $0x0  }
0x16b: {  	[sflag:s10] =	ssyncadd.s32 $0xFFFF9C00  }
0x16c: {  	[tilespmem:s2], [sflag:$0x5] =	stream.linear.gather [hbm4b:s29+s2], $0xC8, $0x38;
	[tilespmem:$0xCA00] =	vst v63  }
0x16d: {  	_ =	swait.ge [sflag:s3], $0xC8  }
0x16e: {  	[sflag:s3] =	ssyncset.done $0x0  }
0x16f: {  	[sflag:s3] =	ssyncadd.s32 $0xFFFFFF38  }
0x170: {  	[tilespmem:s6], [sflag:$0x1] =	stream.indirect.gather [hbm4b:s4+s5], $0x80, s2, s5, $0xb8;
	[tilespmem:$0xCA00] =	vst v63  }
0x171: {  	_ =	swait.ge [sflag:s11], $0x6400  }
0x172: {  	[sflag:s11] =	ssyncset.done $0x0  }
0x173: {  	[sflag:s11] =	ssyncadd.s32 $0xFFFF9C00  }
0x174: {  	[hbm4b:s30+s2] =	stream.linear.scatter [tilespmem:s8], [sflag:$0x4], $0x6400, $0x38;
	[tilespmem:$0xCA00] =	vst v63  }
0x175: {  	_ =	swait.ge [sflag:s9], $0x6400  }
0x176: {  	[sflag:s9] =	ssyncset.done $0x0  }
0x177: {  	p0 =	sne.s32 s1, $0x1;
	[sflag:s9] =	ssyncadd.s32 $0xFFFF9C00  }
0x178: {  	[hbm4b:s31+s2] =	stream.linear.scatter [tilespmem:s6], [sflag:$0x3], $0x6400, $0x38;
	[tilespmem:$0xCA00] =	vst v63  }
.Ltmp1:
0x179: {  	_ =	swait.ge [sflag:s10], $0x6400;
	(pc) =	sbr.rel @p0 .LBB2_1-.Ltmp1, $4  }
0x17a: {  	[sflag:s10] =	ssyncset.done $0x0  }
0x17b: {  	[sflag:s10] =	ssyncadd.s32 $0xFFFF9C00  }
0x17c: {  	_ =	swait.ge [sflag:s12], $0x6400  }
0x17d: {  	s1 =	sadd.s32 $0xFFFFFFFF, s1;
	[sflag:s12] =	ssyncset.done $0x0  }
.LBB2_2:
0x17e: {  	[sflag:s12] =	ssyncadd.s32 $0xFFFF9C00  }
0x17f: {  	_ =	sfence.sel $0x180000  }
0x180: {  	[bflag:$0x0] =	sbarrier.arrive $0xFFFF  }
0x181: {  	_ =	strace $0x9000004A  }
0x182: {  	s0 =	stileid.u32;
	[bflag:$0x2] =	sbarrier.arrive $0xFFFF  }
0x183: {  	p0 =	sne.s32 s0, $0x0;
	s0 =	rddreg [dreg:$0x1]  }
0x184: {  	s0 =	sadd.s32 @!p0 $0x100000, s0  }
0x185: {  	[sflag:s0] =	ssyncadd.tile.s32 @!p0 $0x1;
	_ =	shalt  }
.Lfunc_end2:
_tile_overlayer_lowered:
.L_overlay_start_2:
0x186: {  	(tag) =	ssettag $0x2  }
0x187: {  	s0 =	rddreg [dreg:$0x0];
	s2 =	stileid.u32  }
0x188: {  	s1 =	rddreg [dreg:$0x1];
	p0 =	sne.s32 s2, $0x0  }
0x189: {  	s3 =	rddreg [dreg:$0x2];
	[bflag:$0x3] =	sbarrier.arrive $0xFFFF;
	s2 =	simm.s32 @!p0 $0x1C05  }
0x18a: {  	[timem:s3], [sflag:s2] =	dma.local @!p0 [hbm:s0], s1  }
0x18b: {  	s0 =	simm.s32 @!p0 $0x5  }
0x18c: {  	_ =	swait.ge @!p0 [sflag:s0], s1  }
0x18d: {  	s1 =	ssub.s32 @!p0 $0x0, s1;
	[sflag:s0] =	ssyncset.done @!p0 $0x0  }
0x18e: {  	[sflag:s0] =	ssyncadd.s32 @!p0 s1  }
0x18f: {  	[bflag:$0x3] =	sbarrier.arrive $0xFFFF  }
0x190: {  	_ =	shalt  }

// kernel: kernel.17.cloned.1.call-start
scs
__scs_entry_jumppad:
0x0: {  	(pc) =	sbr.rel $0x88, $3  }
0x1: {  	(tag) =	ssettag $0x0;
	lr =	simm.s32 $0x1  }
0x2: {  	[smem:$0x3F93] =	sst lr;
	_ =	strace $0xD0000000  }
0x3: {  	_ = 	snop  }
0x4: {  	_ = 	snop  }
0x5: {  	_ = 	snop  }
0x6: {  	_ = 	snop  }
0x7: {  	_ = 	snop  }
__scs_overlays_trampoline_lowered:
0x8: {  	[smem:$0x3FA2] =	sst s0  }
0x9: {  	[smem:$0x3FA3] =	sst s1  }
0xa: {  	[smem:$0x3FA4] =	sst s2  }
0xb: {  	[smem:$0x3FA5] =	sst s3  }
0xc: {  	[smem:$0x3FA6] =	sst s4  }
0xd: {  	[smem:$0x3FA7] =	sst s5  }
0xe: {  	[smem:$0x3FA8] =	sst s6  }
0xf: {  	[smem:$0x3FA9] =	sst s7  }
0x10: {  	[smem:$0x3FAA] =	sst s8  }
0x11: {  	[smem:$0x3FAB] =	sst s9;
	s0 =	simm.s32 @!p0 $0x0  }
0x12: {  	s1 =	sld [smem:$0x3F91];
	s0 =	simm.s32 @p0 $0x1  }
0x13: {  	[smem:$0x3FAC] =	sst s0;
	s0 =	simm.s32 @!p1 $0x0  }
0x14: {  	s2 =	sld [smem:$0x3F90];
	s0 =	simm.s32 @p1 $0x1  }
0x15: {  	[smem:$0x3FAD] =	sst s0;
	s0 =	simm.s32 @!p2 $0x0  }
0x16: {  	s3 =	sld [smem:$0x3FDB];
	s0 =	simm.s32 @p2 $0x1  }
0x17: {  	s4 =	simm.s32 $0x1BF5;
	[smem:$0x3FAF] =	sst s0  }
0x18: {  	s0 =	sld [smem:$0x3F92];
	_ =	swait.ge [sflag:s4], $0x0  }
0x19: {  	s7 =	sld [smem:$0x3F93]  }
0x1a: {  	s8 =	sadd.s32 $0xFFFFE003, lr  }
0x1b: {  	s9 =	sadd.s32 $0xFFFFFEF7, lr;
	s5 =	simm.s32 $0xFFFFFFFF;
	p2 =	slt.u32 s8, $0xFFFFF086  }
0x1c: {  	p1 =	slt.u32 s9, $0xF7A;
	s5 =	simm.s32 @!p2 $0x0  }
0x1d: {  	s5 =	simm.s32 @p1 $0x1;
	p0 =	seq.s32 s7, s2  }
0x1e: {  	s7 =	smul.u32 @!p0 $0xF7A, s2;
	p2 =	seq.s32 @!p0 s5, $0x0  }
0x1f: {  	s9 =	smul.u32 $0xF7A, s1;
	s8 =	simm.s32 @!p0 $0x1BF5;
	p2 =	por !p2, p0  }
0x20: {  	[sflag:s8] =	ssyncset.s32 @!p0 $0xFFFFF086;
	s6 =	sadd.s32 @!p0 s3, s7;
	s7 =	simm.s32 @!p0 $0x108  }
0x21: {  	s3 =	sadd.s32 s3, s9;
	s6 =	sadd.s32 @!p0 $0x88, s6;
	s7 =	simm.s32 @p2 $0x1082  }
0x22: {  	[simem:s7], [sflag:s8] =	dma.local @!p0 [hbm:s6], $0xF7A  }
0x23: {  	s9 =	sor.u32 $0xD0000000, s2;
	s6 =	simm.s32 $0x108;
	_ =	swait.ge @!p0 [sflag:s8], $0x0  }
0x24: {  	s3 =	sadd.s32 $0x88, s3;
	s6 =	simm.s32 @!p1 $0x1082;
	[sflag:s4] =	ssyncset.s32 $0xFFFFF086  }
0x25: {  	[simem:s6], [sflag:s4] =	dma.local [hbm:s3], $0xF7A  }
0x26: {  	[smem:$0x3F93] =	sst s1;
	(tag) =	ssettag s2;
	_ =	strace s9  }
0x27: {  	s1 =	sld [smem:$0x3FA3]  }
0x28: {  	s2 =	sld [smem:$0x3FA4]  }
0x29: {  	s4 =	sld [smem:$0x3FA6]  }
0x2a: {  	p0 =	seq.s32 s5, $0x0;
	s5 =	sld [smem:$0x3FA7]  }
0x2b: {  	s6 =	sld [smem:$0x3FA8]  }
0x2c: {  	s7 =	sld [smem:$0x3FA9]  }
0x2d: {  	s3 =	simm.s32 $0x108;
	s8 =	sld [smem:$0x3FAA]  }
0x2e: {  	s3 =	simm.s32 @!p0 $0x1082;
	s9 =	sld [smem:$0x3FAB]  }
0x2f: {  	lr =	sadd.s32 s0, s3;
	s0 =	sld [smem:$0x3FA2]  }
0x30: {  	s3 =	sld [smem:$0x3FA5]  }
0x31: {  	[smem:$0x3FAE] =	sst s10  }
0x32: {  	s10 =	sld [smem:$0x3FAC];
	_ =	sdelay $0x3  }
0x33: {  	p0 =	seq.s32 s10, $0x1;
	s10 =	sld [smem:$0x3FAE];
	_ =	sdelay $0x3  }
0x34: {  	[smem:$0x3FAE] =	sst s10  }
0x35: {  	s10 =	sld [smem:$0x3FAD];
	_ =	sdelay $0x3  }
0x36: {  	p1 =	seq.s32 s10, $0x1;
	s10 =	sld [smem:$0x3FAE];
	_ =	sdelay $0x3  }
0x37: {  	[smem:$0x3FAE] =	sst s10  }
0x38: {  	s10 =	sld [smem:$0x3FAF]  }
0x39: {  	_ = 	snop;
	(pc) =	sbr.ind lr, $3  }
0x3a: {  	_ = 	snop  }
0x3b: {  	_ = 	snop  }
0x3c: {  	p2 =	seq.s32 s10, $0x1;
	s10 =	sld [smem:$0x3FAE]  }
0x3d: {  	_ =	shalt  }
0x3e: {  	_ =	shalt  }
0x3f: {  	_ =	shalt  }
0x40: {  	_ =	shalt  }
0x41: {  	_ =	shalt  }
0x42: {  	_ =	shalt  }
0x43: {  	_ =	shalt  }
0x44: {  	_ =	shalt  }
0x45: {  	_ =	shalt  }
0x46: {  	_ =	shalt  }
0x47: {  	_ =	shalt  }
0x48: {  	_ =	shalt  }
0x49: {  	_ =	shalt  }
0x4a: {  	_ =	shalt  }
0x4b: {  	_ =	shalt  }
0x4c: {  	_ =	shalt  }
0x4d: {  	_ =	shalt  }
0x4e: {  	_ =	shalt  }
0x4f: {  	_ =	shalt  }
0x50: {  	_ =	shalt  }
0x51: {  	_ =	shalt  }
0x52: {  	_ =	shalt  }
0x53: {  	_ =	shalt  }
0x54: {  	_ =	shalt  }
0x55: {  	_ =	shalt  }
0x56: {  	_ =	shalt  }
0x57: {  	_ =	shalt  }
0x58: {  	_ =	shalt  }
0x59: {  	_ =	shalt  }
0x5a: {  	_ =	shalt  }
0x5b: {  	_ =	shalt  }
0x5c: {  	_ =	shalt  }
0x5d: {  	_ =	shalt  }
0x5e: {  	_ =	shalt  }
0x5f: {  	_ =	shalt  }
0x60: {  	_ =	shalt  }
0x61: {  	_ =	shalt  }
0x62: {  	_ =	shalt  }
0x63: {  	_ =	shalt  }
0x64: {  	_ =	shalt  }
0x65: {  	_ =	shalt  }
0x66: {  	_ =	shalt  }
0x67: {  	_ =	shalt  }
0x68: {  	_ =	shalt  }
0x69: {  	_ =	shalt  }
0x6a: {  	_ =	shalt  }
0x6b: {  	_ =	shalt  }
0x6c: {  	_ =	shalt  }
0x6d: {  	_ =	shalt  }
0x6e: {  	_ =	shalt  }
0x6f: {  	_ =	shalt  }
0x70: {  	_ =	shalt  }
0x71: {  	_ =	shalt  }
0x72: {  	_ =	shalt  }
0x73: {  	_ =	shalt  }
0x74: {  	_ =	shalt  }
0x75: {  	_ =	shalt  }
0x76: {  	_ =	shalt  }
0x77: {  	_ =	shalt  }
0x78: {  	_ =	shalt  }
0x79: {  	_ =	shalt  }
0x7a: {  	_ =	shalt  }
0x7b: {  	_ =	shalt  }
0x7c: {  	_ =	shalt  }
0x7d: {  	_ =	shalt  }
0x7e: {  	_ =	shalt  }
0x7f: {  	_ =	shalt  }
0x80: {  	_ =	shalt  }
0x81: {  	_ =	shalt  }
0x82: {  	_ =	shalt  }
0x83: {  	_ =	shalt  }
0x84: {  	_ =	shalt  }
0x85: {  	_ =	shalt  }
0x86: {  	_ =	shalt  }
0x87: {  	_ =	shalt  }
.Lfunc_end0:
.L_simem_size_0:
called_computation.2_lowered:
.L_overlay_start_0:
0x88: {  	s2 =	sld [smem:$0x3FD9]  }
0x89: {  	s3 =	sld [smem:$0x3FFE];
	_ =	sdelay $0x1  }
0x8a: {  	s1 =	srdreg.scid  }
0x8b: {  	s0 =	sand.u32 $0x1, s1  }
0x8c: {  	s17 =	sshll.u32 s0, $0xA;
	s2 =	sadd.s32 s3, s2  }
0x8d: {  	s2 =	sadd.s32 s2, s17  }
0x8e: {  	[smem:$0x3FBA] =	sst s2  }
0x8f: {  	_ = 	snop  }
0x90: {  	s18 =	sld [smem:$0x3FD0];
	(tm) =	ssettm $0x1  }
0x91: {  	s19 =	sld [smem:$0x3FFB];
	_ =	sdelay $0x3  }
0x92: {  	_ =	strace s19  }
0x93: {  	s2 =	sld [smem:$0x3FFC];
	_ =	sdelay $0x3  }
0x94: {  	_ =	strace s2  }
0x95: {  	s2 =	sld [smem:$0x3FFD];
	_ =	sdelay $0x3  }
0x96: {  	_ =	strace s2  }
0x97: {  	_ =	strace $0x8FFFFFFF  }
0x98: {  	s20 =	sld [smem:$0x3FDB];
	_ =	sdelay $0x1  }
0x99: {  	s4 =	simm.s32 $_scs_section_size  }
0x9a: {  	s5 =	simm.s32 $_size__tile_overlayer_lowered;
	s6 =	simm.s32 $_tile_overlayer_lowered  }
0x9b: {  	s7 =	simm.s32 $0x1BFF;
	s21 =	sshll.u32 s6, $0x1;
	s4 =	sadd.s32 s4, s20  }
0x9c: {  	s22 =	simm.s32 $0x0;
	s5 =	sshll.u32 s5, $0x1;
	s6 =	sadd.s32 s21, s4  }
0x9d: {  	[timem:s22], [sflag:s7] =	dma.local [hbm:s6], s5  }
0x9e: {  	_ =	swait.ge [sflag:s7], s5  }
0x9f: {  	s5 =	ssub.s32 $0x0, s5;
	[sflag:s7] =	ssyncset.done $0x0  }
0xa0: {  	[sflag:s7] =	ssyncadd.s32 s5;
	_ =	sdelay $0x1  }
0xa1: {  	s23 =	simm.s32 $0x1B8B  }
0xa2: {  	_ =	swait.ge [sflag:s23], $0x1  }
0xa3: {  	[sflag:s23] =	ssyncset.done $0x0  }
0xa4: {  	[sflag:s23] =	ssyncadd.s32 $0xFFFFFFFF  }
0xa5: {  	s5 =	sld [smem:$0x0]  }
0xa6: {  	s6 =	sand.u32 $0xFFFFFFFE, s1  }
0xa7: {  	p0 =	sne.s32 s1, s6  }
0xa8: {  	s6 =	sshll.u32 @p0 s6, $0xE  }
0xa9: {  	s6 =	sadd.s32 @p0 $0x11B8D, s6;
	s7 =	sshll.u32 @p0 s5, $0x11  }
0xaa: {  	s6 =	sor.u32 @p0 s7, s6  }
0xab: {  	[sflag:s6] =	ssyncadd.remote.s32 @p0 $0x1;
	_ =	sdelay $0x1  }
0xac: {  	s6 =	simm.s32 @p0 $0x1B8D  }
0xad: {  	_ =	swait.eq @p0 [sflag:s6], $0x1  }
0xae: {  	[sflag:s6] =	ssyncadd.s32 @p0 $0xFFFFFFFF  }
0xaf: {  	s7 =	sshll.u32 @!p0 s1, $0xE  }
0xb0: {  	s7 =	sor.u32 @!p0 $0x4000, s7;
	s6 =	simm.s32 @!p0 $0x1B8D  }
0xb1: {  	s5 =	sshll.u32 @!p0 s5, $0x11;
	s7 =	sadd.s32 @!p0 $0x11B8D, s7;
	_ =	swait.eq @!p0 [sflag:s6], $0x1  }
0xb2: {  	s5 =	sor.u32 @!p0 s5, s7;
	[sflag:s6] =	ssyncadd.s32 @!p0 $0xFFFFFFFF  }
0xb3: {  	s25 =	simm.s32 $0x1B8E;
	s24 =	sld [smem:$0x3FFE];
	[sflag:s5] =	ssyncadd.remote.s32 @!p0 $0x1  }
0xb4: {  	s26 =	simm.s32 $execute0_lowered;
	[smem:$0x3FD2] =	sst s25  }
0xb5: {  	s6 =	sshll.u32 s26, $0x1;
	_ =	strace $0x8000004C;
	[dreg:$0x1] =	wrdreg $0xFFFFFFFF  }
0xb6: {  	s28 =	simm.s32 $_size_execute0_lowered;
	s4 =	sadd.s32 s4, s6;
	[dreg:$0x0] =	wrdreg $0x0  }
0xb7: {  	s6 =	sshll.u32 s28, $0x1;
	[dreg:$0x2] =	wrdreg s4  }
0xb8: {  	[dreg:$0x3] =	wrdreg s6  }
0xb9: {  	[dreg:$0x4] =	wrdreg $0xC0  }
0xba: {  	_ =	task [dreg:s22], $0x5FFFF  }
0xbb: {  	[dreg:$0x1] =	wrdreg $0xFFFFFFFF  }
0xbc: {  	[dreg:$0x0] =	wrdreg $0x60  }
0xbd: {  	[dreg:$0x2] =	wrdreg s18  }
0xbe: {  	[dreg:$0x3] =	wrdreg s24  }
0xbf: {  	[dreg:$0x4] =	wrdreg $0xB  }
0xc0: {  	_ =	task.clear_ibuf [dreg:s22], $0x5FFFF;
	_ =	strace $0x9000004C  }
0xc1: {  	s29 =	simm.s32 $0xB;
	_ =	strace $0x8000004E  }
0xc2: {  	_ =	swait.ge [sflag:s29], $0x1  }
0xc3: {  	[sflag:s29] =	ssyncadd.s32 $0xFFFFFFFF  }
0xc4: {  	_ =	strace $0x9000004E  }
0xc5: {  	_ =	sfence  }
0xc6: {  	s30 =	sld [smem:$0x0];
	_ =	sdelay $0x2  }
0xc7: {  	s31 =	sshll.u32 s1, $0xD;
	s1 =	sshrl.u32 s1, $0x2  }
0xc8: {  	s4 =	sand.u32 $0x4000, s31;
	s1 =	sadd.s32 s1, s30  }
0xc9: {  	s0 =	sor.u32 s4, s0;
	s1 =	sshll.u32 s1, $0x11  }
0xca: {  	s0 =	sor.u32 s1, s0  }
0xcb: {  	s0 =	sadd.s32 $0x8F2B, s0  }
0xcc: {  	[sflag:s0] =	ssyncadd.remote.s32 $0x1  }
0xcd: {  	_ =	sfence.sel $0xFFFF  }
0xce: {  	[dreg:$0x0] =	wrdreg $0xFFFFFFFF;
	(pc) =	sbr.abs _section_cstart, $3  }
0xcf: {  	[dreg:$0x1] =	wrdreg $0xFFFFFFFF  }
0xd0: {  	_ =	task.clear_ibuf [dreg:s22], $0x2FFFF;
	_ =	strace $0x9FFFFFFF  }
0xd1: {  	(tm) =	ssettm $0x7FFFFFFF  }
tec
execute0_lowered:
.L_overlay_start_1:
0x0: {  	(tag) =	ssettag $0x1  }
0x1: {  	s1 =	srdreg.scid;
	s0 =	stileid.u32  }
0x2: {  	s2 =	rddreg [dreg:$0x0];
	s1 =	sand.u32 $0x1, s1;
	s5 =	sshll.u32 s0, $0x1  }
0x3: {  	s4 =	rddreg [dreg:$0x1];
	s3 =	simm.s32 $0x0;
	s5 =	sor.u32 s1, s5  }
0x4: {  	[smem:$0x7FF] =	sst s3;
	s29 =	sadd.s32 $0x340800, s4;
	s30 =	smul.u32 $0x1388, s5  }
0x5: {  	s31 =	sadd.s32 $0x345800, s4;
	[smem:$0x7FD] =	sst s1  }
0x6: {  	_ =	strace $0x8000004D;
	s5 =	smul.u32 $0x13880, s5;
	s6 =	sshrl.u32 s30, $0x3  }
0x7: {  	s7 =	sadd.s32 $0xC8, s30;
	s9 =	sadd.s32 $0x190, s30;
	s12 =	sadd.s32 $0x258, s30  }
0x8: {  	s17 =	sadd.s32 $0x320, s30;
	s20 =	sadd.s32 $0x3E8, s30;
	s25 =	sadd.s32 $0x4B0, s30  }
0x9: {  	s1 =	sadd.s32 $0x578, s30;
	s6 =	sadd.s32 s29, s6;
	s8 =	sshrl.u32 s7, $0x3  }
0xa: {  	s10 =	sshrl.u32 s9, $0x3;
	s11 =	sshll.u32 s7, $0x4;
	s14 =	sshrl.u32 s12, $0x3  }
0xb: {  	s18 =	sshrl.u32 s17, $0x3;
	s19 =	sshll.u32 s12, $0x4;
	s22 =	sshrl.u32 s20, $0x3  }
0xc: {  	s26 =	sshrl.u32 s25, $0x3;
	[dreg:$0x3] =	wrdreg s6;
	s6 =	sadd.s32 s29, s8  }
0xd: {  	s0 =	sshll.u32 s20, $0x4;
	s8 =	sadd.s32 s31, s5;
	[dreg:$0x4] =	wrdreg s6  }
0xe: {  	s12 =	sadd.s32 $0x640, s30;
	s4 =	sadd.s32 s29, s10;
	[dreg:$0x5] =	wrdreg s8  }
0xf: {  	s20 =	sadd.s32 $0x7D0, s30;
	s13 =	sadd.s32 s31, s11;
	[dreg:$0x6] =	wrdreg s4  }
0x10: {  	s15 =	sadd.s32 s29, s14;
	s5 =	sshll.u32 s9, $0x4;
	[dreg:$0x7] =	wrdreg s13  }
0x11: {  	s21 =	sadd.s32 s31, s19;
	s23 =	sadd.s32 s29, s22;
	[dreg:$0x8] =	wrdreg s15  }
0x12: {  	s9 =	sshrl.u32 s1, $0x3;
	s14 =	sshll.u32 s1, $0x4;
	[dreg:$0xb] =	wrdreg s21  }
0x13: {  	s1 =	sadd.s32 $0x960, s30;
	s16 =	sadd.s32 s31, s5;
	[dreg:$0xc] =	wrdreg s23  }
0x14: {  	s4 =	sadd.s32 s29, s18;
	s5 =	sshll.u32 s17, $0x4;
	[dreg:$0x9] =	wrdreg s16  }
0x15: {  	s8 =	sadd.s32 s31, s0;
	s10 =	sadd.s32 s29, s9;
	[dreg:$0xa] =	wrdreg s4  }
0x16: {  	s13 =	sshrl.u32 s12, $0x3;
	s15 =	sadd.s32 $0x708, s30;
	[dreg:$0xf] =	wrdreg s8  }
0x17: {  	s21 =	sshrl.u32 s20, $0x3;
	s24 =	sadd.s32 s31, s5;
	[dreg:$0x10] =	wrdreg s10  }
0x18: {  	s23 =	sadd.s32 $0x898, s30;
	s4 =	sadd.s32 s29, s26;
	[dreg:$0xd] =	wrdreg s24  }
0x19: {  	s6 =	sshrl.u32 s1, $0x3;
	s16 =	sadd.s32 s31, s14;
	[dreg:$0xe] =	wrdreg s4  }
0x1a: {  	s5 =	sshll.u32 s25, $0x4;
	s22 =	sshll.u32 s15, $0x4;
	[dreg:$0x13] =	wrdreg s16  }
0x1b: {  	s11 =	sadd.s32 s31, s5;
	s24 =	sadd.s32 s31, s22;
	s22 =	rddreg [dreg:$0x3]  }
0x1c: {  	s17 =	sshrl.u32 s15, $0x3;
	s4 =	sadd.s32 s29, s13;
	[dreg:$0x11] =	wrdreg s11  }
0x1d: {  	s9 =	sadd.s32 $0xA28, s30;
	s18 =	sadd.s32 s29, s17;
	[dreg:$0x12] =	wrdreg s4  }
0x1e: {  	s25 =	sshrl.u32 s23, $0x3;
	s8 =	sshll.u32 s23, $0x4;
	[dreg:$0x14] =	wrdreg s18  }
0x1f: {  	s14 =	sadd.s32 $0xAF0, s30;
	s26 =	sadd.s32 s29, s25;
	[dreg:$0x17] =	wrdreg s24  }
0x20: {  	s5 =	sshll.u32 s12, $0x4;
	s10 =	sadd.s32 s31, s8;
	[dreg:$0x18] =	wrdreg s26  }
0x21: {  	s15 =	sshrl.u32 s14, $0x3;
	s19 =	sadd.s32 s31, s5;
	[dreg:$0x1b] =	wrdreg s10  }
0x22: {  	[tilespmem:s3], [sflag:$0x5] =	stream.linear.gather [hbm4b:s22+s3], $0xC8, $0x38;
	[tilespmem:$0xCA00] =	vst v63  }
0x23: {  	s16 =	sshll.u32 s9, $0x4;
	s4 =	sadd.s32 s29, s21;
	[dreg:$0x15] =	wrdreg s19  }
0x24: {  	s5 =	sshll.u32 s20, $0x4;
	s17 =	sadd.s32 s31, s16;
	[dreg:$0x16] =	wrdreg s4  }
0x25: {  	s11 =	sshrl.u32 s9, $0x3;
	s0 =	sadd.s32 s31, s5;
	[dreg:$0x1f] =	wrdreg s17  }
0x26: {  	s20 =	sshll.u32 s14, $0x4;
	s4 =	sadd.s32 s29, s6;
	[dreg:$0x19] =	wrdreg s0  }
0x27: {  	s12 =	sadd.s32 s29, s11;
	s5 =	sshll.u32 s1, $0x4;
	[dreg:$0x1a] =	wrdreg s4  }
0x28: {  	[dreg:$0x1c] =	wrdreg s12;
	s13 =	sadd.s32 s31, s5;
	s4 =	sadd.s32 s29, s15  }
0x29: {  	s15 =	sadd.s32 $0xC80, s30;
	[dreg:$0x1d] =	wrdreg s13;
	s13 =	sadd.s32 $0xBB8, s30  }
0x2a: {  	[dreg:$0x1e] =	wrdreg s4;
	s4 =	sadd.s32 s31, s20;
	s21 =	sshrl.u32 s15, $0x3  }
0x2b: {  	s18 =	sshrl.u32 s13, $0x3;
	[smem:$0x7FB] =	sst s4;
	s23 =	sadd.s32 s29, s21  }
0x2c: {  	s19 =	sadd.s32 s29, s18;
	[smem:$0x7FC] =	sst s23  }
0x2d: {  	s4 =	simm.s32 $0x5;
	[smem:$0x7FA] =	sst s19  }
0x2e: {  	_ =	swait.ge [sflag:s4], $0xC8  }
0x2f: {  	[sflag:s4] =	ssyncset.done $0x0  }
0x30: {  	s6 =	simm.s32 $0x200;
	s5 =	simm.s32 $0xC8;
	[sflag:s4] =	ssyncadd.s32 $0xFFFFFF38  }
0x31: {  	[tilespmem:s6], [sflag:$0x1] =	stream.indirect.gather [hbm4b:s2+s5], $0x80, s3, s5, $0xb8;
	[tilespmem:$0xCA00] =	vst v63  }
0x32: {  	s7 =	simm.s32 $0x100;
	s24 =	rddreg [dreg:$0x4]  }
0x33: {  	[tilespmem:s7], [sflag:$0x5] =	stream.linear.gather [hbm4b:s24+s3], $0xC8, $0x38;
	[tilespmem:$0xCA00] =	vst v63  }
0x34: {  	_ =	swait.ge [sflag:s4], $0xC8  }
0x35: {  	[sflag:s4] =	ssyncset.done $0x0  }
0x36: {  	s8 =	simm.s32 $0x6600;
	s9 =	simm.s32 $0x1;
	[sflag:s4] =	ssyncadd.s32 $0xFFFFFF38  }
0x37: {  	[tilespmem:s8], [sflag:$0x2] =	stream.indirect.gather [hbm4b:s2+s5], $0x80, s7, s5, $0xb8;
	[tilespmem:$0xCA00] =	vst v63  }
0x38: {  	_ =	swait.ge [sflag:s9], $0x6400  }
0x39: {  	[sflag:s9] =	ssyncset.done $0x0  }
0x3a: {  	s10 =	simm.s32 $0x3;
	s11 =	rddreg [dreg:$0x5];
	[sflag:s9] =	ssyncadd.s32 $0xFFFF9C00  }
0x3b: {  	[hbm4b:s11+s3] =	stream.linear.scatter [tilespmem:s6], [sflag:$0x3], $0x6400, $0x38;
	[tilespmem:$0xCA00] =	vst v63  }
0x3c: {  	_ =	swait.ge [sflag:s10], $0x6400  }
0x3d: {  	[sflag:s10] =	ssyncset.done $0x0  }
0x3e: {  	s25 =	rddreg [dreg:$0x6];
	[sflag:s10] =	ssyncadd.s32 $0xFFFF9C00  }
0x3f: {  	[tilespmem:s3], [sflag:$0x5] =	stream.linear.gather [hbm4b:s25+s3], $0xC8, $0x38;
	[tilespmem:$0xCA00] =	vst v63  }
0x40: {  	_ =	swait.ge [sflag:s4], $0xC8  }
0x41: {  	[sflag:s4] =	ssyncset.done $0x0  }
0x42: {  	s11 =	simm.s32 $0x2;
	[sflag:s4] =	ssyncadd.s32 $0xFFFFFF38  }
0x43: {  	[tilespmem:s6], [sflag:$0x1] =	stream.indirect.gather [hbm4b:s2+s5], $0x80, s3, s5, $0xb8;
	[tilespmem:$0xCA00] =	vst v63  }
0x44: {  	_ =	swait.ge [sflag:s11], $0x6400  }
0x45: {  	[sflag:s11] =	ssyncset.done $0x0  }
0x46: {  	s12 =	simm.s32 $0x4;
	s14 =	rddreg [dreg:$0x7];
	[sflag:s11] =	ssyncadd.s32 $0xFFFF9C00  }
0x47: {  	[hbm4b:s14+s3] =	stream.linear.scatter [tilespmem:s8], [sflag:$0x4], $0x6400, $0x38;
	[tilespmem:$0xCA00] =	vst v63  }
0x48: {  	_ =	swait.ge [sflag:s12], $0x6400  }
0x49: {  	[sflag:s12] =	ssyncset.done $0x0  }
0x4a: {  	s26 =	rddreg [dreg:$0x8];
	[sflag:s12] =	ssyncadd.s32 $0xFFFF9C00  }
0x4b: {  	[tilespmem:s7], [sflag:$0x5] =	stream.linear.gather [hbm4b:s26+s3], $0xC8, $0x38;
	[tilespmem:$0xCA00] =	vst v63  }
0x4c: {  	_ =	swait.ge [sflag:s4], $0xC8  }
0x4d: {  	[sflag:s4] =	ssyncset.done $0x0  }
0x4e: {  	[sflag:s4] =	ssyncadd.s32 $0xFFFFFF38  }
0x4f: {  	[tilespmem:s8], [sflag:$0x2] =	stream.indirect.gather [hbm4b:s2+s5], $0x80, s7, s5, $0xb8;
	[tilespmem:$0xCA00] =	vst v63  }
0x50: {  	_ =	swait.ge [sflag:s9], $0x6400  }
0x51: {  	[sflag:s9] =	ssyncset.done $0x0  }
0x52: {  	s0 =	rddreg [dreg:$0x9];
	[sflag:s9] =	ssyncadd.s32 $0xFFFF9C00  }
0x53: {  	[hbm4b:s0+s3] =	stream.linear.scatter [tilespmem:s6], [sflag:$0x3], $0x6400, $0x38;
	[tilespmem:$0xCA00] =	vst v63  }
0x54: {  	_ =	swait.ge [sflag:s10], $0x6400  }
0x55: {  	[sflag:s10] =	ssyncset.done $0x0  }
0x56: {  	s1 =	rddreg [dreg:$0xa];
	[sflag:s10] =	ssyncadd.s32 $0xFFFF9C00  }
0x57: {  	[tilespmem:s3], [sflag:$0x5] =	stream.linear.gather [hbm4b:s1+s3], $0xC8, $0x38;
	[tilespmem:$0xCA00] =	vst v63  }
0x58: {  	_ =	swait.ge [sflag:s4], $0xC8  }
0x59: {  	[sflag:s4] =	ssyncset.done $0x0  }
0x5a: {  	[sflag:s4] =	ssyncadd.s32 $0xFFFFFF38  }
0x5b: {  	[tilespmem:s6], [sflag:$0x1] =	stream.indirect.gather [hbm4b:s2+s5], $0x80, s3, s5, $0xb8;
	[tilespmem:$0xCA00] =	vst v63  }
0x5c: {  	_ =	swait.ge [sflag:s11], $0x6400  }
0x5d: {  	[sflag:s11] =	ssyncset.done $0x0  }
0x5e: {  	s16 =	rddreg [dreg:$0xb];
	[sflag:s11] =	ssyncadd.s32 $0xFFFF9C00  }
0x5f: {  	[hbm4b:s16+s3] =	stream.linear.scatter [tilespmem:s8], [sflag:$0x4], $0x6400, $0x38;
	[tilespmem:$0xCA00] =	vst v63  }
0x60: {  	_ =	swait.ge [sflag:s12], $0x6400  }
0x61: {  	[sflag:s12] =	ssyncset.done $0x0  }
0x62: {  	s17 =	rddreg [dreg:$0xc];
	[sflag:s12] =	ssyncadd.s32 $0xFFFF9C00  }
0x63: {  	[tilespmem:s7], [sflag:$0x5] =	stream.linear.gather [hbm4b:s17+s3], $0xC8, $0x38;
	[tilespmem:$0xCA00] =	vst v63  }
0x64: {  	_ =	swait.ge [sflag:s4], $0xC8  }
0x65: {  	[sflag:s4] =	ssyncset.done $0x0  }
0x66: {  	[sflag:s4] =	ssyncadd.s32 $0xFFFFFF38  }
0x67: {  	[tilespmem:s8], [sflag:$0x2] =	stream.indirect.gather [hbm4b:s2+s5], $0x80, s7, s5, $0xb8;
	[tilespmem:$0xCA00] =	vst v63  }
0x68: {  	_ =	swait.ge [sflag:s9], $0x6400  }
0x69: {  	[sflag:s9] =	ssyncset.done $0x0  }
0x6a: {  	s18 =	rddreg [dreg:$0xd];
	[sflag:s9] =	ssyncadd.s32 $0xFFFF9C00  }
0x6b: {  	[hbm4b:s18+s3] =	stream.linear.scatter [tilespmem:s6], [sflag:$0x3], $0x6400, $0x38;
	[tilespmem:$0xCA00] =	vst v63  }
0x6c: {  	_ =	swait.ge [sflag:s10], $0x6400  }
0x6d: {  	[sflag:s10] =	ssyncset.done $0x0  }
0x6e: {  	s19 =	rddreg [dreg:$0xe];
	[sflag:s10] =	ssyncadd.s32 $0xFFFF9C00  }
0x6f: {  	[tilespmem:s3], [sflag:$0x5] =	stream.linear.gather [hbm4b:s19+s3], $0xC8, $0x38;
	[tilespmem:$0xCA00] =	vst v63  }
0x70: {  	_ =	swait.ge [sflag:s4], $0xC8  }
0x71: {  	[sflag:s4] =	ssyncset.done $0x0  }
0x72: {  	[sflag:s4] =	ssyncadd.s32 $0xFFFFFF38  }
0x73: {  	[tilespmem:s6], [sflag:$0x1] =	stream.indirect.gather [hbm4b:s2+s5], $0x80, s3, s5, $0xb8;
	[tilespmem:$0xCA00] =	vst v63  }
0x74: {  	_ =	swait.ge [sflag:s11], $0x6400  }
0x75: {  	[sflag:s11] =	ssyncset.done $0x0  }
0x76: {  	s20 =	rddreg [dreg:$0xf];
	[sflag:s11] =	ssyncadd.s32 $0xFFFF9C00  }
0x77: {  	[hbm4b:s20+s3] =	stream.linear.scatter [tilespmem:s8], [sflag:$0x4], $0x6400, $0x38;
	[tilespmem:$0xCA00] =	vst v63  }
0x78: {  	_ =	swait.ge [sflag:s12], $0x6400  }
0x79: {  	[sflag:s12] =	ssyncset.done $0x0  }
0x7a: {  	s21 =	rddreg [dreg:$0x10];
	[sflag:s12] =	ssyncadd.s32 $0xFFFF9C00  }
0x7b: {  	[tilespmem:s7], [sflag:$0x5] =	stream.linear.gather [hbm4b:s21+s3], $0xC8, $0x38;
	[tilespmem:$0xCA00] =	vst v63  }
0x7c: {  	_ =	swait.ge [sflag:s4], $0xC8  }
0x7d: {  	[sflag:s4] =	ssyncset.done $0x0  }
0x7e: {  	[sflag:s4] =	ssyncadd.s32 $0xFFFFFF38  }
0x7f: {  	[tilespmem:s8], [sflag:$0x2] =	stream.indirect.gather [hbm4b:s2+s5], $0x80, s7, s5, $0xb8;
	[tilespmem:$0xCA00] =	vst v63  }
0x80: {  	_ =	swait.ge [sflag:s9], $0x6400  }
0x81: {  	[sflag:s9] =	ssyncset.done $0x0  }
0x82: {  	s22 =	rddreg [dreg:$0x11];
	[sflag:s9] =	ssyncadd.s32 $0xFFFF9C00  }
0x83: {  	[hbm4b:s22+s3] =	stream.linear.scatter [tilespmem:s6], [sflag:$0x3], $0x6400, $0x38;
	[tilespmem:$0xCA00] =	vst v63  }
0x84: {  	_ =	swait.ge [sflag:s10], $0x6400  }
0x85: {  	[sflag:s10] =	ssyncset.done $0x0  }
0x86: {  	s23 =	rddreg [dreg:$0x12];
	[sflag:s10] =	ssyncadd.s32 $0xFFFF9C00  }
0x87: {  	[tilespmem:s3], [sflag:$0x5] =	stream.linear.gather [hbm4b:s23+s3], $0xC8, $0x38;
	[tilespmem:$0xCA00] =	vst v63  }
0x88: {  	_ =	swait.ge [sflag:s4], $0xC8  }
0x89: {  	[sflag:s4] =	ssyncset.done $0x0  }
0x8a: {  	[sflag:s4] =	ssyncadd.s32 $0xFFFFFF38  }
0x8b: {  	[tilespmem:s6], [sflag:$0x1] =	stream.indirect.gather [hbm4b:s2+s5], $0x80, s3, s5, $0xb8;
	[tilespmem:$0xCA00] =	vst v63  }
0x8c: {  	_ =	swait.ge [sflag:s11], $0x6400  }
0x8d: {  	[sflag:s11] =	ssyncset.done $0x0  }
0x8e: {  	s24 =	rddreg [dreg:$0x13];
	[sflag:s11] =	ssyncadd.s32 $0xFFFF9C00  }
0x8f: {  	[hbm4b:s24+s3] =	stream.linear.scatter [tilespmem:s8], [sflag:$0x4], $0x6400, $0x38;
	[tilespmem:$0xCA00] =	vst v63  }
0x90: {  	_ =	swait.ge [sflag:s12], $0x6400  }
0x91: {  	[sflag:s12] =	ssyncset.done $0x0  }
0x92: {  	s25 =	rddreg [dreg:$0x14];
	[sflag:s12] =	ssyncadd.s32 $0xFFFF9C00  }
0x93: {  	[tilespmem:s7], [sflag:$0x5] =	stream.linear.gather [hbm4b:s25+s3], $0xC8, $0x38;
	[tilespmem:$0xCA00] =	vst v63  }
0x94: {  	_ =	swait.ge [sflag:s4], $0xC8  }
0x95: {  	[sflag:s4] =	ssyncset.done $0x0  }
0x96: {  	[sflag:s4] =	ssyncadd.s32 $0xFFFFFF38  }
0x97: {  	[tilespmem:s8], [sflag:$0x2] =	stream.indirect.gather [hbm4b:s2+s5], $0x80, s7, s5, $0xb8;
	[tilespmem:$0xCA00] =	vst v63  }
0x98: {  	_ =	swait.ge [sflag:s9], $0x6400  }
0x99: {  	[sflag:s9] =	ssyncset.done $0x0  }
0x9a: {  	s26 =	rddreg [dreg:$0x15];
	[sflag:s9] =	ssyncadd.s32 $0xFFFF9C00  }
0x9b: {  	[hbm4b:s26+s3] =	stream.linear.scatter [tilespmem:s6], [sflag:$0x3], $0x6400, $0x38;
	[tilespmem:$0xCA00] =	vst v63  }
0x9c: {  	_ =	swait.ge [sflag:s10], $0x6400  }
0x9d: {  	[sflag:s10] =	ssyncset.done $0x0  }
0x9e: {  	s0 =	rddreg [dreg:$0x16];
	[sflag:s10] =	ssyncadd.s32 $0xFFFF9C00  }
0x9f: {  	[tilespmem:s3], [sflag:$0x5] =	stream.linear.gather [hbm4b:s0+s3], $0xC8, $0x38;
	[tilespmem:$0xCA00] =	vst v63  }
0xa0: {  	_ =	swait.ge [sflag:s4], $0xC8  }
0xa1: {  	[sflag:s4] =	ssyncset.done $0x0  }
0xa2: {  	[sflag:s4] =	ssyncadd.s32 $0xFFFFFF38  }
0xa3: {  	[tilespmem:s6], [sflag:$0x1] =	stream.indirect.gather [hbm4b:s2+s5], $0x80, s3, s5, $0xb8;
	[tilespmem:$0xCA00] =	vst v63  }
0xa4: {  	_ =	swait.ge [sflag:s11], $0x6400  }
0xa5: {  	[sflag:s11] =	ssyncset.done $0x0  }
0xa6: {  	s1 =	rddreg [dreg:$0x17];
	[sflag:s11] =	ssyncadd.s32 $0xFFFF9C00  }
0xa7: {  	[hbm4b:s1+s3] =	stream.linear.scatter [tilespmem:s8], [sflag:$0x4], $0x6400, $0x38;
	[tilespmem:$0xCA00] =	vst v63  }
0xa8: {  	_ =	swait.ge [sflag:s12], $0x6400  }
0xa9: {  	[sflag:s12] =	ssyncset.done $0x0  }
0xaa: {  	s16 =	rddreg [dreg:$0x18];
	[sflag:s12] =	ssyncadd.s32 $0xFFFF9C00  }
0xab: {  	[tilespmem:s7], [sflag:$0x5] =	stream.linear.gather [hbm4b:s16+s3], $0xC8, $0x38;
	[tilespmem:$0xCA00] =	vst v63  }
0xac: {  	_ =	swait.ge [sflag:s4], $0xC8  }
0xad: {  	[sflag:s4] =	ssyncset.done $0x0  }
0xae: {  	[sflag:s4] =	ssyncadd.s32 $0xFFFFFF38  }
0xaf: {  	[tilespmem:s8], [sflag:$0x2] =	stream.indirect.gather [hbm4b:s2+s5], $0x80, s7, s5, $0xb8;
	[tilespmem:$0xCA00] =	vst v63  }
0xb0: {  	_ =	swait.ge [sflag:s9], $0x6400  }
0xb1: {  	[sflag:s9] =	ssyncset.done $0x0  }
0xb2: {  	s17 =	rddreg [dreg:$0x19];
	[sflag:s9] =	ssyncadd.s32 $0xFFFF9C00  }
0xb3: {  	[hbm4b:s17+s3] =	stream.linear.scatter [tilespmem:s6], [sflag:$0x3], $0x6400, $0x38;
	[tilespmem:$0xCA00] =	vst v63  }
0xb4: {  	_ =	swait.ge [sflag:s10], $0x6400  }
0xb5: {  	[sflag:s10] =	ssyncset.done $0x0  }
0xb6: {  	s18 =	rddreg [dreg:$0x1a];
	[sflag:s10] =	ssyncadd.s32 $0xFFFF9C00  }
0xb7: {  	[tilespmem:s3], [sflag:$0x5] =	stream.linear.gather [hbm4b:s18+s3], $0xC8, $0x38;
	[tilespmem:$0xCA00] =	vst v63  }
0xb8: {  	_ =	swait.ge [sflag:s4], $0xC8  }
0xb9: {  	[sflag:s4] =	ssyncset.done $0x0  }
0xba: {  	[sflag:s4] =	ssyncadd.s32 $0xFFFFFF38  }
0xbb: {  	[tilespmem:s6], [sflag:$0x1] =	stream.indirect.gather [hbm4b:s2+s5], $0x80, s3, s5, $0xb8;
	[tilespmem:$0xCA00] =	vst v63  }
0xbc: {  	_ =	swait.ge [sflag:s11], $0x6400  }
0xbd: {  	[sflag:s11] =	ssyncset.done $0x0  }
0xbe: {  	s19 =	rddreg [dreg:$0x1b];
	[sflag:s11] =	ssyncadd.s32 $0xFFFF9C00  }
0xbf: {  	[hbm4b:s19+s3] =	stream.linear.scatter [tilespmem:s8], [sflag:$0x4], $0x6400, $0x38;
	[tilespmem:$0xCA00] =	vst v63  }
0xc0: {  	_ =	swait.ge [sflag:s12], $0x6400  }
0xc1: {  	[sflag:s12] =	ssyncset.done $0x0  }
0xc2: {  	s20 =	rddreg [dreg:$0x1c];
	[sflag:s12] =	ssyncadd.s32 $0xFFFF9C00  }
0xc3: {  	[tilespmem:s7], [sflag:$0x5] =	stream.linear.gather [hbm4b:s20+s3], $0xC8, $0x38;
	[tilespmem:$0xCA00] =	vst v63  }
0xc4: {  	_ =	swait.ge [sflag:s4], $0xC8  }
0xc5: {  	[sflag:s4] =	ssyncset.done $0x0  }
0xc6: {  	[sflag:s4] =	ssyncadd.s32 $0xFFFFFF38  }
0xc7: {  	[tilespmem:s8], [sflag:$0x2] =	stream.indirect.gather [hbm4b:s2+s5], $0x80, s7, s5, $0xb8;
	[tilespmem:$0xCA00] =	vst v63  }
0xc8: {  	_ =	swait.ge [sflag:s9], $0x6400  }
0xc9: {  	[sflag:s9] =	ssyncset.done $0x0  }
0xca: {  	s21 =	rddreg [dreg:$0x1d];
	[sflag:s9] =	ssyncadd.s32 $0xFFFF9C00  }
0xcb: {  	[hbm4b:s21+s3] =	stream.linear.scatter [tilespmem:s6], [sflag:$0x3], $0x6400, $0x38;
	[tilespmem:$0xCA00] =	vst v63  }
0xcc: {  	_ =	swait.ge [sflag:s10], $0x6400  }
0xcd: {  	[sflag:s10] =	ssyncset.done $0x0  }
0xce: {  	s22 =	rddreg [dreg:$0x1e];
	[sflag:s10] =	ssyncadd.s32 $0xFFFF9C00  }
0xcf: {  	[tilespmem:s3], [sflag:$0x5] =	stream.linear.gather [hbm4b:s22+s3], $0xC8, $0x38;
	[tilespmem:$0xCA00] =	vst v63  }
0xd0: {  	_ =	swait.ge [sflag:s4], $0xC8  }
0xd1: {  	[sflag:s4] =	ssyncset.done $0x0  }
0xd2: {  	[sflag:s4] =	ssyncadd.s32 $0xFFFFFF38  }
0xd3: {  	[tilespmem:s6], [sflag:$0x1] =	stream.indirect.gather [hbm4b:s2+s5], $0x80, s3, s5, $0xb8;
	[tilespmem:$0xCA00] =	vst v63  }
0xd4: {  	_ =	swait.ge [sflag:s11], $0x6400  }
0xd5: {  	[sflag:s11] =	ssyncset.done $0x0  }
0xd6: {  	s23 =	rddreg [dreg:$0x1f];
	[sflag:s11] =	ssyncadd.s32 $0xFFFF9C00  }
0xd7: {  	[hbm4b:s23+s3] =	stream.linear.scatter [tilespmem:s8], [sflag:$0x4], $0x6400, $0x38;
	[tilespmem:$0xCA00] =	vst v63  }
0xd8: {  	_ =	swait.ge [sflag:s12], $0x6400  }
0xd9: {  	s24 =	sld [smem:$0x7FA]  }
0xda: {  	[sflag:s12] =	ssyncset.done $0x0  }
0xdb: {  	[sflag:s12] =	ssyncadd.s32 $0xFFFF9C00  }
0xdc: {  	[tilespmem:s7], [sflag:$0x5] =	stream.linear.gather [hbm4b:s24+s3], $0xC8, $0x38;
	[tilespmem:$0xCA00] =	vst v63  }
0xdd: {  	_ =	swait.ge [sflag:s4], $0xC8  }
0xde: {  	[sflag:s4] =	ssyncset.done $0x0  }
0xdf: {  	[sflag:s4] =	ssyncadd.s32 $0xFFFFFF38  }
0xe0: {  	[tilespmem:s8], [sflag:$0x2] =	stream.indirect.gather [hbm4b:s2+s5], $0x80, s7, s5, $0xb8;
	[tilespmem:$0xCA00] =	vst v63  }
0xe1: {  	_ =	swait.ge [sflag:s9], $0x6400  }
0xe2: {  	s25 =	sld [smem:$0x7FB]  }
0xe3: {  	[sflag:s9] =	ssyncset.done $0x0  }
0xe4: {  	[sflag:s9] =	ssyncadd.s32 $0xFFFF9C00  }
0xe5: {  	[hbm4b:s25+s3] =	stream.linear.scatter [tilespmem:s6], [sflag:$0x3], $0x6400, $0x38;
	[tilespmem:$0xCA00] =	vst v63  }
0xe6: {  	_ =	swait.ge [sflag:s10], $0x6400  }
0xe7: {  	s26 =	sld [smem:$0x7FC]  }
0xe8: {  	[sflag:s10] =	ssyncset.done $0x0  }
0xe9: {  	[sflag:s10] =	ssyncadd.s32 $0xFFFF9C00  }
0xea: {  	[tilespmem:s3], [sflag:$0x5] =	stream.linear.gather [hbm4b:s26+s3], $0xC8, $0x38;
	[tilespmem:$0xCA00] =	vst v63  }
0xeb: {  	_ =	swait.ge [sflag:s4], $0xC8  }
0xec: {  	[sflag:s4] =	ssyncset.done $0x0  }
0xed: {  	[sflag:s4] =	ssyncadd.s32 $0xFFFFFF38  }
0xee: {  	[tilespmem:s6], [sflag:$0x1] =	stream.indirect.gather [hbm4b:s2+s5], $0x80, s3, s5, $0xb8;
	[tilespmem:$0xCA00] =	vst v63  }
0xef: {  	_ =	swait.ge [sflag:s11], $0x6400  }
0xf0: {  	s13 =	sshll.u32 s13, $0x4;
	[sflag:s11] =	ssyncset.done $0x0  }
0xf1: {  	s13 =	sadd.s32 s31, s13;
	[sflag:s11] =	ssyncadd.s32 $0xFFFF9C00  }
0xf2: {  	[hbm4b:s13+s3] =	stream.linear.scatter [tilespmem:s8], [sflag:$0x4], $0x6400, $0x38;
	[tilespmem:$0xCA00] =	vst v63  }
0xf3: {  	s17 =	sadd.s32 $0xD48, s30;
	_ =	swait.ge [sflag:s12], $0x6400  }
0xf4: {  	s0 =	sshrl.u32 s17, $0x3;
	[sflag:s12] =	ssyncset.done $0x0  }
0xf5: {  	s14 =	sadd.s32 s29, s0;
	[sflag:s12] =	ssyncadd.s32 $0xFFFF9C00  }
0xf6: {  	[tilespmem:s7], [sflag:$0x5] =	stream.linear.gather [hbm4b:s14+s3], $0xC8, $0x38;
	[tilespmem:$0xCA00] =	vst v63  }
0xf7: {  	_ =	swait.ge [sflag:s4], $0xC8  }
0xf8: {  	[sflag:s4] =	ssyncset.done $0x0  }
0xf9: {  	[sflag:s4] =	ssyncadd.s32 $0xFFFFFF38  }
0xfa: {  	[tilespmem:s8], [sflag:$0x2] =	stream.indirect.gather [hbm4b:s2+s5], $0x80, s7, s5, $0xb8;
	[tilespmem:$0xCA00] =	vst v63  }
0xfb: {  	_ =	swait.ge [sflag:s9], $0x6400  }
0xfc: {  	s15 =	sshll.u32 s15, $0x4;
	[sflag:s9] =	ssyncset.done $0x0  }
0xfd: {  	s15 =	sadd.s32 s31, s15;
	[sflag:s9] =	ssyncadd.s32 $0xFFFF9C00  }
0xfe: {  	[hbm4b:s15+s3] =	stream.linear.scatter [tilespmem:s6], [sflag:$0x3], $0x6400, $0x38;
	[tilespmem:$0xCA00] =	vst v63  }
0xff: {  	s19 =	sadd.s32 $0xE10, s30;
	_ =	swait.ge [sflag:s10], $0x6400  }
0x100: {  	s16 =	sshrl.u32 s19, $0x3;
	[sflag:s10] =	ssyncset.done $0x0  }
0x101: {  	s16 =	sadd.s32 s29, s16;
	[sflag:s10] =	ssyncadd.s32 $0xFFFF9C00  }
0x102: {  	[tilespmem:s3], [sflag:$0x5] =	stream.linear.gather [hbm4b:s16+s3], $0xC8, $0x38;
	[tilespmem:$0xCA00] =	vst v63  }
0x103: {  	_ =	swait.ge [sflag:s4], $0xC8  }
0x104: {  	[sflag:s4] =	ssyncset.done $0x0  }
0x105: {  	[sflag:s4] =	ssyncadd.s32 $0xFFFFFF38  }
0x106: {  	[tilespmem:s6], [sflag:$0x1] =	stream.indirect.gather [hbm4b:s2+s5], $0x80, s3, s5, $0xb8;
	[tilespmem:$0xCA00] =	vst v63  }
0x107: {  	_ =	swait.ge [sflag:s11], $0x6400  }
0x108: {  	s17 =	sshll.u32 s17, $0x4;
	[sflag:s11] =	ssyncset.done $0x0  }
0x109: {  	s17 =	sadd.s32 s31, s17;
	[sflag:s11] =	ssyncadd.s32 $0xFFFF9C00  }
0x10a: {  	[hbm4b:s17+s3] =	stream.linear.scatter [tilespmem:s8], [sflag:$0x4], $0x6400, $0x38;
	[tilespmem:$0xCA00] =	vst v63  }
0x10b: {  	s21 =	sadd.s32 $0xED8, s30;
	_ =	swait.ge [sflag:s12], $0x6400  }
0x10c: {  	s18 =	sshrl.u32 s21, $0x3;
	[sflag:s12] =	ssyncset.done $0x0  }
0x10d: {  	s18 =	sadd.s32 s29, s18;
	[sflag:s12] =	ssyncadd.s32 $0xFFFF9C00  }
0x10e: {  	[tilespmem:s7], [sflag:$0x5] =	stream.linear.gather [hbm4b:s18+s3], $0xC8, $0x38;
	[tilespmem:$0xCA00] =	vst v63  }
0x10f: {  	_ =	swait.ge [sflag:s4], $0xC8  }
0x110: {  	[sflag:s4] =	ssyncset.done $0x0  }
0x111: {  	[sflag:s4] =	ssyncadd.s32 $0xFFFFFF38  }
0x112: {  	[tilespmem:s8], [sflag:$0x2] =	stream.indirect.gather [hbm4b:s2+s5], $0x80, s7, s5, $0xb8;
	[tilespmem:$0xCA00] =	vst v63  }
0x113: {  	_ =	swait.ge [sflag:s9], $0x6400  }
0x114: {  	s19 =	sshll.u32 s19, $0x4;
	[sflag:s9] =	ssyncset.done $0x0  }
0x115: {  	s19 =	sadd.s32 s31, s19;
	[sflag:s9] =	ssyncadd.s32 $0xFFFF9C00  }
0x116: {  	[hbm4b:s19+s3] =	stream.linear.scatter [tilespmem:s6], [sflag:$0x3], $0x6400, $0x38;
	[tilespmem:$0xCA00] =	vst v63  }
0x117: {  	s23 =	sadd.s32 $0xFA0, s30;
	_ =	swait.ge [sflag:s10], $0x6400  }
0x118: {  	s20 =	sshrl.u32 s23, $0x3;
	[sflag:s10] =	ssyncset.done $0x0  }
0x119: {  	s20 =	sadd.s32 s29, s20;
	[sflag:s10] =	ssyncadd.s32 $0xFFFF9C00  }
0x11a: {  	[tilespmem:s3], [sflag:$0x5] =	stream.linear.gather [hbm4b:s20+s3], $0xC8, $0x38;
	[tilespmem:$0xCA00] =	vst v63  }
0x11b: {  	_ =	swait.ge [sflag:s4], $0xC8  }
0x11c: {  	[sflag:s4] =	ssyncset.done $0x0  }
0x11d: {  	[sflag:s4] =	ssyncadd.s32 $0xFFFFFF38  }
0x11e: {  	[tilespmem:s6], [sflag:$0x1] =	stream.indirect.gather [hbm4b:s2+s5], $0x80, s3, s5, $0xb8;
	[tilespmem:$0xCA00] =	vst v63  }
0x11f: {  	_ =	swait.ge [sflag:s11], $0x6400  }
0x120: {  	s21 =	sshll.u32 s21, $0x4;
	[sflag:s11] =	ssyncset.done $0x0  }
0x121: {  	s21 =	sadd.s32 s31, s21;
	[sflag:s11] =	ssyncadd.s32 $0xFFFF9C00  }
0x122: {  	[hbm4b:s21+s3] =	stream.linear.scatter [tilespmem:s8], [sflag:$0x4], $0x6400, $0x38;
	[tilespmem:$0xCA00] =	vst v63  }
0x123: {  	s25 =	sadd.s32 $0x1068, s30;
	_ =	swait.ge [sflag:s12], $0x6400  }
0x124: {  	s22 =	sshrl.u32 s25, $0x3;
	[sflag:s12] =	ssyncset.done $0x0  }
0x125: {  	s22 =	sadd.s32 s29, s22;
	[sflag:s12] =	ssyncadd.s32 $0xFFFF9C00  }
0x126: {  	[tilespmem:s7], [sflag:$0x5] =	stream.linear.gather [hbm4b:s22+s3], $0xC8, $0x38;
	[tilespmem:$0xCA00] =	vst v63  }
0x127: {  	_ =	swait.ge [sflag:s4], $0xC8  }
0x128: {  	[sflag:s4] =	ssyncset.done $0x0  }
0x129: {  	[sflag:s4] =	ssyncadd.s32 $0xFFFFFF38  }
0x12a: {  	[tilespmem:s8], [sflag:$0x2] =	stream.indirect.gather [hbm4b:s2+s5], $0x80, s7, s5, $0xb8;
	[tilespmem:$0xCA00] =	vst v63  }
0x12b: {  	_ =	swait.ge [sflag:s9], $0x6400  }
0x12c: {  	s23 =	sshll.u32 s23, $0x4;
	[sflag:s9] =	ssyncset.done $0x0  }
0x12d: {  	s23 =	sadd.s32 s31, s23;
	[sflag:s9] =	ssyncadd.s32 $0xFFFF9C00  }
0x12e: {  	[hbm4b:s23+s3] =	stream.linear.scatter [tilespmem:s6], [sflag:$0x3], $0x6400, $0x38;
	[tilespmem:$0xCA00] =	vst v63  }
0x12f: {  	s28 =	sadd.s32 $0x1130, s30;
	_ =	swait.ge [sflag:s10], $0x6400  }
0x130: {  	s24 =	sshrl.u32 s28, $0x3;
	[sflag:s10] =	ssyncset.done $0x0  }
0x131: {  	s24 =	sadd.s32 s29, s24;
	[sflag:s10] =	ssyncadd.s32 $0xFFFF9C00  }
0x132: {  	[tilespmem:s3], [sflag:$0x5] =	stream.linear.gather [hbm4b:s24+s3], $0xC8, $0x38;
	[tilespmem:$0xCA00] =	vst v63  }
0x133: {  	_ =	swait.ge [sflag:s4], $0xC8  }
0x134: {  	[sflag:s4] =	ssyncset.done $0x0  }
0x135: {  	[sflag:s4] =	ssyncadd.s32 $0xFFFFFF38  }
0x136: {  	[tilespmem:s6], [sflag:$0x1] =	stream.indirect.gather [hbm4b:s2+s5], $0x80, s3, s5, $0xb8;
	[tilespmem:$0xCA00] =	vst v63  }
0x137: {  	_ =	swait.ge [sflag:s11], $0x6400  }
0x138: {  	s25 =	sshll.u32 s25, $0x4;
	[sflag:s11] =	ssyncset.done $0x0  }
0x139: {  	s25 =	sadd.s32 s31, s25;
	[sflag:s11] =	ssyncadd.s32 $0xFFFF9C00  }
0x13a: {  	[hbm4b:s25+s3] =	stream.linear.scatter [tilespmem:s8], [sflag:$0x4], $0x6400, $0x38;
	[tilespmem:$0xCA00] =	vst v63  }
0x13b: {  	s1 =	sadd.s32 $0x11F8, s30;
	_ =	swait.ge [sflag:s12], $0x6400  }
0x13c: {  	s26 =	sshrl.u32 s1, $0x3;
	[sflag:s12] =	ssyncset.done $0x0  }
0x13d: {  	s26 =	sadd.s32 s29, s26;
	[sflag:s12] =	ssyncadd.s32 $0xFFFF9C00  }
0x13e: {  	[tilespmem:s7], [sflag:$0x5] =	stream.linear.gather [hbm4b:s26+s3], $0xC8, $0x38;
	[tilespmem:$0xCA00] =	vst v63  }
0x13f: {  	_ =	swait.ge [sflag:s4], $0xC8  }
0x140: {  	[sflag:s4] =	ssyncset.done $0x0  }
0x141: {  	[sflag:s4] =	ssyncadd.s32 $0xFFFFFF38  }
0x142: {  	[tilespmem:s8], [sflag:$0x2] =	stream.indirect.gather [hbm4b:s2+s5], $0x80, s7, s5, $0xb8;
	[tilespmem:$0xCA00] =	vst v63  }
0x143: {  	_ =	swait.ge [sflag:s9], $0x6400  }
0x144: {  	s28 =	sshll.u32 s28, $0x4;
	[sflag:s9] =	ssyncset.done $0x0  }
0x145: {  	s28 =	sadd.s32 s31, s28;
	[sflag:s9] =	ssyncadd.s32 $0xFFFF9C00  }
0x146: {  	[hbm4b:s28+s3] =	stream.linear.scatter [tilespmem:s6], [sflag:$0x3], $0x6400, $0x38;
	[tilespmem:$0xCA00] =	vst v63  }
0x147: {  	s0 =	sadd.s32 $0x12C0, s30;
	_ =	swait.ge [sflag:s10], $0x6400  }
0x148: {  	s30 =	sshrl.u32 s0, $0x3;
	[sflag:s10] =	ssyncset.done $0x0  }
0x149: {  	s29 =	sadd.s32 s29, s30;
	[sflag:s10] =	ssyncadd.s32 $0xFFFF9C00  }
0x14a: {  	[tilespmem:s3], [sflag:$0x5] =	stream.linear.gather [hbm4b:s29+s3], $0xC8, $0x38;
	[tilespmem:$0xCA00] =	vst v63  }
0x14b: {  	_ =	swait.ge [sflag:s4], $0xC8  }
0x14c: {  	[sflag:s4] =	ssyncset.done $0x0  }
0x14d: {  	[sflag:s4] =	ssyncadd.s32 $0xFFFFFF38  }
0x14e: {  	[tilespmem:s6], [sflag:$0x1] =	stream.indirect.gather [hbm4b:s2+s5], $0x80, s3, s5, $0xb8;
	[tilespmem:$0xCA00] =	vst v63  }
0x14f: {  	_ =	swait.ge [sflag:s11], $0x6400  }
0x150: {  	s1 =	sshll.u32 s1, $0x4;
	[sflag:s11] =	ssyncset.done $0x0  }
0x151: {  	s30 =	sadd.s32 s31, s1;
	[sflag:s11] =	ssyncadd.s32 $0xFFFF9C00  }
0x152: {  	[hbm4b:s30+s3] =	stream.linear.scatter [tilespmem:s8], [sflag:$0x4], $0x6400, $0x38;
	[tilespmem:$0xCA00] =	vst v63  }
0x153: {  	_ =	swait.ge [sflag:s9], $0x6400  }
0x154: {  	s0 =	sshll.u32 s0, $0x4;
	[sflag:s9] =	ssyncset.done $0x0;
	s1 =	sld [smem:$0x7FD]  }
0x155: {  	s31 =	sadd.s32 s31, s0;
	[sflag:s9] =	ssyncadd.s32 $0xFFFF9C00  }
0x156: {  	[hbm4b:s31+s3] =	stream.linear.scatter [tilespmem:s6], [sflag:$0x3], $0x6400, $0x38;
	[tilespmem:$0xCA00] =	vst v63  }
0x157: {  	s0 =	ssub.s32 $0x2, s1  }
0x158: {  	s1 =	sshrl.u32 s0, $0x1  }
0x159: {  	s0 =	ssub.s32 s0, s1  }
0x15a: {  	s0 =	smax.u32 s0, $0x1  }
0x15b: {  	p0 =	sne.s32 s0, $0x1  }
.Ltmp0:
0x15c: {  	_ =	swait.ge [sflag:s10], $0x6400;
	(pc) =	sbr.rel @!p0 .LBB2_2-.Ltmp0, $4  }
0x15d: {  	[sflag:s10] =	ssyncset.done $0x0  }
0x15e: {  	[sflag:s10] =	ssyncadd.s32 $0xFFFF9C00  }
0x15f: {  	_ =	swait.ge [sflag:s12], $0x6400  }
0x160: {  	s1 =	sadd.s32 $0xFFFFFFFF, s0;
	[sflag:s12] =	ssyncset.done $0x0  }
.LBB2_1:
0x161: {  	s0 =	rddreg [dreg:$0x3];
	[sflag:s12] =	ssyncadd.s32 $0xFFFF9C00  }
0x162: {  	[tilespmem:s3], [sflag:$0x5] =	stream.linear.gather [hbm4b:s0+s3], $0xC8, $0x38;
	[tilespmem:$0xCA00] =	vst v63  }
0x163: {  	_ =	swait.ge [sflag:s4], $0xC8  }
0x164: {  	[sflag:s4] =	ssyncset.done $0x0  }
0x165: {  	[sflag:s4] =	ssyncadd.s32 $0xFFFFFF38  }
0x166: {  	[tilespmem:s6], [sflag:$0x1] =	stream.indirect.gather [hbm4b:s2+s5], $0x80, s3, s5, $0xb8;
	[tilespmem:$0xCA00] =	vst v63  }
0x167: {  	s0 =	rddreg [dreg:$0x4]  }
0x168: {  	[tilespmem:s7], [sflag:$0x5] =	stream.linear.gather [hbm4b:s0+s3], $0xC8, $0x38;
	[tilespmem:$0xCA00] =	vst v63  }
0x169: {  	_ =	swait.ge [sflag:s4], $0xC8  }
0x16a: {  	[sflag:s4] =	ssyncset.done $0x0  }
0x16b: {  	[sflag:s4] =	ssyncadd.s32 $0xFFFFFF38  }
0x16c: {  	[tilespmem:s8], [sflag:$0x2] =	stream.indirect.gather [hbm4b:s2+s5], $0x80, s7, s5, $0xb8;
	[tilespmem:$0xCA00] =	vst v63  }
0x16d: {  	_ =	swait.ge [sflag:s9], $0x6400  }
0x16e: {  	[sflag:s9] =	ssyncset.done $0x0  }
0x16f: {  	s0 =	rddreg [dreg:$0x5];
	[sflag:s9] =	ssyncadd.s32 $0xFFFF9C00  }
0x170: {  	[hbm4b:s0+s3] =	stream.linear.scatter [tilespmem:s6], [sflag:$0x3], $0x6400, $0x38;
	[tilespmem:$0xCA00] =	vst v63  }
0x171: {  	_ =	swait.ge [sflag:s10], $0x6400  }
0x172: {  	[sflag:s10] =	ssyncset.done $0x0  }
0x173: {  	s0 =	rddreg [dreg:$0x6];
	[sflag:s10] =	ssyncadd.s32 $0xFFFF9C00  }
0x174: {  	[tilespmem:s3], [sflag:$0x5] =	stream.linear.gather [hbm4b:s0+s3], $0xC8, $0x38;
	[tilespmem:$0xCA00] =	vst v63  }
0x175: {  	_ =	swait.ge [sflag:s4], $0xC8  }
0x176: {  	[sflag:s4] =	ssyncset.done $0x0  }
0x177: {  	[sflag:s4] =	ssyncadd.s32 $0xFFFFFF38  }
0x178: {  	[tilespmem:s6], [sflag:$0x1] =	stream.indirect.gather [hbm4b:s2+s5], $0x80, s3, s5, $0xb8;
	[tilespmem:$0xCA00] =	vst v63  }
0x179: {  	_ =	swait.ge [sflag:s11], $0x6400  }
0x17a: {  	[sflag:s11] =	ssyncset.done $0x0  }
0x17b: {  	s0 =	rddreg [dreg:$0x7];
	[sflag:s11] =	ssyncadd.s32 $0xFFFF9C00  }
0x17c: {  	[hbm4b:s0+s3] =	stream.linear.scatter [tilespmem:s8], [sflag:$0x4], $0x6400, $0x38;
	[tilespmem:$0xCA00] =	vst v63  }
0x17d: {  	_ =	swait.ge [sflag:s12], $0x6400  }
0x17e: {  	[sflag:s12] =	ssyncset.done $0x0  }
0x17f: {  	s0 =	rddreg [dreg:$0x8];
	[sflag:s12] =	ssyncadd.s32 $0xFFFF9C00  }
0x180: {  	[tilespmem:s7], [sflag:$0x5] =	stream.linear.gather [hbm4b:s0+s3], $0xC8, $0x38;
	[tilespmem:$0xCA00] =	vst v63  }
0x181: {  	_ =	swait.ge [sflag:s4], $0xC8  }
0x182: {  	[sflag:s4] =	ssyncset.done $0x0  }
0x183: {  	[sflag:s4] =	ssyncadd.s32 $0xFFFFFF38  }
0x184: {  	[tilespmem:s8], [sflag:$0x2] =	stream.indirect.gather [hbm4b:s2+s5], $0x80, s7, s5, $0xb8;
	[tilespmem:$0xCA00] =	vst v63  }
0x185: {  	_ =	swait.ge [sflag:s9], $0x6400  }
0x186: {  	[sflag:s9] =	ssyncset.done $0x0  }
0x187: {  	s0 =	rddreg [dreg:$0x9];
	[sflag:s9] =	ssyncadd.s32 $0xFFFF9C00  }
0x188: {  	[hbm4b:s0+s3] =	stream.linear.scatter [tilespmem:s6], [sflag:$0x3], $0x6400, $0x38;
	[tilespmem:$0xCA00] =	vst v63  }
0x189: {  	_ =	swait.ge [sflag:s10], $0x6400  }
0x18a: {  	[sflag:s10] =	ssyncset.done $0x0  }
0x18b: {  	s0 =	rddreg [dreg:$0xa];
	[sflag:s10] =	ssyncadd.s32 $0xFFFF9C00  }
0x18c: {  	[tilespmem:s3], [sflag:$0x5] =	stream.linear.gather [hbm4b:s0+s3], $0xC8, $0x38;
	[tilespmem:$0xCA00] =	vst v63  }
0x18d: {  	_ =	swait.ge [sflag:s4], $0xC8  }
0x18e: {  	[sflag:s4] =	ssyncset.done $0x0  }
0x18f: {  	[sflag:s4] =	ssyncadd.s32 $0xFFFFFF38  }
0x190: {  	[tilespmem:s6], [sflag:$0x1] =	stream.indirect.gather [hbm4b:s2+s5], $0x80, s3, s5, $0xb8;
	[tilespmem:$0xCA00] =	vst v63  }
0x191: {  	_ =	swait.ge [sflag:s11], $0x6400  }
0x192: {  	[sflag:s11] =	ssyncset.done $0x0  }
0x193: {  	s0 =	rddreg [dreg:$0xb];
	[sflag:s11] =	ssyncadd.s32 $0xFFFF9C00  }
0x194: {  	[hbm4b:s0+s3] =	stream.linear.scatter [tilespmem:s8], [sflag:$0x4], $0x6400, $0x38;
	[tilespmem:$0xCA00] =	vst v63  }
0x195: {  	_ =	swait.ge [sflag:s12], $0x6400  }
0x196: {  	[sflag:s12] =	ssyncset.done $0x0  }
0x197: {  	s0 =	rddreg [dreg:$0xc];
	[sflag:s12] =	ssyncadd.s32 $0xFFFF9C00  }
0x198: {  	[tilespmem:s7], [sflag:$0x5] =	stream.linear.gather [hbm4b:s0+s3], $0xC8, $0x38;
	[tilespmem:$0xCA00] =	vst v63  }
0x199: {  	_ =	swait.ge [sflag:s4], $0xC8  }
0x19a: {  	[sflag:s4] =	ssyncset.done $0x0  }
0x19b: {  	[sflag:s4] =	ssyncadd.s32 $0xFFFFFF38  }
0x19c: {  	[tilespmem:s8], [sflag:$0x2] =	stream.indirect.gather [hbm4b:s2+s5], $0x80, s7, s5, $0xb8;
	[tilespmem:$0xCA00] =	vst v63  }
0x19d: {  	_ =	swait.ge [sflag:s9], $0x6400  }
0x19e: {  	[sflag:s9] =	ssyncset.done $0x0  }
0x19f: {  	s0 =	rddreg [dreg:$0xd];
	[sflag:s9] =	ssyncadd.s32 $0xFFFF9C00  }
0x1a0: {  	[hbm4b:s0+s3] =	stream.linear.scatter [tilespmem:s6], [sflag:$0x3], $0x6400, $0x38;
	[tilespmem:$0xCA00] =	vst v63  }
0x1a1: {  	_ =	swait.ge [sflag:s10], $0x6400  }
0x1a2: {  	[sflag:s10] =	ssyncset.done $0x0  }
0x1a3: {  	s0 =	rddreg [dreg:$0xe];
	[sflag:s10] =	ssyncadd.s32 $0xFFFF9C00  }
0x1a4: {  	[tilespmem:s3], [sflag:$0x5] =	stream.linear.gather [hbm4b:s0+s3], $0xC8, $0x38;
	[tilespmem:$0xCA00] =	vst v63  }
0x1a5: {  	_ =	swait.ge [sflag:s4], $0xC8  }
0x1a6: {  	[sflag:s4] =	ssyncset.done $0x0  }
0x1a7: {  	[sflag:s4] =	ssyncadd.s32 $0xFFFFFF38  }
0x1a8: {  	[tilespmem:s6], [sflag:$0x1] =	stream.indirect.gather [hbm4b:s2+s5], $0x80, s3, s5, $0xb8;
	[tilespmem:$0xCA00] =	vst v63  }
0x1a9: {  	_ =	swait.ge [sflag:s11], $0x6400  }
0x1aa: {  	[sflag:s11] =	ssyncset.done $0x0  }
0x1ab: {  	s0 =	rddreg [dreg:$0xf];
	[sflag:s11] =	ssyncadd.s32 $0xFFFF9C00  }
0x1ac: {  	[hbm4b:s0+s3] =	stream.linear.scatter [tilespmem:s8], [sflag:$0x4], $0x6400, $0x38;
	[tilespmem:$0xCA00] =	vst v63  }
0x1ad: {  	_ =	swait.ge [sflag:s12], $0x6400  }
0x1ae: {  	[sflag:s12] =	ssyncset.done $0x0  }
0x1af: {  	s0 =	rddreg [dreg:$0x10];
	[sflag:s12] =	ssyncadd.s32 $0xFFFF9C00  }
0x1b0: {  	[tilespmem:s7], [sflag:$0x5] =	stream.linear.gather [hbm4b:s0+s3], $0xC8, $0x38;
	[tilespmem:$0xCA00] =	vst v63  }
0x1b1: {  	_ =	swait.ge [sflag:s4], $0xC8  }
0x1b2: {  	[sflag:s4] =	ssyncset.done $0x0  }
0x1b3: {  	[sflag:s4] =	ssyncadd.s32 $0xFFFFFF38  }
0x1b4: {  	[tilespmem:s8], [sflag:$0x2] =	stream.indirect.gather [hbm4b:s2+s5], $0x80, s7, s5, $0xb8;
	[tilespmem:$0xCA00] =	vst v63  }
0x1b5: {  	_ =	swait.ge [sflag:s9], $0x6400  }
0x1b6: {  	[sflag:s9] =	ssyncset.done $0x0  }
0x1b7: {  	s0 =	rddreg [dreg:$0x11];
	[sflag:s9] =	ssyncadd.s32 $0xFFFF9C00  }
0x1b8: {  	[hbm4b:s0+s3] =	stream.linear.scatter [tilespmem:s6], [sflag:$0x3], $0x6400, $0x38;
	[tilespmem:$0xCA00] =	vst v63  }
0x1b9: {  	_ =	swait.ge [sflag:s10], $0x6400  }
0x1ba: {  	[sflag:s10] =	ssyncset.done $0x0  }
0x1bb: {  	s0 =	rddreg [dreg:$0x12];
	[sflag:s10] =	ssyncadd.s32 $0xFFFF9C00  }
0x1bc: {  	[tilespmem:s3], [sflag:$0x5] =	stream.linear.gather [hbm4b:s0+s3], $0xC8, $0x38;
	[tilespmem:$0xCA00] =	vst v63  }
0x1bd: {  	_ =	swait.ge [sflag:s4], $0xC8  }
0x1be: {  	[sflag:s4] =	ssyncset.done $0x0  }
0x1bf: {  	[sflag:s4] =	ssyncadd.s32 $0xFFFFFF38  }
0x1c0: {  	[tilespmem:s6], [sflag:$0x1] =	stream.indirect.gather [hbm4b:s2+s5], $0x80, s3, s5, $0xb8;
	[tilespmem:$0xCA00] =	vst v63  }
0x1c1: {  	_ =	swait.ge [sflag:s11], $0x6400  }
0x1c2: {  	[sflag:s11] =	ssyncset.done $0x0  }
0x1c3: {  	s0 =	rddreg [dreg:$0x13];
	[sflag:s11] =	ssyncadd.s32 $0xFFFF9C00  }
0x1c4: {  	[hbm4b:s0+s3] =	stream.linear.scatter [tilespmem:s8], [sflag:$0x4], $0x6400, $0x38;
	[tilespmem:$0xCA00] =	vst v63  }
0x1c5: {  	_ =	swait.ge [sflag:s12], $0x6400  }
0x1c6: {  	[sflag:s12] =	ssyncset.done $0x0  }
0x1c7: {  	s0 =	rddreg [dreg:$0x14];
	[sflag:s12] =	ssyncadd.s32 $0xFFFF9C00  }
0x1c8: {  	[tilespmem:s7], [sflag:$0x5] =	stream.linear.gather [hbm4b:s0+s3], $0xC8, $0x38;
	[tilespmem:$0xCA00] =	vst v63  }
0x1c9: {  	_ =	swait.ge [sflag:s4], $0xC8  }
0x1ca: {  	[sflag:s4] =	ssyncset.done $0x0  }
0x1cb: {  	[sflag:s4] =	ssyncadd.s32 $0xFFFFFF38  }
0x1cc: {  	[tilespmem:s8], [sflag:$0x2] =	stream.indirect.gather [hbm4b:s2+s5], $0x80, s7, s5, $0xb8;
	[tilespmem:$0xCA00] =	vst v63  }
0x1cd: {  	_ =	swait.ge [sflag:s9], $0x6400  }
0x1ce: {  	[sflag:s9] =	ssyncset.done $0x0  }
0x1cf: {  	s0 =	rddreg [dreg:$0x15];
	[sflag:s9] =	ssyncadd.s32 $0xFFFF9C00  }
0x1d0: {  	[hbm4b:s0+s3] =	stream.linear.scatter [tilespmem:s6], [sflag:$0x3], $0x6400, $0x38;
	[tilespmem:$0xCA00] =	vst v63  }
0x1d1: {  	_ =	swait.ge [sflag:s10], $0x6400  }
0x1d2: {  	[sflag:s10] =	ssyncset.done $0x0  }
0x1d3: {  	s0 =	rddreg [dreg:$0x16];
	[sflag:s10] =	ssyncadd.s32 $0xFFFF9C00  }
0x1d4: {  	[tilespmem:s3], [sflag:$0x5] =	stream.linear.gather [hbm4b:s0+s3], $0xC8, $0x38;
	[tilespmem:$0xCA00] =	vst v63  }
0x1d5: {  	_ =	swait.ge [sflag:s4], $0xC8  }
0x1d6: {  	[sflag:s4] =	ssyncset.done $0x0  }
0x1d7: {  	[sflag:s4] =	ssyncadd.s32 $0xFFFFFF38  }
0x1d8: {  	[tilespmem:s6], [sflag:$0x1] =	stream.indirect.gather [hbm4b:s2+s5], $0x80, s3, s5, $0xb8;
	[tilespmem:$0xCA00] =	vst v63  }
0x1d9: {  	_ =	swait.ge [sflag:s11], $0x6400  }
0x1da: {  	[sflag:s11] =	ssyncset.done $0x0  }
0x1db: {  	s0 =	rddreg [dreg:$0x17];
	[sflag:s11] =	ssyncadd.s32 $0xFFFF9C00  }
0x1dc: {  	[hbm4b:s0+s3] =	stream.linear.scatter [tilespmem:s8], [sflag:$0x4], $0x6400, $0x38;
	[tilespmem:$0xCA00] =	vst v63  }
0x1dd: {  	_ =	swait.ge [sflag:s12], $0x6400  }
0x1de: {  	[sflag:s12] =	ssyncset.done $0x0  }
0x1df: {  	s0 =	rddreg [dreg:$0x18];
	[sflag:s12] =	ssyncadd.s32 $0xFFFF9C00  }
0x1e0: {  	[tilespmem:s7], [sflag:$0x5] =	stream.linear.gather [hbm4b:s0+s3], $0xC8, $0x38;
	[tilespmem:$0xCA00] =	vst v63  }
0x1e1: {  	_ =	swait.ge [sflag:s4], $0xC8  }
0x1e2: {  	[sflag:s4] =	ssyncset.done $0x0  }
0x1e3: {  	[sflag:s4] =	ssyncadd.s32 $0xFFFFFF38  }
0x1e4: {  	[tilespmem:s8], [sflag:$0x2] =	stream.indirect.gather [hbm4b:s2+s5], $0x80, s7, s5, $0xb8;
	[tilespmem:$0xCA00] =	vst v63  }
0x1e5: {  	_ =	swait.ge [sflag:s9], $0x6400  }
0x1e6: {  	[sflag:s9] =	ssyncset.done $0x0  }
0x1e7: {  	s0 =	rddreg [dreg:$0x19];
	[sflag:s9] =	ssyncadd.s32 $0xFFFF9C00  }
0x1e8: {  	[hbm4b:s0+s3] =	stream.linear.scatter [tilespmem:s6], [sflag:$0x3], $0x6400, $0x38;
	[tilespmem:$0xCA00] =	vst v63  }
0x1e9: {  	_ =	swait.ge [sflag:s10], $0x6400  }
0x1ea: {  	[sflag:s10] =	ssyncset.done $0x0  }
0x1eb: {  	s0 =	rddreg [dreg:$0x1a];
	[sflag:s10] =	ssyncadd.s32 $0xFFFF9C00  }
0x1ec: {  	[tilespmem:s3], [sflag:$0x5] =	stream.linear.gather [hbm4b:s0+s3], $0xC8, $0x38;
	[tilespmem:$0xCA00] =	vst v63  }
0x1ed: {  	_ =	swait.ge [sflag:s4], $0xC8  }
0x1ee: {  	[sflag:s4] =	ssyncset.done $0x0  }
0x1ef: {  	[sflag:s4] =	ssyncadd.s32 $0xFFFFFF38  }
0x1f0: {  	[tilespmem:s6], [sflag:$0x1] =	stream.indirect.gather [hbm4b:s2+s5], $0x80, s3, s5, $0xb8;
	[tilespmem:$0xCA00] =	vst v63  }
0x1f1: {  	_ =	swait.ge [sflag:s11], $0x6400  }
0x1f2: {  	[sflag:s11] =	ssyncset.done $0x0  }
0x1f3: {  	s0 =	rddreg [dreg:$0x1b];
	[sflag:s11] =	ssyncadd.s32 $0xFFFF9C00  }
0x1f4: {  	[hbm4b:s0+s3] =	stream.linear.scatter [tilespmem:s8], [sflag:$0x4], $0x6400, $0x38;
	[tilespmem:$0xCA00] =	vst v63  }
0x1f5: {  	_ =	swait.ge [sflag:s12], $0x6400  }
0x1f6: {  	[sflag:s12] =	ssyncset.done $0x0  }
0x1f7: {  	s0 =	rddreg [dreg:$0x1c];
	[sflag:s12] =	ssyncadd.s32 $0xFFFF9C00  }
0x1f8: {  	[tilespmem:s7], [sflag:$0x5] =	stream.linear.gather [hbm4b:s0+s3], $0xC8, $0x38;
	[tilespmem:$0xCA00] =	vst v63  }
0x1f9: {  	_ =	swait.ge [sflag:s4], $0xC8  }
0x1fa: {  	[sflag:s4] =	ssyncset.done $0x0  }
0x1fb: {  	[sflag:s4] =	ssyncadd.s32 $0xFFFFFF38  }
0x1fc: {  	[tilespmem:s8], [sflag:$0x2] =	stream.indirect.gather [hbm4b:s2+s5], $0x80, s7, s5, $0xb8;
	[tilespmem:$0xCA00] =	vst v63  }
0x1fd: {  	_ =	swait.ge [sflag:s9], $0x6400  }
0x1fe: {  	[sflag:s9] =	ssyncset.done $0x0  }
0x1ff: {  	s0 =	rddreg [dreg:$0x1d];
	[sflag:s9] =	ssyncadd.s32 $0xFFFF9C00  }
0x200: {  	[hbm4b:s0+s3] =	stream.linear.scatter [tilespmem:s6], [sflag:$0x3], $0x6400, $0x38;
	[tilespmem:$0xCA00] =	vst v63  }
0x201: {  	_ =	swait.ge [sflag:s10], $0x6400  }
0x202: {  	[sflag:s10] =	ssyncset.done $0x0  }
0x203: {  	s0 =	rddreg [dreg:$0x1e];
	[sflag:s10] =	ssyncadd.s32 $0xFFFF9C00  }
0x204: {  	[tilespmem:s3], [sflag:$0x5] =	stream.linear.gather [hbm4b:s0+s3], $0xC8, $0x38;
	[tilespmem:$0xCA00] =	vst v63  }
0x205: {  	_ =	swait.ge [sflag:s4], $0xC8  }
0x206: {  	[sflag:s4] =	ssyncset.done $0x0  }
0x207: {  	[sflag:s4] =	ssyncadd.s32 $0xFFFFFF38  }
0x208: {  	[tilespmem:s6], [sflag:$0x1] =	stream.indirect.gather [hbm4b:s2+s5], $0x80, s3, s5, $0xb8;
	[tilespmem:$0xCA00] =	vst v63  }
0x209: {  	_ =	swait.ge [sflag:s11], $0x6400  }
0x20a: {  	[sflag:s11] =	ssyncset.done $0x0  }
0x20b: {  	s0 =	rddreg [dreg:$0x1f];
	[sflag:s11] =	ssyncadd.s32 $0xFFFF9C00  }
0x20c: {  	[hbm4b:s0+s3] =	stream.linear.scatter [tilespmem:s8], [sflag:$0x4], $0x6400, $0x38;
	[tilespmem:$0xCA00] =	vst v63  }
0x20d: {  	_ =	swait.ge [sflag:s12], $0x6400  }
0x20e: {  	s0 =	sld [smem:$0x7FA]  }
0x20f: {  	[sflag:s12] =	ssyncset.done $0x0  }
0x210: {  	[sflag:s12] =	ssyncadd.s32 $0xFFFF9C00  }
0x211: {  	[tilespmem:s7], [sflag:$0x5] =	stream.linear.gather [hbm4b:s0+s3], $0xC8, $0x38;
	[tilespmem:$0xCA00] =	vst v63  }
0x212: {  	_ =	swait.ge [sflag:s4], $0xC8  }
0x213: {  	[sflag:s4] =	ssyncset.done $0x0  }
0x214: {  	[sflag:s4] =	ssyncadd.s32 $0xFFFFFF38  }
0x215: {  	[tilespmem:s8], [sflag:$0x2] =	stream.indirect.gather [hbm4b:s2+s5], $0x80, s7, s5, $0xb8;
	[tilespmem:$0xCA00] =	vst v63  }
0x216: {  	_ =	swait.ge [sflag:s9], $0x6400  }
0x217: {  	s0 =	sld [smem:$0x7FB]  }
0x218: {  	[sflag:s9] =	ssyncset.done $0x0  }
0x219: {  	[sflag:s9] =	ssyncadd.s32 $0xFFFF9C00  }
0x21a: {  	[hbm4b:s0+s3] =	stream.linear.scatter [tilespmem:s6], [sflag:$0x3], $0x6400, $0x38;
	[tilespmem:$0xCA00] =	vst v63  }
0x21b: {  	_ =	swait.ge [sflag:s10], $0x6400  }
0x21c: {  	s0 =	sld [smem:$0x7FC]  }
0x21d: {  	[sflag:s10] =	ssyncset.done $0x0  }
0x21e: {  	[sflag:s10] =	ssyncadd.s32 $0xFFFF9C00  }
0x21f: {  	[tilespmem:s3], [sflag:$0x5] =	stream.linear.gather [hbm4b:s0+s3], $0xC8, $0x38;
	[tilespmem:$0xCA00] =	vst v63  }
0x220: {  	_ =	swait.ge [sflag:s4], $0xC8  }
0x221: {  	[sflag:s4] =	ssyncset.done $0x0  }
0x222: {  	[sflag:s4] =	ssyncadd.s32 $0xFFFFFF38  }
0x223: {  	[tilespmem:s6], [sflag:$0x1] =	stream.indirect.gather [hbm4b:s2+s5], $0x80, s3, s5, $0xb8;
	[tilespmem:$0xCA00] =	vst v63  }
0x224: {  	_ =	swait.ge [sflag:s11], $0x6400  }
0x225: {  	[sflag:s11] =	ssyncset.done $0x0  }
0x226: {  	[sflag:s11] =	ssyncadd.s32 $0xFFFF9C00  }
0x227: {  	[hbm4b:s13+s3] =	stream.linear.scatter [tilespmem:s8], [sflag:$0x4], $0x6400, $0x38;
	[tilespmem:$0xCA00] =	vst v63  }
0x228: {  	_ =	swait.ge [sflag:s12], $0x6400  }
0x229: {  	[sflag:s12] =	ssyncset.done $0x0  }
0x22a: {  	[sflag:s12] =	ssyncadd.s32 $0xFFFF9C00  }
0x22b: {  	[tilespmem:s7], [sflag:$0x5] =	stream.linear.gather [hbm4b:s14+s3], $0xC8, $0x38;
	[tilespmem:$0xCA00] =	vst v63  }
0x22c: {  	_ =	swait.ge [sflag:s4], $0xC8  }
0x22d: {  	[sflag:s4] =	ssyncset.done $0x0  }
0x22e: {  	[sflag:s4] =	ssyncadd.s32 $0xFFFFFF38  }
0x22f: {  	[tilespmem:s8], [sflag:$0x2] =	stream.indirect.gather [hbm4b:s2+s5], $0x80, s7, s5, $0xb8;
	[tilespmem:$0xCA00] =	vst v63  }
0x230: {  	_ =	swait.ge [sflag:s9], $0x6400  }
0x231: {  	[sflag:s9] =	ssyncset.done $0x0  }
0x232: {  	[sflag:s9] =	ssyncadd.s32 $0xFFFF9C00  }
0x233: {  	[hbm4b:s15+s3] =	stream.linear.scatter [tilespmem:s6], [sflag:$0x3], $0x6400, $0x38;
	[tilespmem:$0xCA00] =	vst v63  }
0x234: {  	_ =	swait.ge [sflag:s10], $0x6400  }
0x235: {  	[sflag:s10] =	ssyncset.done $0x0  }
0x236: {  	[sflag:s10] =	ssyncadd.s32 $0xFFFF9C00  }
0x237: {  	[tilespmem:s3], [sflag:$0x5] =	stream.linear.gather [hbm4b:s16+s3], $0xC8, $0x38;
	[tilespmem:$0xCA00] =	vst v63  }
0x238: {  	_ =	swait.ge [sflag:s4], $0xC8  }
0x239: {  	[sflag:s4] =	ssyncset.done $0x0  }
0x23a: {  	[sflag:s4] =	ssyncadd.s32 $0xFFFFFF38  }
0x23b: {  	[tilespmem:s6], [sflag:$0x1] =	stream.indirect.gather [hbm4b:s2+s5], $0x80, s3, s5, $0xb8;
	[tilespmem:$0xCA00] =	vst v63  }
0x23c: {  	_ =	swait.ge [sflag:s11], $0x6400  }
0x23d: {  	[sflag:s11] =	ssyncset.done $0x0  }
0x23e: {  	[sflag:s11] =	ssyncadd.s32 $0xFFFF9C00  }
0x23f: {  	[hbm4b:s17+s3] =	stream.linear.scatter [tilespmem:s8], [sflag:$0x4], $0x6400, $0x38;
	[tilespmem:$0xCA00] =	vst v63  }
0x240: {  	_ =	swait.ge [sflag:s12], $0x6400  }
0x241: {  	[sflag:s12] =	ssyncset.done $0x0  }
0x242: {  	[sflag:s12] =	ssyncadd.s32 $0xFFFF9C00  }
0x243: {  	[tilespmem:s7], [sflag:$0x5] =	stream.linear.gather [hbm4b:s18+s3], $0xC8, $0x38;
	[tilespmem:$0xCA00] =	vst v63  }
0x244: {  	_ =	swait.ge [sflag:s4], $0xC8  }
0x245: {  	[sflag:s4] =	ssyncset.done $0x0  }
0x246: {  	[sflag:s4] =	ssyncadd.s32 $0xFFFFFF38  }
0x247: {  	[tilespmem:s8], [sflag:$0x2] =	stream.indirect.gather [hbm4b:s2+s5], $0x80, s7, s5, $0xb8;
	[tilespmem:$0xCA00] =	vst v63  }
0x248: {  	_ =	swait.ge [sflag:s9], $0x6400  }
0x249: {  	[sflag:s9] =	ssyncset.done $0x0  }
0x24a: {  	[sflag:s9] =	ssyncadd.s32 $0xFFFF9C00  }
0x24b: {  	[hbm4b:s19+s3] =	stream.linear.scatter [tilespmem:s6], [sflag:$0x3], $0x6400, $0x38;
	[tilespmem:$0xCA00] =	vst v63  }
0x24c: {  	_ =	swait.ge [sflag:s10], $0x6400  }
0x24d: {  	[sflag:s10] =	ssyncset.done $0x0  }
0x24e: {  	[sflag:s10] =	ssyncadd.s32 $0xFFFF9C00  }
0x24f: {  	[tilespmem:s3], [sflag:$0x5] =	stream.linear.gather [hbm4b:s20+s3], $0xC8, $0x38;
	[tilespmem:$0xCA00] =	vst v63  }
0x250: {  	_ =	swait.ge [sflag:s4], $0xC8  }
0x251: {  	[sflag:s4] =	ssyncset.done $0x0  }
0x252: {  	[sflag:s4] =	ssyncadd.s32 $0xFFFFFF38  }
0x253: {  	[tilespmem:s6], [sflag:$0x1] =	stream.indirect.gather [hbm4b:s2+s5], $0x80, s3, s5, $0xb8;
	[tilespmem:$0xCA00] =	vst v63  }
0x254: {  	_ =	swait.ge [sflag:s11], $0x6400  }
0x255: {  	[sflag:s11] =	ssyncset.done $0x0  }
0x256: {  	[sflag:s11] =	ssyncadd.s32 $0xFFFF9C00  }
0x257: {  	[hbm4b:s21+s3] =	stream.linear.scatter [tilespmem:s8], [sflag:$0x4], $0x6400, $0x38;
	[tilespmem:$0xCA00] =	vst v63  }
0x258: {  	_ =	swait.ge [sflag:s12], $0x6400  }
0x259: {  	[sflag:s12] =	ssyncset.done $0x0  }
0x25a: {  	[sflag:s12] =	ssyncadd.s32 $0xFFFF9C00  }
0x25b: {  	[tilespmem:s7], [sflag:$0x5] =	stream.linear.gather [hbm4b:s22+s3], $0xC8, $0x38;
	[tilespmem:$0xCA00] =	vst v63  }
0x25c: {  	_ =	swait.ge [sflag:s4], $0xC8  }
0x25d: {  	[sflag:s4] =	ssyncset.done $0x0  }
0x25e: {  	[sflag:s4] =	ssyncadd.s32 $0xFFFFFF38  }
0x25f: {  	[tilespmem:s8], [sflag:$0x2] =	stream.indirect.gather [hbm4b:s2+s5], $0x80, s7, s5, $0xb8;
	[tilespmem:$0xCA00] =	vst v63  }
0x260: {  	_ =	swait.ge [sflag:s9], $0x6400  }
0x261: {  	[sflag:s9] =	ssyncset.done $0x0  }
0x262: {  	[sflag:s9] =	ssyncadd.s32 $0xFFFF9C00  }
0x263: {  	[hbm4b:s23+s3] =	stream.linear.scatter [tilespmem:s6], [sflag:$0x3], $0x6400, $0x38;
	[tilespmem:$0xCA00] =	vst v63  }
0x264: {  	_ =	swait.ge [sflag:s10], $0x6400  }
0x265: {  	[sflag:s10] =	ssyncset.done $0x0  }
0x266: {  	[sflag:s10] =	ssyncadd.s32 $0xFFFF9C00  }
0x267: {  	[tilespmem:s3], [sflag:$0x5] =	stream.linear.gather [hbm4b:s24+s3], $0xC8, $0x38;
	[tilespmem:$0xCA00] =	vst v63  }
0x268: {  	_ =	swait.ge [sflag:s4], $0xC8  }
0x269: {  	[sflag:s4] =	ssyncset.done $0x0  }
0x26a: {  	[sflag:s4] =	ssyncadd.s32 $0xFFFFFF38  }
0x26b: {  	[tilespmem:s6], [sflag:$0x1] =	stream.indirect.gather [hbm4b:s2+s5], $0x80, s3, s5, $0xb8;
	[tilespmem:$0xCA00] =	vst v63  }
0x26c: {  	_ =	swait.ge [sflag:s11], $0x6400  }
0x26d: {  	[sflag:s11] =	ssyncset.done $0x0  }
0x26e: {  	[sflag:s11] =	ssyncadd.s32 $0xFFFF9C00  }
0x26f: {  	[hbm4b:s25+s3] =	stream.linear.scatter [tilespmem:s8], [sflag:$0x4], $0x6400, $0x38;
	[tilespmem:$0xCA00] =	vst v63  }
0x270: {  	_ =	swait.ge [sflag:s12], $0x6400  }
0x271: {  	[sflag:s12] =	ssyncset.done $0x0  }
0x272: {  	[sflag:s12] =	ssyncadd.s32 $0xFFFF9C00  }
0x273: {  	[tilespmem:s7], [sflag:$0x5] =	stream.linear.gather [hbm4b:s26+s3], $0xC8, $0x38;
	[tilespmem:$0xCA00] =	vst v63  }
0x274: {  	_ =	swait.ge [sflag:s4], $0xC8  }
0x275: {  	[sflag:s4] =	ssyncset.done $0x0  }
0x276: {  	[sflag:s4] =	ssyncadd.s32 $0xFFFFFF38  }
0x277: {  	[tilespmem:s8], [sflag:$0x2] =	stream.indirect.gather [hbm4b:s2+s5], $0x80, s7, s5, $0xb8;
	[tilespmem:$0xCA00] =	vst v63  }
0x278: {  	_ =	swait.ge [sflag:s9], $0x6400  }
0x279: {  	[sflag:s9] =	ssyncset.done $0x0  }
0x27a: {  	[sflag:s9] =	ssyncadd.s32 $0xFFFF9C00  }
0x27b: {  	[hbm4b:s28+s3] =	stream.linear.scatter [tilespmem:s6], [sflag:$0x3], $0x6400, $0x38;
	[tilespmem:$0xCA00] =	vst v63  }
0x27c: {  	_ =	swait.ge [sflag:s10], $0x6400  }
0x27d: {  	[sflag:s10] =	ssyncset.done $0x0  }
0x27e: {  	[sflag:s10] =	ssyncadd.s32 $0xFFFF9C00  }
0x27f: {  	[tilespmem:s3], [sflag:$0x5] =	stream.linear.gather [hbm4b:s29+s3], $0xC8, $0x38;
	[tilespmem:$0xCA00] =	vst v63  }
0x280: {  	_ =	swait.ge [sflag:s4], $0xC8  }
0x281: {  	[sflag:s4] =	ssyncset.done $0x0  }
0x282: {  	[sflag:s4] =	ssyncadd.s32 $0xFFFFFF38  }
0x283: {  	[tilespmem:s6], [sflag:$0x1] =	stream.indirect.gather [hbm4b:s2+s5], $0x80, s3, s5, $0xb8;
	[tilespmem:$0xCA00] =	vst v63  }
0x284: {  	_ =	swait.ge [sflag:s11], $0x6400  }
0x285: {  	[sflag:s11] =	ssyncset.done $0x0  }
0x286: {  	[sflag:s11] =	ssyncadd.s32 $0xFFFF9C00  }
0x287: {  	[hbm4b:s30+s3] =	stream.linear.scatter [tilespmem:s8], [sflag:$0x4], $0x6400, $0x38;
	[tilespmem:$0xCA00] =	vst v63  }
0x288: {  	_ =	swait.ge [sflag:s9], $0x6400  }
0x289: {  	[sflag:s9] =	ssyncset.done $0x0  }
0x28a: {  	p0 =	sne.s32 s1, $0x1;
	[sflag:s9] =	ssyncadd.s32 $0xFFFF9C00  }
0x28b: {  	[hbm4b:s31+s3] =	stream.linear.scatter [tilespmem:s6], [sflag:$0x3], $0x6400, $0x38;
	[tilespmem:$0xCA00] =	vst v63  }
.Ltmp1:
0x28c: {  	_ =	swait.ge [sflag:s10], $0x6400;
	(pc) =	sbr.rel @p0 .LBB2_1-.Ltmp1, $4  }
0x28d: {  	[sflag:s10] =	ssyncset.done $0x0  }
0x28e: {  	[sflag:s10] =	ssyncadd.s32 $0xFFFF9C00  }
0x28f: {  	_ =	swait.ge [sflag:s12], $0x6400  }
0x290: {  	s1 =	sadd.s32 $0xFFFFFFFF, s1;
	[sflag:s12] =	ssyncset.done $0x0  }
.LBB2_2:
0x291: {  	[sflag:s12] =	ssyncadd.s32 $0xFFFF9C00  }
0x292: {  	_ =	sfence.sel $0x180000  }
0x293: {  	[bflag:$0x0] =	sbarrier.arrive $0xFFFF  }
0x294: {  	_ =	strace $0x9000004D  }
0x295: {  	s0 =	stileid.u32;
	[bflag:$0x2] =	sbarrier.arrive $0xFFFF  }
0x296: {  	p0 =	sne.s32 s0, $0x0;
	s0 =	rddreg [dreg:$0x2]  }
0x297: {  	s0 =	sadd.s32 @!p0 $0x100000, s0  }
0x298: {  	[sflag:s0] =	ssyncadd.tile.s32 @!p0 $0x1;
	_ =	shalt  }
.Lfunc_end2:
_tile_overlayer_lowered:
.L_overlay_start_2:
0x299: {  	(tag) =	ssettag $0x2  }
0x29a: {  	s0 =	rddreg [dreg:$0x0];
	s2 =	stileid.u32  }
0x29b: {  	s1 =	rddreg [dreg:$0x1];
	p0 =	sne.s32 s2, $0x0  }
0x29c: {  	s3 =	rddreg [dreg:$0x2];
	[bflag:$0x3] =	sbarrier.arrive $0xFFFF;
	s2 =	simm.s32 @!p0 $0x1C05  }
0x29d: {  	[timem:s3], [sflag:s2] =	dma.local @!p0 [hbm:s0], s1  }
0x29e: {  	s0 =	simm.s32 @!p0 $0x5  }
0x29f: {  	_ =	swait.ge @!p0 [sflag:s0], s1  }
0x2a0: {  	s1 =	ssub.s32 @!p0 $0x0, s1;
	[sflag:s0] =	ssyncset.done @!p0 $0x0  }
0x2a1: {  	[sflag:s0] =	ssyncadd.s32 @!p0 s1  }
0x2a2: {  	[bflag:$0x3] =	sbarrier.arrive $0xFFFF  }
0x2a3: {  	_ =	shalt  }

</sc_bundles>
